<compile_context>
chip_gen: v7x
topology: tpu7x:2x2x1
jax: 0.10.2.dev20260603
libtpu: 0.0.44.dev20260713+nightly
codegen_flags: <defaults>
</compile_context>

<pallas_src>
import dataclasses
import functools

import jax
import jax.numpy as jnp
from jax import lax
from jax.experimental import pallas as pl
from jax.experimental.pallas import tpu as pltpu
from jax.experimental.pallas import tpu_sc as plsc

N = 10000
E = 320000
D = 128
G = 64
D_OUT = 64

NS = 16
CHUNK = 80
EPS = E // NS
NCHUNK = EPS // CHUNK
BROW = 80
NBLK = N // BROW
NBUF = 4
NSLOT = 2 * NBUF
HR = 80


def _sc_aggregate(h, zrows, eidx, with_counts):
  nbuf = 3 if with_counts else 4
  nslot = 2 * nbuf
  mesh = plsc.VectorSubcoreMesh(core_axis_name="c", subcore_axis_name="s")
  if with_counts:
    out_type = [jax.ShapeDtypeStruct((2 * N, D), jnp.float32),
                jax.ShapeDtypeStruct((2 * HR, D), jnp.float32)]
  else:
    out_type = [jax.ShapeDtypeStruct((2 * N, D), jnp.float32)]
  scratch = (
      [pltpu.VMEM((CHUNK,), jnp.int32) for _ in range(nslot)]
      + [pltpu.VMEM((CHUNK,), jnp.int32) for _ in range(nslot)]
      + [pltpu.VMEM((CHUNK, D), jnp.float32) for _ in range(nbuf)]
      + [pltpu.VMEM_SHARED((N, D), jnp.float32)]
      + [pltpu.SemaphoreType.DMA for _ in range(nbuf + 2 * nslot)]
      + ([pltpu.VMEM((HR, D), jnp.float32),
          pltpu.VMEM((HR,), jnp.int32),
          pltpu.VMEM_SHARED((HR, D), jnp.float32)]
         if with_counts else [])
  )

  cp = pltpu.CompilerParams()
  if with_counts and "needs_layout_passes" in pltpu.CompilerParams.__dataclass_fields__:
    cp = dataclasses.replace(cp, needs_layout_passes=False)

  @functools.partial(
      pl.kernel, mesh=mesh, out_type=out_type, scratch_types=scratch,
      compiler_params=cp)
  def agg_kernel(h_hbm, z_hbm, eidx_hbm, agg_hbm, *rest):
    if with_counts:
      cnt_hbm = rest[0]
      hist, rowids, cacc = rest[-3:]
      rest = rest[1:-3]
    idx_g = rest[0:nslot]
    idx_s = rest[nslot:2 * nslot]
    rows = rest[2 * nslot:2 * nslot + nbuf]
    acc = rest[2 * nslot + nbuf]
    sems = rest[2 * nslot + nbuf + 1:]
    gsem = sems[0:nbuf]
    igsem = sems[nbuf:nbuf + nslot]
    issem = sems[nbuf + nslot:]
    c = lax.axis_index("c")
    s = lax.axis_index("s")
    stage = rows[1]

    def _per_block(fn):
      @pl.loop(0, pl.cdiv(NBLK, NS))
      def _blk(k):
        j = s + k * NS

        @pl.when(j < NBLK)
        def _():
          fn(j * BROW)

    def _zero_acc():
      pltpu.sync_copy(z_hbm, stage)
      _per_block(lambda lo: pltpu.sync_copy(stage, acc.at[pl.ds(lo, BROW)]))

    def _flush_to(dst_hbm):
      def _one(lo):
        pltpu.sync_copy(acc.at[pl.ds(lo, BROW)], stage)
        pltpu.sync_copy(stage, dst_hbm.at[pl.ds(c * N + lo, BROW)])

      _per_block(_one)

    _zero_acc()
    if with_counts:
      @pl.when(s == 0)
      def _():
        pltpu.sync_copy(stage, cacc)

      pltpu.sync_copy(z_hbm, hist)

      @pl.loop(0, HR // 16)
      def _iota16(r):
        rowids[pl.ds(r * 16, 16)] = (
            lax.iota(jnp.int32, 16) + jnp.full((16,), 1, jnp.int32) * r * 16)

    plsc.subcore_barrier()

    gbase = c * E + s * EPS
    sbase = (1 - c) * E + s * EPS

    def _idx_fire(i, sl):
      pltpu.async_copy(
          eidx_hbm.at[pl.ds(gbase + i * CHUNK, CHUNK)], idx_g[sl], igsem[sl])
      pltpu.async_copy(
          eidx_hbm.at[pl.ds(sbase + i * CHUNK, CHUNK)], idx_s[sl], issem[sl])

    def _gather_fire(b, sl):
      pltpu.make_async_copy(
          eidx_hbm.at[pl.ds(0, CHUNK)], idx_g[sl], igsem[sl]).wait()
      pltpu.make_async_copy(
          eidx_hbm.at[pl.ds(0, CHUNK)], idx_s[sl], issem[sl]).wait()
      pltpu.async_copy(h_hbm.at[idx_g[sl]], rows[b], gsem[b])

    def _drain(b, sl):
      pltpu.make_async_copy(h_hbm.at[pl.ds(0, CHUNK)], rows[b], gsem[b]).wait()
      pltpu.sync_copy(rows[b], acc.at[idx_s[sl]], add=True)
      if with_counts:
        one16 = jnp.full((16,), 1.0, jnp.float32)
        for q in range(CHUNK // 16):
          nid = idx_s[sl][pl.ds(q * 16, 16)]
          plsc.addupdate_scatter(
              hist, [lax.shift_right_logical(nid, jnp.full((16,), 7, jnp.int32)),
                     lax.bitwise_and(nid, jnp.full((16,), D - 1, jnp.int32))],
              one16)

    for i in range(nslot):
      _idx_fire(i, i)
    for i in range(nbuf):
      _gather_fire(i, i)

    @pl.loop(0, pl.cdiv(NCHUNK, nslot))
    def _group(g):
      for u in range(nslot):
        i = g * nslot + u
        b = u % nbuf

        @pl.when(i < NCHUNK)
        def _():
          _drain(b, u)

        @pl.when(i + nbuf < NCHUNK)
        def _():
          _gather_fire(b, (u + nbuf) % nslot)

        @pl.when(i + nslot < NCHUNK)
        def _():
          _idx_fire(i + nslot, u)

    plsc.subcore_barrier()
    _flush_to(agg_hbm)

    if with_counts:
      pltpu.sync_copy(hist, cacc.at[rowids], add=True)
      plsc.subcore_barrier()

      @pl.when(s == 0)
      def _():
        pltpu.sync_copy(cacc, stage)
        pltpu.sync_copy(stage, cnt_hbm.at[pl.ds(c * HR, HR)])

  return agg_kernel(h, zrows, eidx)


ROWB = 1000


def _layer_body(aggf, aggb, cf, cb, h, wlf, wlb, wr, b, out):
  meanf = aggf[...] / jnp.maximum(cf[:, 0:1], 1.0)
  meanb = aggb[...] / jnp.maximum(cb[:, 0:1], 1.0)
  acc = jnp.dot(meanf, wlf[...], preferred_element_type=jnp.float32,
                precision=lax.Precision.HIGHEST)
  acc += jnp.dot(meanb, wlb[...], preferred_element_type=jnp.float32,
                 precision=lax.Precision.HIGHEST)
  acc += jnp.dot(h[...], wr[...], preferred_element_type=jnp.float32,
                 precision=lax.Precision.HIGHEST)
  out[...] = jnp.maximum(acc + b[...], 0.0)


def _layer(agg, cf, cb, h, wlf, wlb, wr, b):
  grid = (N // ROWB,)
  row_spec = pl.BlockSpec((ROWB, D), lambda i: (i, 0))
  aggb_spec = pl.BlockSpec((ROWB, D), lambda i: (i + N // ROWB, 0))
  cnt_spec = pl.BlockSpec((ROWB, 1), lambda i: (i, 0))
  w_spec = pl.BlockSpec((D, D), lambda i: (0, 0))
  b_spec = pl.BlockSpec((1, D), lambda i: (0, 0))
  return pl.pallas_call(
      _layer_body,
      grid=grid,
      in_specs=[row_spec, aggb_spec, cnt_spec, cnt_spec, row_spec,
                w_spec, w_spec, w_spec, b_spec],
      out_specs=row_spec,
      out_shape=jax.ShapeDtypeStruct((N, D), jnp.float32),
  )(agg, agg, cf, cb, h, wlf, wlb, wr, b)


def _final_body(aggf, aggb, cf, cb, h, batch, wlf, wlb, wr, b, wp, bp,
                out, sums, cnts):
  i = pl.program_id(0)

  @pl.when(i == 0)
  def _():
    sums[...] = jnp.zeros_like(sums)
    cnts[...] = jnp.zeros_like(cnts)

  meanf = aggf[...] / jnp.maximum(cf[:, 0:1], 1.0)
  meanb = aggb[...] / jnp.maximum(cb[:, 0:1], 1.0)
  acc = jnp.dot(meanf, wlf[...], preferred_element_type=jnp.float32,
                precision=lax.Precision.HIGHEST)
  acc += jnp.dot(meanb, wlb[...], preferred_element_type=jnp.float32,
                 precision=lax.Precision.HIGHEST)
  acc += jnp.dot(h[...], wr[...], preferred_element_type=jnp.float32,
                 precision=lax.Precision.HIGHEST)
  hblk = jnp.maximum(acc + b[...], 0.0)

  ids = batch[...]
  gids = lax.broadcasted_iota(jnp.int32, (ROWB, G), 1)
  oh = (ids == gids).astype(jnp.float32)
  dn = (((0,), (0,)), ((), ()))
  sums[...] += lax.dot_general(oh, hblk, dn,
                               preferred_element_type=jnp.float32,
                               precision=lax.Precision.HIGHEST)
  cnts[...] += lax.dot_general(oh, jnp.ones((ROWB, D), jnp.float32), dn,
                               preferred_element_type=jnp.float32,
                               precision=lax.Precision.HIGHEST)

  @pl.when(i == pl.num_programs(0) - 1)
  def _():
    pooled = sums[...] / jnp.maximum(cnts[...], 1.0)
    out[...] = jnp.dot(pooled, wp[...], preferred_element_type=jnp.float32,
                       precision=lax.Precision.HIGHEST) + bp[...]


def _final(agg, cf, cb, h, batch, wlf, wlb, wr, b, wp, bp):
  grid = (N // ROWB,)
  row_spec = pl.BlockSpec((ROWB, D), lambda i: (i, 0))
  aggb_spec = pl.BlockSpec((ROWB, D), lambda i: (i + N // ROWB, 0))
  cnt_spec = pl.BlockSpec((ROWB, 1), lambda i: (i, 0))
  batch_spec = pl.BlockSpec((ROWB, 1), lambda i: (i, 0))
  w_spec = pl.BlockSpec((D, D), lambda i: (0, 0))
  b_spec = pl.BlockSpec((1, D), lambda i: (0, 0))
  wp_spec = pl.BlockSpec((D, D_OUT), lambda i: (0, 0))
  bp_spec = pl.BlockSpec((1, D_OUT), lambda i: (0, 0))
  out_spec = pl.BlockSpec((G, D_OUT), lambda i: (0, 0))
  return pl.pallas_call(
      _final_body,
      grid=grid,
      in_specs=[row_spec, aggb_spec, cnt_spec, cnt_spec, row_spec, batch_spec,
                w_spec, w_spec, w_spec, b_spec, wp_spec, bp_spec],
      out_specs=out_spec,
      out_shape=jax.ShapeDtypeStruct((G, D_OUT), jnp.float32),
      scratch_shapes=[pltpu.VMEM((G, D), jnp.float32),
                      pltpu.VMEM((G, D), jnp.float32)],
  )(agg, agg, cf, cb, h, batch, wlf, wlb, wr, b, wp, bp)


def kernel(x, edge_index, batch, Wlf0, Wrf0, bf0, Wlb0, Wrb0, bb0,
           Wlf1, Wrf1, bf1, Wlb1, Wrb1, bb1, Wp, bp):
  eidx = edge_index.reshape(2 * E)
  zrows = jnp.zeros((BROW, D), jnp.float32)

  agg0, cnt = _sc_aggregate(x, zrows, eidx, with_counts=True)
  cf = cnt[:HR].reshape(HR * D)[:N, None]
  cb = cnt[HR:].reshape(HR * D)[:N, None]
  h1 = _layer(agg0, cf, cb, x,
              Wlf0 * 0.5, Wlb0 * 0.5, (Wrf0 + Wrb0) * 0.5,
              ((bf0 + bb0) * 0.5)[None, :])
  (agg1,) = _sc_aggregate(h1, zrows, eidx, with_counts=False)
  return _final(agg1, cf, cb, h1, batch[:, None],
                Wlf1 * 0.5, Wlb1 * 0.5, (Wrf1 + Wrb1) * 0.5,
                ((bf1 + bb1) * 0.5)[None, :], Wp, bp[None, :])

# --- scband reference (transcript-rebuilt; emitter-appended) ---
"""Pipeline reference for scband-bidirectional-sage-74380243632657 (READ-ONLY COPY).

The authoritative reference and input builder live on the scoring server;
editing this copy changes nothing except your own understanding.
"""

import jax, jax.numpy as jnp
import numpy as np

N = 10000
E = 320000
D_IN = 128
D_HID = 128
D_OUT = 64
NUM_GRAPHS = 64


def _glorot(key, shape):
    scale = 1.0 / np.sqrt(shape[0])
    return jax.random.normal(key, shape, dtype=jnp.float32) * scale


def setup_inputs(seed: int = 0):
    key = jax.random.key(seed)
    ks = jax.random.split(key, 20)
    x = jax.random.normal(ks[0], (N, D_IN), dtype=jnp.float32)
    edge_index = jax.random.randint(ks[1], (2, E), 0, N, dtype=jnp.int32)
    batch = jnp.sort(jax.random.randint(ks[2], (N,), 0, NUM_GRAPHS, dtype=jnp.int32))
    params = {
        'Wlf0': _glorot(ks[3], (D_IN, D_HID)),
        'Wrf0': _glorot(ks[4], (D_IN, D_HID)),
        'bf0': jnp.zeros((D_HID,), dtype=jnp.float32),
        'Wlb0': _glorot(ks[5], (D_IN, D_HID)),
        'Wrb0': _glorot(ks[6], (D_IN, D_HID)),
        'bb0': jnp.zeros((D_HID,), dtype=jnp.float32),
        'Wlf1': _glorot(ks[7], (D_HID, D_HID)),
        'Wrf1': _glorot(ks[8], (D_HID, D_HID)),
        'bf1': jnp.zeros((D_HID,), dtype=jnp.float32),
        'Wlb1': _glorot(ks[9], (D_HID, D_HID)),
        'Wrb1': _glorot(ks[10], (D_HID, D_HID)),
        'bb1': jnp.zeros((D_HID,), dtype=jnp.float32),
        'Wp': _glorot(ks[11], (D_HID, D_OUT)),
        'bp': jnp.zeros((D_OUT,), dtype=jnp.float32),
    }
    out = {'x': x, 'edge_index': edge_index, 'batch': batch}
    out.update(params)
    return out


def _sage_conv(x, src, dst, Wl, Wr, b, n_nodes):
    # PyG SAGEConv: mean-aggregate source features at destination nodes,
    # then out = lin_l(agg) + lin_r(x)
    msgs = jnp.take(x, src, axis=0)
    agg = jax.ops.segment_sum(msgs, dst, num_segments=n_nodes)
    cnt = jax.ops.segment_sum(jnp.ones((src.shape[0], 1), dtype=x.dtype), dst, num_segments=n_nodes)
    mean = agg / jnp.maximum(cnt, 1.0)
    return mean @ Wl + x @ Wr + b


def reference(x, edge_index, batch, Wlf0, Wrf0, bf0, Wlb0, Wrb0, bb0,
              Wlf1, Wrf1, bf1, Wlb1, Wrb1, bb1, Wp, bp):
    src = edge_index[0]
    dst = edge_index[1]
    # reverse_edge_index = edge_index[[1,0], :]
    rsrc, rdst = dst, src
    h = x
    # layer 0
    x1 = _sage_conv(h, src, dst, Wlf0, Wrf0, bf0, N)
    x2 = _sage_conv(h, rsrc, rdst, Wlb0, Wrb0, bb0, N)
    h = jax.nn.relu((x1 + x2) / 2.0)
    # layer 1
    x1 = _sage_conv(h, src, dst, Wlf1, Wrf1, bf1, N)
    x2 = _sage_conv(h, rsrc, rdst, Wlb1, Wrb1, bb1, N)
    h = jax.nn.relu((x1 + x2) / 2.0)
    # global_mean_pool over graph ids
    sums = jax.ops.segment_sum(h, batch, num_segments=NUM_GRAPHS)
    counts = jax.ops.segment_sum(jnp.ones((N, 1), dtype=h.dtype), batch, num_segments=NUM_GRAPHS)
    pooled = sums / jnp.maximum(counts, 1.0)
    return pooled @ Wp + bp

if __name__ == "__main__":
    import jax
    _d = setup_inputs()
    print(jax.jit(kernel)(*tuple(_d.values())))

</pallas_src>

<mosaic_0001>
#map = affine_map<(d0, d1) -> (0, 0)>
#map1 = affine_map<(d0, d1) -> (0)>
module attributes {stable_mosaic.version = 14 : i64} {
  func.func @agg_kernel(%arg0: i32, %arg1: i32, %arg2: memref<10000x128xf32, #tpu.memory_space<hbm>>, %arg3: memref<80x128xf32, #tpu.memory_space<hbm>>, %arg4: memref<640000xi32, #tpu.memory_space<hbm>>, %arg5: memref<20000x128xf32, #tpu.memory_space<hbm>>, %arg6: memref<80xi32, #tpu.memory_space<vmem>>, %arg7: memref<80xi32, #tpu.memory_space<vmem>>, %arg8: memref<80xi32, #tpu.memory_space<vmem>>, %arg9: memref<80xi32, #tpu.memory_space<vmem>>, %arg10: memref<80xi32, #tpu.memory_space<vmem>>, %arg11: memref<80xi32, #tpu.memory_space<vmem>>, %arg12: memref<80xi32, #tpu.memory_space<vmem>>, %arg13: memref<80xi32, #tpu.memory_space<vmem>>, %arg14: memref<80xi32, #tpu.memory_space<vmem>>, %arg15: memref<80xi32, #tpu.memory_space<vmem>>, %arg16: memref<80xi32, #tpu.memory_space<vmem>>, %arg17: memref<80xi32, #tpu.memory_space<vmem>>, %arg18: memref<80xi32, #tpu.memory_space<vmem>>, %arg19: memref<80xi32, #tpu.memory_space<vmem>>, %arg20: memref<80xi32, #tpu.memory_space<vmem>>, %arg21: memref<80xi32, #tpu.memory_space<vmem>>, %arg22: memref<80x128xf32, #tpu.memory_space<vmem>>, %arg23: memref<80x128xf32, #tpu.memory_space<vmem>>, %arg24: memref<80x128xf32, #tpu.memory_space<vmem>>, %arg25: memref<80x128xf32, #tpu.memory_space<vmem>>, %arg26: memref<10000x128xf32, #tpu.memory_space<vmem_shared>>, %arg27: memref<!tpu.dma_semaphore, #tpu.memory_space<semaphore_mem>>, %arg28: memref<!tpu.dma_semaphore, #tpu.memory_space<semaphore_mem>>, %arg29: memref<!tpu.dma_semaphore, #tpu.memory_space<semaphore_mem>>, %arg30: memref<!tpu.dma_semaphore, #tpu.memory_space<semaphore_mem>>, %arg31: memref<!tpu.dma_semaphore, #tpu.memory_space<semaphore_mem>>, %arg32: memref<!tpu.dma_semaphore, #tpu.memory_space<semaphore_mem>>, %arg33: memref<!tpu.dma_semaphore, #tpu.memory_space<semaphore_mem>>, %arg34: memref<!tpu.dma_semaphore, #tpu.memory_space<semaphore_mem>>, %arg35: memref<!tpu.dma_semaphore, #tpu.memory_space<semaphore_mem>>, %arg36: memref<!tpu.dma_semaphore, #tpu.memory_space<semaphore_mem>>, %arg37: memref<!tpu.dma_semaphore, #tpu.memory_space<semaphore_mem>>, %arg38: memref<!tpu.dma_semaphore, #tpu.memory_space<semaphore_mem>>, %arg39: memref<!tpu.dma_semaphore, #tpu.memory_space<semaphore_mem>>, %arg40: memref<!tpu.dma_semaphore, #tpu.memory_space<semaphore_mem>>, %arg41: memref<!tpu.dma_semaphore, #tpu.memory_space<semaphore_mem>>, %arg42: memref<!tpu.dma_semaphore, #tpu.memory_space<semaphore_mem>>, %arg43: memref<!tpu.dma_semaphore, #tpu.memory_space<semaphore_mem>>, %arg44: memref<!tpu.dma_semaphore, #tpu.memory_space<semaphore_mem>>, %arg45: memref<!tpu.dma_semaphore, #tpu.memory_space<semaphore_mem>>, %arg46: memref<!tpu.dma_semaphore, #tpu.memory_space<semaphore_mem>>) attributes {dimension_semantics = [#tpu.dimension_semantics<core_parallel>, #tpu.dimension_semantics<subcore_parallel>], iteration_bounds = array<i64: 2, 16>, scalar_prefetch = 0 : i64, scratch_operands = 41 : i64, tpu.core_type = #tpu.core_type<sc_vector_subcore>, window_params = [{transform_indices = #map}, {transform_indices = #map}, {transform_indices = #map1}, {transform_indices = #map}]} {
    "tpu.region"() ({
      %run_scoped3A = tpu.sem_alloc : memref<!tpu.dma_semaphore, #tpu.memory_space<semaphore_mem>>
      tpu.enqueue_dma source(%arg3 : memref<80x128xf32, #tpu.memory_space<hbm>>) target(%arg23 : memref<80x128xf32, #tpu.memory_space<vmem>>) target_semaphore(%run_scoped3A : memref<!tpu.dma_semaphore, #tpu.memory_space<semaphore_mem>>)
      tpu.wait_dma2 semaphore(%run_scoped3A : memref<!tpu.dma_semaphore, #tpu.memory_space<semaphore_mem>>) src(%arg3 : memref<80x128xf32, #tpu.memory_space<hbm>>) dst(%arg23 : memref<80x128xf32, #tpu.memory_space<vmem>>)
      tpu.yield
    }) : () -> ()
    %scan3A = arith.constant 0 : i32
    %scan3A_0 = arith.constant 8 : i32
    %scan3A_1 = arith.addi %scan3A, %scan3A_0 : i32
    %scan3A_2 = arith.constant 1 : i32
    scf.for %scan3A_130 = %scan3A to %scan3A_1 step %scan3A_2  : i32 {
      %mul3A_131 = arith.constant 1 : i32
      %mul3A_132 = arith.muli %scan3A_130, %mul3A_131 : i32
      %add3A_133 = arith.constant 0 : i32
      %add3A_134 = arith.addi %add3A_133, %mul3A_132 : i32
      %mul3A_135 = arith.constant 16 : i32
      %mul3A_136 = arith.muli %add3A_134, %mul3A_135 : i32
      %add3A_137 = arith.addi %arg1, %mul3A_136 : i32
      %lt3A = arith.constant 125 : i32
      %lt3A_138 = arith.cmpi slt, %add3A_137, %lt3A : i32
      %convert_element_type3A = arith.extui %lt3A_138 : i1 to i32
      %cond3A = arith.constant 0 : i32
      %cond3A_139 = arith.cmpi ne, %convert_element_type3A, %cond3A : i32
      scf.if %cond3A_139 {
        %mul3A_140 = arith.constant 80 : i32
        %mul3A_141 = arith.muli %add3A_137, %mul3A_140 : i32
        "tpu.region"() ({
          %run_scoped3A = tpu.sem_alloc : memref<!tpu.dma_semaphore, #tpu.memory_space<semaphore_mem>>
          %dma_start3A_142 = arith.constant 0 : i32
          %dma_start3A_143 = tpu.memref_slice %arg26[%mul3A_141, %dma_start3A_142] : memref<10000x128xf32, #tpu.memory_space<vmem_shared>> -> memref<80x128xf32, #tpu.memory_space<vmem_shared>>
          %dma_start3A_144 = arith.constant 0 : i32
          %dma_start3A_145 = tpu.memref_slice %arg26[%mul3A_141, %dma_start3A_144] : memref<10000x128xf32, #tpu.memory_space<vmem_shared>> -> memref<80x128xf32, #tpu.memory_space<vmem_shared>>
          tpu.enqueue_dma source(%arg23 : memref<80x128xf32, #tpu.memory_space<vmem>>) target(%dma_start3A_145 : memref<80x128xf32, #tpu.memory_space<vmem_shared>>) target_semaphore(%run_scoped3A : memref<!tpu.dma_semaphore, #tpu.memory_space<semaphore_mem>>)
          %dma_wait3A_146 = arith.constant 0 : i32
          %dma_wait3A_147 = tpu.memref_slice %arg26[%mul3A_141, %dma_wait3A_146] : memref<10000x128xf32, #tpu.memory_space<vmem_shared>> -> memref<80x128xf32, #tpu.memory_space<vmem_shared>>
          %dma_wait3A_148 = arith.constant 0 : i32
          %dma_wait3A_149 = tpu.memref_slice %arg26[%mul3A_141, %dma_wait3A_148] : memref<10000x128xf32, #tpu.memory_space<vmem_shared>> -> memref<80x128xf32, #tpu.memory_space<vmem_shared>>
          tpu.wait_dma2 semaphore(%run_scoped3A : memref<!tpu.dma_semaphore, #tpu.memory_space<semaphore_mem>>) src(%arg23 : memref<80x128xf32, #tpu.memory_space<vmem>>) dst(%dma_wait3A_149 : memref<80x128xf32, #tpu.memory_space<vmem_shared>>)
          tpu.yield
        }) : () -> ()
      } else {
      }
    }
    %scan3A_3 = arith.constant 8 : i32
    %barrier3A = arith.constant 0 : index
    tpu.barrier barrier_id(%barrier3A)
    %mul3A = arith.constant 320000 : i32
    %mul3A_4 = arith.muli %arg0, %mul3A : i32
    %mul3A_5 = arith.constant 20000 : i32
    %mul3A_6 = arith.muli %arg1, %mul3A_5 : i32
    %add3A = arith.addi %mul3A_4, %mul3A_6 : i32
    %sub3A = arith.constant 1 : i32
    %sub3A_7 = arith.subi %sub3A, %arg0 : i32
    %mul3A_8 = arith.constant 320000 : i32
    %mul3A_9 = arith.muli %sub3A_7, %mul3A_8 : i32
    %mul3A_10 = arith.constant 20000 : i32
    %mul3A_11 = arith.muli %arg1, %mul3A_10 : i32
    %add3A_12 = arith.addi %mul3A_9, %mul3A_11 : i32
    %add3A_13 = arith.constant 0 : i32
    %add3A_14 = arith.addi %add3A, %add3A_13 : i32
    %dma_start3A = tpu.memref_slice %arg4[%add3A_14] : memref<640000xi32, #tpu.memory_space<hbm>> -> memref<80xi32, #tpu.memory_space<hbm>>
    %dma_start3A_15 = tpu.memref_slice %arg4[%add3A_14] : memref<640000xi32, #tpu.memory_space<hbm>> -> memref<80xi32, #tpu.memory_space<hbm>>
    tpu.enqueue_dma source(%dma_start3A_15 : memref<80xi32, #tpu.memory_space<hbm>>) target(%arg6 : memref<80xi32, #tpu.memory_space<vmem>>) target_semaphore(%arg31 : memref<!tpu.dma_semaphore, #tpu.memory_space<semaphore_mem>>)
    %add3A_16 = arith.constant 0 : i32
    %add3A_17 = arith.addi %add3A_12, %add3A_16 : i32
    %dma_start3A_18 = tpu.memref_slice %arg4[%add3A_17] : memref<640000xi32, #tpu.memory_space<hbm>> -> memref<80xi32, #tpu.memory_space<hbm>>
    %dma_start3A_19 = tpu.memref_slice %arg4[%add3A_17] : memref<640000xi32, #tpu.memory_space<hbm>> -> memref<80xi32, #tpu.memory_space<hbm>>
    tpu.enqueue_dma source(%dma_start3A_19 : memref<80xi32, #tpu.memory_space<hbm>>) target(%arg14 : memref<80xi32, #tpu.memory_space<vmem>>) target_semaphore(%arg39 : memref<!tpu.dma_semaphore, #tpu.memory_space<semaphore_mem>>)
    %add3A_20 = arith.constant 80 : i32
    %add3A_21 = arith.addi %add3A, %add3A_20 : i32
    %dma_start3A_22 = tpu.memref_slice %arg4[%add3A_21] : memref<640000xi32, #tpu.memory_space<hbm>> -> memref<80xi32, #tpu.memory_space<hbm>>
    %dma_start3A_23 = tpu.memref_slice %arg4[%add3A_21] : memref<640000xi32, #tpu.memory_space<hbm>> -> memref<80xi32, #tpu.memory_space<hbm>>
    tpu.enqueue_dma source(%dma_start3A_23 : memref<80xi32, #tpu.memory_space<hbm>>) target(%arg7 : memref<80xi32, #tpu.memory_space<vmem>>) target_semaphore(%arg32 : memref<!tpu.dma_semaphore, #tpu.memory_space<semaphore_mem>>)
    %add3A_24 = arith.constant 80 : i32
    %add3A_25 = arith.addi %add3A_12, %add3A_24 : i32
    %dma_start3A_26 = tpu.memref_slice %arg4[%add3A_25] : memref<640000xi32, #tpu.memory_space<hbm>> -> memref<80xi32, #tpu.memory_space<hbm>>
    %dma_start3A_27 = tpu.memref_slice %arg4[%add3A_25] : memref<640000xi32, #tpu.memory_space<hbm>> -> memref<80xi32, #tpu.memory_space<hbm>>
    tpu.enqueue_dma source(%dma_start3A_27 : memref<80xi32, #tpu.memory_space<hbm>>) target(%arg15 : memref<80xi32, #tpu.memory_space<vmem>>) target_semaphore(%arg40 : memref<!tpu.dma_semaphore, #tpu.memory_space<semaphore_mem>>)
    %add3A_28 = arith.constant 160 : i32
    %add3A_29 = arith.addi %add3A, %add3A_28 : i32
    %dma_start3A_30 = tpu.memref_slice %arg4[%add3A_29] : memref<640000xi32, #tpu.memory_space<hbm>> -> memref<80xi32, #tpu.memory_space<hbm>>
    %dma_start3A_31 = tpu.memref_slice %arg4[%add3A_29] : memref<640000xi32, #tpu.memory_space<hbm>> -> memref<80xi32, #tpu.memory_space<hbm>>
    tpu.enqueue_dma source(%dma_start3A_31 : memref<80xi32, #tpu.memory_space<hbm>>) target(%arg8 : memref<80xi32, #tpu.memory_space<vmem>>) target_semaphore(%arg33 : memref<!tpu.dma_semaphore, #tpu.memory_space<semaphore_mem>>)
    %add3A_32 = arith.constant 160 : i32
    %add3A_33 = arith.addi %add3A_12, %add3A_32 : i32
    %dma_start3A_34 = tpu.memref_slice %arg4[%add3A_33] : memref<640000xi32, #tpu.memory_space<hbm>> -> memref<80xi32, #tpu.memory_space<hbm>>
    %dma_start3A_35 = tpu.memref_slice %arg4[%add3A_33] : memref<640000xi32, #tpu.memory_space<hbm>> -> memref<80xi32, #tpu.memory_space<hbm>>
    tpu.enqueue_dma source(%dma_start3A_35 : memref<80xi32, #tpu.memory_space<hbm>>) target(%arg16 : memref<80xi32, #tpu.memory_space<vmem>>) target_semaphore(%arg41 : memref<!tpu.dma_semaphore, #tpu.memory_space<semaphore_mem>>)
    %add3A_36 = arith.constant 240 : i32
    %add3A_37 = arith.addi %add3A, %add3A_36 : i32
    %dma_start3A_38 = tpu.memref_slice %arg4[%add3A_37] : memref<640000xi32, #tpu.memory_space<hbm>> -> memref<80xi32, #tpu.memory_space<hbm>>
    %dma_start3A_39 = tpu.memref_slice %arg4[%add3A_37] : memref<640000xi32, #tpu.memory_space<hbm>> -> memref<80xi32, #tpu.memory_space<hbm>>
    tpu.enqueue_dma source(%dma_start3A_39 : memref<80xi32, #tpu.memory_space<hbm>>) target(%arg9 : memref<80xi32, #tpu.memory_space<vmem>>) target_semaphore(%arg34 : memref<!tpu.dma_semaphore, #tpu.memory_space<semaphore_mem>>)
    %add3A_40 = arith.constant 240 : i32
    %add3A_41 = arith.addi %add3A_12, %add3A_40 : i32
    %dma_start3A_42 = tpu.memref_slice %arg4[%add3A_41] : memref<640000xi32, #tpu.memory_space<hbm>> -> memref<80xi32, #tpu.memory_space<hbm>>
    %dma_start3A_43 = tpu.memref_slice %arg4[%add3A_41] : memref<640000xi32, #tpu.memory_space<hbm>> -> memref<80xi32, #tpu.memory_space<hbm>>
    tpu.enqueue_dma source(%dma_start3A_43 : memref<80xi32, #tpu.memory_space<hbm>>) target(%arg17 : memref<80xi32, #tpu.memory_space<vmem>>) target_semaphore(%arg42 : memref<!tpu.dma_semaphore, #tpu.memory_space<semaphore_mem>>)
    %add3A_44 = arith.constant 320 : i32
    %add3A_45 = arith.addi %add3A, %add3A_44 : i32
    %dma_start3A_46 = tpu.memref_slice %arg4[%add3A_45] : memref<640000xi32, #tpu.memory_space<hbm>> -> memref<80xi32, #tpu.memory_space<hbm>>
    %dma_start3A_47 = tpu.memref_slice %arg4[%add3A_45] : memref<640000xi32, #tpu.memory_space<hbm>> -> memref<80xi32, #tpu.memory_space<hbm>>
    tpu.enqueue_dma source(%dma_start3A_47 : memref<80xi32, #tpu.memory_space<hbm>>) target(%arg10 : memref<80xi32, #tpu.memory_space<vmem>>) target_semaphore(%arg35 : memref<!tpu.dma_semaphore, #tpu.memory_space<semaphore_mem>>)
    %add3A_48 = arith.constant 320 : i32
    %add3A_49 = arith.addi %add3A_12, %add3A_48 : i32
    %dma_start3A_50 = tpu.memref_slice %arg4[%add3A_49] : memref<640000xi32, #tpu.memory_space<hbm>> -> memref<80xi32, #tpu.memory_space<hbm>>
    %dma_start3A_51 = tpu.memref_slice %arg4[%add3A_49] : memref<640000xi32, #tpu.memory_space<hbm>> -> memref<80xi32, #tpu.memory_space<hbm>>
    tpu.enqueue_dma source(%dma_start3A_51 : memref<80xi32, #tpu.memory_space<hbm>>) target(%arg18 : memref<80xi32, #tpu.memory_space<vmem>>) target_semaphore(%arg43 : memref<!tpu.dma_semaphore, #tpu.memory_space<semaphore_mem>>)
    %add3A_52 = arith.constant 400 : i32
    %add3A_53 = arith.addi %add3A, %add3A_52 : i32
    %dma_start3A_54 = tpu.memref_slice %arg4[%add3A_53] : memref<640000xi32, #tpu.memory_space<hbm>> -> memref<80xi32, #tpu.memory_space<hbm>>
    %dma_start3A_55 = tpu.memref_slice %arg4[%add3A_53] : memref<640000xi32, #tpu.memory_space<hbm>> -> memref<80xi32, #tpu.memory_space<hbm>>
    tpu.enqueue_dma source(%dma_start3A_55 : memref<80xi32, #tpu.memory_space<hbm>>) target(%arg11 : memref<80xi32, #tpu.memory_space<vmem>>) target_semaphore(%arg36 : memref<!tpu.dma_semaphore, #tpu.memory_space<semaphore_mem>>)
    %add3A_56 = arith.constant 400 : i32
    %add3A_57 = arith.addi %add3A_12, %add3A_56 : i32
    %dma_start3A_58 = tpu.memref_slice %arg4[%add3A_57] : memref<640000xi32, #tpu.memory_space<hbm>> -> memref<80xi32, #tpu.memory_space<hbm>>
    %dma_start3A_59 = tpu.memref_slice %arg4[%add3A_57] : memref<640000xi32, #tpu.memory_space<hbm>> -> memref<80xi32, #tpu.memory_space<hbm>>
    tpu.enqueue_dma source(%dma_start3A_59 : memref<80xi32, #tpu.memory_space<hbm>>) target(%arg19 : memref<80xi32, #tpu.memory_space<vmem>>) target_semaphore(%arg44 : memref<!tpu.dma_semaphore, #tpu.memory_space<semaphore_mem>>)
    %add3A_60 = arith.constant 480 : i32
    %add3A_61 = arith.addi %add3A, %add3A_60 : i32
    %dma_start3A_62 = tpu.memref_slice %arg4[%add3A_61] : memref<640000xi32, #tpu.memory_space<hbm>> -> memref<80xi32, #tpu.memory_space<hbm>>
    %dma_start3A_63 = tpu.memref_slice %arg4[%add3A_61] : memref<640000xi32, #tpu.memory_space<hbm>> -> memref<80xi32, #tpu.memory_space<hbm>>
    tpu.enqueue_dma source(%dma_start3A_63 : memref<80xi32, #tpu.memory_space<hbm>>) target(%arg12 : memref<80xi32, #tpu.memory_space<vmem>>) target_semaphore(%arg37 : memref<!tpu.dma_semaphore, #tpu.memory_space<semaphore_mem>>)
    %add3A_64 = arith.constant 480 : i32
    %add3A_65 = arith.addi %add3A_12, %add3A_64 : i32
    %dma_start3A_66 = tpu.memref_slice %arg4[%add3A_65] : memref<640000xi32, #tpu.memory_space<hbm>> -> memref<80xi32, #tpu.memory_space<hbm>>
    %dma_start3A_67 = tpu.memref_slice %arg4[%add3A_65] : memref<640000xi32, #tpu.memory_space<hbm>> -> memref<80xi32, #tpu.memory_space<hbm>>
    tpu.enqueue_dma source(%dma_start3A_67 : memref<80xi32, #tpu.memory_space<hbm>>) target(%arg20 : memref<80xi32, #tpu.memory_space<vmem>>) target_semaphore(%arg45 : memref<!tpu.dma_semaphore, #tpu.memory_space<semaphore_mem>>)
    %add3A_68 = arith.constant 560 : i32
    %add3A_69 = arith.addi %add3A, %add3A_68 : i32
    %dma_start3A_70 = tpu.memref_slice %arg4[%add3A_69] : memref<640000xi32, #tpu.memory_space<hbm>> -> memref<80xi32, #tpu.memory_space<hbm>>
    %dma_start3A_71 = tpu.memref_slice %arg4[%add3A_69] : memref<640000xi32, #tpu.memory_space<hbm>> -> memref<80xi32, #tpu.memory_space<hbm>>
    tpu.enqueue_dma source(%dma_start3A_71 : memref<80xi32, #tpu.memory_space<hbm>>) target(%arg13 : memref<80xi32, #tpu.memory_space<vmem>>) target_semaphore(%arg38 : memref<!tpu.dma_semaphore, #tpu.memory_space<semaphore_mem>>)
    %add3A_72 = arith.constant 560 : i32
    %add3A_73 = arith.addi %add3A_12, %add3A_72 : i32
    %dma_start3A_74 = tpu.memref_slice %arg4[%add3A_73] : memref<640000xi32, #tpu.memory_space<hbm>> -> memref<80xi32, #tpu.memory_space<hbm>>
    %dma_start3A_75 = tpu.memref_slice %arg4[%add3A_73] : memref<640000xi32, #tpu.memory_space<hbm>> -> memref<80xi32, #tpu.memory_space<hbm>>
    tpu.enqueue_dma source(%dma_start3A_75 : memref<80xi32, #tpu.memory_space<hbm>>) target(%arg21 : memref<80xi32, #tpu.memory_space<vmem>>) target_semaphore(%arg46 : memref<!tpu.dma_semaphore, #tpu.memory_space<semaphore_mem>>)
    %dma_wait3A = arith.constant 0 : i32
    %dma_wait3A_76 = tpu.memref_slice %arg4[%dma_wait3A] : memref<640000xi32, #tpu.memory_space<hbm>> -> memref<80xi32, #tpu.memory_space<hbm>>
    %dma_wait3A_77 = arith.constant 0 : i32
    %dma_wait3A_78 = tpu.memref_slice %arg4[%dma_wait3A_77] : memref<640000xi32, #tpu.memory_space<hbm>> -> memref<80xi32, #tpu.memory_space<hbm>>
    tpu.wait_dma2 semaphore(%arg31 : memref<!tpu.dma_semaphore, #tpu.memory_space<semaphore_mem>>) src(%dma_wait3A_78 : memref<80xi32, #tpu.memory_space<hbm>>) dst(%arg6 : memref<80xi32, #tpu.memory_space<vmem>>)
    %dma_wait3A_79 = arith.constant 0 : i32
    %dma_wait3A_80 = tpu.memref_slice %arg4[%dma_wait3A_79] : memref<640000xi32, #tpu.memory_space<hbm>> -> memref<80xi32, #tpu.memory_space<hbm>>
    %dma_wait3A_81 = arith.constant 0 : i32
    %dma_wait3A_82 = tpu.memref_slice %arg4[%dma_wait3A_81] : memref<640000xi32, #tpu.memory_space<hbm>> -> memref<80xi32, #tpu.memory_space<hbm>>
    tpu.wait_dma2 semaphore(%arg39 : memref<!tpu.dma_semaphore, #tpu.memory_space<semaphore_mem>>) src(%dma_wait3A_82 : memref<80xi32, #tpu.memory_space<hbm>>) dst(%arg14 : memref<80xi32, #tpu.memory_space<vmem>>)
    %dma_start3A_83 = arith.constant 0 : i32
    %dma_start3A_84 = arith.constant 0 : i32
    %dma_start3A_85 = tpu.memref_slice %arg2[%dma_start3A_83, %dma_start3A_84] : memref<10000x128xf32, #tpu.memory_space<hbm>> -> memref<10000x128xf32, #tpu.memory_space<hbm>>
    tpu.enqueue_indirect_dma source(%dma_start3A_85 : memref<10000x128xf32, #tpu.memory_space<hbm>>) target(%arg22 : memref<80x128xf32, #tpu.memory_space<vmem>>) offsets(%arg6 : memref<80xi32, #tpu.memory_space<vmem>>) semaphore(%arg27 : memref<!tpu.dma_semaphore, #tpu.memory_space<semaphore_mem>>)
    %dma_wait3A_86 = arith.constant 0 : i32
    %dma_wait3A_87 = tpu.memref_slice %arg4[%dma_wait3A_86] : memref<640000xi32, #tpu.memory_space<hbm>> -> memref<80xi32, #tpu.memory_space<hbm>>
    %dma_wait3A_88 = arith.constant 0 : i32
    %dma_wait3A_89 = tpu.memref_slice %arg4[%dma_wait3A_88] : memref<640000xi32, #tpu.memory_space<hbm>> -> memref<80xi32, #tpu.memory_space<hbm>>
    tpu.wait_dma2 semaphore(%arg32 : memref<!tpu.dma_semaphore, #tpu.memory_space<semaphore_mem>>) src(%dma_wait3A_89 : memref<80xi32, #tpu.memory_space<hbm>>) dst(%arg7 : memref<80xi32, #tpu.memory_space<vmem>>)
    %dma_wait3A_90 = arith.constant 0 : i32
    %dma_wait3A_91 = tpu.memref_slice %arg4[%dma_wait3A_90] : memref<640000xi32, #tpu.memory_space<hbm>> -> memref<80xi32, #tpu.memory_space<hbm>>
    %dma_wait3A_92 = arith.constant 0 : i32
    %dma_wait3A_93 = tpu.memref_slice %arg4[%dma_wait3A_92] : memref<640000xi32, #tpu.memory_space<hbm>> -> memref<80xi32, #tpu.memory_space<hbm>>
    tpu.wait_dma2 semaphore(%arg40 : memref<!tpu.dma_semaphore, #tpu.memory_space<semaphore_mem>>) src(%dma_wait3A_93 : memref<80xi32, #tpu.memory_space<hbm>>) dst(%arg15 : memref<80xi32, #tpu.memory_space<vmem>>)
    %dma_start3A_94 = arith.constant 0 : i32
    %dma_start3A_95 = arith.constant 0 : i32
    %dma_start3A_96 = tpu.memref_slice %arg2[%dma_start3A_94, %dma_start3A_95] : memref<10000x128xf32, #tpu.memory_space<hbm>> -> memref<10000x128xf32, #tpu.memory_space<hbm>>
    tpu.enqueue_indirect_dma source(%dma_start3A_96 : memref<10000x128xf32, #tpu.memory_space<hbm>>) target(%arg23 : memref<80x128xf32, #tpu.memory_space<vmem>>) offsets(%arg7 : memref<80xi32, #tpu.memory_space<vmem>>) semaphore(%arg28 : memref<!tpu.dma_semaphore, #tpu.memory_space<semaphore_mem>>)
    %dma_wait3A_97 = arith.constant 0 : i32
    %dma_wait3A_98 = tpu.memref_slice %arg4[%dma_wait3A_97] : memref<640000xi32, #tpu.memory_space<hbm>> -> memref<80xi32, #tpu.memory_space<hbm>>
    %dma_wait3A_99 = arith.constant 0 : i32
    %dma_wait3A_100 = tpu.memref_slice %arg4[%dma_wait3A_99] : memref<640000xi32, #tpu.memory_space<hbm>> -> memref<80xi32, #tpu.memory_space<hbm>>
    tpu.wait_dma2 semaphore(%arg33 : memref<!tpu.dma_semaphore, #tpu.memory_space<semaphore_mem>>) src(%dma_wait3A_100 : memref<80xi32, #tpu.memory_space<hbm>>) dst(%arg8 : memref<80xi32, #tpu.memory_space<vmem>>)
    %dma_wait3A_101 = arith.constant 0 : i32
    %dma_wait3A_102 = tpu.memref_slice %arg4[%dma_wait3A_101] : memref<640000xi32, #tpu.memory_space<hbm>> -> memref<80xi32, #tpu.memory_space<hbm>>
    %dma_wait3A_103 = arith.constant 0 : i32
    %dma_wait3A_104 = tpu.memref_slice %arg4[%dma_wait3A_103] : memref<640000xi32, #tpu.memory_space<hbm>> -> memref<80xi32, #tpu.memory_space<hbm>>
    tpu.wait_dma2 semaphore(%arg41 : memref<!tpu.dma_semaphore, #tpu.memory_space<semaphore_mem>>) src(%dma_wait3A_104 : memref<80xi32, #tpu.memory_space<hbm>>) dst(%arg16 : memref<80xi32, #tpu.memory_space<vmem>>)
    %dma_start3A_105 = arith.constant 0 : i32
    %dma_start3A_106 = arith.constant 0 : i32
    %dma_start3A_107 = tpu.memref_slice %arg2[%dma_start3A_105, %dma_start3A_106] : memref<10000x128xf32, #tpu.memory_space<hbm>> -> memref<10000x128xf32, #tpu.memory_space<hbm>>
    tpu.enqueue_indirect_dma source(%dma_start3A_107 : memref<10000x128xf32, #tpu.memory_space<hbm>>) target(%arg24 : memref<80x128xf32, #tpu.memory_space<vmem>>) offsets(%arg8 : memref<80xi32, #tpu.memory_space<vmem>>) semaphore(%arg29 : memref<!tpu.dma_semaphore, #tpu.memory_space<semaphore_mem>>)
    %dma_wait3A_108 = arith.constant 0 : i32
    %dma_wait3A_109 = tpu.memref_slice %arg4[%dma_wait3A_108] : memref<640000xi32, #tpu.memory_space<hbm>> -> memref<80xi32, #tpu.memory_space<hbm>>
    %dma_wait3A_110 = arith.constant 0 : i32
    %dma_wait3A_111 = tpu.memref_slice %arg4[%dma_wait3A_110] : memref<640000xi32, #tpu.memory_space<hbm>> -> memref<80xi32, #tpu.memory_space<hbm>>
    tpu.wait_dma2 semaphore(%arg34 : memref<!tpu.dma_semaphore, #tpu.memory_space<semaphore_mem>>) src(%dma_wait3A_111 : memref<80xi32, #tpu.memory_space<hbm>>) dst(%arg9 : memref<80xi32, #tpu.memory_space<vmem>>)
    %dma_wait3A_112 = arith.constant 0 : i32
    %dma_wait3A_113 = tpu.memref_slice %arg4[%dma_wait3A_112] : memref<640000xi32, #tpu.memory_space<hbm>> -> memref<80xi32, #tpu.memory_space<hbm>>
    %dma_wait3A_114 = arith.constant 0 : i32
    %dma_wait3A_115 = tpu.memref_slice %arg4[%dma_wait3A_114] : memref<640000xi32, #tpu.memory_space<hbm>> -> memref<80xi32, #tpu.memory_space<hbm>>
    tpu.wait_dma2 semaphore(%arg42 : memref<!tpu.dma_semaphore, #tpu.memory_space<semaphore_mem>>) src(%dma_wait3A_115 : memref<80xi32, #tpu.memory_space<hbm>>) dst(%arg17 : memref<80xi32, #tpu.memory_space<vmem>>)
    %dma_start3A_116 = arith.constant 0 : i32
    %dma_start3A_117 = arith.constant 0 : i32
    %dma_start3A_118 = tpu.memref_slice %arg2[%dma_start3A_116, %dma_start3A_117] : memref<10000x128xf32, #tpu.memory_space<hbm>> -> memref<10000x128xf32, #tpu.memory_space<hbm>>
    tpu.enqueue_indirect_dma source(%dma_start3A_118 : memref<10000x128xf32, #tpu.memory_space<hbm>>) target(%arg25 : memref<80x128xf32, #tpu.memory_space<vmem>>) offsets(%arg9 : memref<80xi32, #tpu.memory_space<vmem>>) semaphore(%arg30 : memref<!tpu.dma_semaphore, #tpu.memory_space<semaphore_mem>>)
    %scan3A_119 = arith.constant 0 : i32
    %scan3A_120 = arith.constant 32 : i32
    %scan3A_121 = arith.addi %scan3A_119, %scan3A_120 : i32
    %scan3A_122 = arith.constant 1 : i32
    scf.for %scan3A_130 = %scan3A_119 to %scan3A_121 step %scan3A_122  : i32 {
      %mul3A_131 = arith.constant 1 : i32
      %mul3A_132 = arith.muli %scan3A_130, %mul3A_131 : i32
      %add3A_133 = arith.constant 0 : i32
      %add3A_134 = arith.addi %add3A_133, %mul3A_132 : i32
      %mul3A_135 = arith.constant 8 : i32
      %mul3A_136 = arith.muli %add3A_134, %mul3A_135 : i32
      %add3A_137 = arith.constant 0 : i32
      %add3A_138 = arith.addi %mul3A_136, %add3A_137 : i32
      %lt3A = arith.constant 250 : i32
      %lt3A_139 = arith.cmpi slt, %add3A_138, %lt3A : i32
      %convert_element_type3A = arith.extui %lt3A_139 : i1 to i32
      %cond3A = arith.constant 0 : i32
      %cond3A_140 = arith.cmpi ne, %convert_element_type3A, %cond3A : i32
      scf.if %cond3A_140 {
        %dma_wait3A_316 = arith.constant 0 : i32
        %dma_wait3A_317 = arith.constant 0 : i32
        %dma_wait3A_318 = tpu.memref_slice %arg2[%dma_wait3A_316, %dma_wait3A_317] : memref<10000x128xf32, #tpu.memory_space<hbm>> -> memref<80x128xf32, #tpu.memory_space<hbm>>
        %dma_wait3A_319 = arith.constant 0 : i32
        %dma_wait3A_320 = arith.constant 0 : i32
        %dma_wait3A_321 = tpu.memref_slice %arg2[%dma_wait3A_319, %dma_wait3A_320] : memref<10000x128xf32, #tpu.memory_space<hbm>> -> memref<80x128xf32, #tpu.memory_space<hbm>>
        tpu.wait_dma2 semaphore(%arg27 : memref<!tpu.dma_semaphore, #tpu.memory_space<semaphore_mem>>) src(%dma_wait3A_321 : memref<80x128xf32, #tpu.memory_space<hbm>>) dst(%arg22 : memref<80x128xf32, #tpu.memory_space<vmem>>)
        "tpu.region"() ({
          %run_scoped3A = tpu.sem_alloc : memref<!tpu.dma_semaphore, #tpu.memory_space<semaphore_mem>>
          %dma_start3A_322 = arith.constant 0 : i32
          %dma_start3A_323 = arith.constant 0 : i32
          %dma_start3A_324 = tpu.memref_slice %arg26[%dma_start3A_322, %dma_start3A_323] : memref<10000x128xf32, #tpu.memory_space<vmem_shared>> -> memref<10000x128xf32, #tpu.memory_space<vmem_shared>>
          tpu.enqueue_indirect_dma source(%arg22 : memref<80x128xf32, #tpu.memory_space<vmem>>) target(%dma_start3A_324 : memref<10000x128xf32, #tpu.memory_space<vmem_shared>>) offsets(%arg14 : memref<80xi32, #tpu.memory_space<vmem>>) semaphore(%run_scoped3A : memref<!tpu.dma_semaphore, #tpu.memory_space<semaphore_mem>>) {add = true}
          %dma_wait3A_325 = arith.constant 0 : i32
          %dma_wait3A_326 = arith.constant 0 : i32
          %dma_wait3A_327 = tpu.memref_slice %arg26[%dma_wait3A_325, %dma_wait3A_326] : memref<10000x128xf32, #tpu.memory_space<vmem_shared>> -> memref<10000x128xf32, #tpu.memory_space<vmem_shared>>
          tpu.wait_indirect_dma semaphore(%run_scoped3A : memref<!tpu.dma_semaphore, #tpu.memory_space<semaphore_mem>>) src(%arg22 : memref<80x128xf32, #tpu.memory_space<vmem>>) dst(%dma_wait3A_327 : memref<10000x128xf32, #tpu.memory_space<vmem_shared>>)
          tpu.yield
        }) : () -> ()
      } else {
      }
      %add3A_141 = arith.constant 4 : i32
      %add3A_142 = arith.addi %add3A_138, %add3A_141 : i32
      %lt3A_143 = arith.constant 250 : i32
      %lt3A_144 = arith.cmpi slt, %add3A_142, %lt3A_143 : i32
      %convert_element_type3A_145 = arith.extui %lt3A_144 : i1 to i32
      %cond3A_146 = arith.constant 0 : i32
      %cond3A_147 = arith.cmpi ne, %convert_element_type3A_145, %cond3A_146 : i32
      scf.if %cond3A_147 {
        %dma_wait3A_316 = arith.constant 0 : i32
        %dma_wait3A_317 = tpu.memref_slice %arg4[%dma_wait3A_316] : memref<640000xi32, #tpu.memory_space<hbm>> -> memref<80xi32, #tpu.memory_space<hbm>>
        %dma_wait3A_318 = arith.constant 0 : i32
        %dma_wait3A_319 = tpu.memref_slice %arg4[%dma_wait3A_318] : memref<640000xi32, #tpu.memory_space<hbm>> -> memref<80xi32, #tpu.memory_space<hbm>>
        tpu.wait_dma2 semaphore(%arg35 : memref<!tpu.dma_semaphore, #tpu.memory_space<semaphore_mem>>) src(%dma_wait3A_319 : memref<80xi32, #tpu.memory_space<hbm>>) dst(%arg10 : memref<80xi32, #tpu.memory_space<vmem>>)
        %dma_wait3A_320 = arith.constant 0 : i32
        %dma_wait3A_321 = tpu.memref_slice %arg4[%dma_wait3A_320] : memref<640000xi32, #tpu.memory_space<hbm>> -> memref<80xi32, #tpu.memory_space<hbm>>
        %dma_wait3A_322 = arith.constant 0 : i32
        %dma_wait3A_323 = tpu.memref_slice %arg4[%dma_wait3A_322] : memref<640000xi32, #tpu.memory_space<hbm>> -> memref<80xi32, #tpu.memory_space<hbm>>
        tpu.wait_dma2 semaphore(%arg43 : memref<!tpu.dma_semaphore, #tpu.memory_space<semaphore_mem>>) src(%dma_wait3A_323 : memref<80xi32, #tpu.memory_space<hbm>>) dst(%arg18 : memref<80xi32, #tpu.memory_space<vmem>>)
        %dma_start3A_324 = arith.constant 0 : i32
        %dma_start3A_325 = arith.constant 0 : i32
        %dma_start3A_326 = tpu.memref_slice %arg2[%dma_start3A_324, %dma_start3A_325] : memref<10000x128xf32, #tpu.memory_space<hbm>> -> memref<10000x128xf32, #tpu.memory_space<hbm>>
        tpu.enqueue_indirect_dma source(%dma_start3A_326 : memref<10000x128xf32, #tpu.memory_space<hbm>>) target(%arg22 : memref<80x128xf32, #tpu.memory_space<vmem>>) offsets(%arg10 : memref<80xi32, #tpu.memory_space<vmem>>) semaphore(%arg27 : memref<!tpu.dma_semaphore, #tpu.memory_space<semaphore_mem>>)
      } else {
      }
      %add3A_148 = arith.constant 8 : i32
      %add3A_149 = arith.addi %add3A_138, %add3A_148 : i32
      %lt3A_150 = arith.constant 250 : i32
      %lt3A_151 = arith.cmpi slt, %add3A_149, %lt3A_150 : i32
      %convert_element_type3A_152 = arith.extui %lt3A_151 : i1 to i32
      %cond3A_153 = arith.constant 0 : i32
      %cond3A_154 = arith.cmpi ne, %convert_element_type3A_152, %cond3A_153 : i32
      scf.if %cond3A_154 {
        %add3A_316 = arith.constant 8 : i32
        %add3A_317 = arith.addi %add3A_138, %add3A_316 : i32
        %mul3A_318 = arith.constant 80 : i32
        %mul3A_319 = arith.muli %add3A_317, %mul3A_318 : i32
        %add3A_320 = arith.addi %add3A, %mul3A_319 : i32
        %dma_start3A_321 = tpu.memref_slice %arg4[%add3A_320] : memref<640000xi32, #tpu.memory_space<hbm>> -> memref<80xi32, #tpu.memory_space<hbm>>
        %dma_start3A_322 = tpu.memref_slice %arg4[%add3A_320] : memref<640000xi32, #tpu.memory_space<hbm>> -> memref<80xi32, #tpu.memory_space<hbm>>
        tpu.enqueue_dma source(%dma_start3A_322 : memref<80xi32, #tpu.memory_space<hbm>>) target(%arg6 : memref<80xi32, #tpu.memory_space<vmem>>) target_semaphore(%arg31 : memref<!tpu.dma_semaphore, #tpu.memory_space<semaphore_mem>>)
        %mul3A_323 = arith.constant 80 : i32
        %mul3A_324 = arith.muli %add3A_317, %mul3A_323 : i32
        %add3A_325 = arith.addi %add3A_12, %mul3A_324 : i32
        %dma_start3A_326 = tpu.memref_slice %arg4[%add3A_325] : memref<640000xi32, #tpu.memory_space<hbm>> -> memref<80xi32, #tpu.memory_space<hbm>>
        %dma_start3A_327 = tpu.memref_slice %arg4[%add3A_325] : memref<640000xi32, #tpu.memory_space<hbm>> -> memref<80xi32, #tpu.memory_space<hbm>>
        tpu.enqueue_dma source(%dma_start3A_327 : memref<80xi32, #tpu.memory_space<hbm>>) target(%arg14 : memref<80xi32, #tpu.memory_space<vmem>>) target_semaphore(%arg39 : memref<!tpu.dma_semaphore, #tpu.memory_space<semaphore_mem>>)
      } else {
      }
      %mul3A_155 = arith.constant 8 : i32
      %mul3A_156 = arith.muli %add3A_134, %mul3A_155 : i32
      %add3A_157 = arith.constant 1 : i32
      %add3A_158 = arith.addi %mul3A_156, %add3A_157 : i32
      %lt3A_159 = arith.constant 250 : i32
      %lt3A_160 = arith.cmpi slt, %add3A_158, %lt3A_159 : i32
      %convert_element_type3A_161 = arith.extui %lt3A_160 : i1 to i32
      %cond3A_162 = arith.constant 0 : i32
      %cond3A_163 = arith.cmpi ne, %convert_element_type3A_161, %cond3A_162 : i32
      scf.if %cond3A_163 {
        %dma_wait3A_316 = arith.constant 0 : i32
        %dma_wait3A_317 = arith.constant 0 : i32
        %dma_wait3A_318 = tpu.memref_slice %arg2[%dma_wait3A_316, %dma_wait3A_317] : memref<10000x128xf32, #tpu.memory_space<hbm>> -> memref<80x128xf32, #tpu.memory_space<hbm>>
        %dma_wait3A_319 = arith.constant 0 : i32
        %dma_wait3A_320 = arith.constant 0 : i32
        %dma_wait3A_321 = tpu.memref_slice %arg2[%dma_wait3A_319, %dma_wait3A_320] : memref<10000x128xf32, #tpu.memory_space<hbm>> -> memref<80x128xf32, #tpu.memory_space<hbm>>
        tpu.wait_dma2 semaphore(%arg28 : memref<!tpu.dma_semaphore, #tpu.memory_space<semaphore_mem>>) src(%dma_wait3A_321 : memref<80x128xf32, #tpu.memory_space<hbm>>) dst(%arg23 : memref<80x128xf32, #tpu.memory_space<vmem>>)
        "tpu.region"() ({
          %run_scoped3A = tpu.sem_alloc : memref<!tpu.dma_semaphore, #tpu.memory_space<semaphore_mem>>
          %dma_start3A_322 = arith.constant 0 : i32
          %dma_start3A_323 = arith.constant 0 : i32
          %dma_start3A_324 = tpu.memref_slice %arg26[%dma_start3A_322, %dma_start3A_323] : memref<10000x128xf32, #tpu.memory_space<vmem_shared>> -> memref<10000x128xf32, #tpu.memory_space<vmem_shared>>
          tpu.enqueue_indirect_dma source(%arg23 : memref<80x128xf32, #tpu.memory_space<vmem>>) target(%dma_start3A_324 : memref<10000x128xf32, #tpu.memory_space<vmem_shared>>) offsets(%arg15 : memref<80xi32, #tpu.memory_space<vmem>>) semaphore(%run_scoped3A : memref<!tpu.dma_semaphore, #tpu.memory_space<semaphore_mem>>) {add = true}
          %dma_wait3A_325 = arith.constant 0 : i32
          %dma_wait3A_326 = arith.constant 0 : i32
          %dma_wait3A_327 = tpu.memref_slice %arg26[%dma_wait3A_325, %dma_wait3A_326] : memref<10000x128xf32, #tpu.memory_space<vmem_shared>> -> memref<10000x128xf32, #tpu.memory_space<vmem_shared>>
          tpu.wait_indirect_dma semaphore(%run_scoped3A : memref<!tpu.dma_semaphore, #tpu.memory_space<semaphore_mem>>) src(%arg23 : memref<80x128xf32, #tpu.memory_space<vmem>>) dst(%dma_wait3A_327 : memref<10000x128xf32, #tpu.memory_space<vmem_shared>>)
          tpu.yield
        }) : () -> ()
      } else {
      }
      %add3A_164 = arith.constant 4 : i32
      %add3A_165 = arith.addi %add3A_158, %add3A_164 : i32
      %lt3A_166 = arith.constant 250 : i32
      %lt3A_167 = arith.cmpi slt, %add3A_165, %lt3A_166 : i32
      %convert_element_type3A_168 = arith.extui %lt3A_167 : i1 to i32
      %cond3A_169 = arith.constant 0 : i32
      %cond3A_170 = arith.cmpi ne, %convert_element_type3A_168, %cond3A_169 : i32
      scf.if %cond3A_170 {
        %dma_wait3A_316 = arith.constant 0 : i32
        %dma_wait3A_317 = tpu.memref_slice %arg4[%dma_wait3A_316] : memref<640000xi32, #tpu.memory_space<hbm>> -> memref<80xi32, #tpu.memory_space<hbm>>
        %dma_wait3A_318 = arith.constant 0 : i32
        %dma_wait3A_319 = tpu.memref_slice %arg4[%dma_wait3A_318] : memref<640000xi32, #tpu.memory_space<hbm>> -> memref<80xi32, #tpu.memory_space<hbm>>
        tpu.wait_dma2 semaphore(%arg36 : memref<!tpu.dma_semaphore, #tpu.memory_space<semaphore_mem>>) src(%dma_wait3A_319 : memref<80xi32, #tpu.memory_space<hbm>>) dst(%arg11 : memref<80xi32, #tpu.memory_space<vmem>>)
        %dma_wait3A_320 = arith.constant 0 : i32
        %dma_wait3A_321 = tpu.memref_slice %arg4[%dma_wait3A_320] : memref<640000xi32, #tpu.memory_space<hbm>> -> memref<80xi32, #tpu.memory_space<hbm>>
        %dma_wait3A_322 = arith.constant 0 : i32
        %dma_wait3A_323 = tpu.memref_slice %arg4[%dma_wait3A_322] : memref<640000xi32, #tpu.memory_space<hbm>> -> memref<80xi32, #tpu.memory_space<hbm>>
        tpu.wait_dma2 semaphore(%arg44 : memref<!tpu.dma_semaphore, #tpu.memory_space<semaphore_mem>>) src(%dma_wait3A_323 : memref<80xi32, #tpu.memory_space<hbm>>) dst(%arg19 : memref<80xi32, #tpu.memory_space<vmem>>)
        %dma_start3A_324 = arith.constant 0 : i32
        %dma_start3A_325 = arith.constant 0 : i32
        %dma_start3A_326 = tpu.memref_slice %arg2[%dma_start3A_324, %dma_start3A_325] : memref<10000x128xf32, #tpu.memory_space<hbm>> -> memref<10000x128xf32, #tpu.memory_space<hbm>>
        tpu.enqueue_indirect_dma source(%dma_start3A_326 : memref<10000x128xf32, #tpu.memory_space<hbm>>) target(%arg23 : memref<80x128xf32, #tpu.memory_space<vmem>>) offsets(%arg11 : memref<80xi32, #tpu.memory_space<vmem>>) semaphore(%arg28 : memref<!tpu.dma_semaphore, #tpu.memory_space<semaphore_mem>>)
      } else {
      }
      %add3A_171 = arith.constant 8 : i32
      %add3A_172 = arith.addi %add3A_158, %add3A_171 : i32
      %lt3A_173 = arith.constant 250 : i32
      %lt3A_174 = arith.cmpi slt, %add3A_172, %lt3A_173 : i32
      %convert_element_type3A_175 = arith.extui %lt3A_174 : i1 to i32
      %cond3A_176 = arith.constant 0 : i32
      %cond3A_177 = arith.cmpi ne, %convert_element_type3A_175, %cond3A_176 : i32
      scf.if %cond3A_177 {
        %add3A_316 = arith.constant 8 : i32
        %add3A_317 = arith.addi %add3A_158, %add3A_316 : i32
        %mul3A_318 = arith.constant 80 : i32
        %mul3A_319 = arith.muli %add3A_317, %mul3A_318 : i32
        %add3A_320 = arith.addi %add3A, %mul3A_319 : i32
        %dma_start3A_321 = tpu.memref_slice %arg4[%add3A_320] : memref<640000xi32, #tpu.memory_space<hbm>> -> memref<80xi32, #tpu.memory_space<hbm>>
        %dma_start3A_322 = tpu.memref_slice %arg4[%add3A_320] : memref<640000xi32, #tpu.memory_space<hbm>> -> memref<80xi32, #tpu.memory_space<hbm>>
        tpu.enqueue_dma source(%dma_start3A_322 : memref<80xi32, #tpu.memory_space<hbm>>) target(%arg7 : memref<80xi32, #tpu.memory_space<vmem>>) target_semaphore(%arg32 : memref<!tpu.dma_semaphore, #tpu.memory_space<semaphore_mem>>)
        %mul3A_323 = arith.constant 80 : i32
        %mul3A_324 = arith.muli %add3A_317, %mul3A_323 : i32
        %add3A_325 = arith.addi %add3A_12, %mul3A_324 : i32
        %dma_start3A_326 = tpu.memref_slice %arg4[%add3A_325] : memref<640000xi32, #tpu.memory_space<hbm>> -> memref<80xi32, #tpu.memory_space<hbm>>
        %dma_start3A_327 = tpu.memref_slice %arg4[%add3A_325] : memref<640000xi32, #tpu.memory_space<hbm>> -> memref<80xi32, #tpu.memory_space<hbm>>
        tpu.enqueue_dma source(%dma_start3A_327 : memref<80xi32, #tpu.memory_space<hbm>>) target(%arg15 : memref<80xi32, #tpu.memory_space<vmem>>) target_semaphore(%arg40 : memref<!tpu.dma_semaphore, #tpu.memory_space<semaphore_mem>>)
      } else {
      }
      %mul3A_178 = arith.constant 8 : i32
      %mul3A_179 = arith.muli %add3A_134, %mul3A_178 : i32
      %add3A_180 = arith.constant 2 : i32
      %add3A_181 = arith.addi %mul3A_179, %add3A_180 : i32
      %lt3A_182 = arith.constant 250 : i32
      %lt3A_183 = arith.cmpi slt, %add3A_181, %lt3A_182 : i32
      %convert_element_type3A_184 = arith.extui %lt3A_183 : i1 to i32
      %cond3A_185 = arith.constant 0 : i32
      %cond3A_186 = arith.cmpi ne, %convert_element_type3A_184, %cond3A_185 : i32
      scf.if %cond3A_186 {
        %dma_wait3A_316 = arith.constant 0 : i32
        %dma_wait3A_317 = arith.constant 0 : i32
        %dma_wait3A_318 = tpu.memref_slice %arg2[%dma_wait3A_316, %dma_wait3A_317] : memref<10000x128xf32, #tpu.memory_space<hbm>> -> memref<80x128xf32, #tpu.memory_space<hbm>>
        %dma_wait3A_319 = arith.constant 0 : i32
        %dma_wait3A_320 = arith.constant 0 : i32
        %dma_wait3A_321 = tpu.memref_slice %arg2[%dma_wait3A_319, %dma_wait3A_320] : memref<10000x128xf32, #tpu.memory_space<hbm>> -> memref<80x128xf32, #tpu.memory_space<hbm>>
        tpu.wait_dma2 semaphore(%arg29 : memref<!tpu.dma_semaphore, #tpu.memory_space<semaphore_mem>>) src(%dma_wait3A_321 : memref<80x128xf32, #tpu.memory_space<hbm>>) dst(%arg24 : memref<80x128xf32, #tpu.memory_space<vmem>>)
        "tpu.region"() ({
          %run_scoped3A = tpu.sem_alloc : memref<!tpu.dma_semaphore, #tpu.memory_space<semaphore_mem>>
          %dma_start3A_322 = arith.constant 0 : i32
          %dma_start3A_323 = arith.constant 0 : i32
          %dma_start3A_324 = tpu.memref_slice %arg26[%dma_start3A_322, %dma_start3A_323] : memref<10000x128xf32, #tpu.memory_space<vmem_shared>> -> memref<10000x128xf32, #tpu.memory_space<vmem_shared>>
          tpu.enqueue_indirect_dma source(%arg24 : memref<80x128xf32, #tpu.memory_space<vmem>>) target(%dma_start3A_324 : memref<10000x128xf32, #tpu.memory_space<vmem_shared>>) offsets(%arg16 : memref<80xi32, #tpu.memory_space<vmem>>) semaphore(%run_scoped3A : memref<!tpu.dma_semaphore, #tpu.memory_space<semaphore_mem>>) {add = true}
          %dma_wait3A_325 = arith.constant 0 : i32
          %dma_wait3A_326 = arith.constant 0 : i32
          %dma_wait3A_327 = tpu.memref_slice %arg26[%dma_wait3A_325, %dma_wait3A_326] : memref<10000x128xf32, #tpu.memory_space<vmem_shared>> -> memref<10000x128xf32, #tpu.memory_space<vmem_shared>>
          tpu.wait_indirect_dma semaphore(%run_scoped3A : memref<!tpu.dma_semaphore, #tpu.memory_space<semaphore_mem>>) src(%arg24 : memref<80x128xf32, #tpu.memory_space<vmem>>) dst(%dma_wait3A_327 : memref<10000x128xf32, #tpu.memory_space<vmem_shared>>)
          tpu.yield
        }) : () -> ()
      } else {
      }
      %add3A_187 = arith.constant 4 : i32
      %add3A_188 = arith.addi %add3A_181, %add3A_187 : i32
      %lt3A_189 = arith.constant 250 : i32
      %lt3A_190 = arith.cmpi slt, %add3A_188, %lt3A_189 : i32
      %convert_element_type3A_191 = arith.extui %lt3A_190 : i1 to i32
      %cond3A_192 = arith.constant 0 : i32
      %cond3A_193 = arith.cmpi ne, %convert_element_type3A_191, %cond3A_192 : i32
      scf.if %cond3A_193 {
        %dma_wait3A_316 = arith.constant 0 : i32
        %dma_wait3A_317 = tpu.memref_slice %arg4[%dma_wait3A_316] : memref<640000xi32, #tpu.memory_space<hbm>> -> memref<80xi32, #tpu.memory_space<hbm>>
        %dma_wait3A_318 = arith.constant 0 : i32
        %dma_wait3A_319 = tpu.memref_slice %arg4[%dma_wait3A_318] : memref<640000xi32, #tpu.memory_space<hbm>> -> memref<80xi32, #tpu.memory_space<hbm>>
        tpu.wait_dma2 semaphore(%arg37 : memref<!tpu.dma_semaphore, #tpu.memory_space<semaphore_mem>>) src(%dma_wait3A_319 : memref<80xi32, #tpu.memory_space<hbm>>) dst(%arg12 : memref<80xi32, #tpu.memory_space<vmem>>)
        %dma_wait3A_320 = arith.constant 0 : i32
        %dma_wait3A_321 = tpu.memref_slice %arg4[%dma_wait3A_320] : memref<640000xi32, #tpu.memory_space<hbm>> -> memref<80xi32, #tpu.memory_space<hbm>>
        %dma_wait3A_322 = arith.constant 0 : i32
        %dma_wait3A_323 = tpu.memref_slice %arg4[%dma_wait3A_322] : memref<640000xi32, #tpu.memory_space<hbm>> -> memref<80xi32, #tpu.memory_space<hbm>>
        tpu.wait_dma2 semaphore(%arg45 : memref<!tpu.dma_semaphore, #tpu.memory_space<semaphore_mem>>) src(%dma_wait3A_323 : memref<80xi32, #tpu.memory_space<hbm>>) dst(%arg20 : memref<80xi32, #tpu.memory_space<vmem>>)
        %dma_start3A_324 = arith.constant 0 : i32
        %dma_start3A_325 = arith.constant 0 : i32
        %dma_start3A_326 = tpu.memref_slice %arg2[%dma_start3A_324, %dma_start3A_325] : memref<10000x128xf32, #tpu.memory_space<hbm>> -> memref<10000x128xf32, #tpu.memory_space<hbm>>
        tpu.enqueue_indirect_dma source(%dma_start3A_326 : memref<10000x128xf32, #tpu.memory_space<hbm>>) target(%arg24 : memref<80x128xf32, #tpu.memory_space<vmem>>) offsets(%arg12 : memref<80xi32, #tpu.memory_space<vmem>>) semaphore(%arg29 : memref<!tpu.dma_semaphore, #tpu.memory_space<semaphore_mem>>)
      } else {
      }
      %add3A_194 = arith.constant 8 : i32
      %add3A_195 = arith.addi %add3A_181, %add3A_194 : i32
      %lt3A_196 = arith.constant 250 : i32
      %lt3A_197 = arith.cmpi slt, %add3A_195, %lt3A_196 : i32
      %convert_element_type3A_198 = arith.extui %lt3A_197 : i1 to i32
      %cond3A_199 = arith.constant 0 : i32
      %cond3A_200 = arith.cmpi ne, %convert_element_type3A_198, %cond3A_199 : i32
      scf.if %cond3A_200 {
        %add3A_316 = arith.constant 8 : i32
        %add3A_317 = arith.addi %add3A_181, %add3A_316 : i32
        %mul3A_318 = arith.constant 80 : i32
        %mul3A_319 = arith.muli %add3A_317, %mul3A_318 : i32
        %add3A_320 = arith.addi %add3A, %mul3A_319 : i32
        %dma_start3A_321 = tpu.memref_slice %arg4[%add3A_320] : memref<640000xi32, #tpu.memory_space<hbm>> -> memref<80xi32, #tpu.memory_space<hbm>>
        %dma_start3A_322 = tpu.memref_slice %arg4[%add3A_320] : memref<640000xi32, #tpu.memory_space<hbm>> -> memref<80xi32, #tpu.memory_space<hbm>>
        tpu.enqueue_dma source(%dma_start3A_322 : memref<80xi32, #tpu.memory_space<hbm>>) target(%arg8 : memref<80xi32, #tpu.memory_space<vmem>>) target_semaphore(%arg33 : memref<!tpu.dma_semaphore, #tpu.memory_space<semaphore_mem>>)
        %mul3A_323 = arith.constant 80 : i32
        %mul3A_324 = arith.muli %add3A_317, %mul3A_323 : i32
        %add3A_325 = arith.addi %add3A_12, %mul3A_324 : i32
        %dma_start3A_326 = tpu.memref_slice %arg4[%add3A_325] : memref<640000xi32, #tpu.memory_space<hbm>> -> memref<80xi32, #tpu.memory_space<hbm>>
        %dma_start3A_327 = tpu.memref_slice %arg4[%add3A_325] : memref<640000xi32, #tpu.memory_space<hbm>> -> memref<80xi32, #tpu.memory_space<hbm>>
        tpu.enqueue_dma source(%dma_start3A_327 : memref<80xi32, #tpu.memory_space<hbm>>) target(%arg16 : memref<80xi32, #tpu.memory_space<vmem>>) target_semaphore(%arg41 : memref<!tpu.dma_semaphore, #tpu.memory_space<semaphore_mem>>)
      } else {
      }
      %mul3A_201 = arith.constant 8 : i32
      %mul3A_202 = arith.muli %add3A_134, %mul3A_201 : i32
      %add3A_203 = arith.constant 3 : i32
      %add3A_204 = arith.addi %mul3A_202, %add3A_203 : i32
      %lt3A_205 = arith.constant 250 : i32
      %lt3A_206 = arith.cmpi slt, %add3A_204, %lt3A_205 : i32
      %convert_element_type3A_207 = arith.extui %lt3A_206 : i1 to i32
      %cond3A_208 = arith.constant 0 : i32
      %cond3A_209 = arith.cmpi ne, %convert_element_type3A_207, %cond3A_208 : i32
      scf.if %cond3A_209 {
        %dma_wait3A_316 = arith.constant 0 : i32
        %dma_wait3A_317 = arith.constant 0 : i32
        %dma_wait3A_318 = tpu.memref_slice %arg2[%dma_wait3A_316, %dma_wait3A_317] : memref<10000x128xf32, #tpu.memory_space<hbm>> -> memref<80x128xf32, #tpu.memory_space<hbm>>
        %dma_wait3A_319 = arith.constant 0 : i32
        %dma_wait3A_320 = arith.constant 0 : i32
        %dma_wait3A_321 = tpu.memref_slice %arg2[%dma_wait3A_319, %dma_wait3A_320] : memref<10000x128xf32, #tpu.memory_space<hbm>> -> memref<80x128xf32, #tpu.memory_space<hbm>>
        tpu.wait_dma2 semaphore(%arg30 : memref<!tpu.dma_semaphore, #tpu.memory_space<semaphore_mem>>) src(%dma_wait3A_321 : memref<80x128xf32, #tpu.memory_space<hbm>>) dst(%arg25 : memref<80x128xf32, #tpu.memory_space<vmem>>)
        "tpu.region"() ({
          %run_scoped3A = tpu.sem_alloc : memref<!tpu.dma_semaphore, #tpu.memory_space<semaphore_mem>>
          %dma_start3A_322 = arith.constant 0 : i32
          %dma_start3A_323 = arith.constant 0 : i32
          %dma_start3A_324 = tpu.memref_slice %arg26[%dma_start3A_322, %dma_start3A_323] : memref<10000x128xf32, #tpu.memory_space<vmem_shared>> -> memref<10000x128xf32, #tpu.memory_space<vmem_shared>>
          tpu.enqueue_indirect_dma source(%arg25 : memref<80x128xf32, #tpu.memory_space<vmem>>) target(%dma_start3A_324 : memref<10000x128xf32, #tpu.memory_space<vmem_shared>>) offsets(%arg17 : memref<80xi32, #tpu.memory_space<vmem>>) semaphore(%run_scoped3A : memref<!tpu.dma_semaphore, #tpu.memory_space<semaphore_mem>>) {add = true}
          %dma_wait3A_325 = arith.constant 0 : i32
          %dma_wait3A_326 = arith.constant 0 : i32
          %dma_wait3A_327 = tpu.memref_slice %arg26[%dma_wait3A_325, %dma_wait3A_326] : memref<10000x128xf32, #tpu.memory_space<vmem_shared>> -> memref<10000x128xf32, #tpu.memory_space<vmem_shared>>
          tpu.wait_indirect_dma semaphore(%run_scoped3A : memref<!tpu.dma_semaphore, #tpu.memory_space<semaphore_mem>>) src(%arg25 : memref<80x128xf32, #tpu.memory_space<vmem>>) dst(%dma_wait3A_327 : memref<10000x128xf32, #tpu.memory_space<vmem_shared>>)
          tpu.yield
        }) : () -> ()
      } else {
      }
      %add3A_210 = arith.constant 4 : i32
      %add3A_211 = arith.addi %add3A_204, %add3A_210 : i32
      %lt3A_212 = arith.constant 250 : i32
      %lt3A_213 = arith.cmpi slt, %add3A_211, %lt3A_212 : i32
      %convert_element_type3A_214 = arith.extui %lt3A_213 : i1 to i32
      %cond3A_215 = arith.constant 0 : i32
      %cond3A_216 = arith.cmpi ne, %convert_element_type3A_214, %cond3A_215 : i32
      scf.if %cond3A_216 {
        %dma_wait3A_316 = arith.constant 0 : i32
        %dma_wait3A_317 = tpu.memref_slice %arg4[%dma_wait3A_316] : memref<640000xi32, #tpu.memory_space<hbm>> -> memref<80xi32, #tpu.memory_space<hbm>>
        %dma_wait3A_318 = arith.constant 0 : i32
        %dma_wait3A_319 = tpu.memref_slice %arg4[%dma_wait3A_318] : memref<640000xi32, #tpu.memory_space<hbm>> -> memref<80xi32, #tpu.memory_space<hbm>>
        tpu.wait_dma2 semaphore(%arg38 : memref<!tpu.dma_semaphore, #tpu.memory_space<semaphore_mem>>) src(%dma_wait3A_319 : memref<80xi32, #tpu.memory_space<hbm>>) dst(%arg13 : memref<80xi32, #tpu.memory_space<vmem>>)
        %dma_wait3A_320 = arith.constant 0 : i32
        %dma_wait3A_321 = tpu.memref_slice %arg4[%dma_wait3A_320] : memref<640000xi32, #tpu.memory_space<hbm>> -> memref<80xi32, #tpu.memory_space<hbm>>
        %dma_wait3A_322 = arith.constant 0 : i32
        %dma_wait3A_323 = tpu.memref_slice %arg4[%dma_wait3A_322] : memref<640000xi32, #tpu.memory_space<hbm>> -> memref<80xi32, #tpu.memory_space<hbm>>
        tpu.wait_dma2 semaphore(%arg46 : memref<!tpu.dma_semaphore, #tpu.memory_space<semaphore_mem>>) src(%dma_wait3A_323 : memref<80xi32, #tpu.memory_space<hbm>>) dst(%arg21 : memref<80xi32, #tpu.memory_space<vmem>>)
        %dma_start3A_324 = arith.constant 0 : i32
        %dma_start3A_325 = arith.constant 0 : i32
        %dma_start3A_326 = tpu.memref_slice %arg2[%dma_start3A_324, %dma_start3A_325] : memref<10000x128xf32, #tpu.memory_space<hbm>> -> memref<10000x128xf32, #tpu.memory_space<hbm>>
        tpu.enqueue_indirect_dma source(%dma_start3A_326 : memref<10000x128xf32, #tpu.memory_space<hbm>>) target(%arg25 : memref<80x128xf32, #tpu.memory_space<vmem>>) offsets(%arg13 : memref<80xi32, #tpu.memory_space<vmem>>) semaphore(%arg30 : memref<!tpu.dma_semaphore, #tpu.memory_space<semaphore_mem>>)
      } else {
      }
      %add3A_217 = arith.constant 8 : i32
      %add3A_218 = arith.addi %add3A_204, %add3A_217 : i32
      %lt3A_219 = arith.constant 250 : i32
      %lt3A_220 = arith.cmpi slt, %add3A_218, %lt3A_219 : i32
      %convert_element_type3A_221 = arith.extui %lt3A_220 : i1 to i32
      %cond3A_222 = arith.constant 0 : i32
      %cond3A_223 = arith.cmpi ne, %convert_element_type3A_221, %cond3A_222 : i32
      scf.if %cond3A_223 {
        %add3A_316 = arith.constant 8 : i32
        %add3A_317 = arith.addi %add3A_204, %add3A_316 : i32
        %mul3A_318 = arith.constant 80 : i32
        %mul3A_319 = arith.muli %add3A_317, %mul3A_318 : i32
        %add3A_320 = arith.addi %add3A, %mul3A_319 : i32
        %dma_start3A_321 = tpu.memref_slice %arg4[%add3A_320] : memref<640000xi32, #tpu.memory_space<hbm>> -> memref<80xi32, #tpu.memory_space<hbm>>
        %dma_start3A_322 = tpu.memref_slice %arg4[%add3A_320] : memref<640000xi32, #tpu.memory_space<hbm>> -> memref<80xi32, #tpu.memory_space<hbm>>
        tpu.enqueue_dma source(%dma_start3A_322 : memref<80xi32, #tpu.memory_space<hbm>>) target(%arg9 : memref<80xi32, #tpu.memory_space<vmem>>) target_semaphore(%arg34 : memref<!tpu.dma_semaphore, #tpu.memory_space<semaphore_mem>>)
        %mul3A_323 = arith.constant 80 : i32
        %mul3A_324 = arith.muli %add3A_317, %mul3A_323 : i32
        %add3A_325 = arith.addi %add3A_12, %mul3A_324 : i32
        %dma_start3A_326 = tpu.memref_slice %arg4[%add3A_325] : memref<640000xi32, #tpu.memory_space<hbm>> -> memref<80xi32, #tpu.memory_space<hbm>>
        %dma_start3A_327 = tpu.memref_slice %arg4[%add3A_325] : memref<640000xi32, #tpu.memory_space<hbm>> -> memref<80xi32, #tpu.memory_space<hbm>>
        tpu.enqueue_dma source(%dma_start3A_327 : memref<80xi32, #tpu.memory_space<hbm>>) target(%arg17 : memref<80xi32, #tpu.memory_space<vmem>>) target_semaphore(%arg42 : memref<!tpu.dma_semaphore, #tpu.memory_space<semaphore_mem>>)
      } else {
      }
      %mul3A_224 = arith.constant 8 : i32
      %mul3A_225 = arith.muli %add3A_134, %mul3A_224 : i32
      %add3A_226 = arith.constant 4 : i32
      %add3A_227 = arith.addi %mul3A_225, %add3A_226 : i32
      %lt3A_228 = arith.constant 250 : i32
      %lt3A_229 = arith.cmpi slt, %add3A_227, %lt3A_228 : i32
      %convert_element_type3A_230 = arith.extui %lt3A_229 : i1 to i32
      %cond3A_231 = arith.constant 0 : i32
      %cond3A_232 = arith.cmpi ne, %convert_element_type3A_230, %cond3A_231 : i32
      scf.if %cond3A_232 {
        %dma_wait3A_316 = arith.constant 0 : i32
        %dma_wait3A_317 = arith.constant 0 : i32
        %dma_wait3A_318 = tpu.memref_slice %arg2[%dma_wait3A_316, %dma_wait3A_317] : memref<10000x128xf32, #tpu.memory_space<hbm>> -> memref<80x128xf32, #tpu.memory_space<hbm>>
        %dma_wait3A_319 = arith.constant 0 : i32
        %dma_wait3A_320 = arith.constant 0 : i32
        %dma_wait3A_321 = tpu.memref_slice %arg2[%dma_wait3A_319, %dma_wait3A_320] : memref<10000x128xf32, #tpu.memory_space<hbm>> -> memref<80x128xf32, #tpu.memory_space<hbm>>
        tpu.wait_dma2 semaphore(%arg27 : memref<!tpu.dma_semaphore, #tpu.memory_space<semaphore_mem>>) src(%dma_wait3A_321 : memref<80x128xf32, #tpu.memory_space<hbm>>) dst(%arg22 : memref<80x128xf32, #tpu.memory_space<vmem>>)
        "tpu.region"() ({
          %run_scoped3A = tpu.sem_alloc : memref<!tpu.dma_semaphore, #tpu.memory_space<semaphore_mem>>
          %dma_start3A_322 = arith.constant 0 : i32
          %dma_start3A_323 = arith.constant 0 : i32
          %dma_start3A_324 = tpu.memref_slice %arg26[%dma_start3A_322, %dma_start3A_323] : memref<10000x128xf32, #tpu.memory_space<vmem_shared>> -> memref<10000x128xf32, #tpu.memory_space<vmem_shared>>
          tpu.enqueue_indirect_dma source(%arg22 : memref<80x128xf32, #tpu.memory_space<vmem>>) target(%dma_start3A_324 : memref<10000x128xf32, #tpu.memory_space<vmem_shared>>) offsets(%arg18 : memref<80xi32, #tpu.memory_space<vmem>>) semaphore(%run_scoped3A : memref<!tpu.dma_semaphore, #tpu.memory_space<semaphore_mem>>) {add = true}
          %dma_wait3A_325 = arith.constant 0 : i32
          %dma_wait3A_326 = arith.constant 0 : i32
          %dma_wait3A_327 = tpu.memref_slice %arg26[%dma_wait3A_325, %dma_wait3A_326] : memref<10000x128xf32, #tpu.memory_space<vmem_shared>> -> memref<10000x128xf32, #tpu.memory_space<vmem_shared>>
          tpu.wait_indirect_dma semaphore(%run_scoped3A : memref<!tpu.dma_semaphore, #tpu.memory_space<semaphore_mem>>) src(%arg22 : memref<80x128xf32, #tpu.memory_space<vmem>>) dst(%dma_wait3A_327 : memref<10000x128xf32, #tpu.memory_space<vmem_shared>>)
          tpu.yield
        }) : () -> ()
      } else {
      }
      %add3A_233 = arith.constant 4 : i32
      %add3A_234 = arith.addi %add3A_227, %add3A_233 : i32
      %lt3A_235 = arith.constant 250 : i32
      %lt3A_236 = arith.cmpi slt, %add3A_234, %lt3A_235 : i32
      %convert_element_type3A_237 = arith.extui %lt3A_236 : i1 to i32
      %cond3A_238 = arith.constant 0 : i32
      %cond3A_239 = arith.cmpi ne, %convert_element_type3A_237, %cond3A_238 : i32
      scf.if %cond3A_239 {
        %dma_wait3A_316 = arith.constant 0 : i32
        %dma_wait3A_317 = tpu.memref_slice %arg4[%dma_wait3A_316] : memref<640000xi32, #tpu.memory_space<hbm>> -> memref<80xi32, #tpu.memory_space<hbm>>
        %dma_wait3A_318 = arith.constant 0 : i32
        %dma_wait3A_319 = tpu.memref_slice %arg4[%dma_wait3A_318] : memref<640000xi32, #tpu.memory_space<hbm>> -> memref<80xi32, #tpu.memory_space<hbm>>
        tpu.wait_dma2 semaphore(%arg31 : memref<!tpu.dma_semaphore, #tpu.memory_space<semaphore_mem>>) src(%dma_wait3A_319 : memref<80xi32, #tpu.memory_space<hbm>>) dst(%arg6 : memref<80xi32, #tpu.memory_space<vmem>>)
        %dma_wait3A_320 = arith.constant 0 : i32
        %dma_wait3A_321 = tpu.memref_slice %arg4[%dma_wait3A_320] : memref<640000xi32, #tpu.memory_space<hbm>> -> memref<80xi32, #tpu.memory_space<hbm>>
        %dma_wait3A_322 = arith.constant 0 : i32
        %dma_wait3A_323 = tpu.memref_slice %arg4[%dma_wait3A_322] : memref<640000xi32, #tpu.memory_space<hbm>> -> memref<80xi32, #tpu.memory_space<hbm>>
        tpu.wait_dma2 semaphore(%arg39 : memref<!tpu.dma_semaphore, #tpu.memory_space<semaphore_mem>>) src(%dma_wait3A_323 : memref<80xi32, #tpu.memory_space<hbm>>) dst(%arg14 : memref<80xi32, #tpu.memory_space<vmem>>)
        %dma_start3A_324 = arith.constant 0 : i32
        %dma_start3A_325 = arith.constant 0 : i32
        %dma_start3A_326 = tpu.memref_slice %arg2[%dma_start3A_324, %dma_start3A_325] : memref<10000x128xf32, #tpu.memory_space<hbm>> -> memref<10000x128xf32, #tpu.memory_space<hbm>>
        tpu.enqueue_indirect_dma source(%dma_start3A_326 : memref<10000x128xf32, #tpu.memory_space<hbm>>) target(%arg22 : memref<80x128xf32, #tpu.memory_space<vmem>>) offsets(%arg6 : memref<80xi32, #tpu.memory_space<vmem>>) semaphore(%arg27 : memref<!tpu.dma_semaphore, #tpu.memory_space<semaphore_mem>>)
      } else {
      }
      %add3A_240 = arith.constant 8 : i32
      %add3A_241 = arith.addi %add3A_227, %add3A_240 : i32
      %lt3A_242 = arith.constant 250 : i32
      %lt3A_243 = arith.cmpi slt, %add3A_241, %lt3A_242 : i32
      %convert_element_type3A_244 = arith.extui %lt3A_243 : i1 to i32
      %cond3A_245 = arith.constant 0 : i32
      %cond3A_246 = arith.cmpi ne, %convert_element_type3A_244, %cond3A_245 : i32
      scf.if %cond3A_246 {
        %add3A_316 = arith.constant 8 : i32
        %add3A_317 = arith.addi %add3A_227, %add3A_316 : i32
        %mul3A_318 = arith.constant 80 : i32
        %mul3A_319 = arith.muli %add3A_317, %mul3A_318 : i32
        %add3A_320 = arith.addi %add3A, %mul3A_319 : i32
        %dma_start3A_321 = tpu.memref_slice %arg4[%add3A_320] : memref<640000xi32, #tpu.memory_space<hbm>> -> memref<80xi32, #tpu.memory_space<hbm>>
        %dma_start3A_322 = tpu.memref_slice %arg4[%add3A_320] : memref<640000xi32, #tpu.memory_space<hbm>> -> memref<80xi32, #tpu.memory_space<hbm>>
        tpu.enqueue_dma source(%dma_start3A_322 : memref<80xi32, #tpu.memory_space<hbm>>) target(%arg10 : memref<80xi32, #tpu.memory_space<vmem>>) target_semaphore(%arg35 : memref<!tpu.dma_semaphore, #tpu.memory_space<semaphore_mem>>)
        %mul3A_323 = arith.constant 80 : i32
        %mul3A_324 = arith.muli %add3A_317, %mul3A_323 : i32
        %add3A_325 = arith.addi %add3A_12, %mul3A_324 : i32
        %dma_start3A_326 = tpu.memref_slice %arg4[%add3A_325] : memref<640000xi32, #tpu.memory_space<hbm>> -> memref<80xi32, #tpu.memory_space<hbm>>
        %dma_start3A_327 = tpu.memref_slice %arg4[%add3A_325] : memref<640000xi32, #tpu.memory_space<hbm>> -> memref<80xi32, #tpu.memory_space<hbm>>
        tpu.enqueue_dma source(%dma_start3A_327 : memref<80xi32, #tpu.memory_space<hbm>>) target(%arg18 : memref<80xi32, #tpu.memory_space<vmem>>) target_semaphore(%arg43 : memref<!tpu.dma_semaphore, #tpu.memory_space<semaphore_mem>>)
      } else {
      }
      %mul3A_247 = arith.constant 8 : i32
      %mul3A_248 = arith.muli %add3A_134, %mul3A_247 : i32
      %add3A_249 = arith.constant 5 : i32
      %add3A_250 = arith.addi %mul3A_248, %add3A_249 : i32
      %lt3A_251 = arith.constant 250 : i32
      %lt3A_252 = arith.cmpi slt, %add3A_250, %lt3A_251 : i32
      %convert_element_type3A_253 = arith.extui %lt3A_252 : i1 to i32
      %cond3A_254 = arith.constant 0 : i32
      %cond3A_255 = arith.cmpi ne, %convert_element_type3A_253, %cond3A_254 : i32
      scf.if %cond3A_255 {
        %dma_wait3A_316 = arith.constant 0 : i32
        %dma_wait3A_317 = arith.constant 0 : i32
        %dma_wait3A_318 = tpu.memref_slice %arg2[%dma_wait3A_316, %dma_wait3A_317] : memref<10000x128xf32, #tpu.memory_space<hbm>> -> memref<80x128xf32, #tpu.memory_space<hbm>>
        %dma_wait3A_319 = arith.constant 0 : i32
        %dma_wait3A_320 = arith.constant 0 : i32
        %dma_wait3A_321 = tpu.memref_slice %arg2[%dma_wait3A_319, %dma_wait3A_320] : memref<10000x128xf32, #tpu.memory_space<hbm>> -> memref<80x128xf32, #tpu.memory_space<hbm>>
        tpu.wait_dma2 semaphore(%arg28 : memref<!tpu.dma_semaphore, #tpu.memory_space<semaphore_mem>>) src(%dma_wait3A_321 : memref<80x128xf32, #tpu.memory_space<hbm>>) dst(%arg23 : memref<80x128xf32, #tpu.memory_space<vmem>>)
        "tpu.region"() ({
          %run_scoped3A = tpu.sem_alloc : memref<!tpu.dma_semaphore, #tpu.memory_space<semaphore_mem>>
          %dma_start3A_322 = arith.constant 0 : i32
          %dma_start3A_323 = arith.constant 0 : i32
          %dma_start3A_324 = tpu.memref_slice %arg26[%dma_start3A_322, %dma_start3A_323] : memref<10000x128xf32, #tpu.memory_space<vmem_shared>> -> memref<10000x128xf32, #tpu.memory_space<vmem_shared>>
          tpu.enqueue_indirect_dma source(%arg23 : memref<80x128xf32, #tpu.memory_space<vmem>>) target(%dma_start3A_324 : memref<10000x128xf32, #tpu.memory_space<vmem_shared>>) offsets(%arg19 : memref<80xi32, #tpu.memory_space<vmem>>) semaphore(%run_scoped3A : memref<!tpu.dma_semaphore, #tpu.memory_space<semaphore_mem>>) {add = true}
          %dma_wait3A_325 = arith.constant 0 : i32
          %dma_wait3A_326 = arith.constant 0 : i32
          %dma_wait3A_327 = tpu.memref_slice %arg26[%dma_wait3A_325, %dma_wait3A_326] : memref<10000x128xf32, #tpu.memory_space<vmem_shared>> -> memref<10000x128xf32, #tpu.memory_space<vmem_shared>>
          tpu.wait_indirect_dma semaphore(%run_scoped3A : memref<!tpu.dma_semaphore, #tpu.memory_space<semaphore_mem>>) src(%arg23 : memref<80x128xf32, #tpu.memory_space<vmem>>) dst(%dma_wait3A_327 : memref<10000x128xf32, #tpu.memory_space<vmem_shared>>)
          tpu.yield
        }) : () -> ()
      } else {
      }
      %add3A_256 = arith.constant 4 : i32
      %add3A_257 = arith.addi %add3A_250, %add3A_256 : i32
      %lt3A_258 = arith.constant 250 : i32
      %lt3A_259 = arith.cmpi slt, %add3A_257, %lt3A_258 : i32
      %convert_element_type3A_260 = arith.extui %lt3A_259 : i1 to i32
      %cond3A_261 = arith.constant 0 : i32
      %cond3A_262 = arith.cmpi ne, %convert_element_type3A_260, %cond3A_261 : i32
      scf.if %cond3A_262 {
        %dma_wait3A_316 = arith.constant 0 : i32
        %dma_wait3A_317 = tpu.memref_slice %arg4[%dma_wait3A_316] : memref<640000xi32, #tpu.memory_space<hbm>> -> memref<80xi32, #tpu.memory_space<hbm>>
        %dma_wait3A_318 = arith.constant 0 : i32
        %dma_wait3A_319 = tpu.memref_slice %arg4[%dma_wait3A_318] : memref<640000xi32, #tpu.memory_space<hbm>> -> memref<80xi32, #tpu.memory_space<hbm>>
        tpu.wait_dma2 semaphore(%arg32 : memref<!tpu.dma_semaphore, #tpu.memory_space<semaphore_mem>>) src(%dma_wait3A_319 : memref<80xi32, #tpu.memory_space<hbm>>) dst(%arg7 : memref<80xi32, #tpu.memory_space<vmem>>)
        %dma_wait3A_320 = arith.constant 0 : i32
        %dma_wait3A_321 = tpu.memref_slice %arg4[%dma_wait3A_320] : memref<640000xi32, #tpu.memory_space<hbm>> -> memref<80xi32, #tpu.memory_space<hbm>>
        %dma_wait3A_322 = arith.constant 0 : i32
        %dma_wait3A_323 = tpu.memref_slice %arg4[%dma_wait3A_322] : memref<640000xi32, #tpu.memory_space<hbm>> -> memref<80xi32, #tpu.memory_space<hbm>>
        tpu.wait_dma2 semaphore(%arg40 : memref<!tpu.dma_semaphore, #tpu.memory_space<semaphore_mem>>) src(%dma_wait3A_323 : memref<80xi32, #tpu.memory_space<hbm>>) dst(%arg15 : memref<80xi32, #tpu.memory_space<vmem>>)
        %dma_start3A_324 = arith.constant 0 : i32
        %dma_start3A_325 = arith.constant 0 : i32
        %dma_start3A_326 = tpu.memref_slice %arg2[%dma_start3A_324, %dma_start3A_325] : memref<10000x128xf32, #tpu.memory_space<hbm>> -> memref<10000x128xf32, #tpu.memory_space<hbm>>
        tpu.enqueue_indirect_dma source(%dma_start3A_326 : memref<10000x128xf32, #tpu.memory_space<hbm>>) target(%arg23 : memref<80x128xf32, #tpu.memory_space<vmem>>) offsets(%arg7 : memref<80xi32, #tpu.memory_space<vmem>>) semaphore(%arg28 : memref<!tpu.dma_semaphore, #tpu.memory_space<semaphore_mem>>)
      } else {
      }
      %add3A_263 = arith.constant 8 : i32
      %add3A_264 = arith.addi %add3A_250, %add3A_263 : i32
      %lt3A_265 = arith.constant 250 : i32
      %lt3A_266 = arith.cmpi slt, %add3A_264, %lt3A_265 : i32
      %convert_element_type3A_267 = arith.extui %lt3A_266 : i1 to i32
      %cond3A_268 = arith.constant 0 : i32
      %cond3A_269 = arith.cmpi ne, %convert_element_type3A_267, %cond3A_268 : i32
      scf.if %cond3A_269 {
        %add3A_316 = arith.constant 8 : i32
        %add3A_317 = arith.addi %add3A_250, %add3A_316 : i32
        %mul3A_318 = arith.constant 80 : i32
        %mul3A_319 = arith.muli %add3A_317, %mul3A_318 : i32
        %add3A_320 = arith.addi %add3A, %mul3A_319 : i32
        %dma_start3A_321 = tpu.memref_slice %arg4[%add3A_320] : memref<640000xi32, #tpu.memory_space<hbm>> -> memref<80xi32, #tpu.memory_space<hbm>>
        %dma_start3A_322 = tpu.memref_slice %arg4[%add3A_320] : memref<640000xi32, #tpu.memory_space<hbm>> -> memref<80xi32, #tpu.memory_space<hbm>>
        tpu.enqueue_dma source(%dma_start3A_322 : memref<80xi32, #tpu.memory_space<hbm>>) target(%arg11 : memref<80xi32, #tpu.memory_space<vmem>>) target_semaphore(%arg36 : memref<!tpu.dma_semaphore, #tpu.memory_space<semaphore_mem>>)
        %mul3A_323 = arith.constant 80 : i32
        %mul3A_324 = arith.muli %add3A_317, %mul3A_323 : i32
        %add3A_325 = arith.addi %add3A_12, %mul3A_324 : i32
        %dma_start3A_326 = tpu.memref_slice %arg4[%add3A_325] : memref<640000xi32, #tpu.memory_space<hbm>> -> memref<80xi32, #tpu.memory_space<hbm>>
        %dma_start3A_327 = tpu.memref_slice %arg4[%add3A_325] : memref<640000xi32, #tpu.memory_space<hbm>> -> memref<80xi32, #tpu.memory_space<hbm>>
        tpu.enqueue_dma source(%dma_start3A_327 : memref<80xi32, #tpu.memory_space<hbm>>) target(%arg19 : memref<80xi32, #tpu.memory_space<vmem>>) target_semaphore(%arg44 : memref<!tpu.dma_semaphore, #tpu.memory_space<semaphore_mem>>)
      } else {
      }
      %mul3A_270 = arith.constant 8 : i32
      %mul3A_271 = arith.muli %add3A_134, %mul3A_270 : i32
      %add3A_272 = arith.constant 6 : i32
      %add3A_273 = arith.addi %mul3A_271, %add3A_272 : i32
      %lt3A_274 = arith.constant 250 : i32
      %lt3A_275 = arith.cmpi slt, %add3A_273, %lt3A_274 : i32
      %convert_element_type3A_276 = arith.extui %lt3A_275 : i1 to i32
      %cond3A_277 = arith.constant 0 : i32
      %cond3A_278 = arith.cmpi ne, %convert_element_type3A_276, %cond3A_277 : i32
      scf.if %cond3A_278 {
        %dma_wait3A_316 = arith.constant 0 : i32
        %dma_wait3A_317 = arith.constant 0 : i32
        %dma_wait3A_318 = tpu.memref_slice %arg2[%dma_wait3A_316, %dma_wait3A_317] : memref<10000x128xf32, #tpu.memory_space<hbm>> -> memref<80x128xf32, #tpu.memory_space<hbm>>
        %dma_wait3A_319 = arith.constant 0 : i32
        %dma_wait3A_320 = arith.constant 0 : i32
        %dma_wait3A_321 = tpu.memref_slice %arg2[%dma_wait3A_319, %dma_wait3A_320] : memref<10000x128xf32, #tpu.memory_space<hbm>> -> memref<80x128xf32, #tpu.memory_space<hbm>>
        tpu.wait_dma2 semaphore(%arg29 : memref<!tpu.dma_semaphore, #tpu.memory_space<semaphore_mem>>) src(%dma_wait3A_321 : memref<80x128xf32, #tpu.memory_space<hbm>>) dst(%arg24 : memref<80x128xf32, #tpu.memory_space<vmem>>)
        "tpu.region"() ({
          %run_scoped3A = tpu.sem_alloc : memref<!tpu.dma_semaphore, #tpu.memory_space<semaphore_mem>>
          %dma_start3A_322 = arith.constant 0 : i32
          %dma_start3A_323 = arith.constant 0 : i32
          %dma_start3A_324 = tpu.memref_slice %arg26[%dma_start3A_322, %dma_start3A_323] : memref<10000x128xf32, #tpu.memory_space<vmem_shared>> -> memref<10000x128xf32, #tpu.memory_space<vmem_shared>>
          tpu.enqueue_indirect_dma source(%arg24 : memref<80x128xf32, #tpu.memory_space<vmem>>) target(%dma_start3A_324 : memref<10000x128xf32, #tpu.memory_space<vmem_shared>>) offsets(%arg20 : memref<80xi32, #tpu.memory_space<vmem>>) semaphore(%run_scoped3A : memref<!tpu.dma_semaphore, #tpu.memory_space<semaphore_mem>>) {add = true}
          %dma_wait3A_325 = arith.constant 0 : i32
          %dma_wait3A_326 = arith.constant 0 : i32
          %dma_wait3A_327 = tpu.memref_slice %arg26[%dma_wait3A_325, %dma_wait3A_326] : memref<10000x128xf32, #tpu.memory_space<vmem_shared>> -> memref<10000x128xf32, #tpu.memory_space<vmem_shared>>
          tpu.wait_indirect_dma semaphore(%run_scoped3A : memref<!tpu.dma_semaphore, #tpu.memory_space<semaphore_mem>>) src(%arg24 : memref<80x128xf32, #tpu.memory_space<vmem>>) dst(%dma_wait3A_327 : memref<10000x128xf32, #tpu.memory_space<vmem_shared>>)
          tpu.yield
        }) : () -> ()
      } else {
      }
      %add3A_279 = arith.constant 4 : i32
      %add3A_280 = arith.addi %add3A_273, %add3A_279 : i32
      %lt3A_281 = arith.constant 250 : i32
      %lt3A_282 = arith.cmpi slt, %add3A_280, %lt3A_281 : i32
      %convert_element_type3A_283 = arith.extui %lt3A_282 : i1 to i32
      %cond3A_284 = arith.constant 0 : i32
      %cond3A_285 = arith.cmpi ne, %convert_element_type3A_283, %cond3A_284 : i32
      scf.if %cond3A_285 {
        %dma_wait3A_316 = arith.constant 0 : i32
        %dma_wait3A_317 = tpu.memref_slice %arg4[%dma_wait3A_316] : memref<640000xi32, #tpu.memory_space<hbm>> -> memref<80xi32, #tpu.memory_space<hbm>>
        %dma_wait3A_318 = arith.constant 0 : i32
        %dma_wait3A_319 = tpu.memref_slice %arg4[%dma_wait3A_318] : memref<640000xi32, #tpu.memory_space<hbm>> -> memref<80xi32, #tpu.memory_space<hbm>>
        tpu.wait_dma2 semaphore(%arg33 : memref<!tpu.dma_semaphore, #tpu.memory_space<semaphore_mem>>) src(%dma_wait3A_319 : memref<80xi32, #tpu.memory_space<hbm>>) dst(%arg8 : memref<80xi32, #tpu.memory_space<vmem>>)
        %dma_wait3A_320 = arith.constant 0 : i32
        %dma_wait3A_321 = tpu.memref_slice %arg4[%dma_wait3A_320] : memref<640000xi32, #tpu.memory_space<hbm>> -> memref<80xi32, #tpu.memory_space<hbm>>
        %dma_wait3A_322 = arith.constant 0 : i32
        %dma_wait3A_323 = tpu.memref_slice %arg4[%dma_wait3A_322] : memref<640000xi32, #tpu.memory_space<hbm>> -> memref<80xi32, #tpu.memory_space<hbm>>
        tpu.wait_dma2 semaphore(%arg41 : memref<!tpu.dma_semaphore, #tpu.memory_space<semaphore_mem>>) src(%dma_wait3A_323 : memref<80xi32, #tpu.memory_space<hbm>>) dst(%arg16 : memref<80xi32, #tpu.memory_space<vmem>>)
        %dma_start3A_324 = arith.constant 0 : i32
        %dma_start3A_325 = arith.constant 0 : i32
        %dma_start3A_326 = tpu.memref_slice %arg2[%dma_start3A_324, %dma_start3A_325] : memref<10000x128xf32, #tpu.memory_space<hbm>> -> memref<10000x128xf32, #tpu.memory_space<hbm>>
        tpu.enqueue_indirect_dma source(%dma_start3A_326 : memref<10000x128xf32, #tpu.memory_space<hbm>>) target(%arg24 : memref<80x128xf32, #tpu.memory_space<vmem>>) offsets(%arg8 : memref<80xi32, #tpu.memory_space<vmem>>) semaphore(%arg29 : memref<!tpu.dma_semaphore, #tpu.memory_space<semaphore_mem>>)
      } else {
      }
      %add3A_286 = arith.constant 8 : i32
      %add3A_287 = arith.addi %add3A_273, %add3A_286 : i32
      %lt3A_288 = arith.constant 250 : i32
      %lt3A_289 = arith.cmpi slt, %add3A_287, %lt3A_288 : i32
      %convert_element_type3A_290 = arith.extui %lt3A_289 : i1 to i32
      %cond3A_291 = arith.constant 0 : i32
      %cond3A_292 = arith.cmpi ne, %convert_element_type3A_290, %cond3A_291 : i32
      scf.if %cond3A_292 {
        %add3A_316 = arith.constant 8 : i32
        %add3A_317 = arith.addi %add3A_273, %add3A_316 : i32
        %mul3A_318 = arith.constant 80 : i32
        %mul3A_319 = arith.muli %add3A_317, %mul3A_318 : i32
        %add3A_320 = arith.addi %add3A, %mul3A_319 : i32
        %dma_start3A_321 = tpu.memref_slice %arg4[%add3A_320] : memref<640000xi32, #tpu.memory_space<hbm>> -> memref<80xi32, #tpu.memory_space<hbm>>
        %dma_start3A_322 = tpu.memref_slice %arg4[%add3A_320] : memref<640000xi32, #tpu.memory_space<hbm>> -> memref<80xi32, #tpu.memory_space<hbm>>
        tpu.enqueue_dma source(%dma_start3A_322 : memref<80xi32, #tpu.memory_space<hbm>>) target(%arg12 : memref<80xi32, #tpu.memory_space<vmem>>) target_semaphore(%arg37 : memref<!tpu.dma_semaphore, #tpu.memory_space<semaphore_mem>>)
        %mul3A_323 = arith.constant 80 : i32
        %mul3A_324 = arith.muli %add3A_317, %mul3A_323 : i32
        %add3A_325 = arith.addi %add3A_12, %mul3A_324 : i32
        %dma_start3A_326 = tpu.memref_slice %arg4[%add3A_325] : memref<640000xi32, #tpu.memory_space<hbm>> -> memref<80xi32, #tpu.memory_space<hbm>>
        %dma_start3A_327 = tpu.memref_slice %arg4[%add3A_325] : memref<640000xi32, #tpu.memory_space<hbm>> -> memref<80xi32, #tpu.memory_space<hbm>>
        tpu.enqueue_dma source(%dma_start3A_327 : memref<80xi32, #tpu.memory_space<hbm>>) target(%arg20 : memref<80xi32, #tpu.memory_space<vmem>>) target_semaphore(%arg45 : memref<!tpu.dma_semaphore, #tpu.memory_space<semaphore_mem>>)
      } else {
      }
      %mul3A_293 = arith.constant 8 : i32
      %mul3A_294 = arith.muli %add3A_134, %mul3A_293 : i32
      %add3A_295 = arith.constant 7 : i32
      %add3A_296 = arith.addi %mul3A_294, %add3A_295 : i32
      %lt3A_297 = arith.constant 250 : i32
      %lt3A_298 = arith.cmpi slt, %add3A_296, %lt3A_297 : i32
      %convert_element_type3A_299 = arith.extui %lt3A_298 : i1 to i32
      %cond3A_300 = arith.constant 0 : i32
      %cond3A_301 = arith.cmpi ne, %convert_element_type3A_299, %cond3A_300 : i32
      scf.if %cond3A_301 {
        %dma_wait3A_316 = arith.constant 0 : i32
        %dma_wait3A_317 = arith.constant 0 : i32
        %dma_wait3A_318 = tpu.memref_slice %arg2[%dma_wait3A_316, %dma_wait3A_317] : memref<10000x128xf32, #tpu.memory_space<hbm>> -> memref<80x128xf32, #tpu.memory_space<hbm>>
        %dma_wait3A_319 = arith.constant 0 : i32
        %dma_wait3A_320 = arith.constant 0 : i32
        %dma_wait3A_321 = tpu.memref_slice %arg2[%dma_wait3A_319, %dma_wait3A_320] : memref<10000x128xf32, #tpu.memory_space<hbm>> -> memref<80x128xf32, #tpu.memory_space<hbm>>
        tpu.wait_dma2 semaphore(%arg30 : memref<!tpu.dma_semaphore, #tpu.memory_space<semaphore_mem>>) src(%dma_wait3A_321 : memref<80x128xf32, #tpu.memory_space<hbm>>) dst(%arg25 : memref<80x128xf32, #tpu.memory_space<vmem>>)
        "tpu.region"() ({
          %run_scoped3A = tpu.sem_alloc : memref<!tpu.dma_semaphore, #tpu.memory_space<semaphore_mem>>
          %dma_start3A_322 = arith.constant 0 : i32
          %dma_start3A_323 = arith.constant 0 : i32
          %dma_start3A_324 = tpu.memref_slice %arg26[%dma_start3A_322, %dma_start3A_323] : memref<10000x128xf32, #tpu.memory_space<vmem_shared>> -> memref<10000x128xf32, #tpu.memory_space<vmem_shared>>
          tpu.enqueue_indirect_dma source(%arg25 : memref<80x128xf32, #tpu.memory_space<vmem>>) target(%dma_start3A_324 : memref<10000x128xf32, #tpu.memory_space<vmem_shared>>) offsets(%arg21 : memref<80xi32, #tpu.memory_space<vmem>>) semaphore(%run_scoped3A : memref<!tpu.dma_semaphore, #tpu.memory_space<semaphore_mem>>) {add = true}
          %dma_wait3A_325 = arith.constant 0 : i32
          %dma_wait3A_326 = arith.constant 0 : i32
          %dma_wait3A_327 = tpu.memref_slice %arg26[%dma_wait3A_325, %dma_wait3A_326] : memref<10000x128xf32, #tpu.memory_space<vmem_shared>> -> memref<10000x128xf32, #tpu.memory_space<vmem_shared>>
          tpu.wait_indirect_dma semaphore(%run_scoped3A : memref<!tpu.dma_semaphore, #tpu.memory_space<semaphore_mem>>) src(%arg25 : memref<80x128xf32, #tpu.memory_space<vmem>>) dst(%dma_wait3A_327 : memref<10000x128xf32, #tpu.memory_space<vmem_shared>>)
          tpu.yield
        }) : () -> ()
      } else {
      }
      %add3A_302 = arith.constant 4 : i32
      %add3A_303 = arith.addi %add3A_296, %add3A_302 : i32
      %lt3A_304 = arith.constant 250 : i32
      %lt3A_305 = arith.cmpi slt, %add3A_303, %lt3A_304 : i32
      %convert_element_type3A_306 = arith.extui %lt3A_305 : i1 to i32
      %cond3A_307 = arith.constant 0 : i32
      %cond3A_308 = arith.cmpi ne, %convert_element_type3A_306, %cond3A_307 : i32
      scf.if %cond3A_308 {
        %dma_wait3A_316 = arith.constant 0 : i32
        %dma_wait3A_317 = tpu.memref_slice %arg4[%dma_wait3A_316] : memref<640000xi32, #tpu.memory_space<hbm>> -> memref<80xi32, #tpu.memory_space<hbm>>
        %dma_wait3A_318 = arith.constant 0 : i32
        %dma_wait3A_319 = tpu.memref_slice %arg4[%dma_wait3A_318] : memref<640000xi32, #tpu.memory_space<hbm>> -> memref<80xi32, #tpu.memory_space<hbm>>
        tpu.wait_dma2 semaphore(%arg34 : memref<!tpu.dma_semaphore, #tpu.memory_space<semaphore_mem>>) src(%dma_wait3A_319 : memref<80xi32, #tpu.memory_space<hbm>>) dst(%arg9 : memref<80xi32, #tpu.memory_space<vmem>>)
        %dma_wait3A_320 = arith.constant 0 : i32
        %dma_wait3A_321 = tpu.memref_slice %arg4[%dma_wait3A_320] : memref<640000xi32, #tpu.memory_space<hbm>> -> memref<80xi32, #tpu.memory_space<hbm>>
        %dma_wait3A_322 = arith.constant 0 : i32
        %dma_wait3A_323 = tpu.memref_slice %arg4[%dma_wait3A_322] : memref<640000xi32, #tpu.memory_space<hbm>> -> memref<80xi32, #tpu.memory_space<hbm>>
        tpu.wait_dma2 semaphore(%arg42 : memref<!tpu.dma_semaphore, #tpu.memory_space<semaphore_mem>>) src(%dma_wait3A_323 : memref<80xi32, #tpu.memory_space<hbm>>) dst(%arg17 : memref<80xi32, #tpu.memory_space<vmem>>)
        %dma_start3A_324 = arith.constant 0 : i32
        %dma_start3A_325 = arith.constant 0 : i32
        %dma_start3A_326 = tpu.memref_slice %arg2[%dma_start3A_324, %dma_start3A_325] : memref<10000x128xf32, #tpu.memory_space<hbm>> -> memref<10000x128xf32, #tpu.memory_space<hbm>>
        tpu.enqueue_indirect_dma source(%dma_start3A_326 : memref<10000x128xf32, #tpu.memory_space<hbm>>) target(%arg25 : memref<80x128xf32, #tpu.memory_space<vmem>>) offsets(%arg9 : memref<80xi32, #tpu.memory_space<vmem>>) semaphore(%arg30 : memref<!tpu.dma_semaphore, #tpu.memory_space<semaphore_mem>>)
      } else {
      }
      %add3A_309 = arith.constant 8 : i32
      %add3A_310 = arith.addi %add3A_296, %add3A_309 : i32
      %lt3A_311 = arith.constant 250 : i32
      %lt3A_312 = arith.cmpi slt, %add3A_310, %lt3A_311 : i32
      %convert_element_type3A_313 = arith.extui %lt3A_312 : i1 to i32
      %cond3A_314 = arith.constant 0 : i32
      %cond3A_315 = arith.cmpi ne, %convert_element_type3A_313, %cond3A_314 : i32
      scf.if %cond3A_315 {
        %add3A_316 = arith.constant 8 : i32
        %add3A_317 = arith.addi %add3A_296, %add3A_316 : i32
        %mul3A_318 = arith.constant 80 : i32
        %mul3A_319 = arith.muli %add3A_317, %mul3A_318 : i32
        %add3A_320 = arith.addi %add3A, %mul3A_319 : i32
        %dma_start3A_321 = tpu.memref_slice %arg4[%add3A_320] : memref<640000xi32, #tpu.memory_space<hbm>> -> memref<80xi32, #tpu.memory_space<hbm>>
        %dma_start3A_322 = tpu.memref_slice %arg4[%add3A_320] : memref<640000xi32, #tpu.memory_space<hbm>> -> memref<80xi32, #tpu.memory_space<hbm>>
        tpu.enqueue_dma source(%dma_start3A_322 : memref<80xi32, #tpu.memory_space<hbm>>) target(%arg13 : memref<80xi32, #tpu.memory_space<vmem>>) target_semaphore(%arg38 : memref<!tpu.dma_semaphore, #tpu.memory_space<semaphore_mem>>)
        %mul3A_323 = arith.constant 80 : i32
        %mul3A_324 = arith.muli %add3A_317, %mul3A_323 : i32
        %add3A_325 = arith.addi %add3A_12, %mul3A_324 : i32
        %dma_start3A_326 = tpu.memref_slice %arg4[%add3A_325] : memref<640000xi32, #tpu.memory_space<hbm>> -> memref<80xi32, #tpu.memory_space<hbm>>
        %dma_start3A_327 = tpu.memref_slice %arg4[%add3A_325] : memref<640000xi32, #tpu.memory_space<hbm>> -> memref<80xi32, #tpu.memory_space<hbm>>
        tpu.enqueue_dma source(%dma_start3A_327 : memref<80xi32, #tpu.memory_space<hbm>>) target(%arg21 : memref<80xi32, #tpu.memory_space<vmem>>) target_semaphore(%arg46 : memref<!tpu.dma_semaphore, #tpu.memory_space<semaphore_mem>>)
      } else {
      }
    }
    %scan3A_123 = arith.constant 32 : i32
    %barrier3A_124 = arith.constant 0 : index
    tpu.barrier barrier_id(%barrier3A_124)
    %scan3A_125 = arith.constant 0 : i32
    %scan3A_126 = arith.constant 8 : i32
    %scan3A_127 = arith.addi %scan3A_125, %scan3A_126 : i32
    %scan3A_128 = arith.constant 1 : i32
    scf.for %scan3A_130 = %scan3A_125 to %scan3A_127 step %scan3A_128  : i32 {
      %mul3A_131 = arith.constant 1 : i32
      %mul3A_132 = arith.muli %scan3A_130, %mul3A_131 : i32
      %add3A_133 = arith.constant 0 : i32
      %add3A_134 = arith.addi %add3A_133, %mul3A_132 : i32
      %mul3A_135 = arith.constant 16 : i32
      %mul3A_136 = arith.muli %add3A_134, %mul3A_135 : i32
      %add3A_137 = arith.addi %arg1, %mul3A_136 : i32
      %lt3A = arith.constant 125 : i32
      %lt3A_138 = arith.cmpi slt, %add3A_137, %lt3A : i32
      %convert_element_type3A = arith.extui %lt3A_138 : i1 to i32
      %cond3A = arith.constant 0 : i32
      %cond3A_139 = arith.cmpi ne, %convert_element_type3A, %cond3A : i32
      scf.if %cond3A_139 {
        %mul3A_140 = arith.constant 80 : i32
        %mul3A_141 = arith.muli %add3A_137, %mul3A_140 : i32
        "tpu.region"() ({
          %run_scoped3A = tpu.sem_alloc : memref<!tpu.dma_semaphore, #tpu.memory_space<semaphore_mem>>
          %dma_start3A_145 = arith.constant 0 : i32
          %dma_start3A_146 = tpu.memref_slice %arg26[%mul3A_141, %dma_start3A_145] : memref<10000x128xf32, #tpu.memory_space<vmem_shared>> -> memref<80x128xf32, #tpu.memory_space<vmem_shared>>
          %dma_start3A_147 = arith.constant 0 : i32
          %dma_start3A_148 = tpu.memref_slice %arg26[%mul3A_141, %dma_start3A_147] : memref<10000x128xf32, #tpu.memory_space<vmem_shared>> -> memref<80x128xf32, #tpu.memory_space<vmem_shared>>
          tpu.enqueue_dma source(%dma_start3A_148 : memref<80x128xf32, #tpu.memory_space<vmem_shared>>) target(%arg23 : memref<80x128xf32, #tpu.memory_space<vmem>>) target_semaphore(%run_scoped3A : memref<!tpu.dma_semaphore, #tpu.memory_space<semaphore_mem>>)
          %dma_wait3A_149 = arith.constant 0 : i32
          %dma_wait3A_150 = tpu.memref_slice %arg26[%mul3A_141, %dma_wait3A_149] : memref<10000x128xf32, #tpu.memory_space<vmem_shared>> -> memref<80x128xf32, #tpu.memory_space<vmem_shared>>
          %dma_wait3A_151 = arith.constant 0 : i32
          %dma_wait3A_152 = tpu.memref_slice %arg26[%mul3A_141, %dma_wait3A_151] : memref<10000x128xf32, #tpu.memory_space<vmem_shared>> -> memref<80x128xf32, #tpu.memory_space<vmem_shared>>
          tpu.wait_dma2 semaphore(%run_scoped3A : memref<!tpu.dma_semaphore, #tpu.memory_space<semaphore_mem>>) src(%dma_wait3A_152 : memref<80x128xf32, #tpu.memory_space<vmem_shared>>) dst(%arg23 : memref<80x128xf32, #tpu.memory_space<vmem>>)
          tpu.yield
        }) : () -> ()
        %mul3A_142 = arith.constant 10000 : i32
        %mul3A_143 = arith.muli %arg0, %mul3A_142 : i32
        %add3A_144 = arith.addi %mul3A_143, %mul3A_141 : i32
        "tpu.region"() ({
          %run_scoped3A = tpu.sem_alloc : memref<!tpu.dma_semaphore, #tpu.memory_space<semaphore_mem>>
          %dma_start3A_145 = arith.constant 0 : i32
          %dma_start3A_146 = tpu.memref_slice %arg5[%add3A_144, %dma_start3A_145] : memref<20000x128xf32, #tpu.memory_space<hbm>> -> memref<80x128xf32, #tpu.memory_space<hbm>>
          %dma_start3A_147 = arith.constant 0 : i32
          %dma_start3A_148 = tpu.memref_slice %arg5[%add3A_144, %dma_start3A_147] : memref<20000x128xf32, #tpu.memory_space<hbm>> -> memref<80x128xf32, #tpu.memory_space<hbm>>
          tpu.enqueue_dma source(%arg23 : memref<80x128xf32, #tpu.memory_space<vmem>>) target(%dma_start3A_148 : memref<80x128xf32, #tpu.memory_space<hbm>>) target_semaphore(%run_scoped3A : memref<!tpu.dma_semaphore, #tpu.memory_space<semaphore_mem>>)
          %dma_wait3A_149 = arith.constant 0 : i32
          %dma_wait3A_150 = tpu.memref_slice %arg5[%add3A_144, %dma_wait3A_149] : memref<20000x128xf32, #tpu.memory_space<hbm>> -> memref<80x128xf32, #tpu.memory_space<hbm>>
          %dma_wait3A_151 = arith.constant 0 : i32
          %dma_wait3A_152 = tpu.memref_slice %arg5[%add3A_144, %dma_wait3A_151] : memref<20000x128xf32, #tpu.memory_space<hbm>> -> memref<80x128xf32, #tpu.memory_space<hbm>>
          tpu.wait_dma2 semaphore(%run_scoped3A : memref<!tpu.dma_semaphore, #tpu.memory_space<semaphore_mem>>) src(%arg23 : memref<80x128xf32, #tpu.memory_space<vmem>>) dst(%dma_wait3A_152 : memref<80x128xf32, #tpu.memory_space<hbm>>)
          tpu.yield
        }) : () -> ()
      } else {
      }
    }
    %scan3A_129 = arith.constant 8 : i32
    return
  }
}

#map = affine_map<(d0, d1) -> (0, 0)>
#map1 = affine_map<(d0, d1) -> (0)>
module attributes {stable_mosaic.version = 14 : i64} {
  func.func @agg_kernel(%arg0: i32, %arg1: i32, %arg2: memref<10000x128xf32, #tpu.memory_space<hbm>>, %arg3: memref<80x128xf32, #tpu.memory_space<hbm>>, %arg4: memref<640000xi32, #tpu.memory_space<hbm>>, %arg5: memref<20000x128xf32, #tpu.memory_space<hbm>>, %arg6: memref<160x128xf32, #tpu.memory_space<hbm>>, %arg7: memref<80xi32, #tpu.memory_space<vmem>>, %arg8: memref<80xi32, #tpu.memory_space<vmem>>, %arg9: memref<80xi32, #tpu.memory_space<vmem>>, %arg10: memref<80xi32, #tpu.memory_space<vmem>>, %arg11: memref<80xi32, #tpu.memory_space<vmem>>, %arg12: memref<80xi32, #tpu.memory_space<vmem>>, %arg13: memref<80xi32, #tpu.memory_space<vmem>>, %arg14: memref<80xi32, #tpu.memory_space<vmem>>, %arg15: memref<80xi32, #tpu.memory_space<vmem>>, %arg16: memref<80xi32, #tpu.memory_space<vmem>>, %arg17: memref<80xi32, #tpu.memory_space<vmem>>, %arg18: memref<80xi32, #tpu.memory_space<vmem>>, %arg19: memref<80x128xf32, #tpu.memory_space<vmem>>, %arg20: memref<80x128xf32, #tpu.memory_space<vmem>>, %arg21: memref<80x128xf32, #tpu.memory_space<vmem>>, %arg22: memref<10000x128xf32, #tpu.memory_space<vmem_shared>>, %arg23: memref<!tpu.dma_semaphore, #tpu.memory_space<semaphore_mem>>, %arg24: memref<!tpu.dma_semaphore, #tpu.memory_space<semaphore_mem>>, %arg25: memref<!tpu.dma_semaphore, #tpu.memory_space<semaphore_mem>>, %arg26: memref<!tpu.dma_semaphore, #tpu.memory_space<semaphore_mem>>, %arg27: memref<!tpu.dma_semaphore, #tpu.memory_space<semaphore_mem>>, %arg28: memref<!tpu.dma_semaphore, #tpu.memory_space<semaphore_mem>>, %arg29: memref<!tpu.dma_semaphore, #tpu.memory_space<semaphore_mem>>, %arg30: memref<!tpu.dma_semaphore, #tpu.memory_space<semaphore_mem>>, %arg31: memref<!tpu.dma_semaphore, #tpu.memory_space<semaphore_mem>>, %arg32: memref<!tpu.dma_semaphore, #tpu.memory_space<semaphore_mem>>, %arg33: memref<!tpu.dma_semaphore, #tpu.memory_space<semaphore_mem>>, %arg34: memref<!tpu.dma_semaphore, #tpu.memory_space<semaphore_mem>>, %arg35: memref<!tpu.dma_semaphore, #tpu.memory_space<semaphore_mem>>, %arg36: memref<!tpu.dma_semaphore, #tpu.memory_space<semaphore_mem>>, %arg37: memref<!tpu.dma_semaphore, #tpu.memory_space<semaphore_mem>>, %arg38: memref<80x128xf32, #tpu.memory_space<vmem>>, %arg39: memref<80xi32, #tpu.memory_space<vmem>>, %arg40: memref<80x128xf32, #tpu.memory_space<vmem_shared>>) attributes {dimension_semantics = [#tpu.dimension_semantics<core_parallel>, #tpu.dimension_semantics<subcore_parallel>], iteration_bounds = array<i64: 2, 16>, scalar_prefetch = 0 : i64, scratch_operands = 34 : i64, tpu.core_type = #tpu.core_type<sc_vector_subcore>, window_params = [{transform_indices = #map}, {transform_indices = #map}, {transform_indices = #map1}, {transform_indices = #map}, {transform_indices = #map}]} {
    "tpu.region"() ({
      %run_scoped3A = tpu.sem_alloc : memref<!tpu.dma_semaphore, #tpu.memory_space<semaphore_mem>>
      tpu.enqueue_dma source(%arg3 : memref<80x128xf32, #tpu.memory_space<hbm>>) target(%arg20 : memref<80x128xf32, #tpu.memory_space<vmem>>) target_semaphore(%run_scoped3A : memref<!tpu.dma_semaphore, #tpu.memory_space<semaphore_mem>>)
      tpu.wait_dma2 semaphore(%run_scoped3A : memref<!tpu.dma_semaphore, #tpu.memory_space<semaphore_mem>>) src(%arg3 : memref<80x128xf32, #tpu.memory_space<hbm>>) dst(%arg20 : memref<80x128xf32, #tpu.memory_space<vmem>>)
      tpu.yield
    }) : () -> ()
    %scan3A = arith.constant 0 : i32
    %scan3A_0 = arith.constant 8 : i32
    %scan3A_1 = arith.addi %scan3A, %scan3A_0 : i32
    %scan3A_2 = arith.constant 1 : i32
    scf.for %scan3A_116 = %scan3A to %scan3A_1 step %scan3A_2  : i32 {
      %mul3A_117 = arith.constant 1 : i32
      %mul3A_118 = arith.muli %scan3A_116, %mul3A_117 : i32
      %add3A_119 = arith.constant 0 : i32
      %add3A_120 = arith.addi %add3A_119, %mul3A_118 : i32
      %mul3A_121 = arith.constant 16 : i32
      %mul3A_122 = arith.muli %add3A_120, %mul3A_121 : i32
      %add3A_123 = arith.addi %arg1, %mul3A_122 : i32
      %lt3A = arith.constant 125 : i32
      %lt3A_124 = arith.cmpi slt, %add3A_123, %lt3A : i32
      %convert_element_type3A_125 = arith.extui %lt3A_124 : i1 to i32
      %cond3A_126 = arith.constant 0 : i32
      %cond3A_127 = arith.cmpi ne, %convert_element_type3A_125, %cond3A_126 : i32
      scf.if %cond3A_127 {
        %mul3A_128 = arith.constant 80 : i32
        %mul3A_129 = arith.muli %add3A_123, %mul3A_128 : i32
        "tpu.region"() ({
          %run_scoped3A = tpu.sem_alloc : memref<!tpu.dma_semaphore, #tpu.memory_space<semaphore_mem>>
          %dma_start3A_130 = arith.constant 0 : i32
          %dma_start3A_131 = tpu.memref_slice %arg22[%mul3A_129, %dma_start3A_130] : memref<10000x128xf32, #tpu.memory_space<vmem_shared>> -> memref<80x128xf32, #tpu.memory_space<vmem_shared>>
          %dma_start3A_132 = arith.constant 0 : i32
          %dma_start3A_133 = tpu.memref_slice %arg22[%mul3A_129, %dma_start3A_132] : memref<10000x128xf32, #tpu.memory_space<vmem_shared>> -> memref<80x128xf32, #tpu.memory_space<vmem_shared>>
          tpu.enqueue_dma source(%arg20 : memref<80x128xf32, #tpu.memory_space<vmem>>) target(%dma_start3A_133 : memref<80x128xf32, #tpu.memory_space<vmem_shared>>) target_semaphore(%run_scoped3A : memref<!tpu.dma_semaphore, #tpu.memory_space<semaphore_mem>>)
          %dma_wait3A_134 = arith.constant 0 : i32
          %dma_wait3A_135 = tpu.memref_slice %arg22[%mul3A_129, %dma_wait3A_134] : memref<10000x128xf32, #tpu.memory_space<vmem_shared>> -> memref<80x128xf32, #tpu.memory_space<vmem_shared>>
          %dma_wait3A_136 = arith.constant 0 : i32
          %dma_wait3A_137 = tpu.memref_slice %arg22[%mul3A_129, %dma_wait3A_136] : memref<10000x128xf32, #tpu.memory_space<vmem_shared>> -> memref<80x128xf32, #tpu.memory_space<vmem_shared>>
          tpu.wait_dma2 semaphore(%run_scoped3A : memref<!tpu.dma_semaphore, #tpu.memory_space<semaphore_mem>>) src(%arg20 : memref<80x128xf32, #tpu.memory_space<vmem>>) dst(%dma_wait3A_137 : memref<80x128xf32, #tpu.memory_space<vmem_shared>>)
          tpu.yield
        }) : () -> ()
      } else {
      }
    }
    %scan3A_3 = arith.constant 8 : i32
    %eq3A = arith.constant 0 : i32
    %eq3A_4 = arith.cmpi eq, %arg1, %eq3A : i32
    %convert_element_type3A = arith.extui %eq3A_4 : i1 to i32
    %cond3A = arith.constant 0 : i32
    %cond3A_5 = arith.cmpi ne, %convert_element_type3A, %cond3A : i32
    scf.if %cond3A_5 {
      "tpu.region"() ({
        %run_scoped3A = tpu.sem_alloc : memref<!tpu.dma_semaphore, #tpu.memory_space<semaphore_mem>>
        tpu.enqueue_dma source(%arg20 : memref<80x128xf32, #tpu.memory_space<vmem>>) target(%arg40 : memref<80x128xf32, #tpu.memory_space<vmem_shared>>) target_semaphore(%run_scoped3A : memref<!tpu.dma_semaphore, #tpu.memory_space<semaphore_mem>>)
        tpu.wait_dma2 semaphore(%run_scoped3A : memref<!tpu.dma_semaphore, #tpu.memory_space<semaphore_mem>>) src(%arg20 : memref<80x128xf32, #tpu.memory_space<vmem>>) dst(%arg40 : memref<80x128xf32, #tpu.memory_space<vmem_shared>>)
        tpu.yield
      }) : () -> ()
    } else {
    }
    "tpu.region"() ({
      %run_scoped3A = tpu.sem_alloc : memref<!tpu.dma_semaphore, #tpu.memory_space<semaphore_mem>>
      tpu.enqueue_dma source(%arg3 : memref<80x128xf32, #tpu.memory_space<hbm>>) target(%arg38 : memref<80x128xf32, #tpu.memory_space<vmem>>) target_semaphore(%run_scoped3A : memref<!tpu.dma_semaphore, #tpu.memory_space<semaphore_mem>>)
      tpu.wait_dma2 semaphore(%run_scoped3A : memref<!tpu.dma_semaphore, #tpu.memory_space<semaphore_mem>>) src(%arg3 : memref<80x128xf32, #tpu.memory_space<hbm>>) dst(%arg38 : memref<80x128xf32, #tpu.memory_space<vmem>>)
      tpu.yield
    }) : () -> ()
    %scan3A_6 = arith.constant 0 : i32
    %scan3A_7 = arith.constant 5 : i32
    %scan3A_8 = arith.addi %scan3A_6, %scan3A_7 : i32
    %scan3A_9 = arith.constant 1 : i32
    scf.for %scan3A_116 = %scan3A_6 to %scan3A_8 step %scan3A_9  : i32 {
      %mul3A_117 = arith.constant 1 : i32
      %mul3A_118 = arith.muli %scan3A_116, %mul3A_117 : i32
      %add3A_119 = arith.constant 0 : i32
      %add3A_120 = arith.addi %add3A_119, %mul3A_118 : i32
      %iota3A = tpu.iota {dimensions = array<i32: 0>} : vector<16xi32>
      %broadcast_in_dim3A = arith.constant 1 : i32
      %broadcast_in_dim3A_121 = vector.broadcast %broadcast_in_dim3A : i32 to vector<16xi32>
      %mul3A_122 = vector.broadcast %add3A_120 : i32 to vector<16xi32>
      %mul3A_123 = arith.muli %broadcast_in_dim3A_121, %mul3A_122 : vector<16xi32>
      %mul3A_124 = arith.constant 16 : i32
      %mul3A_125 = vector.broadcast %mul3A_124 : i32 to vector<16xi32>
      %mul3A_126 = arith.muli %mul3A_123, %mul3A_125 : vector<16xi32>
      %add3A_127 = arith.addi %iota3A, %mul3A_126 : vector<16xi32>
      %mul3A_128 = arith.constant 16 : i32
      %mul3A_129 = arith.muli %add3A_120, %mul3A_128 : i32
      %swap3A = arith.index_cast %mul3A_129 : i32 to index
      %swap3A_130 = tpu.vector_load %arg39[%swap3A] {strides = array<i32>} : memref<80xi32, #tpu.memory_space<vmem>>, vector<16xi32>,
      tpu.vector_store %arg39[%swap3A], %add3A_127 {strides = array<i32>} : memref<80xi32, #tpu.memory_space<vmem>>, vector<16xi32>,
    }
    %scan3A_10 = arith.constant 5 : i32
    %barrier3A = arith.constant 0 : index
    tpu.barrier barrier_id(%barrier3A)
    %mul3A = arith.constant 320000 : i32
    %mul3A_11 = arith.muli %arg0, %mul3A : i32
    %mul3A_12 = arith.constant 20000 : i32
    %mul3A_13 = arith.muli %arg1, %mul3A_12 : i32
    %add3A = arith.addi %mul3A_11, %mul3A_13 : i32
    %sub3A = arith.constant 1 : i32
    %sub3A_14 = arith.subi %sub3A, %arg0 : i32
    %mul3A_15 = arith.constant 320000 : i32
    %mul3A_16 = arith.muli %sub3A_14, %mul3A_15 : i32
    %mul3A_17 = arith.constant 20000 : i32
    %mul3A_18 = arith.muli %arg1, %mul3A_17 : i32
    %add3A_19 = arith.addi %mul3A_16, %mul3A_18 : i32
    %add3A_20 = arith.constant 0 : i32
    %add3A_21 = arith.addi %add3A, %add3A_20 : i32
    %dma_start3A = tpu.memref_slice %arg4[%add3A_21] : memref<640000xi32, #tpu.memory_space<hbm>> -> memref<80xi32, #tpu.memory_space<hbm>>
    %dma_start3A_22 = tpu.memref_slice %arg4[%add3A_21] : memref<640000xi32, #tpu.memory_space<hbm>> -> memref<80xi32, #tpu.memory_space<hbm>>
    tpu.enqueue_dma source(%dma_start3A_22 : memref<80xi32, #tpu.memory_space<hbm>>) target(%arg7 : memref<80xi32, #tpu.memory_space<vmem>>) target_semaphore(%arg26 : memref<!tpu.dma_semaphore, #tpu.memory_space<semaphore_mem>>)
    %add3A_23 = arith.constant 0 : i32
    %add3A_24 = arith.addi %add3A_19, %add3A_23 : i32
    %dma_start3A_25 = tpu.memref_slice %arg4[%add3A_24] : memref<640000xi32, #tpu.memory_space<hbm>> -> memref<80xi32, #tpu.memory_space<hbm>>
    %dma_start3A_26 = tpu.memref_slice %arg4[%add3A_24] : memref<640000xi32, #tpu.memory_space<hbm>> -> memref<80xi32, #tpu.memory_space<hbm>>
    tpu.enqueue_dma source(%dma_start3A_26 : memref<80xi32, #tpu.memory_space<hbm>>) target(%arg13 : memref<80xi32, #tpu.memory_space<vmem>>) target_semaphore(%arg32 : memref<!tpu.dma_semaphore, #tpu.memory_space<semaphore_mem>>)
    %add3A_27 = arith.constant 80 : i32
    %add3A_28 = arith.addi %add3A, %add3A_27 : i32
    %dma_start3A_29 = tpu.memref_slice %arg4[%add3A_28] : memref<640000xi32, #tpu.memory_space<hbm>> -> memref<80xi32, #tpu.memory_space<hbm>>
    %dma_start3A_30 = tpu.memref_slice %arg4[%add3A_28] : memref<640000xi32, #tpu.memory_space<hbm>> -> memref<80xi32, #tpu.memory_space<hbm>>
    tpu.enqueue_dma source(%dma_start3A_30 : memref<80xi32, #tpu.memory_space<hbm>>) target(%arg8 : memref<80xi32, #tpu.memory_space<vmem>>) target_semaphore(%arg27 : memref<!tpu.dma_semaphore, #tpu.memory_space<semaphore_mem>>)
    %add3A_31 = arith.constant 80 : i32
    %add3A_32 = arith.addi %add3A_19, %add3A_31 : i32
    %dma_start3A_33 = tpu.memref_slice %arg4[%add3A_32] : memref<640000xi32, #tpu.memory_space<hbm>> -> memref<80xi32, #tpu.memory_space<hbm>>
    %dma_start3A_34 = tpu.memref_slice %arg4[%add3A_32] : memref<640000xi32, #tpu.memory_space<hbm>> -> memref<80xi32, #tpu.memory_space<hbm>>
    tpu.enqueue_dma source(%dma_start3A_34 : memref<80xi32, #tpu.memory_space<hbm>>) target(%arg14 : memref<80xi32, #tpu.memory_space<vmem>>) target_semaphore(%arg33 : memref<!tpu.dma_semaphore, #tpu.memory_space<semaphore_mem>>)
    %add3A_35 = arith.constant 160 : i32
    %add3A_36 = arith.addi %add3A, %add3A_35 : i32
    %dma_start3A_37 = tpu.memref_slice %arg4[%add3A_36] : memref<640000xi32, #tpu.memory_space<hbm>> -> memref<80xi32, #tpu.memory_space<hbm>>
    %dma_start3A_38 = tpu.memref_slice %arg4[%add3A_36] : memref<640000xi32, #tpu.memory_space<hbm>> -> memref<80xi32, #tpu.memory_space<hbm>>
    tpu.enqueue_dma source(%dma_start3A_38 : memref<80xi32, #tpu.memory_space<hbm>>) target(%arg9 : memref<80xi32, #tpu.memory_space<vmem>>) target_semaphore(%arg28 : memref<!tpu.dma_semaphore, #tpu.memory_space<semaphore_mem>>)
    %add3A_39 = arith.constant 160 : i32
    %add3A_40 = arith.addi %add3A_19, %add3A_39 : i32
    %dma_start3A_41 = tpu.memref_slice %arg4[%add3A_40] : memref<640000xi32, #tpu.memory_space<hbm>> -> memref<80xi32, #tpu.memory_space<hbm>>
    %dma_start3A_42 = tpu.memref_slice %arg4[%add3A_40] : memref<640000xi32, #tpu.memory_space<hbm>> -> memref<80xi32, #tpu.memory_space<hbm>>
    tpu.enqueue_dma source(%dma_start3A_42 : memref<80xi32, #tpu.memory_space<hbm>>) target(%arg15 : memref<80xi32, #tpu.memory_space<vmem>>) target_semaphore(%arg34 : memref<!tpu.dma_semaphore, #tpu.memory_space<semaphore_mem>>)
    %add3A_43 = arith.constant 240 : i32
    %add3A_44 = arith.addi %add3A, %add3A_43 : i32
    %dma_start3A_45 = tpu.memref_slice %arg4[%add3A_44] : memref<640000xi32, #tpu.memory_space<hbm>> -> memref<80xi32, #tpu.memory_space<hbm>>
    %dma_start3A_46 = tpu.memref_slice %arg4[%add3A_44] : memref<640000xi32, #tpu.memory_space<hbm>> -> memref<80xi32, #tpu.memory_space<hbm>>
    tpu.enqueue_dma source(%dma_start3A_46 : memref<80xi32, #tpu.memory_space<hbm>>) target(%arg10 : memref<80xi32, #tpu.memory_space<vmem>>) target_semaphore(%arg29 : memref<!tpu.dma_semaphore, #tpu.memory_space<semaphore_mem>>)
    %add3A_47 = arith.constant 240 : i32
    %add3A_48 = arith.addi %add3A_19, %add3A_47 : i32
    %dma_start3A_49 = tpu.memref_slice %arg4[%add3A_48] : memref<640000xi32, #tpu.memory_space<hbm>> -> memref<80xi32, #tpu.memory_space<hbm>>
    %dma_start3A_50 = tpu.memref_slice %arg4[%add3A_48] : memref<640000xi32, #tpu.memory_space<hbm>> -> memref<80xi32, #tpu.memory_space<hbm>>
    tpu.enqueue_dma source(%dma_start3A_50 : memref<80xi32, #tpu.memory_space<hbm>>) target(%arg16 : memref<80xi32, #tpu.memory_space<vmem>>) target_semaphore(%arg35 : memref<!tpu.dma_semaphore, #tpu.memory_space<semaphore_mem>>)
    %add3A_51 = arith.constant 320 : i32
    %add3A_52 = arith.addi %add3A, %add3A_51 : i32
    %dma_start3A_53 = tpu.memref_slice %arg4[%add3A_52] : memref<640000xi32, #tpu.memory_space<hbm>> -> memref<80xi32, #tpu.memory_space<hbm>>
    %dma_start3A_54 = tpu.memref_slice %arg4[%add3A_52] : memref<640000xi32, #tpu.memory_space<hbm>> -> memref<80xi32, #tpu.memory_space<hbm>>
    tpu.enqueue_dma source(%dma_start3A_54 : memref<80xi32, #tpu.memory_space<hbm>>) target(%arg11 : memref<80xi32, #tpu.memory_space<vmem>>) target_semaphore(%arg30 : memref<!tpu.dma_semaphore, #tpu.memory_space<semaphore_mem>>)
    %add3A_55 = arith.constant 320 : i32
    %add3A_56 = arith.addi %add3A_19, %add3A_55 : i32
    %dma_start3A_57 = tpu.memref_slice %arg4[%add3A_56] : memref<640000xi32, #tpu.memory_space<hbm>> -> memref<80xi32, #tpu.memory_space<hbm>>
    %dma_start3A_58 = tpu.memref_slice %arg4[%add3A_56] : memref<640000xi32, #tpu.memory_space<hbm>> -> memref<80xi32, #tpu.memory_space<hbm>>
    tpu.enqueue_dma source(%dma_start3A_58 : memref<80xi32, #tpu.memory_space<hbm>>) target(%arg17 : memref<80xi32, #tpu.memory_space<vmem>>) target_semaphore(%arg36 : memref<!tpu.dma_semaphore, #tpu.memory_space<semaphore_mem>>)
    %add3A_59 = arith.constant 400 : i32
    %add3A_60 = arith.addi %add3A, %add3A_59 : i32
    %dma_start3A_61 = tpu.memref_slice %arg4[%add3A_60] : memref<640000xi32, #tpu.memory_space<hbm>> -> memref<80xi32, #tpu.memory_space<hbm>>
    %dma_start3A_62 = tpu.memref_slice %arg4[%add3A_60] : memref<640000xi32, #tpu.memory_space<hbm>> -> memref<80xi32, #tpu.memory_space<hbm>>
    tpu.enqueue_dma source(%dma_start3A_62 : memref<80xi32, #tpu.memory_space<hbm>>) target(%arg12 : memref<80xi32, #tpu.memory_space<vmem>>) target_semaphore(%arg31 : memref<!tpu.dma_semaphore, #tpu.memory_space<semaphore_mem>>)
    %add3A_63 = arith.constant 400 : i32
    %add3A_64 = arith.addi %add3A_19, %add3A_63 : i32
    %dma_start3A_65 = tpu.memref_slice %arg4[%add3A_64] : memref<640000xi32, #tpu.memory_space<hbm>> -> memref<80xi32, #tpu.memory_space<hbm>>
    %dma_start3A_66 = tpu.memref_slice %arg4[%add3A_64] : memref<640000xi32, #tpu.memory_space<hbm>> -> memref<80xi32, #tpu.memory_space<hbm>>
    tpu.enqueue_dma source(%dma_start3A_66 : memref<80xi32, #tpu.memory_space<hbm>>) target(%arg18 : memref<80xi32, #tpu.memory_space<vmem>>) target_semaphore(%arg37 : memref<!tpu.dma_semaphore, #tpu.memory_space<semaphore_mem>>)
    %dma_wait3A = arith.constant 0 : i32
    %dma_wait3A_67 = tpu.memref_slice %arg4[%dma_wait3A] : memref<640000xi32, #tpu.memory_space<hbm>> -> memref<80xi32, #tpu.memory_space<hbm>>
    %dma_wait3A_68 = arith.constant 0 : i32
    %dma_wait3A_69 = tpu.memref_slice %arg4[%dma_wait3A_68] : memref<640000xi32, #tpu.memory_space<hbm>> -> memref<80xi32, #tpu.memory_space<hbm>>
    tpu.wait_dma2 semaphore(%arg26 : memref<!tpu.dma_semaphore, #tpu.memory_space<semaphore_mem>>) src(%dma_wait3A_69 : memref<80xi32, #tpu.memory_space<hbm>>) dst(%arg7 : memref<80xi32, #tpu.memory_space<vmem>>)
    %dma_wait3A_70 = arith.constant 0 : i32
    %dma_wait3A_71 = tpu.memref_slice %arg4[%dma_wait3A_70] : memref<640000xi32, #tpu.memory_space<hbm>> -> memref<80xi32, #tpu.memory_space<hbm>>
    %dma_wait3A_72 = arith.constant 0 : i32
    %dma_wait3A_73 = tpu.memref_slice %arg4[%dma_wait3A_72] : memref<640000xi32, #tpu.memory_space<hbm>> -> memref<80xi32, #tpu.memory_space<hbm>>
    tpu.wait_dma2 semaphore(%arg32 : memref<!tpu.dma_semaphore, #tpu.memory_space<semaphore_mem>>) src(%dma_wait3A_73 : memref<80xi32, #tpu.memory_space<hbm>>) dst(%arg13 : memref<80xi32, #tpu.memory_space<vmem>>)
    %dma_start3A_74 = arith.constant 0 : i32
    %dma_start3A_75 = arith.constant 0 : i32
    %dma_start3A_76 = tpu.memref_slice %arg2[%dma_start3A_74, %dma_start3A_75] : memref<10000x128xf32, #tpu.memory_space<hbm>> -> memref<10000x128xf32, #tpu.memory_space<hbm>>
    tpu.enqueue_indirect_dma source(%dma_start3A_76 : memref<10000x128xf32, #tpu.memory_space<hbm>>) target(%arg19 : memref<80x128xf32, #tpu.memory_space<vmem>>) offsets(%arg7 : memref<80xi32, #tpu.memory_space<vmem>>) semaphore(%arg23 : memref<!tpu.dma_semaphore, #tpu.memory_space<semaphore_mem>>)
    %dma_wait3A_77 = arith.constant 0 : i32
    %dma_wait3A_78 = tpu.memref_slice %arg4[%dma_wait3A_77] : memref<640000xi32, #tpu.memory_space<hbm>> -> memref<80xi32, #tpu.memory_space<hbm>>
    %dma_wait3A_79 = arith.constant 0 : i32
    %dma_wait3A_80 = tpu.memref_slice %arg4[%dma_wait3A_79] : memref<640000xi32, #tpu.memory_space<hbm>> -> memref<80xi32, #tpu.memory_space<hbm>>
    tpu.wait_dma2 semaphore(%arg27 : memref<!tpu.dma_semaphore, #tpu.memory_space<semaphore_mem>>) src(%dma_wait3A_80 : memref<80xi32, #tpu.memory_space<hbm>>) dst(%arg8 : memref<80xi32, #tpu.memory_space<vmem>>)
    %dma_wait3A_81 = arith.constant 0 : i32
    %dma_wait3A_82 = tpu.memref_slice %arg4[%dma_wait3A_81] : memref<640000xi32, #tpu.memory_space<hbm>> -> memref<80xi32, #tpu.memory_space<hbm>>
    %dma_wait3A_83 = arith.constant 0 : i32
    %dma_wait3A_84 = tpu.memref_slice %arg4[%dma_wait3A_83] : memref<640000xi32, #tpu.memory_space<hbm>> -> memref<80xi32, #tpu.memory_space<hbm>>
    tpu.wait_dma2 semaphore(%arg33 : memref<!tpu.dma_semaphore, #tpu.memory_space<semaphore_mem>>) src(%dma_wait3A_84 : memref<80xi32, #tpu.memory_space<hbm>>) dst(%arg14 : memref<80xi32, #tpu.memory_space<vmem>>)
    %dma_start3A_85 = arith.constant 0 : i32
    %dma_start3A_86 = arith.constant 0 : i32
    %dma_start3A_87 = tpu.memref_slice %arg2[%dma_start3A_85, %dma_start3A_86] : memref<10000x128xf32, #tpu.memory_space<hbm>> -> memref<10000x128xf32, #tpu.memory_space<hbm>>
    tpu.enqueue_indirect_dma source(%dma_start3A_87 : memref<10000x128xf32, #tpu.memory_space<hbm>>) target(%arg20 : memref<80x128xf32, #tpu.memory_space<vmem>>) offsets(%arg8 : memref<80xi32, #tpu.memory_space<vmem>>) semaphore(%arg24 : memref<!tpu.dma_semaphore, #tpu.memory_space<semaphore_mem>>)
    %dma_wait3A_88 = arith.constant 0 : i32
    %dma_wait3A_89 = tpu.memref_slice %arg4[%dma_wait3A_88] : memref<640000xi32, #tpu.memory_space<hbm>> -> memref<80xi32, #tpu.memory_space<hbm>>
    %dma_wait3A_90 = arith.constant 0 : i32
    %dma_wait3A_91 = tpu.memref_slice %arg4[%dma_wait3A_90] : memref<640000xi32, #tpu.memory_space<hbm>> -> memref<80xi32, #tpu.memory_space<hbm>>
    tpu.wait_dma2 semaphore(%arg28 : memref<!tpu.dma_semaphore, #tpu.memory_space<semaphore_mem>>) src(%dma_wait3A_91 : memref<80xi32, #tpu.memory_space<hbm>>) dst(%arg9 : memref<80xi32, #tpu.memory_space<vmem>>)
    %dma_wait3A_92 = arith.constant 0 : i32
    %dma_wait3A_93 = tpu.memref_slice %arg4[%dma_wait3A_92] : memref<640000xi32, #tpu.memory_space<hbm>> -> memref<80xi32, #tpu.memory_space<hbm>>
    %dma_wait3A_94 = arith.constant 0 : i32
    %dma_wait3A_95 = tpu.memref_slice %arg4[%dma_wait3A_94] : memref<640000xi32, #tpu.memory_space<hbm>> -> memref<80xi32, #tpu.memory_space<hbm>>
    tpu.wait_dma2 semaphore(%arg34 : memref<!tpu.dma_semaphore, #tpu.memory_space<semaphore_mem>>) src(%dma_wait3A_95 : memref<80xi32, #tpu.memory_space<hbm>>) dst(%arg15 : memref<80xi32, #tpu.memory_space<vmem>>)
    %dma_start3A_96 = arith.constant 0 : i32
    %dma_start3A_97 = arith.constant 0 : i32
    %dma_start3A_98 = tpu.memref_slice %arg2[%dma_start3A_96, %dma_start3A_97] : memref<10000x128xf32, #tpu.memory_space<hbm>> -> memref<10000x128xf32, #tpu.memory_space<hbm>>
    tpu.enqueue_indirect_dma source(%dma_start3A_98 : memref<10000x128xf32, #tpu.memory_space<hbm>>) target(%arg21 : memref<80x128xf32, #tpu.memory_space<vmem>>) offsets(%arg9 : memref<80xi32, #tpu.memory_space<vmem>>) semaphore(%arg25 : memref<!tpu.dma_semaphore, #tpu.memory_space<semaphore_mem>>)
    %scan3A_99 = arith.constant 0 : i32
    %scan3A_100 = arith.constant 42 : i32
    %scan3A_101 = arith.addi %scan3A_99, %scan3A_100 : i32
    %scan3A_102 = arith.constant 1 : i32
    scf.for %scan3A_116 = %scan3A_99 to %scan3A_101 step %scan3A_102  : i32 {
      %mul3A_117 = arith.constant 1 : i32
      %mul3A_118 = arith.muli %scan3A_116, %mul3A_117 : i32
      %add3A_119 = arith.constant 0 : i32
      %add3A_120 = arith.addi %add3A_119, %mul3A_118 : i32
      %mul3A_121 = arith.constant 6 : i32
      %mul3A_122 = arith.muli %add3A_120, %mul3A_121 : i32
      %add3A_123 = arith.constant 0 : i32
      %add3A_124 = arith.addi %mul3A_122, %add3A_123 : i32
      %lt3A = arith.constant 250 : i32
      %lt3A_125 = arith.cmpi slt, %add3A_124, %lt3A : i32
      %convert_element_type3A_126 = arith.extui %lt3A_125 : i1 to i32
      %cond3A_127 = arith.constant 0 : i32
      %cond3A_128 = arith.cmpi ne, %convert_element_type3A_126, %cond3A_127 : i32
      scf.if %cond3A_128 {
        %dma_wait3A_258 = arith.constant 0 : i32
        %dma_wait3A_259 = arith.constant 0 : i32
        %dma_wait3A_260 = tpu.memref_slice %arg2[%dma_wait3A_258, %dma_wait3A_259] : memref<10000x128xf32, #tpu.memory_space<hbm>> -> memref<80x128xf32, #tpu.memory_space<hbm>>
        %dma_wait3A_261 = arith.constant 0 : i32
        %dma_wait3A_262 = arith.constant 0 : i32
        %dma_wait3A_263 = tpu.memref_slice %arg2[%dma_wait3A_261, %dma_wait3A_262] : memref<10000x128xf32, #tpu.memory_space<hbm>> -> memref<80x128xf32, #tpu.memory_space<hbm>>
        tpu.wait_dma2 semaphore(%arg23 : memref<!tpu.dma_semaphore, #tpu.memory_space<semaphore_mem>>) src(%dma_wait3A_263 : memref<80x128xf32, #tpu.memory_space<hbm>>) dst(%arg19 : memref<80x128xf32, #tpu.memory_space<vmem>>)
        "tpu.region"() ({
          %run_scoped3A = tpu.sem_alloc : memref<!tpu.dma_semaphore, #tpu.memory_space<semaphore_mem>>
          %dma_start3A_302 = arith.constant 0 : i32
          %dma_start3A_303 = arith.constant 0 : i32
          %dma_start3A_304 = tpu.memref_slice %arg22[%dma_start3A_302, %dma_start3A_303] : memref<10000x128xf32, #tpu.memory_space<vmem_shared>> -> memref<10000x128xf32, #tpu.memory_space<vmem_shared>>
          tpu.enqueue_indirect_dma source(%arg19 : memref<80x128xf32, #tpu.memory_space<vmem>>) target(%dma_start3A_304 : memref<10000x128xf32, #tpu.memory_space<vmem_shared>>) offsets(%arg13 : memref<80xi32, #tpu.memory_space<vmem>>) semaphore(%run_scoped3A : memref<!tpu.dma_semaphore, #tpu.memory_space<semaphore_mem>>) {add = true}
          %dma_wait3A_305 = arith.constant 0 : i32
          %dma_wait3A_306 = arith.constant 0 : i32
          %dma_wait3A_307 = tpu.memref_slice %arg22[%dma_wait3A_305, %dma_wait3A_306] : memref<10000x128xf32, #tpu.memory_space<vmem_shared>> -> memref<10000x128xf32, #tpu.memory_space<vmem_shared>>
          tpu.wait_indirect_dma semaphore(%run_scoped3A : memref<!tpu.dma_semaphore, #tpu.memory_space<semaphore_mem>>) src(%arg19 : memref<80x128xf32, #tpu.memory_space<vmem>>) dst(%dma_wait3A_307 : memref<10000x128xf32, #tpu.memory_space<vmem_shared>>)
          tpu.yield
        }) : () -> ()
        %broadcast_in_dim3A = arith.constant 1.000000e+00 : f32
        %broadcast_in_dim3A_264 = vector.broadcast %broadcast_in_dim3A : f32 to vector<16xf32>
        %get3A = arith.constant 0 : index
        %get3A_265 = tpu.vector_load %arg13[%get3A] {strides = array<i32>} : memref<80xi32, #tpu.memory_space<vmem>>, vector<16xi32>,
        %broadcast_in_dim3A_266 = arith.constant 7 : i32
        %broadcast_in_dim3A_267 = vector.broadcast %broadcast_in_dim3A_266 : i32 to vector<16xi32>
        %shift_right_logical3A = arith.shrui %get3A_265, %broadcast_in_dim3A_267 : vector<16xi32>
        %broadcast_in_dim3A_268 = arith.constant 127 : i32
        %broadcast_in_dim3A_269 = vector.broadcast %broadcast_in_dim3A_268 : i32 to vector<16xi32>
        %and3A = arith.andi %get3A_265, %broadcast_in_dim3A_269 : vector<16xi32>
        tpu.vector_store_idx %arg38[%shift_right_logical3A, %and3A], %broadcast_in_dim3A_264 {add = true} : memref<80x128xf32, #tpu.memory_space<vmem>>[vector<16xi32>, vector<16xi32>], vector<16xf32>,
        %get3A_270 = arith.constant 16 : index
        %get3A_271 = tpu.vector_load %arg13[%get3A_270] {strides = array<i32>} : memref<80xi32, #tpu.memory_space<vmem>>, vector<16xi32>,
        %broadcast_in_dim3A_272 = arith.constant 7 : i32
        %broadcast_in_dim3A_273 = vector.broadcast %broadcast_in_dim3A_272 : i32 to vector<16xi32>
        %shift_right_logical3A_274 = arith.shrui %get3A_271, %broadcast_in_dim3A_273 : vector<16xi32>
        %broadcast_in_dim3A_275 = arith.constant 127 : i32
        %broadcast_in_dim3A_276 = vector.broadcast %broadcast_in_dim3A_275 : i32 to vector<16xi32>
        %and3A_277 = arith.andi %get3A_271, %broadcast_in_dim3A_276 : vector<16xi32>
        tpu.vector_store_idx %arg38[%shift_right_logical3A_274, %and3A_277], %broadcast_in_dim3A_264 {add = true} : memref<80x128xf32, #tpu.memory_space<vmem>>[vector<16xi32>, vector<16xi32>], vector<16xf32>,
        %get3A_278 = arith.constant 32 : index
        %get3A_279 = tpu.vector_load %arg13[%get3A_278] {strides = array<i32>} : memref<80xi32, #tpu.memory_space<vmem>>, vector<16xi32>,
        %broadcast_in_dim3A_280 = arith.constant 7 : i32
        %broadcast_in_dim3A_281 = vector.broadcast %broadcast_in_dim3A_280 : i32 to vector<16xi32>
        %shift_right_logical3A_282 = arith.shrui %get3A_279, %broadcast_in_dim3A_281 : vector<16xi32>
        %broadcast_in_dim3A_283 = arith.constant 127 : i32
        %broadcast_in_dim3A_284 = vector.broadcast %broadcast_in_dim3A_283 : i32 to vector<16xi32>
        %and3A_285 = arith.andi %get3A_279, %broadcast_in_dim3A_284 : vector<16xi32>
        tpu.vector_store_idx %arg38[%shift_right_logical3A_282, %and3A_285], %broadcast_in_dim3A_264 {add = true} : memref<80x128xf32, #tpu.memory_space<vmem>>[vector<16xi32>, vector<16xi32>], vector<16xf32>,
        %get3A_286 = arith.constant 48 : index
        %get3A_287 = tpu.vector_load %arg13[%get3A_286] {strides = array<i32>} : memref<80xi32, #tpu.memory_space<vmem>>, vector<16xi32>,
        %broadcast_in_dim3A_288 = arith.constant 7 : i32
        %broadcast_in_dim3A_289 = vector.broadcast %broadcast_in_dim3A_288 : i32 to vector<16xi32>
        %shift_right_logical3A_290 = arith.shrui %get3A_287, %broadcast_in_dim3A_289 : vector<16xi32>
        %broadcast_in_dim3A_291 = arith.constant 127 : i32
        %broadcast_in_dim3A_292 = vector.broadcast %broadcast_in_dim3A_291 : i32 to vector<16xi32>
        %and3A_293 = arith.andi %get3A_287, %broadcast_in_dim3A_292 : vector<16xi32>
        tpu.vector_store_idx %arg38[%shift_right_logical3A_290, %and3A_293], %broadcast_in_dim3A_264 {add = true} : memref<80x128xf32, #tpu.memory_space<vmem>>[vector<16xi32>, vector<16xi32>], vector<16xf32>,
        %get3A_294 = arith.constant 64 : index
        %get3A_295 = tpu.vector_load %arg13[%get3A_294] {strides = array<i32>} : memref<80xi32, #tpu.memory_space<vmem>>, vector<16xi32>,
        %broadcast_in_dim3A_296 = arith.constant 7 : i32
        %broadcast_in_dim3A_297 = vector.broadcast %broadcast_in_dim3A_296 : i32 to vector<16xi32>
        %shift_right_logical3A_298 = arith.shrui %get3A_295, %broadcast_in_dim3A_297 : vector<16xi32>
        %broadcast_in_dim3A_299 = arith.constant 127 : i32
        %broadcast_in_dim3A_300 = vector.broadcast %broadcast_in_dim3A_299 : i32 to vector<16xi32>
        %and3A_301 = arith.andi %get3A_295, %broadcast_in_dim3A_300 : vector<16xi32>
        tpu.vector_store_idx %arg38[%shift_right_logical3A_298, %and3A_301], %broadcast_in_dim3A_264 {add = true} : memref<80x128xf32, #tpu.memory_space<vmem>>[vector<16xi32>, vector<16xi32>], vector<16xf32>,
      } else {
      }
      %add3A_129 = arith.constant 3 : i32
      %add3A_130 = arith.addi %add3A_124, %add3A_129 : i32
      %lt3A_131 = arith.constant 250 : i32
      %lt3A_132 = arith.cmpi slt, %add3A_130, %lt3A_131 : i32
      %convert_element_type3A_133 = arith.extui %lt3A_132 : i1 to i32
      %cond3A_134 = arith.constant 0 : i32
      %cond3A_135 = arith.cmpi ne, %convert_element_type3A_133, %cond3A_134 : i32
      scf.if %cond3A_135 {
        %dma_wait3A_258 = arith.constant 0 : i32
        %dma_wait3A_259 = tpu.memref_slice %arg4[%dma_wait3A_258] : memref<640000xi32, #tpu.memory_space<hbm>> -> memref<80xi32, #tpu.memory_space<hbm>>
        %dma_wait3A_260 = arith.constant 0 : i32
        %dma_wait3A_261 = tpu.memref_slice %arg4[%dma_wait3A_260] : memref<640000xi32, #tpu.memory_space<hbm>> -> memref<80xi32, #tpu.memory_space<hbm>>
        tpu.wait_dma2 semaphore(%arg29 : memref<!tpu.dma_semaphore, #tpu.memory_space<semaphore_mem>>) src(%dma_wait3A_261 : memref<80xi32, #tpu.memory_space<hbm>>) dst(%arg10 : memref<80xi32, #tpu.memory_space<vmem>>)
        %dma_wait3A_262 = arith.constant 0 : i32
        %dma_wait3A_263 = tpu.memref_slice %arg4[%dma_wait3A_262] : memref<640000xi32, #tpu.memory_space<hbm>> -> memref<80xi32, #tpu.memory_space<hbm>>
        %dma_wait3A_264 = arith.constant 0 : i32
        %dma_wait3A_265 = tpu.memref_slice %arg4[%dma_wait3A_264] : memref<640000xi32, #tpu.memory_space<hbm>> -> memref<80xi32, #tpu.memory_space<hbm>>
        tpu.wait_dma2 semaphore(%arg35 : memref<!tpu.dma_semaphore, #tpu.memory_space<semaphore_mem>>) src(%dma_wait3A_265 : memref<80xi32, #tpu.memory_space<hbm>>) dst(%arg16 : memref<80xi32, #tpu.memory_space<vmem>>)
        %dma_start3A_266 = arith.constant 0 : i32
        %dma_start3A_267 = arith.constant 0 : i32
        %dma_start3A_268 = tpu.memref_slice %arg2[%dma_start3A_266, %dma_start3A_267] : memref<10000x128xf32, #tpu.memory_space<hbm>> -> memref<10000x128xf32, #tpu.memory_space<hbm>>
        tpu.enqueue_indirect_dma source(%dma_start3A_268 : memref<10000x128xf32, #tpu.memory_space<hbm>>) target(%arg19 : memref<80x128xf32, #tpu.memory_space<vmem>>) offsets(%arg10 : memref<80xi32, #tpu.memory_space<vmem>>) semaphore(%arg23 : memref<!tpu.dma_semaphore, #tpu.memory_space<semaphore_mem>>)
      } else {
      }
      %add3A_136 = arith.constant 6 : i32
      %add3A_137 = arith.addi %add3A_124, %add3A_136 : i32
      %lt3A_138 = arith.constant 250 : i32
      %lt3A_139 = arith.cmpi slt, %add3A_137, %lt3A_138 : i32
      %convert_element_type3A_140 = arith.extui %lt3A_139 : i1 to i32
      %cond3A_141 = arith.constant 0 : i32
      %cond3A_142 = arith.cmpi ne, %convert_element_type3A_140, %cond3A_141 : i32
      scf.if %cond3A_142 {
        %add3A_258 = arith.constant 6 : i32
        %add3A_259 = arith.addi %add3A_124, %add3A_258 : i32
        %mul3A_260 = arith.constant 80 : i32
        %mul3A_261 = arith.muli %add3A_259, %mul3A_260 : i32
        %add3A_262 = arith.addi %add3A, %mul3A_261 : i32
        %dma_start3A_263 = tpu.memref_slice %arg4[%add3A_262] : memref<640000xi32, #tpu.memory_space<hbm>> -> memref<80xi32, #tpu.memory_space<hbm>>
        %dma_start3A_264 = tpu.memref_slice %arg4[%add3A_262] : memref<640000xi32, #tpu.memory_space<hbm>> -> memref<80xi32, #tpu.memory_space<hbm>>
        tpu.enqueue_dma source(%dma_start3A_264 : memref<80xi32, #tpu.memory_space<hbm>>) target(%arg7 : memref<80xi32, #tpu.memory_space<vmem>>) target_semaphore(%arg26 : memref<!tpu.dma_semaphore, #tpu.memory_space<semaphore_mem>>)
        %mul3A_265 = arith.constant 80 : i32
        %mul3A_266 = arith.muli %add3A_259, %mul3A_265 : i32
        %add3A_267 = arith.addi %add3A_19, %mul3A_266 : i32
        %dma_start3A_268 = tpu.memref_slice %arg4[%add3A_267] : memref<640000xi32, #tpu.memory_space<hbm>> -> memref<80xi32, #tpu.memory_space<hbm>>
        %dma_start3A_269 = tpu.memref_slice %arg4[%add3A_267] : memref<640000xi32, #tpu.memory_space<hbm>> -> memref<80xi32, #tpu.memory_space<hbm>>
        tpu.enqueue_dma source(%dma_start3A_269 : memref<80xi32, #tpu.memory_space<hbm>>) target(%arg13 : memref<80xi32, #tpu.memory_space<vmem>>) target_semaphore(%arg32 : memref<!tpu.dma_semaphore, #tpu.memory_space<semaphore_mem>>)
      } else {
      }
      %mul3A_143 = arith.constant 6 : i32
      %mul3A_144 = arith.muli %add3A_120, %mul3A_143 : i32
      %add3A_145 = arith.constant 1 : i32
      %add3A_146 = arith.addi %mul3A_144, %add3A_145 : i32
      %lt3A_147 = arith.constant 250 : i32
      %lt3A_148 = arith.cmpi slt, %add3A_146, %lt3A_147 : i32
      %convert_element_type3A_149 = arith.extui %lt3A_148 : i1 to i32
      %cond3A_150 = arith.constant 0 : i32
      %cond3A_151 = arith.cmpi ne, %convert_element_type3A_149, %cond3A_150 : i32
      scf.if %cond3A_151 {
        %dma_wait3A_258 = arith.constant 0 : i32
        %dma_wait3A_259 = arith.constant 0 : i32
        %dma_wait3A_260 = tpu.memref_slice %arg2[%dma_wait3A_258, %dma_wait3A_259] : memref<10000x128xf32, #tpu.memory_space<hbm>> -> memref<80x128xf32, #tpu.memory_space<hbm>>
        %dma_wait3A_261 = arith.constant 0 : i32
        %dma_wait3A_262 = arith.constant 0 : i32
        %dma_wait3A_263 = tpu.memref_slice %arg2[%dma_wait3A_261, %dma_wait3A_262] : memref<10000x128xf32, #tpu.memory_space<hbm>> -> memref<80x128xf32, #tpu.memory_space<hbm>>
        tpu.wait_dma2 semaphore(%arg24 : memref<!tpu.dma_semaphore, #tpu.memory_space<semaphore_mem>>) src(%dma_wait3A_263 : memref<80x128xf32, #tpu.memory_space<hbm>>) dst(%arg20 : memref<80x128xf32, #tpu.memory_space<vmem>>)
        "tpu.region"() ({
          %run_scoped3A = tpu.sem_alloc : memref<!tpu.dma_semaphore, #tpu.memory_space<semaphore_mem>>
          %dma_start3A_302 = arith.constant 0 : i32
          %dma_start3A_303 = arith.constant 0 : i32
          %dma_start3A_304 = tpu.memref_slice %arg22[%dma_start3A_302, %dma_start3A_303] : memref<10000x128xf32, #tpu.memory_space<vmem_shared>> -> memref<10000x128xf32, #tpu.memory_space<vmem_shared>>
          tpu.enqueue_indirect_dma source(%arg20 : memref<80x128xf32, #tpu.memory_space<vmem>>) target(%dma_start3A_304 : memref<10000x128xf32, #tpu.memory_space<vmem_shared>>) offsets(%arg14 : memref<80xi32, #tpu.memory_space<vmem>>) semaphore(%run_scoped3A : memref<!tpu.dma_semaphore, #tpu.memory_space<semaphore_mem>>) {add = true}
          %dma_wait3A_305 = arith.constant 0 : i32
          %dma_wait3A_306 = arith.constant 0 : i32
          %dma_wait3A_307 = tpu.memref_slice %arg22[%dma_wait3A_305, %dma_wait3A_306] : memref<10000x128xf32, #tpu.memory_space<vmem_shared>> -> memref<10000x128xf32, #tpu.memory_space<vmem_shared>>
          tpu.wait_indirect_dma semaphore(%run_scoped3A : memref<!tpu.dma_semaphore, #tpu.memory_space<semaphore_mem>>) src(%arg20 : memref<80x128xf32, #tpu.memory_space<vmem>>) dst(%dma_wait3A_307 : memref<10000x128xf32, #tpu.memory_space<vmem_shared>>)
          tpu.yield
        }) : () -> ()
        %broadcast_in_dim3A = arith.constant 1.000000e+00 : f32
        %broadcast_in_dim3A_264 = vector.broadcast %broadcast_in_dim3A : f32 to vector<16xf32>
        %get3A = arith.constant 0 : index
        %get3A_265 = tpu.vector_load %arg14[%get3A] {strides = array<i32>} : memref<80xi32, #tpu.memory_space<vmem>>, vector<16xi32>,
        %broadcast_in_dim3A_266 = arith.constant 7 : i32
        %broadcast_in_dim3A_267 = vector.broadcast %broadcast_in_dim3A_266 : i32 to vector<16xi32>
        %shift_right_logical3A = arith.shrui %get3A_265, %broadcast_in_dim3A_267 : vector<16xi32>
        %broadcast_in_dim3A_268 = arith.constant 127 : i32
        %broadcast_in_dim3A_269 = vector.broadcast %broadcast_in_dim3A_268 : i32 to vector<16xi32>
        %and3A = arith.andi %get3A_265, %broadcast_in_dim3A_269 : vector<16xi32>
        tpu.vector_store_idx %arg38[%shift_right_logical3A, %and3A], %broadcast_in_dim3A_264 {add = true} : memref<80x128xf32, #tpu.memory_space<vmem>>[vector<16xi32>, vector<16xi32>], vector<16xf32>,
        %get3A_270 = arith.constant 16 : index
        %get3A_271 = tpu.vector_load %arg14[%get3A_270] {strides = array<i32>} : memref<80xi32, #tpu.memory_space<vmem>>, vector<16xi32>,
        %broadcast_in_dim3A_272 = arith.constant 7 : i32
        %broadcast_in_dim3A_273 = vector.broadcast %broadcast_in_dim3A_272 : i32 to vector<16xi32>
        %shift_right_logical3A_274 = arith.shrui %get3A_271, %broadcast_in_dim3A_273 : vector<16xi32>
        %broadcast_in_dim3A_275 = arith.constant 127 : i32
        %broadcast_in_dim3A_276 = vector.broadcast %broadcast_in_dim3A_275 : i32 to vector<16xi32>
        %and3A_277 = arith.andi %get3A_271, %broadcast_in_dim3A_276 : vector<16xi32>
        tpu.vector_store_idx %arg38[%shift_right_logical3A_274, %and3A_277], %broadcast_in_dim3A_264 {add = true} : memref<80x128xf32, #tpu.memory_space<vmem>>[vector<16xi32>, vector<16xi32>], vector<16xf32>,
        %get3A_278 = arith.constant 32 : index
        %get3A_279 = tpu.vector_load %arg14[%get3A_278] {strides = array<i32>} : memref<80xi32, #tpu.memory_space<vmem>>, vector<16xi32>,
        %broadcast_in_dim3A_280 = arith.constant 7 : i32
        %broadcast_in_dim3A_281 = vector.broadcast %broadcast_in_dim3A_280 : i32 to vector<16xi32>
        %shift_right_logical3A_282 = arith.shrui %get3A_279, %broadcast_in_dim3A_281 : vector<16xi32>
        %broadcast_in_dim3A_283 = arith.constant 127 : i32
        %broadcast_in_dim3A_284 = vector.broadcast %broadcast_in_dim3A_283 : i32 to vector<16xi32>
        %and3A_285 = arith.andi %get3A_279, %broadcast_in_dim3A_284 : vector<16xi32>
        tpu.vector_store_idx %arg38[%shift_right_logical3A_282, %and3A_285], %broadcast_in_dim3A_264 {add = true} : memref<80x128xf32, #tpu.memory_space<vmem>>[vector<16xi32>, vector<16xi32>], vector<16xf32>,
        %get3A_286 = arith.constant 48 : index
        %get3A_287 = tpu.vector_load %arg14[%get3A_286] {strides = array<i32>} : memref<80xi32, #tpu.memory_space<vmem>>, vector<16xi32>,
        %broadcast_in_dim3A_288 = arith.constant 7 : i32
        %broadcast_in_dim3A_289 = vector.broadcast %broadcast_in_dim3A_288 : i32 to vector<16xi32>
        %shift_right_logical3A_290 = arith.shrui %get3A_287, %broadcast_in_dim3A_289 : vector<16xi32>
        %broadcast_in_dim3A_291 = arith.constant 127 : i32
        %broadcast_in_dim3A_292 = vector.broadcast %broadcast_in_dim3A_291 : i32 to vector<16xi32>
        %and3A_293 = arith.andi %get3A_287, %broadcast_in_dim3A_292 : vector<16xi32>
        tpu.vector_store_idx %arg38[%shift_right_logical3A_290, %and3A_293], %broadcast_in_dim3A_264 {add = true} : memref<80x128xf32, #tpu.memory_space<vmem>>[vector<16xi32>, vector<16xi32>], vector<16xf32>,
        %get3A_294 = arith.constant 64 : index
        %get3A_295 = tpu.vector_load %arg14[%get3A_294] {strides = array<i32>} : memref<80xi32, #tpu.memory_space<vmem>>, vector<16xi32>,
        %broadcast_in_dim3A_296 = arith.constant 7 : i32
        %broadcast_in_dim3A_297 = vector.broadcast %broadcast_in_dim3A_296 : i32 to vector<16xi32>
        %shift_right_logical3A_298 = arith.shrui %get3A_295, %broadcast_in_dim3A_297 : vector<16xi32>
        %broadcast_in_dim3A_299 = arith.constant 127 : i32
        %broadcast_in_dim3A_300 = vector.broadcast %broadcast_in_dim3A_299 : i32 to vector<16xi32>
        %and3A_301 = arith.andi %get3A_295, %broadcast_in_dim3A_300 : vector<16xi32>
        tpu.vector_store_idx %arg38[%shift_right_logical3A_298, %and3A_301], %broadcast_in_dim3A_264 {add = true} : memref<80x128xf32, #tpu.memory_space<vmem>>[vector<16xi32>, vector<16xi32>], vector<16xf32>,
      } else {
      }
      %add3A_152 = arith.constant 3 : i32
      %add3A_153 = arith.addi %add3A_146, %add3A_152 : i32
      %lt3A_154 = arith.constant 250 : i32
      %lt3A_155 = arith.cmpi slt, %add3A_153, %lt3A_154 : i32
      %convert_element_type3A_156 = arith.extui %lt3A_155 : i1 to i32
      %cond3A_157 = arith.constant 0 : i32
      %cond3A_158 = arith.cmpi ne, %convert_element_type3A_156, %cond3A_157 : i32
      scf.if %cond3A_158 {
        %dma_wait3A_258 = arith.constant 0 : i32
        %dma_wait3A_259 = tpu.memref_slice %arg4[%dma_wait3A_258] : memref<640000xi32, #tpu.memory_space<hbm>> -> memref<80xi32, #tpu.memory_space<hbm>>
        %dma_wait3A_260 = arith.constant 0 : i32
        %dma_wait3A_261 = tpu.memref_slice %arg4[%dma_wait3A_260] : memref<640000xi32, #tpu.memory_space<hbm>> -> memref<80xi32, #tpu.memory_space<hbm>>
        tpu.wait_dma2 semaphore(%arg30 : memref<!tpu.dma_semaphore, #tpu.memory_space<semaphore_mem>>) src(%dma_wait3A_261 : memref<80xi32, #tpu.memory_space<hbm>>) dst(%arg11 : memref<80xi32, #tpu.memory_space<vmem>>)
        %dma_wait3A_262 = arith.constant 0 : i32
        %dma_wait3A_263 = tpu.memref_slice %arg4[%dma_wait3A_262] : memref<640000xi32, #tpu.memory_space<hbm>> -> memref<80xi32, #tpu.memory_space<hbm>>
        %dma_wait3A_264 = arith.constant 0 : i32
        %dma_wait3A_265 = tpu.memref_slice %arg4[%dma_wait3A_264] : memref<640000xi32, #tpu.memory_space<hbm>> -> memref<80xi32, #tpu.memory_space<hbm>>
        tpu.wait_dma2 semaphore(%arg36 : memref<!tpu.dma_semaphore, #tpu.memory_space<semaphore_mem>>) src(%dma_wait3A_265 : memref<80xi32, #tpu.memory_space<hbm>>) dst(%arg17 : memref<80xi32, #tpu.memory_space<vmem>>)
        %dma_start3A_266 = arith.constant 0 : i32
        %dma_start3A_267 = arith.constant 0 : i32
        %dma_start3A_268 = tpu.memref_slice %arg2[%dma_start3A_266, %dma_start3A_267] : memref<10000x128xf32, #tpu.memory_space<hbm>> -> memref<10000x128xf32, #tpu.memory_space<hbm>>
        tpu.enqueue_indirect_dma source(%dma_start3A_268 : memref<10000x128xf32, #tpu.memory_space<hbm>>) target(%arg20 : memref<80x128xf32, #tpu.memory_space<vmem>>) offsets(%arg11 : memref<80xi32, #tpu.memory_space<vmem>>) semaphore(%arg24 : memref<!tpu.dma_semaphore, #tpu.memory_space<semaphore_mem>>)
      } else {
      }
      %add3A_159 = arith.constant 6 : i32
      %add3A_160 = arith.addi %add3A_146, %add3A_159 : i32
      %lt3A_161 = arith.constant 250 : i32
      %lt3A_162 = arith.cmpi slt, %add3A_160, %lt3A_161 : i32
      %convert_element_type3A_163 = arith.extui %lt3A_162 : i1 to i32
      %cond3A_164 = arith.constant 0 : i32
      %cond3A_165 = arith.cmpi ne, %convert_element_type3A_163, %cond3A_164 : i32
      scf.if %cond3A_165 {
        %add3A_258 = arith.constant 6 : i32
        %add3A_259 = arith.addi %add3A_146, %add3A_258 : i32
        %mul3A_260 = arith.constant 80 : i32
        %mul3A_261 = arith.muli %add3A_259, %mul3A_260 : i32
        %add3A_262 = arith.addi %add3A, %mul3A_261 : i32
        %dma_start3A_263 = tpu.memref_slice %arg4[%add3A_262] : memref<640000xi32, #tpu.memory_space<hbm>> -> memref<80xi32, #tpu.memory_space<hbm>>
        %dma_start3A_264 = tpu.memref_slice %arg4[%add3A_262] : memref<640000xi32, #tpu.memory_space<hbm>> -> memref<80xi32, #tpu.memory_space<hbm>>
        tpu.enqueue_dma source(%dma_start3A_264 : memref<80xi32, #tpu.memory_space<hbm>>) target(%arg8 : memref<80xi32, #tpu.memory_space<vmem>>) target_semaphore(%arg27 : memref<!tpu.dma_semaphore, #tpu.memory_space<semaphore_mem>>)
        %mul3A_265 = arith.constant 80 : i32
        %mul3A_266 = arith.muli %add3A_259, %mul3A_265 : i32
        %add3A_267 = arith.addi %add3A_19, %mul3A_266 : i32
        %dma_start3A_268 = tpu.memref_slice %arg4[%add3A_267] : memref<640000xi32, #tpu.memory_space<hbm>> -> memref<80xi32, #tpu.memory_space<hbm>>
        %dma_start3A_269 = tpu.memref_slice %arg4[%add3A_267] : memref<640000xi32, #tpu.memory_space<hbm>> -> memref<80xi32, #tpu.memory_space<hbm>>
        tpu.enqueue_dma source(%dma_start3A_269 : memref<80xi32, #tpu.memory_space<hbm>>) target(%arg14 : memref<80xi32, #tpu.memory_space<vmem>>) target_semaphore(%arg33 : memref<!tpu.dma_semaphore, #tpu.memory_space<semaphore_mem>>)
      } else {
      }
      %mul3A_166 = arith.constant 6 : i32
      %mul3A_167 = arith.muli %add3A_120, %mul3A_166 : i32
      %add3A_168 = arith.constant 2 : i32
      %add3A_169 = arith.addi %mul3A_167, %add3A_168 : i32
      %lt3A_170 = arith.constant 250 : i32
      %lt3A_171 = arith.cmpi slt, %add3A_169, %lt3A_170 : i32
      %convert_element_type3A_172 = arith.extui %lt3A_171 : i1 to i32
      %cond3A_173 = arith.constant 0 : i32
      %cond3A_174 = arith.cmpi ne, %convert_element_type3A_172, %cond3A_173 : i32
      scf.if %cond3A_174 {
        %dma_wait3A_258 = arith.constant 0 : i32
        %dma_wait3A_259 = arith.constant 0 : i32
        %dma_wait3A_260 = tpu.memref_slice %arg2[%dma_wait3A_258, %dma_wait3A_259] : memref<10000x128xf32, #tpu.memory_space<hbm>> -> memref<80x128xf32, #tpu.memory_space<hbm>>
        %dma_wait3A_261 = arith.constant 0 : i32
        %dma_wait3A_262 = arith.constant 0 : i32
        %dma_wait3A_263 = tpu.memref_slice %arg2[%dma_wait3A_261, %dma_wait3A_262] : memref<10000x128xf32, #tpu.memory_space<hbm>> -> memref<80x128xf32, #tpu.memory_space<hbm>>
        tpu.wait_dma2 semaphore(%arg25 : memref<!tpu.dma_semaphore, #tpu.memory_space<semaphore_mem>>) src(%dma_wait3A_263 : memref<80x128xf32, #tpu.memory_space<hbm>>) dst(%arg21 : memref<80x128xf32, #tpu.memory_space<vmem>>)
        "tpu.region"() ({
          %run_scoped3A = tpu.sem_alloc : memref<!tpu.dma_semaphore, #tpu.memory_space<semaphore_mem>>
          %dma_start3A_302 = arith.constant 0 : i32
          %dma_start3A_303 = arith.constant 0 : i32
          %dma_start3A_304 = tpu.memref_slice %arg22[%dma_start3A_302, %dma_start3A_303] : memref<10000x128xf32, #tpu.memory_space<vmem_shared>> -> memref<10000x128xf32, #tpu.memory_space<vmem_shared>>
          tpu.enqueue_indirect_dma source(%arg21 : memref<80x128xf32, #tpu.memory_space<vmem>>) target(%dma_start3A_304 : memref<10000x128xf32, #tpu.memory_space<vmem_shared>>) offsets(%arg15 : memref<80xi32, #tpu.memory_space<vmem>>) semaphore(%run_scoped3A : memref<!tpu.dma_semaphore, #tpu.memory_space<semaphore_mem>>) {add = true}
          %dma_wait3A_305 = arith.constant 0 : i32
          %dma_wait3A_306 = arith.constant 0 : i32
          %dma_wait3A_307 = tpu.memref_slice %arg22[%dma_wait3A_305, %dma_wait3A_306] : memref<10000x128xf32, #tpu.memory_space<vmem_shared>> -> memref<10000x128xf32, #tpu.memory_space<vmem_shared>>
          tpu.wait_indirect_dma semaphore(%run_scoped3A : memref<!tpu.dma_semaphore, #tpu.memory_space<semaphore_mem>>) src(%arg21 : memref<80x128xf32, #tpu.memory_space<vmem>>) dst(%dma_wait3A_307 : memref<10000x128xf32, #tpu.memory_space<vmem_shared>>)
          tpu.yield
        }) : () -> ()
        %broadcast_in_dim3A = arith.constant 1.000000e+00 : f32
        %broadcast_in_dim3A_264 = vector.broadcast %broadcast_in_dim3A : f32 to vector<16xf32>
        %get3A = arith.constant 0 : index
        %get3A_265 = tpu.vector_load %arg15[%get3A] {strides = array<i32>} : memref<80xi32, #tpu.memory_space<vmem>>, vector<16xi32>,
        %broadcast_in_dim3A_266 = arith.constant 7 : i32
        %broadcast_in_dim3A_267 = vector.broadcast %broadcast_in_dim3A_266 : i32 to vector<16xi32>
        %shift_right_logical3A = arith.shrui %get3A_265, %broadcast_in_dim3A_267 : vector<16xi32>
        %broadcast_in_dim3A_268 = arith.constant 127 : i32
        %broadcast_in_dim3A_269 = vector.broadcast %broadcast_in_dim3A_268 : i32 to vector<16xi32>
        %and3A = arith.andi %get3A_265, %broadcast_in_dim3A_269 : vector<16xi32>
        tpu.vector_store_idx %arg38[%shift_right_logical3A, %and3A], %broadcast_in_dim3A_264 {add = true} : memref<80x128xf32, #tpu.memory_space<vmem>>[vector<16xi32>, vector<16xi32>], vector<16xf32>,
        %get3A_270 = arith.constant 16 : index
        %get3A_271 = tpu.vector_load %arg15[%get3A_270] {strides = array<i32>} : memref<80xi32, #tpu.memory_space<vmem>>, vector<16xi32>,
        %broadcast_in_dim3A_272 = arith.constant 7 : i32
        %broadcast_in_dim3A_273 = vector.broadcast %broadcast_in_dim3A_272 : i32 to vector<16xi32>
        %shift_right_logical3A_274 = arith.shrui %get3A_271, %broadcast_in_dim3A_273 : vector<16xi32>
        %broadcast_in_dim3A_275 = arith.constant 127 : i32
        %broadcast_in_dim3A_276 = vector.broadcast %broadcast_in_dim3A_275 : i32 to vector<16xi32>
        %and3A_277 = arith.andi %get3A_271, %broadcast_in_dim3A_276 : vector<16xi32>
        tpu.vector_store_idx %arg38[%shift_right_logical3A_274, %and3A_277], %broadcast_in_dim3A_264 {add = true} : memref<80x128xf32, #tpu.memory_space<vmem>>[vector<16xi32>, vector<16xi32>], vector<16xf32>,
        %get3A_278 = arith.constant 32 : index
        %get3A_279 = tpu.vector_load %arg15[%get3A_278] {strides = array<i32>} : memref<80xi32, #tpu.memory_space<vmem>>, vector<16xi32>,
        %broadcast_in_dim3A_280 = arith.constant 7 : i32
        %broadcast_in_dim3A_281 = vector.broadcast %broadcast_in_dim3A_280 : i32 to vector<16xi32>
        %shift_right_logical3A_282 = arith.shrui %get3A_279, %broadcast_in_dim3A_281 : vector<16xi32>
        %broadcast_in_dim3A_283 = arith.constant 127 : i32
        %broadcast_in_dim3A_284 = vector.broadcast %broadcast_in_dim3A_283 : i32 to vector<16xi32>
        %and3A_285 = arith.andi %get3A_279, %broadcast_in_dim3A_284 : vector<16xi32>
        tpu.vector_store_idx %arg38[%shift_right_logical3A_282, %and3A_285], %broadcast_in_dim3A_264 {add = true} : memref<80x128xf32, #tpu.memory_space<vmem>>[vector<16xi32>, vector<16xi32>], vector<16xf32>,
        %get3A_286 = arith.constant 48 : index
        %get3A_287 = tpu.vector_load %arg15[%get3A_286] {strides = array<i32>} : memref<80xi32, #tpu.memory_space<vmem>>, vector<16xi32>,
        %broadcast_in_dim3A_288 = arith.constant 7 : i32
        %broadcast_in_dim3A_289 = vector.broadcast %broadcast_in_dim3A_288 : i32 to vector<16xi32>
        %shift_right_logical3A_290 = arith.shrui %get3A_287, %broadcast_in_dim3A_289 : vector<16xi32>
        %broadcast_in_dim3A_291 = arith.constant 127 : i32
        %broadcast_in_dim3A_292 = vector.broadcast %broadcast_in_dim3A_291 : i32 to vector<16xi32>
        %and3A_293 = arith.andi %get3A_287, %broadcast_in_dim3A_292 : vector<16xi32>
        tpu.vector_store_idx %arg38[%shift_right_logical3A_290, %and3A_293], %broadcast_in_dim3A_264 {add = true} : memref<80x128xf32, #tpu.memory_space<vmem>>[vector<16xi32>, vector<16xi32>], vector<16xf32>,
        %get3A_294 = arith.constant 64 : index
        %get3A_295 = tpu.vector_load %arg15[%get3A_294] {strides = array<i32>} : memref<80xi32, #tpu.memory_space<vmem>>, vector<16xi32>,
        %broadcast_in_dim3A_296 = arith.constant 7 : i32
        %broadcast_in_dim3A_297 = vector.broadcast %broadcast_in_dim3A_296 : i32 to vector<16xi32>
        %shift_right_logical3A_298 = arith.shrui %get3A_295, %broadcast_in_dim3A_297 : vector<16xi32>
        %broadcast_in_dim3A_299 = arith.constant 127 : i32
        %broadcast_in_dim3A_300 = vector.broadcast %broadcast_in_dim3A_299 : i32 to vector<16xi32>
        %and3A_301 = arith.andi %get3A_295, %broadcast_in_dim3A_300 : vector<16xi32>
        tpu.vector_store_idx %arg38[%shift_right_logical3A_298, %and3A_301], %broadcast_in_dim3A_264 {add = true} : memref<80x128xf32, #tpu.memory_space<vmem>>[vector<16xi32>, vector<16xi32>], vector<16xf32>,
      } else {
      }
      %add3A_175 = arith.constant 3 : i32
      %add3A_176 = arith.addi %add3A_169, %add3A_175 : i32
      %lt3A_177 = arith.constant 250 : i32
      %lt3A_178 = arith.cmpi slt, %add3A_176, %lt3A_177 : i32
      %convert_element_type3A_179 = arith.extui %lt3A_178 : i1 to i32
      %cond3A_180 = arith.constant 0 : i32
      %cond3A_181 = arith.cmpi ne, %convert_element_type3A_179, %cond3A_180 : i32
      scf.if %cond3A_181 {
        %dma_wait3A_258 = arith.constant 0 : i32
        %dma_wait3A_259 = tpu.memref_slice %arg4[%dma_wait3A_258] : memref<640000xi32, #tpu.memory_space<hbm>> -> memref<80xi32, #tpu.memory_space<hbm>>
        %dma_wait3A_260 = arith.constant 0 : i32
        %dma_wait3A_261 = tpu.memref_slice %arg4[%dma_wait3A_260] : memref<640000xi32, #tpu.memory_space<hbm>> -> memref<80xi32, #tpu.memory_space<hbm>>
        tpu.wait_dma2 semaphore(%arg31 : memref<!tpu.dma_semaphore, #tpu.memory_space<semaphore_mem>>) src(%dma_wait3A_261 : memref<80xi32, #tpu.memory_space<hbm>>) dst(%arg12 : memref<80xi32, #tpu.memory_space<vmem>>)
        %dma_wait3A_262 = arith.constant 0 : i32
        %dma_wait3A_263 = tpu.memref_slice %arg4[%dma_wait3A_262] : memref<640000xi32, #tpu.memory_space<hbm>> -> memref<80xi32, #tpu.memory_space<hbm>>
        %dma_wait3A_264 = arith.constant 0 : i32
        %dma_wait3A_265 = tpu.memref_slice %arg4[%dma_wait3A_264] : memref<640000xi32, #tpu.memory_space<hbm>> -> memref<80xi32, #tpu.memory_space<hbm>>
        tpu.wait_dma2 semaphore(%arg37 : memref<!tpu.dma_semaphore, #tpu.memory_space<semaphore_mem>>) src(%dma_wait3A_265 : memref<80xi32, #tpu.memory_space<hbm>>) dst(%arg18 : memref<80xi32, #tpu.memory_space<vmem>>)
        %dma_start3A_266 = arith.constant 0 : i32
        %dma_start3A_267 = arith.constant 0 : i32
        %dma_start3A_268 = tpu.memref_slice %arg2[%dma_start3A_266, %dma_start3A_267] : memref<10000x128xf32, #tpu.memory_space<hbm>> -> memref<10000x128xf32, #tpu.memory_space<hbm>>
        tpu.enqueue_indirect_dma source(%dma_start3A_268 : memref<10000x128xf32, #tpu.memory_space<hbm>>) target(%arg21 : memref<80x128xf32, #tpu.memory_space<vmem>>) offsets(%arg12 : memref<80xi32, #tpu.memory_space<vmem>>) semaphore(%arg25 : memref<!tpu.dma_semaphore, #tpu.memory_space<semaphore_mem>>)
      } else {
      }
      %add3A_182 = arith.constant 6 : i32
      %add3A_183 = arith.addi %add3A_169, %add3A_182 : i32
      %lt3A_184 = arith.constant 250 : i32
      %lt3A_185 = arith.cmpi slt, %add3A_183, %lt3A_184 : i32
      %convert_element_type3A_186 = arith.extui %lt3A_185 : i1 to i32
      %cond3A_187 = arith.constant 0 : i32
      %cond3A_188 = arith.cmpi ne, %convert_element_type3A_186, %cond3A_187 : i32
      scf.if %cond3A_188 {
        %add3A_258 = arith.constant 6 : i32
        %add3A_259 = arith.addi %add3A_169, %add3A_258 : i32
        %mul3A_260 = arith.constant 80 : i32
        %mul3A_261 = arith.muli %add3A_259, %mul3A_260 : i32
        %add3A_262 = arith.addi %add3A, %mul3A_261 : i32
        %dma_start3A_263 = tpu.memref_slice %arg4[%add3A_262] : memref<640000xi32, #tpu.memory_space<hbm>> -> memref<80xi32, #tpu.memory_space<hbm>>
        %dma_start3A_264 = tpu.memref_slice %arg4[%add3A_262] : memref<640000xi32, #tpu.memory_space<hbm>> -> memref<80xi32, #tpu.memory_space<hbm>>
        tpu.enqueue_dma source(%dma_start3A_264 : memref<80xi32, #tpu.memory_space<hbm>>) target(%arg9 : memref<80xi32, #tpu.memory_space<vmem>>) target_semaphore(%arg28 : memref<!tpu.dma_semaphore, #tpu.memory_space<semaphore_mem>>)
        %mul3A_265 = arith.constant 80 : i32
        %mul3A_266 = arith.muli %add3A_259, %mul3A_265 : i32
        %add3A_267 = arith.addi %add3A_19, %mul3A_266 : i32
        %dma_start3A_268 = tpu.memref_slice %arg4[%add3A_267] : memref<640000xi32, #tpu.memory_space<hbm>> -> memref<80xi32, #tpu.memory_space<hbm>>
        %dma_start3A_269 = tpu.memref_slice %arg4[%add3A_267] : memref<640000xi32, #tpu.memory_space<hbm>> -> memref<80xi32, #tpu.memory_space<hbm>>
        tpu.enqueue_dma source(%dma_start3A_269 : memref<80xi32, #tpu.memory_space<hbm>>) target(%arg15 : memref<80xi32, #tpu.memory_space<vmem>>) target_semaphore(%arg34 : memref<!tpu.dma_semaphore, #tpu.memory_space<semaphore_mem>>)
      } else {
      }
      %mul3A_189 = arith.constant 6 : i32
      %mul3A_190 = arith.muli %add3A_120, %mul3A_189 : i32
      %add3A_191 = arith.constant 3 : i32
      %add3A_192 = arith.addi %mul3A_190, %add3A_191 : i32
      %lt3A_193 = arith.constant 250 : i32
      %lt3A_194 = arith.cmpi slt, %add3A_192, %lt3A_193 : i32
      %convert_element_type3A_195 = arith.extui %lt3A_194 : i1 to i32
      %cond3A_196 = arith.constant 0 : i32
      %cond3A_197 = arith.cmpi ne, %convert_element_type3A_195, %cond3A_196 : i32
      scf.if %cond3A_197 {
        %dma_wait3A_258 = arith.constant 0 : i32
        %dma_wait3A_259 = arith.constant 0 : i32
        %dma_wait3A_260 = tpu.memref_slice %arg2[%dma_wait3A_258, %dma_wait3A_259] : memref<10000x128xf32, #tpu.memory_space<hbm>> -> memref<80x128xf32, #tpu.memory_space<hbm>>
        %dma_wait3A_261 = arith.constant 0 : i32
        %dma_wait3A_262 = arith.constant 0 : i32
        %dma_wait3A_263 = tpu.memref_slice %arg2[%dma_wait3A_261, %dma_wait3A_262] : memref<10000x128xf32, #tpu.memory_space<hbm>> -> memref<80x128xf32, #tpu.memory_space<hbm>>
        tpu.wait_dma2 semaphore(%arg23 : memref<!tpu.dma_semaphore, #tpu.memory_space<semaphore_mem>>) src(%dma_wait3A_263 : memref<80x128xf32, #tpu.memory_space<hbm>>) dst(%arg19 : memref<80x128xf32, #tpu.memory_space<vmem>>)
        "tpu.region"() ({
          %run_scoped3A = tpu.sem_alloc : memref<!tpu.dma_semaphore, #tpu.memory_space<semaphore_mem>>
          %dma_start3A_302 = arith.constant 0 : i32
          %dma_start3A_303 = arith.constant 0 : i32
          %dma_start3A_304 = tpu.memref_slice %arg22[%dma_start3A_302, %dma_start3A_303] : memref<10000x128xf32, #tpu.memory_space<vmem_shared>> -> memref<10000x128xf32, #tpu.memory_space<vmem_shared>>
          tpu.enqueue_indirect_dma source(%arg19 : memref<80x128xf32, #tpu.memory_space<vmem>>) target(%dma_start3A_304 : memref<10000x128xf32, #tpu.memory_space<vmem_shared>>) offsets(%arg16 : memref<80xi32, #tpu.memory_space<vmem>>) semaphore(%run_scoped3A : memref<!tpu.dma_semaphore, #tpu.memory_space<semaphore_mem>>) {add = true}
          %dma_wait3A_305 = arith.constant 0 : i32
          %dma_wait3A_306 = arith.constant 0 : i32
          %dma_wait3A_307 = tpu.memref_slice %arg22[%dma_wait3A_305, %dma_wait3A_306] : memref<10000x128xf32, #tpu.memory_space<vmem_shared>> -> memref<10000x128xf32, #tpu.memory_space<vmem_shared>>
          tpu.wait_indirect_dma semaphore(%run_scoped3A : memref<!tpu.dma_semaphore, #tpu.memory_space<semaphore_mem>>) src(%arg19 : memref<80x128xf32, #tpu.memory_space<vmem>>) dst(%dma_wait3A_307 : memref<10000x128xf32, #tpu.memory_space<vmem_shared>>)
          tpu.yield
        }) : () -> ()
        %broadcast_in_dim3A = arith.constant 1.000000e+00 : f32
        %broadcast_in_dim3A_264 = vector.broadcast %broadcast_in_dim3A : f32 to vector<16xf32>
        %get3A = arith.constant 0 : index
        %get3A_265 = tpu.vector_load %arg16[%get3A] {strides = array<i32>} : memref<80xi32, #tpu.memory_space<vmem>>, vector<16xi32>,
        %broadcast_in_dim3A_266 = arith.constant 7 : i32
        %broadcast_in_dim3A_267 = vector.broadcast %broadcast_in_dim3A_266 : i32 to vector<16xi32>
        %shift_right_logical3A = arith.shrui %get3A_265, %broadcast_in_dim3A_267 : vector<16xi32>
        %broadcast_in_dim3A_268 = arith.constant 127 : i32
        %broadcast_in_dim3A_269 = vector.broadcast %broadcast_in_dim3A_268 : i32 to vector<16xi32>
        %and3A = arith.andi %get3A_265, %broadcast_in_dim3A_269 : vector<16xi32>
        tpu.vector_store_idx %arg38[%shift_right_logical3A, %and3A], %broadcast_in_dim3A_264 {add = true} : memref<80x128xf32, #tpu.memory_space<vmem>>[vector<16xi32>, vector<16xi32>], vector<16xf32>,
        %get3A_270 = arith.constant 16 : index
        %get3A_271 = tpu.vector_load %arg16[%get3A_270] {strides = array<i32>} : memref<80xi32, #tpu.memory_space<vmem>>, vector<16xi32>,
        %broadcast_in_dim3A_272 = arith.constant 7 : i32
        %broadcast_in_dim3A_273 = vector.broadcast %broadcast_in_dim3A_272 : i32 to vector<16xi32>
        %shift_right_logical3A_274 = arith.shrui %get3A_271, %broadcast_in_dim3A_273 : vector<16xi32>
        %broadcast_in_dim3A_275 = arith.constant 127 : i32
        %broadcast_in_dim3A_276 = vector.broadcast %broadcast_in_dim3A_275 : i32 to vector<16xi32>
        %and3A_277 = arith.andi %get3A_271, %broadcast_in_dim3A_276 : vector<16xi32>
        tpu.vector_store_idx %arg38[%shift_right_logical3A_274, %and3A_277], %broadcast_in_dim3A_264 {add = true} : memref<80x128xf32, #tpu.memory_space<vmem>>[vector<16xi32>, vector<16xi32>], vector<16xf32>,
        %get3A_278 = arith.constant 32 : index
        %get3A_279 = tpu.vector_load %arg16[%get3A_278] {strides = array<i32>} : memref<80xi32, #tpu.memory_space<vmem>>, vector<16xi32>,
        %broadcast_in_dim3A_280 = arith.constant 7 : i32
        %broadcast_in_dim3A_281 = vector.broadcast %broadcast_in_dim3A_280 : i32 to vector<16xi32>
        %shift_right_logical3A_282 = arith.shrui %get3A_279, %broadcast_in_dim3A_281 : vector<16xi32>
        %broadcast_in_dim3A_283 = arith.constant 127 : i32
        %broadcast_in_dim3A_284 = vector.broadcast %broadcast_in_dim3A_283 : i32 to vector<16xi32>
        %and3A_285 = arith.andi %get3A_279, %broadcast_in_dim3A_284 : vector<16xi32>
        tpu.vector_store_idx %arg38[%shift_right_logical3A_282, %and3A_285], %broadcast_in_dim3A_264 {add = true} : memref<80x128xf32, #tpu.memory_space<vmem>>[vector<16xi32>, vector<16xi32>], vector<16xf32>,
        %get3A_286 = arith.constant 48 : index
        %get3A_287 = tpu.vector_load %arg16[%get3A_286] {strides = array<i32>} : memref<80xi32, #tpu.memory_space<vmem>>, vector<16xi32>,
        %broadcast_in_dim3A_288 = arith.constant 7 : i32
        %broadcast_in_dim3A_289 = vector.broadcast %broadcast_in_dim3A_288 : i32 to vector<16xi32>
        %shift_right_logical3A_290 = arith.shrui %get3A_287, %broadcast_in_dim3A_289 : vector<16xi32>
        %broadcast_in_dim3A_291 = arith.constant 127 : i32
        %broadcast_in_dim3A_292 = vector.broadcast %broadcast_in_dim3A_291 : i32 to vector<16xi32>
        %and3A_293 = arith.andi %get3A_287, %broadcast_in_dim3A_292 : vector<16xi32>
        tpu.vector_store_idx %arg38[%shift_right_logical3A_290, %and3A_293], %broadcast_in_dim3A_264 {add = true} : memref<80x128xf32, #tpu.memory_space<vmem>>[vector<16xi32>, vector<16xi32>], vector<16xf32>,
        %get3A_294 = arith.constant 64 : index
        %get3A_295 = tpu.vector_load %arg16[%get3A_294] {strides = array<i32>} : memref<80xi32, #tpu.memory_space<vmem>>, vector<16xi32>,
        %broadcast_in_dim3A_296 = arith.constant 7 : i32
        %broadcast_in_dim3A_297 = vector.broadcast %broadcast_in_dim3A_296 : i32 to vector<16xi32>
        %shift_right_logical3A_298 = arith.shrui %get3A_295, %broadcast_in_dim3A_297 : vector<16xi32>
        %broadcast_in_dim3A_299 = arith.constant 127 : i32
        %broadcast_in_dim3A_300 = vector.broadcast %broadcast_in_dim3A_299 : i32 to vector<16xi32>
        %and3A_301 = arith.andi %get3A_295, %broadcast_in_dim3A_300 : vector<16xi32>
        tpu.vector_store_idx %arg38[%shift_right_logical3A_298, %and3A_301], %broadcast_in_dim3A_264 {add = true} : memref<80x128xf32, #tpu.memory_space<vmem>>[vector<16xi32>, vector<16xi32>], vector<16xf32>,
      } else {
      }
      %add3A_198 = arith.constant 3 : i32
      %add3A_199 = arith.addi %add3A_192, %add3A_198 : i32
      %lt3A_200 = arith.constant 250 : i32
      %lt3A_201 = arith.cmpi slt, %add3A_199, %lt3A_200 : i32
      %convert_element_type3A_202 = arith.extui %lt3A_201 : i1 to i32
      %cond3A_203 = arith.constant 0 : i32
      %cond3A_204 = arith.cmpi ne, %convert_element_type3A_202, %cond3A_203 : i32
      scf.if %cond3A_204 {
        %dma_wait3A_258 = arith.constant 0 : i32
        %dma_wait3A_259 = tpu.memref_slice %arg4[%dma_wait3A_258] : memref<640000xi32, #tpu.memory_space<hbm>> -> memref<80xi32, #tpu.memory_space<hbm>>
        %dma_wait3A_260 = arith.constant 0 : i32
        %dma_wait3A_261 = tpu.memref_slice %arg4[%dma_wait3A_260] : memref<640000xi32, #tpu.memory_space<hbm>> -> memref<80xi32, #tpu.memory_space<hbm>>
        tpu.wait_dma2 semaphore(%arg26 : memref<!tpu.dma_semaphore, #tpu.memory_space<semaphore_mem>>) src(%dma_wait3A_261 : memref<80xi32, #tpu.memory_space<hbm>>) dst(%arg7 : memref<80xi32, #tpu.memory_space<vmem>>)
        %dma_wait3A_262 = arith.constant 0 : i32
        %dma_wait3A_263 = tpu.memref_slice %arg4[%dma_wait3A_262] : memref<640000xi32, #tpu.memory_space<hbm>> -> memref<80xi32, #tpu.memory_space<hbm>>
        %dma_wait3A_264 = arith.constant 0 : i32
        %dma_wait3A_265 = tpu.memref_slice %arg4[%dma_wait3A_264] : memref<640000xi32, #tpu.memory_space<hbm>> -> memref<80xi32, #tpu.memory_space<hbm>>
        tpu.wait_dma2 semaphore(%arg32 : memref<!tpu.dma_semaphore, #tpu.memory_space<semaphore_mem>>) src(%dma_wait3A_265 : memref<80xi32, #tpu.memory_space<hbm>>) dst(%arg13 : memref<80xi32, #tpu.memory_space<vmem>>)
        %dma_start3A_266 = arith.constant 0 : i32
        %dma_start3A_267 = arith.constant 0 : i32
        %dma_start3A_268 = tpu.memref_slice %arg2[%dma_start3A_266, %dma_start3A_267] : memref<10000x128xf32, #tpu.memory_space<hbm>> -> memref<10000x128xf32, #tpu.memory_space<hbm>>
        tpu.enqueue_indirect_dma source(%dma_start3A_268 : memref<10000x128xf32, #tpu.memory_space<hbm>>) target(%arg19 : memref<80x128xf32, #tpu.memory_space<vmem>>) offsets(%arg7 : memref<80xi32, #tpu.memory_space<vmem>>) semaphore(%arg23 : memref<!tpu.dma_semaphore, #tpu.memory_space<semaphore_mem>>)
      } else {
      }
      %add3A_205 = arith.constant 6 : i32
      %add3A_206 = arith.addi %add3A_192, %add3A_205 : i32
      %lt3A_207 = arith.constant 250 : i32
      %lt3A_208 = arith.cmpi slt, %add3A_206, %lt3A_207 : i32
      %convert_element_type3A_209 = arith.extui %lt3A_208 : i1 to i32
      %cond3A_210 = arith.constant 0 : i32
      %cond3A_211 = arith.cmpi ne, %convert_element_type3A_209, %cond3A_210 : i32
      scf.if %cond3A_211 {
        %add3A_258 = arith.constant 6 : i32
        %add3A_259 = arith.addi %add3A_192, %add3A_258 : i32
        %mul3A_260 = arith.constant 80 : i32
        %mul3A_261 = arith.muli %add3A_259, %mul3A_260 : i32
        %add3A_262 = arith.addi %add3A, %mul3A_261 : i32
        %dma_start3A_263 = tpu.memref_slice %arg4[%add3A_262] : memref<640000xi32, #tpu.memory_space<hbm>> -> memref<80xi32, #tpu.memory_space<hbm>>
        %dma_start3A_264 = tpu.memref_slice %arg4[%add3A_262] : memref<640000xi32, #tpu.memory_space<hbm>> -> memref<80xi32, #tpu.memory_space<hbm>>
        tpu.enqueue_dma source(%dma_start3A_264 : memref<80xi32, #tpu.memory_space<hbm>>) target(%arg10 : memref<80xi32, #tpu.memory_space<vmem>>) target_semaphore(%arg29 : memref<!tpu.dma_semaphore, #tpu.memory_space<semaphore_mem>>)
        %mul3A_265 = arith.constant 80 : i32
        %mul3A_266 = arith.muli %add3A_259, %mul3A_265 : i32
        %add3A_267 = arith.addi %add3A_19, %mul3A_266 : i32
        %dma_start3A_268 = tpu.memref_slice %arg4[%add3A_267] : memref<640000xi32, #tpu.memory_space<hbm>> -> memref<80xi32, #tpu.memory_space<hbm>>
        %dma_start3A_269 = tpu.memref_slice %arg4[%add3A_267] : memref<640000xi32, #tpu.memory_space<hbm>> -> memref<80xi32, #tpu.memory_space<hbm>>
        tpu.enqueue_dma source(%dma_start3A_269 : memref<80xi32, #tpu.memory_space<hbm>>) target(%arg16 : memref<80xi32, #tpu.memory_space<vmem>>) target_semaphore(%arg35 : memref<!tpu.dma_semaphore, #tpu.memory_space<semaphore_mem>>)
      } else {
      }
      %mul3A_212 = arith.constant 6 : i32
      %mul3A_213 = arith.muli %add3A_120, %mul3A_212 : i32
      %add3A_214 = arith.constant 4 : i32
      %add3A_215 = arith.addi %mul3A_213, %add3A_214 : i32
      %lt3A_216 = arith.constant 250 : i32
      %lt3A_217 = arith.cmpi slt, %add3A_215, %lt3A_216 : i32
      %convert_element_type3A_218 = arith.extui %lt3A_217 : i1 to i32
      %cond3A_219 = arith.constant 0 : i32
      %cond3A_220 = arith.cmpi ne, %convert_element_type3A_218, %cond3A_219 : i32
      scf.if %cond3A_220 {
        %dma_wait3A_258 = arith.constant 0 : i32
        %dma_wait3A_259 = arith.constant 0 : i32
        %dma_wait3A_260 = tpu.memref_slice %arg2[%dma_wait3A_258, %dma_wait3A_259] : memref<10000x128xf32, #tpu.memory_space<hbm>> -> memref<80x128xf32, #tpu.memory_space<hbm>>
        %dma_wait3A_261 = arith.constant 0 : i32
        %dma_wait3A_262 = arith.constant 0 : i32
        %dma_wait3A_263 = tpu.memref_slice %arg2[%dma_wait3A_261, %dma_wait3A_262] : memref<10000x128xf32, #tpu.memory_space<hbm>> -> memref<80x128xf32, #tpu.memory_space<hbm>>
        tpu.wait_dma2 semaphore(%arg24 : memref<!tpu.dma_semaphore, #tpu.memory_space<semaphore_mem>>) src(%dma_wait3A_263 : memref<80x128xf32, #tpu.memory_space<hbm>>) dst(%arg20 : memref<80x128xf32, #tpu.memory_space<vmem>>)
        "tpu.region"() ({
          %run_scoped3A = tpu.sem_alloc : memref<!tpu.dma_semaphore, #tpu.memory_space<semaphore_mem>>
          %dma_start3A_302 = arith.constant 0 : i32
          %dma_start3A_303 = arith.constant 0 : i32
          %dma_start3A_304 = tpu.memref_slice %arg22[%dma_start3A_302, %dma_start3A_303] : memref<10000x128xf32, #tpu.memory_space<vmem_shared>> -> memref<10000x128xf32, #tpu.memory_space<vmem_shared>>
          tpu.enqueue_indirect_dma source(%arg20 : memref<80x128xf32, #tpu.memory_space<vmem>>) target(%dma_start3A_304 : memref<10000x128xf32, #tpu.memory_space<vmem_shared>>) offsets(%arg17 : memref<80xi32, #tpu.memory_space<vmem>>) semaphore(%run_scoped3A : memref<!tpu.dma_semaphore, #tpu.memory_space<semaphore_mem>>) {add = true}
          %dma_wait3A_305 = arith.constant 0 : i32
          %dma_wait3A_306 = arith.constant 0 : i32
          %dma_wait3A_307 = tpu.memref_slice %arg22[%dma_wait3A_305, %dma_wait3A_306] : memref<10000x128xf32, #tpu.memory_space<vmem_shared>> -> memref<10000x128xf32, #tpu.memory_space<vmem_shared>>
          tpu.wait_indirect_dma semaphore(%run_scoped3A : memref<!tpu.dma_semaphore, #tpu.memory_space<semaphore_mem>>) src(%arg20 : memref<80x128xf32, #tpu.memory_space<vmem>>) dst(%dma_wait3A_307 : memref<10000x128xf32, #tpu.memory_space<vmem_shared>>)
          tpu.yield
        }) : () -> ()
        %broadcast_in_dim3A = arith.constant 1.000000e+00 : f32
        %broadcast_in_dim3A_264 = vector.broadcast %broadcast_in_dim3A : f32 to vector<16xf32>
        %get3A = arith.constant 0 : index
        %get3A_265 = tpu.vector_load %arg17[%get3A] {strides = array<i32>} : memref<80xi32, #tpu.memory_space<vmem>>, vector<16xi32>,
        %broadcast_in_dim3A_266 = arith.constant 7 : i32
        %broadcast_in_dim3A_267 = vector.broadcast %broadcast_in_dim3A_266 : i32 to vector<16xi32>
        %shift_right_logical3A = arith.shrui %get3A_265, %broadcast_in_dim3A_267 : vector<16xi32>
        %broadcast_in_dim3A_268 = arith.constant 127 : i32
        %broadcast_in_dim3A_269 = vector.broadcast %broadcast_in_dim3A_268 : i32 to vector<16xi32>
        %and3A = arith.andi %get3A_265, %broadcast_in_dim3A_269 : vector<16xi32>
        tpu.vector_store_idx %arg38[%shift_right_logical3A, %and3A], %broadcast_in_dim3A_264 {add = true} : memref<80x128xf32, #tpu.memory_space<vmem>>[vector<16xi32>, vector<16xi32>], vector<16xf32>,
        %get3A_270 = arith.constant 16 : index
        %get3A_271 = tpu.vector_load %arg17[%get3A_270] {strides = array<i32>} : memref<80xi32, #tpu.memory_space<vmem>>, vector<16xi32>,
        %broadcast_in_dim3A_272 = arith.constant 7 : i32
        %broadcast_in_dim3A_273 = vector.broadcast %broadcast_in_dim3A_272 : i32 to vector<16xi32>
        %shift_right_logical3A_274 = arith.shrui %get3A_271, %broadcast_in_dim3A_273 : vector<16xi32>
        %broadcast_in_dim3A_275 = arith.constant 127 : i32
        %broadcast_in_dim3A_276 = vector.broadcast %broadcast_in_dim3A_275 : i32 to vector<16xi32>
        %and3A_277 = arith.andi %get3A_271, %broadcast_in_dim3A_276 : vector<16xi32>
        tpu.vector_store_idx %arg38[%shift_right_logical3A_274, %and3A_277], %broadcast_in_dim3A_264 {add = true} : memref<80x128xf32, #tpu.memory_space<vmem>>[vector<16xi32>, vector<16xi32>], vector<16xf32>,
        %get3A_278 = arith.constant 32 : index
        %get3A_279 = tpu.vector_load %arg17[%get3A_278] {strides = array<i32>} : memref<80xi32, #tpu.memory_space<vmem>>, vector<16xi32>,
        %broadcast_in_dim3A_280 = arith.constant 7 : i32
        %broadcast_in_dim3A_281 = vector.broadcast %broadcast_in_dim3A_280 : i32 to vector<16xi32>
        %shift_right_logical3A_282 = arith.shrui %get3A_279, %broadcast_in_dim3A_281 : vector<16xi32>
        %broadcast_in_dim3A_283 = arith.constant 127 : i32
        %broadcast_in_dim3A_284 = vector.broadcast %broadcast_in_dim3A_283 : i32 to vector<16xi32>
        %and3A_285 = arith.andi %get3A_279, %broadcast_in_dim3A_284 : vector<16xi32>
        tpu.vector_store_idx %arg38[%shift_right_logical3A_282, %and3A_285], %broadcast_in_dim3A_264 {add = true} : memref<80x128xf32, #tpu.memory_space<vmem>>[vector<16xi32>, vector<16xi32>], vector<16xf32>,
        %get3A_286 = arith.constant 48 : index
        %get3A_287 = tpu.vector_load %arg17[%get3A_286] {strides = array<i32>} : memref<80xi32, #tpu.memory_space<vmem>>, vector<16xi32>,
        %broadcast_in_dim3A_288 = arith.constant 7 : i32
        %broadcast_in_dim3A_289 = vector.broadcast %broadcast_in_dim3A_288 : i32 to vector<16xi32>
        %shift_right_logical3A_290 = arith.shrui %get3A_287, %broadcast_in_dim3A_289 : vector<16xi32>
        %broadcast_in_dim3A_291 = arith.constant 127 : i32
        %broadcast_in_dim3A_292 = vector.broadcast %broadcast_in_dim3A_291 : i32 to vector<16xi32>
        %and3A_293 = arith.andi %get3A_287, %broadcast_in_dim3A_292 : vector<16xi32>
        tpu.vector_store_idx %arg38[%shift_right_logical3A_290, %and3A_293], %broadcast_in_dim3A_264 {add = true} : memref<80x128xf32, #tpu.memory_space<vmem>>[vector<16xi32>, vector<16xi32>], vector<16xf32>,
        %get3A_294 = arith.constant 64 : index
        %get3A_295 = tpu.vector_load %arg17[%get3A_294] {strides = array<i32>} : memref<80xi32, #tpu.memory_space<vmem>>, vector<16xi32>,
        %broadcast_in_dim3A_296 = arith.constant 7 : i32
        %broadcast_in_dim3A_297 = vector.broadcast %broadcast_in_dim3A_296 : i32 to vector<16xi32>
        %shift_right_logical3A_298 = arith.shrui %get3A_295, %broadcast_in_dim3A_297 : vector<16xi32>
        %broadcast_in_dim3A_299 = arith.constant 127 : i32
        %broadcast_in_dim3A_300 = vector.broadcast %broadcast_in_dim3A_299 : i32 to vector<16xi32>
        %and3A_301 = arith.andi %get3A_295, %broadcast_in_dim3A_300 : vector<16xi32>
        tpu.vector_store_idx %arg38[%shift_right_logical3A_298, %and3A_301], %broadcast_in_dim3A_264 {add = true} : memref<80x128xf32, #tpu.memory_space<vmem>>[vector<16xi32>, vector<16xi32>], vector<16xf32>,
      } else {
      }
      %add3A_221 = arith.constant 3 : i32
      %add3A_222 = arith.addi %add3A_215, %add3A_221 : i32
      %lt3A_223 = arith.constant 250 : i32
      %lt3A_224 = arith.cmpi slt, %add3A_222, %lt3A_223 : i32
      %convert_element_type3A_225 = arith.extui %lt3A_224 : i1 to i32
      %cond3A_226 = arith.constant 0 : i32
      %cond3A_227 = arith.cmpi ne, %convert_element_type3A_225, %cond3A_226 : i32
      scf.if %cond3A_227 {
        %dma_wait3A_258 = arith.constant 0 : i32
        %dma_wait3A_259 = tpu.memref_slice %arg4[%dma_wait3A_258] : memref<640000xi32, #tpu.memory_space<hbm>> -> memref<80xi32, #tpu.memory_space<hbm>>
        %dma_wait3A_260 = arith.constant 0 : i32
        %dma_wait3A_261 = tpu.memref_slice %arg4[%dma_wait3A_260] : memref<640000xi32, #tpu.memory_space<hbm>> -> memref<80xi32, #tpu.memory_space<hbm>>
        tpu.wait_dma2 semaphore(%arg27 : memref<!tpu.dma_semaphore, #tpu.memory_space<semaphore_mem>>) src(%dma_wait3A_261 : memref<80xi32, #tpu.memory_space<hbm>>) dst(%arg8 : memref<80xi32, #tpu.memory_space<vmem>>)
        %dma_wait3A_262 = arith.constant 0 : i32
        %dma_wait3A_263 = tpu.memref_slice %arg4[%dma_wait3A_262] : memref<640000xi32, #tpu.memory_space<hbm>> -> memref<80xi32, #tpu.memory_space<hbm>>
        %dma_wait3A_264 = arith.constant 0 : i32
        %dma_wait3A_265 = tpu.memref_slice %arg4[%dma_wait3A_264] : memref<640000xi32, #tpu.memory_space<hbm>> -> memref<80xi32, #tpu.memory_space<hbm>>
        tpu.wait_dma2 semaphore(%arg33 : memref<!tpu.dma_semaphore, #tpu.memory_space<semaphore_mem>>) src(%dma_wait3A_265 : memref<80xi32, #tpu.memory_space<hbm>>) dst(%arg14 : memref<80xi32, #tpu.memory_space<vmem>>)
        %dma_start3A_266 = arith.constant 0 : i32
        %dma_start3A_267 = arith.constant 0 : i32
        %dma_start3A_268 = tpu.memref_slice %arg2[%dma_start3A_266, %dma_start3A_267] : memref<10000x128xf32, #tpu.memory_space<hbm>> -> memref<10000x128xf32, #tpu.memory_space<hbm>>
        tpu.enqueue_indirect_dma source(%dma_start3A_268 : memref<10000x128xf32, #tpu.memory_space<hbm>>) target(%arg20 : memref<80x128xf32, #tpu.memory_space<vmem>>) offsets(%arg8 : memref<80xi32, #tpu.memory_space<vmem>>) semaphore(%arg24 : memref<!tpu.dma_semaphore, #tpu.memory_space<semaphore_mem>>)
      } else {
      }
      %add3A_228 = arith.constant 6 : i32
      %add3A_229 = arith.addi %add3A_215, %add3A_228 : i32
      %lt3A_230 = arith.constant 250 : i32
      %lt3A_231 = arith.cmpi slt, %add3A_229, %lt3A_230 : i32
      %convert_element_type3A_232 = arith.extui %lt3A_231 : i1 to i32
      %cond3A_233 = arith.constant 0 : i32
      %cond3A_234 = arith.cmpi ne, %convert_element_type3A_232, %cond3A_233 : i32
      scf.if %cond3A_234 {
        %add3A_258 = arith.constant 6 : i32
        %add3A_259 = arith.addi %add3A_215, %add3A_258 : i32
        %mul3A_260 = arith.constant 80 : i32
        %mul3A_261 = arith.muli %add3A_259, %mul3A_260 : i32
        %add3A_262 = arith.addi %add3A, %mul3A_261 : i32
        %dma_start3A_263 = tpu.memref_slice %arg4[%add3A_262] : memref<640000xi32, #tpu.memory_space<hbm>> -> memref<80xi32, #tpu.memory_space<hbm>>
        %dma_start3A_264 = tpu.memref_slice %arg4[%add3A_262] : memref<640000xi32, #tpu.memory_space<hbm>> -> memref<80xi32, #tpu.memory_space<hbm>>
        tpu.enqueue_dma source(%dma_start3A_264 : memref<80xi32, #tpu.memory_space<hbm>>) target(%arg11 : memref<80xi32, #tpu.memory_space<vmem>>) target_semaphore(%arg30 : memref<!tpu.dma_semaphore, #tpu.memory_space<semaphore_mem>>)
        %mul3A_265 = arith.constant 80 : i32
        %mul3A_266 = arith.muli %add3A_259, %mul3A_265 : i32
        %add3A_267 = arith.addi %add3A_19, %mul3A_266 : i32
        %dma_start3A_268 = tpu.memref_slice %arg4[%add3A_267] : memref<640000xi32, #tpu.memory_space<hbm>> -> memref<80xi32, #tpu.memory_space<hbm>>
        %dma_start3A_269 = tpu.memref_slice %arg4[%add3A_267] : memref<640000xi32, #tpu.memory_space<hbm>> -> memref<80xi32, #tpu.memory_space<hbm>>
        tpu.enqueue_dma source(%dma_start3A_269 : memref<80xi32, #tpu.memory_space<hbm>>) target(%arg17 : memref<80xi32, #tpu.memory_space<vmem>>) target_semaphore(%arg36 : memref<!tpu.dma_semaphore, #tpu.memory_space<semaphore_mem>>)
      } else {
      }
      %mul3A_235 = arith.constant 6 : i32
      %mul3A_236 = arith.muli %add3A_120, %mul3A_235 : i32
      %add3A_237 = arith.constant 5 : i32
      %add3A_238 = arith.addi %mul3A_236, %add3A_237 : i32
      %lt3A_239 = arith.constant 250 : i32
      %lt3A_240 = arith.cmpi slt, %add3A_238, %lt3A_239 : i32
      %convert_element_type3A_241 = arith.extui %lt3A_240 : i1 to i32
      %cond3A_242 = arith.constant 0 : i32
      %cond3A_243 = arith.cmpi ne, %convert_element_type3A_241, %cond3A_242 : i32
      scf.if %cond3A_243 {
        %dma_wait3A_258 = arith.constant 0 : i32
        %dma_wait3A_259 = arith.constant 0 : i32
        %dma_wait3A_260 = tpu.memref_slice %arg2[%dma_wait3A_258, %dma_wait3A_259] : memref<10000x128xf32, #tpu.memory_space<hbm>> -> memref<80x128xf32, #tpu.memory_space<hbm>>
        %dma_wait3A_261 = arith.constant 0 : i32
        %dma_wait3A_262 = arith.constant 0 : i32
        %dma_wait3A_263 = tpu.memref_slice %arg2[%dma_wait3A_261, %dma_wait3A_262] : memref<10000x128xf32, #tpu.memory_space<hbm>> -> memref<80x128xf32, #tpu.memory_space<hbm>>
        tpu.wait_dma2 semaphore(%arg25 : memref<!tpu.dma_semaphore, #tpu.memory_space<semaphore_mem>>) src(%dma_wait3A_263 : memref<80x128xf32, #tpu.memory_space<hbm>>) dst(%arg21 : memref<80x128xf32, #tpu.memory_space<vmem>>)
        "tpu.region"() ({
          %run_scoped3A = tpu.sem_alloc : memref<!tpu.dma_semaphore, #tpu.memory_space<semaphore_mem>>
          %dma_start3A_302 = arith.constant 0 : i32
          %dma_start3A_303 = arith.constant 0 : i32
          %dma_start3A_304 = tpu.memref_slice %arg22[%dma_start3A_302, %dma_start3A_303] : memref<10000x128xf32, #tpu.memory_space<vmem_shared>> -> memref<10000x128xf32, #tpu.memory_space<vmem_shared>>
          tpu.enqueue_indirect_dma source(%arg21 : memref<80x128xf32, #tpu.memory_space<vmem>>) target(%dma_start3A_304 : memref<10000x128xf32, #tpu.memory_space<vmem_shared>>) offsets(%arg18 : memref<80xi32, #tpu.memory_space<vmem>>) semaphore(%run_scoped3A : memref<!tpu.dma_semaphore, #tpu.memory_space<semaphore_mem>>) {add = true}
          %dma_wait3A_305 = arith.constant 0 : i32
          %dma_wait3A_306 = arith.constant 0 : i32
          %dma_wait3A_307 = tpu.memref_slice %arg22[%dma_wait3A_305, %dma_wait3A_306] : memref<10000x128xf32, #tpu.memory_space<vmem_shared>> -> memref<10000x128xf32, #tpu.memory_space<vmem_shared>>
          tpu.wait_indirect_dma semaphore(%run_scoped3A : memref<!tpu.dma_semaphore, #tpu.memory_space<semaphore_mem>>) src(%arg21 : memref<80x128xf32, #tpu.memory_space<vmem>>) dst(%dma_wait3A_307 : memref<10000x128xf32, #tpu.memory_space<vmem_shared>>)
          tpu.yield
        }) : () -> ()
        %broadcast_in_dim3A = arith.constant 1.000000e+00 : f32
        %broadcast_in_dim3A_264 = vector.broadcast %broadcast_in_dim3A : f32 to vector<16xf32>
        %get3A = arith.constant 0 : index
        %get3A_265 = tpu.vector_load %arg18[%get3A] {strides = array<i32>} : memref<80xi32, #tpu.memory_space<vmem>>, vector<16xi32>,
        %broadcast_in_dim3A_266 = arith.constant 7 : i32
        %broadcast_in_dim3A_267 = vector.broadcast %broadcast_in_dim3A_266 : i32 to vector<16xi32>
        %shift_right_logical3A = arith.shrui %get3A_265, %broadcast_in_dim3A_267 : vector<16xi32>
        %broadcast_in_dim3A_268 = arith.constant 127 : i32
        %broadcast_in_dim3A_269 = vector.broadcast %broadcast_in_dim3A_268 : i32 to vector<16xi32>
        %and3A = arith.andi %get3A_265, %broadcast_in_dim3A_269 : vector<16xi32>
        tpu.vector_store_idx %arg38[%shift_right_logical3A, %and3A], %broadcast_in_dim3A_264 {add = true} : memref<80x128xf32, #tpu.memory_space<vmem>>[vector<16xi32>, vector<16xi32>], vector<16xf32>,
        %get3A_270 = arith.constant 16 : index
        %get3A_271 = tpu.vector_load %arg18[%get3A_270] {strides = array<i32>} : memref<80xi32, #tpu.memory_space<vmem>>, vector<16xi32>,
        %broadcast_in_dim3A_272 = arith.constant 7 : i32
        %broadcast_in_dim3A_273 = vector.broadcast %broadcast_in_dim3A_272 : i32 to vector<16xi32>
        %shift_right_logical3A_274 = arith.shrui %get3A_271, %broadcast_in_dim3A_273 : vector<16xi32>
        %broadcast_in_dim3A_275 = arith.constant 127 : i32
        %broadcast_in_dim3A_276 = vector.broadcast %broadcast_in_dim3A_275 : i32 to vector<16xi32>
        %and3A_277 = arith.andi %get3A_271, %broadcast_in_dim3A_276 : vector<16xi32>
        tpu.vector_store_idx %arg38[%shift_right_logical3A_274, %and3A_277], %broadcast_in_dim3A_264 {add = true} : memref<80x128xf32, #tpu.memory_space<vmem>>[vector<16xi32>, vector<16xi32>], vector<16xf32>,
        %get3A_278 = arith.constant 32 : index
        %get3A_279 = tpu.vector_load %arg18[%get3A_278] {strides = array<i32>} : memref<80xi32, #tpu.memory_space<vmem>>, vector<16xi32>,
        %broadcast_in_dim3A_280 = arith.constant 7 : i32
        %broadcast_in_dim3A_281 = vector.broadcast %broadcast_in_dim3A_280 : i32 to vector<16xi32>
        %shift_right_logical3A_282 = arith.shrui %get3A_279, %broadcast_in_dim3A_281 : vector<16xi32>
        %broadcast_in_dim3A_283 = arith.constant 127 : i32
        %broadcast_in_dim3A_284 = vector.broadcast %broadcast_in_dim3A_283 : i32 to vector<16xi32>
        %and3A_285 = arith.andi %get3A_279, %broadcast_in_dim3A_284 : vector<16xi32>
        tpu.vector_store_idx %arg38[%shift_right_logical3A_282, %and3A_285], %broadcast_in_dim3A_264 {add = true} : memref<80x128xf32, #tpu.memory_space<vmem>>[vector<16xi32>, vector<16xi32>], vector<16xf32>,
        %get3A_286 = arith.constant 48 : index
        %get3A_287 = tpu.vector_load %arg18[%get3A_286] {strides = array<i32>} : memref<80xi32, #tpu.memory_space<vmem>>, vector<16xi32>,
        %broadcast_in_dim3A_288 = arith.constant 7 : i32
        %broadcast_in_dim3A_289 = vector.broadcast %broadcast_in_dim3A_288 : i32 to vector<16xi32>
        %shift_right_logical3A_290 = arith.shrui %get3A_287, %broadcast_in_dim3A_289 : vector<16xi32>
        %broadcast_in_dim3A_291 = arith.constant 127 : i32
        %broadcast_in_dim3A_292 = vector.broadcast %broadcast_in_dim3A_291 : i32 to vector<16xi32>
        %and3A_293 = arith.andi %get3A_287, %broadcast_in_dim3A_292 : vector<16xi32>
        tpu.vector_store_idx %arg38[%shift_right_logical3A_290, %and3A_293], %broadcast_in_dim3A_264 {add = true} : memref<80x128xf32, #tpu.memory_space<vmem>>[vector<16xi32>, vector<16xi32>], vector<16xf32>,
        %get3A_294 = arith.constant 64 : index
        %get3A_295 = tpu.vector_load %arg18[%get3A_294] {strides = array<i32>} : memref<80xi32, #tpu.memory_space<vmem>>, vector<16xi32>,
        %broadcast_in_dim3A_296 = arith.constant 7 : i32
        %broadcast_in_dim3A_297 = vector.broadcast %broadcast_in_dim3A_296 : i32 to vector<16xi32>
        %shift_right_logical3A_298 = arith.shrui %get3A_295, %broadcast_in_dim3A_297 : vector<16xi32>
        %broadcast_in_dim3A_299 = arith.constant 127 : i32
        %broadcast_in_dim3A_300 = vector.broadcast %broadcast_in_dim3A_299 : i32 to vector<16xi32>
        %and3A_301 = arith.andi %get3A_295, %broadcast_in_dim3A_300 : vector<16xi32>
        tpu.vector_store_idx %arg38[%shift_right_logical3A_298, %and3A_301], %broadcast_in_dim3A_264 {add = true} : memref<80x128xf32, #tpu.memory_space<vmem>>[vector<16xi32>, vector<16xi32>], vector<16xf32>,
      } else {
      }
      %add3A_244 = arith.constant 3 : i32
      %add3A_245 = arith.addi %add3A_238, %add3A_244 : i32
      %lt3A_246 = arith.constant 250 : i32
      %lt3A_247 = arith.cmpi slt, %add3A_245, %lt3A_246 : i32
      %convert_element_type3A_248 = arith.extui %lt3A_247 : i1 to i32
      %cond3A_249 = arith.constant 0 : i32
      %cond3A_250 = arith.cmpi ne, %convert_element_type3A_248, %cond3A_249 : i32
      scf.if %cond3A_250 {
        %dma_wait3A_258 = arith.constant 0 : i32
        %dma_wait3A_259 = tpu.memref_slice %arg4[%dma_wait3A_258] : memref<640000xi32, #tpu.memory_space<hbm>> -> memref<80xi32, #tpu.memory_space<hbm>>
        %dma_wait3A_260 = arith.constant 0 : i32
        %dma_wait3A_261 = tpu.memref_slice %arg4[%dma_wait3A_260] : memref<640000xi32, #tpu.memory_space<hbm>> -> memref<80xi32, #tpu.memory_space<hbm>>
        tpu.wait_dma2 semaphore(%arg28 : memref<!tpu.dma_semaphore, #tpu.memory_space<semaphore_mem>>) src(%dma_wait3A_261 : memref<80xi32, #tpu.memory_space<hbm>>) dst(%arg9 : memref<80xi32, #tpu.memory_space<vmem>>)
        %dma_wait3A_262 = arith.constant 0 : i32
        %dma_wait3A_263 = tpu.memref_slice %arg4[%dma_wait3A_262] : memref<640000xi32, #tpu.memory_space<hbm>> -> memref<80xi32, #tpu.memory_space<hbm>>
        %dma_wait3A_264 = arith.constant 0 : i32
        %dma_wait3A_265 = tpu.memref_slice %arg4[%dma_wait3A_264] : memref<640000xi32, #tpu.memory_space<hbm>> -> memref<80xi32, #tpu.memory_space<hbm>>
        tpu.wait_dma2 semaphore(%arg34 : memref<!tpu.dma_semaphore, #tpu.memory_space<semaphore_mem>>) src(%dma_wait3A_265 : memref<80xi32, #tpu.memory_space<hbm>>) dst(%arg15 : memref<80xi32, #tpu.memory_space<vmem>>)
        %dma_start3A_266 = arith.constant 0 : i32
        %dma_start3A_267 = arith.constant 0 : i32
        %dma_start3A_268 = tpu.memref_slice %arg2[%dma_start3A_266, %dma_start3A_267] : memref<10000x128xf32, #tpu.memory_space<hbm>> -> memref<10000x128xf32, #tpu.memory_space<hbm>>
        tpu.enqueue_indirect_dma source(%dma_start3A_268 : memref<10000x128xf32, #tpu.memory_space<hbm>>) target(%arg21 : memref<80x128xf32, #tpu.memory_space<vmem>>) offsets(%arg9 : memref<80xi32, #tpu.memory_space<vmem>>) semaphore(%arg25 : memref<!tpu.dma_semaphore, #tpu.memory_space<semaphore_mem>>)
      } else {
      }
      %add3A_251 = arith.constant 6 : i32
      %add3A_252 = arith.addi %add3A_238, %add3A_251 : i32
      %lt3A_253 = arith.constant 250 : i32
      %lt3A_254 = arith.cmpi slt, %add3A_252, %lt3A_253 : i32
      %convert_element_type3A_255 = arith.extui %lt3A_254 : i1 to i32
      %cond3A_256 = arith.constant 0 : i32
      %cond3A_257 = arith.cmpi ne, %convert_element_type3A_255, %cond3A_256 : i32
      scf.if %cond3A_257 {
        %add3A_258 = arith.constant 6 : i32
        %add3A_259 = arith.addi %add3A_238, %add3A_258 : i32
        %mul3A_260 = arith.constant 80 : i32
        %mul3A_261 = arith.muli %add3A_259, %mul3A_260 : i32
        %add3A_262 = arith.addi %add3A, %mul3A_261 : i32
        %dma_start3A_263 = tpu.memref_slice %arg4[%add3A_262] : memref<640000xi32, #tpu.memory_space<hbm>> -> memref<80xi32, #tpu.memory_space<hbm>>
        %dma_start3A_264 = tpu.memref_slice %arg4[%add3A_262] : memref<640000xi32, #tpu.memory_space<hbm>> -> memref<80xi32, #tpu.memory_space<hbm>>
        tpu.enqueue_dma source(%dma_start3A_264 : memref<80xi32, #tpu.memory_space<hbm>>) target(%arg12 : memref<80xi32, #tpu.memory_space<vmem>>) target_semaphore(%arg31 : memref<!tpu.dma_semaphore, #tpu.memory_space<semaphore_mem>>)
        %mul3A_265 = arith.constant 80 : i32
        %mul3A_266 = arith.muli %add3A_259, %mul3A_265 : i32
        %add3A_267 = arith.addi %add3A_19, %mul3A_266 : i32
        %dma_start3A_268 = tpu.memref_slice %arg4[%add3A_267] : memref<640000xi32, #tpu.memory_space<hbm>> -> memref<80xi32, #tpu.memory_space<hbm>>
        %dma_start3A_269 = tpu.memref_slice %arg4[%add3A_267] : memref<640000xi32, #tpu.memory_space<hbm>> -> memref<80xi32, #tpu.memory_space<hbm>>
        tpu.enqueue_dma source(%dma_start3A_269 : memref<80xi32, #tpu.memory_space<hbm>>) target(%arg18 : memref<80xi32, #tpu.memory_space<vmem>>) target_semaphore(%arg37 : memref<!tpu.dma_semaphore, #tpu.memory_space<semaphore_mem>>)
      } else {
      }
    }
    %scan3A_103 = arith.constant 42 : i32
    %barrier3A_104 = arith.constant 0 : index
    tpu.barrier barrier_id(%barrier3A_104)
    %scan3A_105 = arith.constant 0 : i32
    %scan3A_106 = arith.constant 8 : i32
    %scan3A_107 = arith.addi %scan3A_105, %scan3A_106 : i32
    %scan3A_108 = arith.constant 1 : i32
    scf.for %scan3A_116 = %scan3A_105 to %scan3A_107 step %scan3A_108  : i32 {
      %mul3A_117 = arith.constant 1 : i32
      %mul3A_118 = arith.muli %scan3A_116, %mul3A_117 : i32
      %add3A_119 = arith.constant 0 : i32
      %add3A_120 = arith.addi %add3A_119, %mul3A_118 : i32
      %mul3A_121 = arith.constant 16 : i32
      %mul3A_122 = arith.muli %add3A_120, %mul3A_121 : i32
      %add3A_123 = arith.addi %arg1, %mul3A_122 : i32
      %lt3A = arith.constant 125 : i32
      %lt3A_124 = arith.cmpi slt, %add3A_123, %lt3A : i32
      %convert_element_type3A_125 = arith.extui %lt3A_124 : i1 to i32
      %cond3A_126 = arith.constant 0 : i32
      %cond3A_127 = arith.cmpi ne, %convert_element_type3A_125, %cond3A_126 : i32
      scf.if %cond3A_127 {
        %mul3A_128 = arith.constant 80 : i32
        %mul3A_129 = arith.muli %add3A_123, %mul3A_128 : i32
        "tpu.region"() ({
          %run_scoped3A = tpu.sem_alloc : memref<!tpu.dma_semaphore, #tpu.memory_space<semaphore_mem>>
          %dma_start3A_133 = arith.constant 0 : i32
          %dma_start3A_134 = tpu.memref_slice %arg22[%mul3A_129, %dma_start3A_133] : memref<10000x128xf32, #tpu.memory_space<vmem_shared>> -> memref<80x128xf32, #tpu.memory_space<vmem_shared>>
          %dma_start3A_135 = arith.constant 0 : i32
          %dma_start3A_136 = tpu.memref_slice %arg22[%mul3A_129, %dma_start3A_135] : memref<10000x128xf32, #tpu.memory_space<vmem_shared>> -> memref<80x128xf32, #tpu.memory_space<vmem_shared>>
          tpu.enqueue_dma source(%dma_start3A_136 : memref<80x128xf32, #tpu.memory_space<vmem_shared>>) target(%arg20 : memref<80x128xf32, #tpu.memory_space<vmem>>) target_semaphore(%run_scoped3A : memref<!tpu.dma_semaphore, #tpu.memory_space<semaphore_mem>>)
          %dma_wait3A_137 = arith.constant 0 : i32
          %dma_wait3A_138 = tpu.memref_slice %arg22[%mul3A_129, %dma_wait3A_137] : memref<10000x128xf32, #tpu.memory_space<vmem_shared>> -> memref<80x128xf32, #tpu.memory_space<vmem_shared>>
          %dma_wait3A_139 = arith.constant 0 : i32
          %dma_wait3A_140 = tpu.memref_slice %arg22[%mul3A_129, %dma_wait3A_139] : memref<10000x128xf32, #tpu.memory_space<vmem_shared>> -> memref<80x128xf32, #tpu.memory_space<vmem_shared>>
          tpu.wait_dma2 semaphore(%run_scoped3A : memref<!tpu.dma_semaphore, #tpu.memory_space<semaphore_mem>>) src(%dma_wait3A_140 : memref<80x128xf32, #tpu.memory_space<vmem_shared>>) dst(%arg20 : memref<80x128xf32, #tpu.memory_space<vmem>>)
          tpu.yield
        }) : () -> ()
        %mul3A_130 = arith.constant 10000 : i32
        %mul3A_131 = arith.muli %arg0, %mul3A_130 : i32
        %add3A_132 = arith.addi %mul3A_131, %mul3A_129 : i32
        "tpu.region"() ({
          %run_scoped3A = tpu.sem_alloc : memref<!tpu.dma_semaphore, #tpu.memory_space<semaphore_mem>>
          %dma_start3A_133 = arith.constant 0 : i32
          %dma_start3A_134 = tpu.memref_slice %arg5[%add3A_132, %dma_start3A_133] : memref<20000x128xf32, #tpu.memory_space<hbm>> -> memref<80x128xf32, #tpu.memory_space<hbm>>
          %dma_start3A_135 = arith.constant 0 : i32
          %dma_start3A_136 = tpu.memref_slice %arg5[%add3A_132, %dma_start3A_135] : memref<20000x128xf32, #tpu.memory_space<hbm>> -> memref<80x128xf32, #tpu.memory_space<hbm>>
          tpu.enqueue_dma source(%arg20 : memref<80x128xf32, #tpu.memory_space<vmem>>) target(%dma_start3A_136 : memref<80x128xf32, #tpu.memory_space<hbm>>) target_semaphore(%run_scoped3A : memref<!tpu.dma_semaphore, #tpu.memory_space<semaphore_mem>>)
          %dma_wait3A_137 = arith.constant 0 : i32
          %dma_wait3A_138 = tpu.memref_slice %arg5[%add3A_132, %dma_wait3A_137] : memref<20000x128xf32, #tpu.memory_space<hbm>> -> memref<80x128xf32, #tpu.memory_space<hbm>>
          %dma_wait3A_139 = arith.constant 0 : i32
          %dma_wait3A_140 = tpu.memref_slice %arg5[%add3A_132, %dma_wait3A_139] : memref<20000x128xf32, #tpu.memory_space<hbm>> -> memref<80x128xf32, #tpu.memory_space<hbm>>
          tpu.wait_dma2 semaphore(%run_scoped3A : memref<!tpu.dma_semaphore, #tpu.memory_space<semaphore_mem>>) src(%arg20 : memref<80x128xf32, #tpu.memory_space<vmem>>) dst(%dma_wait3A_140 : memref<80x128xf32, #tpu.memory_space<hbm>>)
          tpu.yield
        }) : () -> ()
      } else {
      }
    }
    %scan3A_109 = arith.constant 8 : i32
    "tpu.region"() ({
      %run_scoped3A = tpu.sem_alloc : memref<!tpu.dma_semaphore, #tpu.memory_space<semaphore_mem>>
      %dma_start3A_116 = arith.constant 0 : i32
      %dma_start3A_117 = arith.constant 0 : i32
      %dma_start3A_118 = tpu.memref_slice %arg40[%dma_start3A_116, %dma_start3A_117] : memref<80x128xf32, #tpu.memory_space<vmem_shared>> -> memref<80x128xf32, #tpu.memory_space<vmem_shared>>
      tpu.enqueue_indirect_dma source(%arg38 : memref<80x128xf32, #tpu.memory_space<vmem>>) target(%dma_start3A_118 : memref<80x128xf32, #tpu.memory_space<vmem_shared>>) offsets(%arg39 : memref<80xi32, #tpu.memory_space<vmem>>) semaphore(%run_scoped3A : memref<!tpu.dma_semaphore, #tpu.memory_space<semaphore_mem>>) {add = true}
      %dma_wait3A_119 = arith.constant 0 : i32
      %dma_wait3A_120 = arith.constant 0 : i32
      %dma_wait3A_121 = tpu.memref_slice %arg40[%dma_wait3A_119, %dma_wait3A_120] : memref<80x128xf32, #tpu.memory_space<vmem_shared>> -> memref<80x128xf32, #tpu.memory_space<vmem_shared>>
      tpu.wait_indirect_dma semaphore(%run_scoped3A : memref<!tpu.dma_semaphore, #tpu.memory_space<semaphore_mem>>) src(%arg38 : memref<80x128xf32, #tpu.memory_space<vmem>>) dst(%dma_wait3A_121 : memref<80x128xf32, #tpu.memory_space<vmem_shared>>)
      tpu.yield
    }) : () -> ()
    %barrier3A_110 = arith.constant 0 : index
    tpu.barrier barrier_id(%barrier3A_110)
    %eq3A_111 = arith.constant 0 : i32
    %eq3A_112 = arith.cmpi eq, %arg1, %eq3A_111 : i32
    %convert_element_type3A_113 = arith.extui %eq3A_112 : i1 to i32
    %cond3A_114 = arith.constant 0 : i32
    %cond3A_115 = arith.cmpi ne, %convert_element_type3A_113, %cond3A_114 : i32
    scf.if %cond3A_115 {
      "tpu.region"() ({
        %run_scoped3A = tpu.sem_alloc : memref<!tpu.dma_semaphore, #tpu.memory_space<semaphore_mem>>
        tpu.enqueue_dma source(%arg40 : memref<80x128xf32, #tpu.memory_space<vmem_shared>>) target(%arg20 : memref<80x128xf32, #tpu.memory_space<vmem>>) target_semaphore(%run_scoped3A : memref<!tpu.dma_semaphore, #tpu.memory_space<semaphore_mem>>)
        tpu.wait_dma2 semaphore(%run_scoped3A : memref<!tpu.dma_semaphore, #tpu.memory_space<semaphore_mem>>) src(%arg40 : memref<80x128xf32, #tpu.memory_space<vmem_shared>>) dst(%arg20 : memref<80x128xf32, #tpu.memory_space<vmem>>)
        tpu.yield
      }) : () -> ()
      %mul3A_116 = arith.constant 80 : i32
      %mul3A_117 = arith.muli %arg0, %mul3A_116 : i32
      "tpu.region"() ({
        %run_scoped3A = tpu.sem_alloc : memref<!tpu.dma_semaphore, #tpu.memory_space<semaphore_mem>>
        %dma_start3A_118 = arith.constant 0 : i32
        %dma_start3A_119 = tpu.memref_slice %arg6[%mul3A_117, %dma_start3A_118] : memref<160x128xf32, #tpu.memory_space<hbm>> -> memref<80x128xf32, #tpu.memory_space<hbm>>
        %dma_start3A_120 = arith.constant 0 : i32
        %dma_start3A_121 = tpu.memref_slice %arg6[%mul3A_117, %dma_start3A_120] : memref<160x128xf32, #tpu.memory_space<hbm>> -> memref<80x128xf32, #tpu.memory_space<hbm>>
        tpu.enqueue_dma source(%arg20 : memref<80x128xf32, #tpu.memory_space<vmem>>) target(%dma_start3A_121 : memref<80x128xf32, #tpu.memory_space<hbm>>) target_semaphore(%run_scoped3A : memref<!tpu.dma_semaphore, #tpu.memory_space<semaphore_mem>>)
        %dma_wait3A_122 = arith.constant 0 : i32
        %dma_wait3A_123 = tpu.memref_slice %arg6[%mul3A_117, %dma_wait3A_122] : memref<160x128xf32, #tpu.memory_space<hbm>> -> memref<80x128xf32, #tpu.memory_space<hbm>>
        %dma_wait3A_124 = arith.constant 0 : i32
        %dma_wait3A_125 = tpu.memref_slice %arg6[%mul3A_117, %dma_wait3A_124] : memref<160x128xf32, #tpu.memory_space<hbm>> -> memref<80x128xf32, #tpu.memory_space<hbm>>
        tpu.wait_dma2 semaphore(%run_scoped3A : memref<!tpu.dma_semaphore, #tpu.memory_space<semaphore_mem>>) src(%arg20 : memref<80x128xf32, #tpu.memory_space<vmem>>) dst(%dma_wait3A_125 : memref<80x128xf32, #tpu.memory_space<hbm>>)
        tpu.yield
      }) : () -> ()
    } else {
    }
    return
  }
}

module attributes {stable_mosaic.version = 14 : i64} {
  func.func @_layer_body(%arg0: i32, %arg1: memref<1000x128xf32, #tpu.memory_space<vmem>>, %arg2: memref<1000x128xf32, #tpu.memory_space<vmem>>, %arg3: memref<1000x1xf32, #tpu.memory_space<vmem>>, %arg4: memref<1000x1xf32, #tpu.memory_space<vmem>>, %arg5: memref<1000x128xf32, #tpu.memory_space<vmem>>, %arg6: memref<128x128xf32, #tpu.memory_space<vmem>>, %arg7: memref<128x128xf32, #tpu.memory_space<vmem>>, %arg8: memref<128x128xf32, #tpu.memory_space<vmem>>, %arg9: memref<1x128xf32, #tpu.memory_space<vmem>>, %arg10: memref<1000x128xf32, #tpu.memory_space<vmem>>) attributes {dimension_semantics = [#tpu.dimension_semantics<arbitrary>], iteration_bounds = array<i64: 10>, scalar_prefetch = 0 : i64, scratch_operands = 0 : i64, tpu.core_type = #tpu.core_type<tc>, window_params = [{transform_indices = @transform_0, window_bounds = array<i64: 1000, 128>}, {transform_indices = @transform_1, window_bounds = array<i64: 1000, 128>}, {transform_indices = @transform_2, window_bounds = array<i64: 1000, 1>}, {transform_indices = @transform_3, window_bounds = array<i64: 1000, 1>}, {transform_indices = @transform_4, window_bounds = array<i64: 1000, 128>}, {pipeline_mode = #tpu.pipeline_mode<synchronous>, transform_indices = @transform_5, window_bounds = array<i64: 128, 128>}, {pipeline_mode = #tpu.pipeline_mode<synchronous>, transform_indices = @transform_6, window_bounds = array<i64: 128, 128>}, {pipeline_mode = #tpu.pipeline_mode<synchronous>, transform_indices = @transform_7, window_bounds = array<i64: 128, 128>}, {pipeline_mode = #tpu.pipeline_mode<synchronous>, transform_indices = @transform_8, window_bounds = array<i64: 1, 128>}, {transform_indices = @transform_9, window_bounds = array<i64: 1000, 128>}]} {
    %get3A = arith.constant 0 : index
    %get3A_0 = arith.constant 0 : index
    %get3A_1 = vector.load %arg1[%get3A, %get3A_0] : memref<1000x128xf32, #tpu.memory_space<vmem>>, vector<1000x128xf32>
    %get3A_2 = arith.constant 0 : index
    %get3A_3 = arith.constant 0 : index
    %get3A_4 = vector.load %arg3[%get3A_2, %get3A_3] : memref<1000x1xf32, #tpu.memory_space<vmem>>, vector<1000x1xf32>
    %max3A = arith.constant 1.000000e+00 : f32
    %max3A_5 = vector.broadcast %max3A : f32 to vector<1000x1xf32>
    %max3A_6 = arith.maximumf %get3A_4, %max3A_5 : vector<1000x1xf32>
    %div3A = vector.broadcast %max3A_6 : vector<1000x1xf32> to vector<1000x128xf32>
    %div3A_7 = arith.divf %get3A_1, %div3A : vector<1000x128xf32>
    %get3A_8 = arith.constant 0 : index
    %get3A_9 = arith.constant 0 : index
    %get3A_10 = vector.load %arg2[%get3A_8, %get3A_9] : memref<1000x128xf32, #tpu.memory_space<vmem>>, vector<1000x128xf32>
    %get3A_11 = arith.constant 0 : index
    %get3A_12 = arith.constant 0 : index
    %get3A_13 = vector.load %arg4[%get3A_11, %get3A_12] : memref<1000x1xf32, #tpu.memory_space<vmem>>, vector<1000x1xf32>
    %max3A_14 = arith.constant 1.000000e+00 : f32
    %max3A_15 = vector.broadcast %max3A_14 : f32 to vector<1000x1xf32>
    %max3A_16 = arith.maximumf %get3A_13, %max3A_15 : vector<1000x1xf32>
    %div3A_17 = vector.broadcast %max3A_16 : vector<1000x1xf32> to vector<1000x128xf32>
    %div3A_18 = arith.divf %get3A_10, %div3A_17 : vector<1000x128xf32>
    %get3A_19 = arith.constant 0 : index
    %get3A_20 = arith.constant 0 : index
    %get3A_21 = vector.load %arg6[%get3A_19, %get3A_20] : memref<128x128xf32, #tpu.memory_space<vmem>>, vector<128x128xf32>
    %dot_general3A = arith.constant dense<0.000000e+00> : vector<1000x128xf32>
    %dot_general3A_22 = tpu.matmul %div3A_7, %get3A_21, %dot_general3A {dimension_numbers = #tpu.dot_dimension_numbers<[1], [0], [0], [1], [0, 0, 1, 1], [], []>, precision = #tpu.contract_precision<fp32>, transpose_lhs_hint = false} : vector<1000x128xf32>, vector<128x128xf32>, vector<1000x128xf32> -> vector<1000x128xf32>
    %get3A_23 = arith.constant 0 : index
    %get3A_24 = arith.constant 0 : index
    %get3A_25 = vector.load %arg7[%get3A_23, %get3A_24] : memref<128x128xf32, #tpu.memory_space<vmem>>, vector<128x128xf32>
    %dot_general3A_26 = arith.constant dense<0.000000e+00> : vector<1000x128xf32>
    %dot_general3A_27 = tpu.matmul %div3A_18, %get3A_25, %dot_general3A_26 {dimension_numbers = #tpu.dot_dimension_numbers<[1], [0], [0], [1], [0, 0, 1, 1], [], []>, precision = #tpu.contract_precision<fp32>, transpose_lhs_hint = false} : vector<1000x128xf32>, vector<128x128xf32>, vector<1000x128xf32> -> vector<1000x128xf32>
    %add3A = arith.addf %dot_general3A_22, %dot_general3A_27 : vector<1000x128xf32>
    %get3A_28 = arith.constant 0 : index
    %get3A_29 = arith.constant 0 : index
    %get3A_30 = vector.load %arg5[%get3A_28, %get3A_29] : memref<1000x128xf32, #tpu.memory_space<vmem>>, vector<1000x128xf32>
    %get3A_31 = arith.constant 0 : index
    %get3A_32 = arith.constant 0 : index
    %get3A_33 = vector.load %arg8[%get3A_31, %get3A_32] : memref<128x128xf32, #tpu.memory_space<vmem>>, vector<128x128xf32>
    %dot_general3A_34 = arith.constant dense<0.000000e+00> : vector<1000x128xf32>
    %dot_general3A_35 = tpu.matmul %get3A_30, %get3A_33, %dot_general3A_34 {dimension_numbers = #tpu.dot_dimension_numbers<[1], [0], [0], [1], [0, 0, 1, 1], [], []>, precision = #tpu.contract_precision<fp32>, transpose_lhs_hint = false} : vector<1000x128xf32>, vector<128x128xf32>, vector<1000x128xf32> -> vector<1000x128xf32>
    %add3A_36 = arith.addf %add3A, %dot_general3A_35 : vector<1000x128xf32>
    %get3A_37 = arith.constant 0 : index
    %get3A_38 = arith.constant 0 : index
    %get3A_39 = vector.load %arg9[%get3A_37, %get3A_38] : memref<1x128xf32, #tpu.memory_space<vmem>>, vector<1x128xf32>
    %add3A_40 = vector.broadcast %get3A_39 : vector<1x128xf32> to vector<1000x128xf32>
    %add3A_41 = arith.addf %add3A_36, %add3A_40 : vector<1000x128xf32>
    %max3A_42 = arith.constant 0.000000e+00 : f32
    %max3A_43 = vector.broadcast %max3A_42 : f32 to vector<1000x128xf32>
    %max3A_44 = arith.maximumf %add3A_41, %max3A_43 : vector<1000x128xf32>
    %swap3A = arith.constant 0 : index
    %swap3A_45 = arith.constant 0 : index
    %swap3A_46 = vector.load %arg10[%swap3A, %swap3A_45] : memref<1000x128xf32, #tpu.memory_space<vmem>>, vector<1000x128xf32>
    tpu.vector_store %arg10[%swap3A, %swap3A_45], %max3A_44 {strides = array<i32>} : memref<1000x128xf32, #tpu.memory_space<vmem>>, vector<1000x128xf32>,
    return
  }
  func.func @transform_0(%arg0: i32) -> (i32, i32) {
    %c0_i32 = arith.constant 0 : i32
    %c0_i32_0 = arith.constant 0 : i32
    return %arg0, %c0_i32 : i32, i32
  }
  func.func @transform_1(%arg0: i32) -> (i32, i32) {
    %add3A = arith.constant 10 : i32
    %add3A_0 = arith.addi %arg0, %add3A : i32
    %c0_i32 = arith.constant 0 : i32
    %c0_i32_1 = arith.constant 0 : i32
    return %add3A_0, %c0_i32 : i32, i32
  }
  func.func @transform_2(%arg0: i32) -> (i32, i32) {
    %c0_i32 = arith.constant 0 : i32
    %c0_i32_0 = arith.constant 0 : i32
    return %arg0, %c0_i32 : i32, i32
  }
  func.func @transform_3(%arg0: i32) -> (i32, i32) {
    %c0_i32 = arith.constant 0 : i32
    %c0_i32_0 = arith.constant 0 : i32
    return %arg0, %c0_i32 : i32, i32
  }
  func.func @transform_4(%arg0: i32) -> (i32, i32) {
    %c0_i32 = arith.constant 0 : i32
    %c0_i32_0 = arith.constant 0 : i32
    return %arg0, %c0_i32 : i32, i32
  }
  func.func @transform_5(%arg0: i32) -> (i32, i32) {
    %c0_i32 = arith.constant 0 : i32
    %c0_i32_0 = arith.constant 0 : i32
    %c0_i32_1 = arith.constant 0 : i32
    return %c0_i32, %c0_i32_0 : i32, i32
  }
  func.func @transform_6(%arg0: i32) -> (i32, i32) {
    %c0_i32 = arith.constant 0 : i32
    %c0_i32_0 = arith.constant 0 : i32
    %c0_i32_1 = arith.constant 0 : i32
    return %c0_i32, %c0_i32_0 : i32, i32
  }
  func.func @transform_7(%arg0: i32) -> (i32, i32) {
    %c0_i32 = arith.constant 0 : i32
    %c0_i32_0 = arith.constant 0 : i32
    %c0_i32_1 = arith.constant 0 : i32
    return %c0_i32, %c0_i32_0 : i32, i32
  }
  func.func @transform_8(%arg0: i32) -> (i32, i32) {
    %c0_i32 = arith.constant 0 : i32
    %c0_i32_0 = arith.constant 0 : i32
    %c0_i32_1 = arith.constant 0 : i32
    return %c0_i32, %c0_i32_0 : i32, i32
  }
  func.func @transform_9(%arg0: i32) -> (i32, i32) {
    %c0_i32 = arith.constant 0 : i32
    %c0_i32_0 = arith.constant 0 : i32
    return %arg0, %c0_i32 : i32, i32
  }
}

module attributes {stable_mosaic.version = 14 : i64} {
  func.func @_final_body(%arg0: i32, %arg1: memref<1000x128xf32, #tpu.memory_space<vmem>>, %arg2: memref<1000x128xf32, #tpu.memory_space<vmem>>, %arg3: memref<1000x1xf32, #tpu.memory_space<vmem>>, %arg4: memref<1000x1xf32, #tpu.memory_space<vmem>>, %arg5: memref<1000x128xf32, #tpu.memory_space<vmem>>, %arg6: memref<1000x1xi32, #tpu.memory_space<vmem>>, %arg7: memref<128x128xf32, #tpu.memory_space<vmem>>, %arg8: memref<128x128xf32, #tpu.memory_space<vmem>>, %arg9: memref<128x128xf32, #tpu.memory_space<vmem>>, %arg10: memref<1x128xf32, #tpu.memory_space<vmem>>, %arg11: memref<128x64xf32, #tpu.memory_space<vmem>>, %arg12: memref<1x64xf32, #tpu.memory_space<vmem>>, %arg13: memref<64x64xf32, #tpu.memory_space<vmem>>, %arg14: memref<64x128xf32, #tpu.memory_space<vmem>>, %arg15: memref<64x128xf32, #tpu.memory_space<vmem>>) attributes {dimension_semantics = [#tpu.dimension_semantics<arbitrary>], iteration_bounds = array<i64: 10>, scalar_prefetch = 0 : i64, scratch_operands = 2 : i64, tpu.core_type = #tpu.core_type<tc>, window_params = [{transform_indices = @transform_0, window_bounds = array<i64: 1000, 128>}, {transform_indices = @transform_1, window_bounds = array<i64: 1000, 128>}, {transform_indices = @transform_2, window_bounds = array<i64: 1000, 1>}, {transform_indices = @transform_3, window_bounds = array<i64: 1000, 1>}, {transform_indices = @transform_4, window_bounds = array<i64: 1000, 128>}, {transform_indices = @transform_5, window_bounds = array<i64: 1000, 1>}, {pipeline_mode = #tpu.pipeline_mode<synchronous>, transform_indices = @transform_6, window_bounds = array<i64: 128, 128>}, {pipeline_mode = #tpu.pipeline_mode<synchronous>, transform_indices = @transform_7, window_bounds = array<i64: 128, 128>}, {pipeline_mode = #tpu.pipeline_mode<synchronous>, transform_indices = @transform_8, window_bounds = array<i64: 128, 128>}, {pipeline_mode = #tpu.pipeline_mode<synchronous>, transform_indices = @transform_9, window_bounds = array<i64: 1, 128>}, {pipeline_mode = #tpu.pipeline_mode<synchronous>, transform_indices = @transform_10, window_bounds = array<i64: 128, 64>}, {pipeline_mode = #tpu.pipeline_mode<synchronous>, transform_indices = @transform_11, window_bounds = array<i64: 1, 64>}, {pipeline_mode = #tpu.pipeline_mode<synchronous>, transform_indices = @transform_12, window_bounds = array<i64: 64, 64>}]} {
    %eq3A = arith.constant 0 : i32
    %eq3A_0 = arith.cmpi eq, %arg0, %eq3A : i32
    %convert_element_type3A = arith.extui %eq3A_0 : i1 to i32
    %cond3A = arith.constant 0 : i32
    %cond3A_1 = arith.cmpi ne, %convert_element_type3A, %cond3A : i32
    scf.if %cond3A_1 {
      %broadcast_in_dim3A_77 = arith.constant 0.000000e+00 : f32
      %broadcast_in_dim3A_78 = vector.broadcast %broadcast_in_dim3A_77 : f32 to vector<64x128xf32>
      %swap3A_79 = arith.constant 0 : index
      %swap3A_80 = arith.constant 0 : index
      %swap3A_81 = vector.load %arg14[%swap3A_79, %swap3A_80] : memref<64x128xf32, #tpu.memory_space<vmem>>, vector<64x128xf32>
      tpu.vector_store %arg14[%swap3A_79, %swap3A_80], %broadcast_in_dim3A_78 {strides = array<i32>} : memref<64x128xf32, #tpu.memory_space<vmem>>, vector<64x128xf32>,
      %broadcast_in_dim3A_82 = arith.constant 0.000000e+00 : f32
      %broadcast_in_dim3A_83 = vector.broadcast %broadcast_in_dim3A_82 : f32 to vector<64x128xf32>
      %swap3A_84 = arith.constant 0 : index
      %swap3A_85 = arith.constant 0 : index
      %swap3A_86 = vector.load %arg15[%swap3A_84, %swap3A_85] : memref<64x128xf32, #tpu.memory_space<vmem>>, vector<64x128xf32>
      tpu.vector_store %arg15[%swap3A_84, %swap3A_85], %broadcast_in_dim3A_83 {strides = array<i32>} : memref<64x128xf32, #tpu.memory_space<vmem>>, vector<64x128xf32>,
    } else {
    }
    %get3A = arith.constant 0 : index
    %get3A_2 = arith.constant 0 : index
    %get3A_3 = vector.load %arg1[%get3A, %get3A_2] : memref<1000x128xf32, #tpu.memory_space<vmem>>, vector<1000x128xf32>
    %get3A_4 = arith.constant 0 : index
    %get3A_5 = arith.constant 0 : index
    %get3A_6 = vector.load %arg3[%get3A_4, %get3A_5] : memref<1000x1xf32, #tpu.memory_space<vmem>>, vector<1000x1xf32>
    %max3A = arith.constant 1.000000e+00 : f32
    %max3A_7 = vector.broadcast %max3A : f32 to vector<1000x1xf32>
    %max3A_8 = arith.maximumf %get3A_6, %max3A_7 : vector<1000x1xf32>
    %div3A = vector.broadcast %max3A_8 : vector<1000x1xf32> to vector<1000x128xf32>
    %div3A_9 = arith.divf %get3A_3, %div3A : vector<1000x128xf32>
    %get3A_10 = arith.constant 0 : index
    %get3A_11 = arith.constant 0 : index
    %get3A_12 = vector.load %arg2[%get3A_10, %get3A_11] : memref<1000x128xf32, #tpu.memory_space<vmem>>, vector<1000x128xf32>
    %get3A_13 = arith.constant 0 : index
    %get3A_14 = arith.constant 0 : index
    %get3A_15 = vector.load %arg4[%get3A_13, %get3A_14] : memref<1000x1xf32, #tpu.memory_space<vmem>>, vector<1000x1xf32>
    %max3A_16 = arith.constant 1.000000e+00 : f32
    %max3A_17 = vector.broadcast %max3A_16 : f32 to vector<1000x1xf32>
    %max3A_18 = arith.maximumf %get3A_15, %max3A_17 : vector<1000x1xf32>
    %div3A_19 = vector.broadcast %max3A_18 : vector<1000x1xf32> to vector<1000x128xf32>
    %div3A_20 = arith.divf %get3A_12, %div3A_19 : vector<1000x128xf32>
    %get3A_21 = arith.constant 0 : index
    %get3A_22 = arith.constant 0 : index
    %get3A_23 = vector.load %arg7[%get3A_21, %get3A_22] : memref<128x128xf32, #tpu.memory_space<vmem>>, vector<128x128xf32>
    %dot_general3A = arith.constant dense<0.000000e+00> : vector<1000x128xf32>
    %dot_general3A_24 = tpu.matmul %div3A_9, %get3A_23, %dot_general3A {dimension_numbers = #tpu.dot_dimension_numbers<[1], [0], [0], [1], [0, 0, 1, 1], [], []>, precision = #tpu.contract_precision<fp32>, transpose_lhs_hint = false} : vector<1000x128xf32>, vector<128x128xf32>, vector<1000x128xf32> -> vector<1000x128xf32>
    %get3A_25 = arith.constant 0 : index
    %get3A_26 = arith.constant 0 : index
    %get3A_27 = vector.load %arg8[%get3A_25, %get3A_26] : memref<128x128xf32, #tpu.memory_space<vmem>>, vector<128x128xf32>
    %dot_general3A_28 = arith.constant dense<0.000000e+00> : vector<1000x128xf32>
    %dot_general3A_29 = tpu.matmul %div3A_20, %get3A_27, %dot_general3A_28 {dimension_numbers = #tpu.dot_dimension_numbers<[1], [0], [0], [1], [0, 0, 1, 1], [], []>, precision = #tpu.contract_precision<fp32>, transpose_lhs_hint = false} : vector<1000x128xf32>, vector<128x128xf32>, vector<1000x128xf32> -> vector<1000x128xf32>
    %add3A = arith.addf %dot_general3A_24, %dot_general3A_29 : vector<1000x128xf32>
    %get3A_30 = arith.constant 0 : index
    %get3A_31 = arith.constant 0 : index
    %get3A_32 = vector.load %arg5[%get3A_30, %get3A_31] : memref<1000x128xf32, #tpu.memory_space<vmem>>, vector<1000x128xf32>
    %get3A_33 = arith.constant 0 : index
    %get3A_34 = arith.constant 0 : index
    %get3A_35 = vector.load %arg9[%get3A_33, %get3A_34] : memref<128x128xf32, #tpu.memory_space<vmem>>, vector<128x128xf32>
    %dot_general3A_36 = arith.constant dense<0.000000e+00> : vector<1000x128xf32>
    %dot_general3A_37 = tpu.matmul %get3A_32, %get3A_35, %dot_general3A_36 {dimension_numbers = #tpu.dot_dimension_numbers<[1], [0], [0], [1], [0, 0, 1, 1], [], []>, precision = #tpu.contract_precision<fp32>, transpose_lhs_hint = false} : vector<1000x128xf32>, vector<128x128xf32>, vector<1000x128xf32> -> vector<1000x128xf32>
    %add3A_38 = arith.addf %add3A, %dot_general3A_37 : vector<1000x128xf32>
    %get3A_39 = arith.constant 0 : index
    %get3A_40 = arith.constant 0 : index
    %get3A_41 = vector.load %arg10[%get3A_39, %get3A_40] : memref<1x128xf32, #tpu.memory_space<vmem>>, vector<1x128xf32>
    %add3A_42 = vector.broadcast %get3A_41 : vector<1x128xf32> to vector<1000x128xf32>
    %add3A_43 = arith.addf %add3A_38, %add3A_42 : vector<1000x128xf32>
    %max3A_44 = arith.constant 0.000000e+00 : f32
    %max3A_45 = vector.broadcast %max3A_44 : f32 to vector<1000x128xf32>
    %max3A_46 = arith.maximumf %add3A_43, %max3A_45 : vector<1000x128xf32>
    %get3A_47 = arith.constant 0 : index
    %get3A_48 = arith.constant 0 : index
    %get3A_49 = vector.load %arg6[%get3A_47, %get3A_48] : memref<1000x1xi32, #tpu.memory_space<vmem>>, vector<1000x1xi32>
    %iota3A = tpu.iota {dimensions = array<i32: 1>} : vector<1000x64xi32>
    %eq3A_50 = vector.broadcast %get3A_49 : vector<1000x1xi32> to vector<1000x64xi32>
    %eq3A_51 = arith.cmpi eq, %eq3A_50, %iota3A : vector<1000x64xi32>
    %convert_element_type3A_52 = arith.extui %eq3A_51 : vector<1000x64xi1> to vector<1000x64xi32>
    %convert_element_type3A_53 = arith.sitofp %convert_element_type3A_52 : vector<1000x64xi32> to vector<1000x64xf32>
    %get3A_54 = arith.constant 0 : index
    %get3A_55 = arith.constant 0 : index
    %get3A_56 = vector.load %arg14[%get3A_54, %get3A_55] : memref<64x128xf32, #tpu.memory_space<vmem>>, vector<64x128xf32>
    %dot_general3A_57 = arith.constant dense<0.000000e+00> : vector<64x128xf32>
    %dot_general3A_58 = tpu.matmul %convert_element_type3A_53, %max3A_46, %dot_general3A_57 {dimension_numbers = #tpu.dot_dimension_numbers<[0], [0], [1], [1], [0, 1, 1, 1], [], []>, precision = #tpu.contract_precision<fp32>, transpose_lhs_hint = false} : vector<1000x64xf32>, vector<1000x128xf32>, vector<64x128xf32> -> vector<64x128xf32>
    %add3A_59 = arith.addf %get3A_56, %dot_general3A_58 : vector<64x128xf32>
    %swap3A = arith.constant 0 : index
    %swap3A_60 = arith.constant 0 : index
    %swap3A_61 = vector.load %arg14[%swap3A, %swap3A_60] : memref<64x128xf32, #tpu.memory_space<vmem>>, vector<64x128xf32>
    tpu.vector_store %arg14[%swap3A, %swap3A_60], %add3A_59 {strides = array<i32>} : memref<64x128xf32, #tpu.memory_space<vmem>>, vector<64x128xf32>,
    %get3A_62 = arith.constant 0 : index
    %get3A_63 = arith.constant 0 : index
    %get3A_64 = vector.load %arg15[%get3A_62, %get3A_63] : memref<64x128xf32, #tpu.memory_space<vmem>>, vector<64x128xf32>
    %broadcast_in_dim3A = arith.constant 1.000000e+00 : f32
    %broadcast_in_dim3A_65 = vector.broadcast %broadcast_in_dim3A : f32 to vector<1000x128xf32>
    %dot_general3A_66 = arith.constant dense<0.000000e+00> : vector<64x128xf32>
    %dot_general3A_67 = tpu.matmul %convert_element_type3A_53, %broadcast_in_dim3A_65, %dot_general3A_66 {dimension_numbers = #tpu.dot_dimension_numbers<[0], [0], [1], [1], [0, 1, 1, 1], [], []>, precision = #tpu.contract_precision<fp32>, transpose_lhs_hint = false} : vector<1000x64xf32>, vector<1000x128xf32>, vector<64x128xf32> -> vector<64x128xf32>
    %add3A_68 = arith.addf %get3A_64, %dot_general3A_67 : vector<64x128xf32>
    %swap3A_69 = arith.constant 0 : index
    %swap3A_70 = arith.constant 0 : index
    %swap3A_71 = vector.load %arg15[%swap3A_69, %swap3A_70] : memref<64x128xf32, #tpu.memory_space<vmem>>, vector<64x128xf32>
    tpu.vector_store %arg15[%swap3A_69, %swap3A_70], %add3A_68 {strides = array<i32>} : memref<64x128xf32, #tpu.memory_space<vmem>>, vector<64x128xf32>,
    %eq3A_72 = arith.constant 9 : i32
    %eq3A_73 = arith.cmpi eq, %arg0, %eq3A_72 : i32
    %convert_element_type3A_74 = arith.extui %eq3A_73 : i1 to i32
    %cond3A_75 = arith.constant 0 : i32
    %cond3A_76 = arith.cmpi ne, %convert_element_type3A_74, %cond3A_75 : i32
    scf.if %cond3A_76 {
      %get3A_77 = arith.constant 0 : index
      %get3A_78 = arith.constant 0 : index
      %get3A_79 = vector.load %arg14[%get3A_77, %get3A_78] : memref<64x128xf32, #tpu.memory_space<vmem>>, vector<64x128xf32>
      %get3A_80 = arith.constant 0 : index
      %get3A_81 = arith.constant 0 : index
      %get3A_82 = vector.load %arg15[%get3A_80, %get3A_81] : memref<64x128xf32, #tpu.memory_space<vmem>>, vector<64x128xf32>
      %max3A_83 = arith.constant 1.000000e+00 : f32
      %max3A_84 = vector.broadcast %max3A_83 : f32 to vector<64x128xf32>
      %max3A_85 = arith.maximumf %get3A_82, %max3A_84 : vector<64x128xf32>
      %div3A_86 = arith.divf %get3A_79, %max3A_85 : vector<64x128xf32>
      %get3A_87 = arith.constant 0 : index
      %get3A_88 = arith.constant 0 : index
      %get3A_89 = vector.load %arg11[%get3A_87, %get3A_88] : memref<128x64xf32, #tpu.memory_space<vmem>>, vector<128x64xf32>
      %dot_general3A_90 = arith.constant dense<0.000000e+00> : vector<64x64xf32>
      %dot_general3A_91 = tpu.matmul %div3A_86, %get3A_89, %dot_general3A_90 {dimension_numbers = #tpu.dot_dimension_numbers<[1], [0], [0], [1], [0, 0, 1, 1], [], []>, precision = #tpu.contract_precision<fp32>, transpose_lhs_hint = false} : vector<64x128xf32>, vector<128x64xf32>, vector<64x64xf32> -> vector<64x64xf32>
      %get3A_92 = arith.constant 0 : index
      %get3A_93 = arith.constant 0 : index
      %get3A_94 = vector.load %arg12[%get3A_92, %get3A_93] : memref<1x64xf32, #tpu.memory_space<vmem>>, vector<1x64xf32>
      %add3A_95 = vector.broadcast %get3A_94 : vector<1x64xf32> to vector<64x64xf32>
      %add3A_96 = arith.addf %dot_general3A_91, %add3A_95 : vector<64x64xf32>
      %swap3A_97 = arith.constant 0 : index
      %swap3A_98 = arith.constant 0 : index
      %swap3A_99 = vector.load %arg13[%swap3A_97, %swap3A_98] : memref<64x64xf32, #tpu.memory_space<vmem>>, vector<64x64xf32>
      tpu.vector_store %arg13[%swap3A_97, %swap3A_98], %add3A_96 {strides = array<i32>} : memref<64x64xf32, #tpu.memory_space<vmem>>, vector<64x64xf32>,
    } else {
    }
    return
  }
  func.func @transform_0(%arg0: i32) -> (i32, i32) {
    %c0_i32 = arith.constant 0 : i32
    %c0_i32_0 = arith.constant 0 : i32
    return %arg0, %c0_i32 : i32, i32
  }
  func.func @transform_1(%arg0: i32) -> (i32, i32) {
    %add3A = arith.constant 10 : i32
    %add3A_0 = arith.addi %arg0, %add3A : i32
    %c0_i32 = arith.constant 0 : i32
    %c0_i32_1 = arith.constant 0 : i32
    return %add3A_0, %c0_i32 : i32, i32
  }
  func.func @transform_2(%arg0: i32) -> (i32, i32) {
    %c0_i32 = arith.constant 0 : i32
    %c0_i32_0 = arith.constant 0 : i32
    return %arg0, %c0_i32 : i32, i32
  }
  func.func @transform_3(%arg0: i32) -> (i32, i32) {
    %c0_i32 = arith.constant 0 : i32
    %c0_i32_0 = arith.constant 0 : i32
    return %arg0, %c0_i32 : i32, i32
  }
  func.func @transform_4(%arg0: i32) -> (i32, i32) {
    %c0_i32 = arith.constant 0 : i32
    %c0_i32_0 = arith.constant 0 : i32
    return %arg0, %c0_i32 : i32, i32
  }
  func.func @transform_5(%arg0: i32) -> (i32, i32) {
    %c0_i32 = arith.constant 0 : i32
    %c0_i32_0 = arith.constant 0 : i32
    return %arg0, %c0_i32 : i32, i32
  }
  func.func @transform_6(%arg0: i32) -> (i32, i32) {
    %c0_i32 = arith.constant 0 : i32
    %c0_i32_0 = arith.constant 0 : i32
    %c0_i32_1 = arith.constant 0 : i32
    return %c0_i32, %c0_i32_0 : i32, i32
  }
  func.func @transform_7(%arg0: i32) -> (i32, i32) {
    %c0_i32 = arith.constant 0 : i32
    %c0_i32_0 = arith.constant 0 : i32
    %c0_i32_1 = arith.constant 0 : i32
    return %c0_i32, %c0_i32_0 : i32, i32
  }
  func.func @transform_8(%arg0: i32) -> (i32, i32) {
    %c0_i32 = arith.constant 0 : i32
    %c0_i32_0 = arith.constant 0 : i32
    %c0_i32_1 = arith.constant 0 : i32
    return %c0_i32, %c0_i32_0 : i32, i32
  }
  func.func @transform_9(%arg0: i32) -> (i32, i32) {
    %c0_i32 = arith.constant 0 : i32
    %c0_i32_0 = arith.constant 0 : i32
    %c0_i32_1 = arith.constant 0 : i32
    return %c0_i32, %c0_i32_0 : i32, i32
  }
  func.func @transform_10(%arg0: i32) -> (i32, i32) {
    %c0_i32 = arith.constant 0 : i32
    %c0_i32_0 = arith.constant 0 : i32
    %c0_i32_1 = arith.constant 0 : i32
    return %c0_i32, %c0_i32_0 : i32, i32
  }
  func.func @transform_11(%arg0: i32) -> (i32, i32) {
    %c0_i32 = arith.constant 0 : i32
    %c0_i32_0 = arith.constant 0 : i32
    %c0_i32_1 = arith.constant 0 : i32
    return %c0_i32, %c0_i32_0 : i32, i32
  }
  func.func @transform_12(%arg0: i32) -> (i32, i32) {
    %c0_i32 = arith.constant 0 : i32
    %c0_i32_0 = arith.constant 0 : i32
    %c0_i32_1 = arith.constant 0 : i32
    return %c0_i32, %c0_i32_0 : i32, i32
  }
}

</mosaic_0001>

<sc_bundles>
// kernel: kernel.6.cloned.1.call-start
scs
__scs_entry_jumppad:
0x0: {  	(pc) =	sbr.rel $0x88, $3  }
0x1: {  	(tag) =	ssettag $0x0;
	lr =	simm.s32 $0x1  }
0x2: {  	[smem:$0x3F90] =	sst lr;
	_ =	strace $0xD0000000  }
0x3: {  	_ = 	snop  }
0x4: {  	_ = 	snop  }
0x5: {  	_ = 	snop  }
0x6: {  	_ = 	snop  }
0x7: {  	_ = 	snop  }
__scs_overlays_trampoline_lowered:
0x8: {  	[smem:$0x3F9F] =	sst s0  }
0x9: {  	[smem:$0x3FA0] =	sst s1  }
0xa: {  	[smem:$0x3FA1] =	sst s2  }
0xb: {  	[smem:$0x3FA2] =	sst s3  }
0xc: {  	[smem:$0x3FA3] =	sst s4  }
0xd: {  	[smem:$0x3FA4] =	sst s5  }
0xe: {  	[smem:$0x3FA5] =	sst s6  }
0xf: {  	[smem:$0x3FA6] =	sst s7  }
0x10: {  	[smem:$0x3FA7] =	sst s8  }
0x11: {  	[smem:$0x3FA8] =	sst s9;
	s0 =	simm.s32 @!p0 $0x0  }
0x12: {  	s1 =	sld [smem:$0x3F8E];
	s0 =	simm.s32 @p0 $0x1  }
0x13: {  	[smem:$0x3FA9] =	sst s0;
	s0 =	simm.s32 @!p1 $0x0  }
0x14: {  	s2 =	sld [smem:$0x3F8D];
	s0 =	simm.s32 @p1 $0x1  }
0x15: {  	[smem:$0x3FAA] =	sst s0;
	s0 =	simm.s32 @!p2 $0x0  }
0x16: {  	s3 =	sld [smem:$0x3FDB];
	s0 =	simm.s32 @p2 $0x1  }
0x17: {  	s4 =	simm.s32 $0x1BF5;
	[smem:$0x3FAC] =	sst s0  }
0x18: {  	s0 =	sld [smem:$0x3F8F];
	_ =	swait.ge [sflag:s4], $0x0  }
0x19: {  	s7 =	sld [smem:$0x3F90]  }
0x1a: {  	s8 =	sadd.s32 $0xFFFFE003, lr  }
0x1b: {  	s9 =	sadd.s32 $0xFFFFFEF7, lr;
	s5 =	simm.s32 $0xFFFFFFFF;
	p2 =	slt.u32 s8, $0xFFFFF086  }
0x1c: {  	p1 =	slt.u32 s9, $0xF7A;
	s5 =	simm.s32 @!p2 $0x0  }
0x1d: {  	s5 =	simm.s32 @p1 $0x1;
	p0 =	seq.s32 s7, s2  }
0x1e: {  	s7 =	smul.u32 @!p0 $0xF7A, s2;
	p2 =	seq.s32 @!p0 s5, $0x0  }
0x1f: {  	s9 =	smul.u32 $0xF7A, s1;
	s8 =	simm.s32 @!p0 $0x1BF5;
	p2 =	por !p2, p0  }
0x20: {  	[sflag:s8] =	ssyncset.s32 @!p0 $0xFFFFF086;
	s6 =	sadd.s32 @!p0 s3, s7;
	s7 =	simm.s32 @!p0 $0x108  }
0x21: {  	s3 =	sadd.s32 s3, s9;
	s6 =	sadd.s32 @!p0 $0x88, s6;
	s7 =	simm.s32 @p2 $0x1082  }
0x22: {  	[simem:s7], [sflag:s8] =	dma.local @!p0 [hbm:s6], $0xF7A  }
0x23: {  	s9 =	sor.u32 $0xD0000000, s2;
	s6 =	simm.s32 $0x108;
	_ =	swait.ge @!p0 [sflag:s8], $0x0  }
0x24: {  	s3 =	sadd.s32 $0x88, s3;
	s6 =	simm.s32 @!p1 $0x1082;
	[sflag:s4] =	ssyncset.s32 $0xFFFFF086  }
0x25: {  	[simem:s6], [sflag:s4] =	dma.local [hbm:s3], $0xF7A  }
0x26: {  	[smem:$0x3F90] =	sst s1;
	(tag) =	ssettag s2;
	_ =	strace s9  }
0x27: {  	s1 =	sld [smem:$0x3FA0]  }
0x28: {  	s2 =	sld [smem:$0x3FA1]  }
0x29: {  	s4 =	sld [smem:$0x3FA3]  }
0x2a: {  	p0 =	seq.s32 s5, $0x0;
	s5 =	sld [smem:$0x3FA4]  }
0x2b: {  	s6 =	sld [smem:$0x3FA5]  }
0x2c: {  	s7 =	sld [smem:$0x3FA6]  }
0x2d: {  	s3 =	simm.s32 $0x108;
	s8 =	sld [smem:$0x3FA7]  }
0x2e: {  	s3 =	simm.s32 @!p0 $0x1082;
	s9 =	sld [smem:$0x3FA8]  }
0x2f: {  	lr =	sadd.s32 s0, s3;
	s0 =	sld [smem:$0x3F9F]  }
0x30: {  	s3 =	sld [smem:$0x3FA2]  }
0x31: {  	[smem:$0x3FAB] =	sst s10  }
0x32: {  	s10 =	sld [smem:$0x3FA9];
	_ =	sdelay $0x3  }
0x33: {  	p0 =	seq.s32 s10, $0x1;
	s10 =	sld [smem:$0x3FAB];
	_ =	sdelay $0x3  }
0x34: {  	[smem:$0x3FAB] =	sst s10  }
0x35: {  	s10 =	sld [smem:$0x3FAA];
	_ =	sdelay $0x3  }
0x36: {  	p1 =	seq.s32 s10, $0x1;
	s10 =	sld [smem:$0x3FAB];
	_ =	sdelay $0x3  }
0x37: {  	[smem:$0x3FAB] =	sst s10  }
0x38: {  	s10 =	sld [smem:$0x3FAC]  }
0x39: {  	_ = 	snop;
	(pc) =	sbr.ind lr, $3  }
0x3a: {  	_ = 	snop  }
0x3b: {  	_ = 	snop  }
0x3c: {  	p2 =	seq.s32 s10, $0x1;
	s10 =	sld [smem:$0x3FAB]  }
0x3d: {  	_ =	shalt  }
0x3e: {  	_ =	shalt  }
0x3f: {  	_ =	shalt  }
0x40: {  	_ =	shalt  }
0x41: {  	_ =	shalt  }
0x42: {  	_ =	shalt  }
0x43: {  	_ =	shalt  }
0x44: {  	_ =	shalt  }
0x45: {  	_ =	shalt  }
0x46: {  	_ =	shalt  }
0x47: {  	_ =	shalt  }
0x48: {  	_ =	shalt  }
0x49: {  	_ =	shalt  }
0x4a: {  	_ =	shalt  }
0x4b: {  	_ =	shalt  }
0x4c: {  	_ =	shalt  }
0x4d: {  	_ =	shalt  }
0x4e: {  	_ =	shalt  }
0x4f: {  	_ =	shalt  }
0x50: {  	_ =	shalt  }
0x51: {  	_ =	shalt  }
0x52: {  	_ =	shalt  }
0x53: {  	_ =	shalt  }
0x54: {  	_ =	shalt  }
0x55: {  	_ =	shalt  }
0x56: {  	_ =	shalt  }
0x57: {  	_ =	shalt  }
0x58: {  	_ =	shalt  }
0x59: {  	_ =	shalt  }
0x5a: {  	_ =	shalt  }
0x5b: {  	_ =	shalt  }
0x5c: {  	_ =	shalt  }
0x5d: {  	_ =	shalt  }
0x5e: {  	_ =	shalt  }
0x5f: {  	_ =	shalt  }
0x60: {  	_ =	shalt  }
0x61: {  	_ =	shalt  }
0x62: {  	_ =	shalt  }
0x63: {  	_ =	shalt  }
0x64: {  	_ =	shalt  }
0x65: {  	_ =	shalt  }
0x66: {  	_ =	shalt  }
0x67: {  	_ =	shalt  }
0x68: {  	_ =	shalt  }
0x69: {  	_ =	shalt  }
0x6a: {  	_ =	shalt  }
0x6b: {  	_ =	shalt  }
0x6c: {  	_ =	shalt  }
0x6d: {  	_ =	shalt  }
0x6e: {  	_ =	shalt  }
0x6f: {  	_ =	shalt  }
0x70: {  	_ =	shalt  }
0x71: {  	_ =	shalt  }
0x72: {  	_ =	shalt  }
0x73: {  	_ =	shalt  }
0x74: {  	_ =	shalt  }
0x75: {  	_ =	shalt  }
0x76: {  	_ =	shalt  }
0x77: {  	_ =	shalt  }
0x78: {  	_ =	shalt  }
0x79: {  	_ =	shalt  }
0x7a: {  	_ =	shalt  }
0x7b: {  	_ =	shalt  }
0x7c: {  	_ =	shalt  }
0x7d: {  	_ =	shalt  }
0x7e: {  	_ =	shalt  }
0x7f: {  	_ =	shalt  }
0x80: {  	_ =	shalt  }
0x81: {  	_ =	shalt  }
0x82: {  	_ =	shalt  }
0x83: {  	_ =	shalt  }
0x84: {  	_ =	shalt  }
0x85: {  	_ =	shalt  }
0x86: {  	_ =	shalt  }
0x87: {  	_ =	shalt  }
.Lfunc_end0:
.L_simem_size_0:
called_computation_lowered:
.L_overlay_start_0:
0x88: {  	s2 =	sld [smem:$0x3FD9]  }
0x89: {  	s3 =	sld [smem:$0x3FFE];
	_ =	sdelay $0x1  }
0x8a: {  	s1 =	srdreg.scid  }
0x8b: {  	s0 =	sand.u32 $0x1, s1  }
0x8c: {  	s17 =	sshll.u32 s0, $0xA;
	s2 =	sadd.s32 s3, s2  }
0x8d: {  	s2 =	sadd.s32 s2, s17  }
0x8e: {  	[smem:$0x3FB7] =	sst s2  }
0x8f: {  	_ = 	snop  }
0x90: {  	s2 =	sld [smem:$0x3FC9];
	(tm) =	ssettm $0x1  }
0x91: {  	s18 =	sld [smem:$0x3FFB];
	_ =	sdelay $0x3  }
0x92: {  	_ =	strace s18  }
0x93: {  	s3 =	sld [smem:$0x3FFC];
	_ =	sdelay $0x3  }
0x94: {  	_ =	strace s3  }
0x95: {  	s3 =	sld [smem:$0x3FFD];
	_ =	sdelay $0x3  }
0x96: {  	_ =	strace s3  }
0x97: {  	_ =	strace $0x8FFFFFFF  }
0x98: {  	s19 =	sld [smem:$0x3FDB];
	_ =	sdelay $0x1  }
0x99: {  	s4 =	simm.s32 $_scs_section_size  }
0x9a: {  	s5 =	simm.s32 $_size__tile_overlayer_lowered;
	s6 =	simm.s32 $_tile_overlayer_lowered  }
0x9b: {  	s22 =	simm.s32 $0x1BFF;
	s21 =	sshll.u32 s6, $0x1;
	s3 =	sadd.s32 s4, s19  }
0x9c: {  	s7 =	simm.s32 $0x0;
	s20 =	sshll.u32 s5, $0x1;
	s5 =	sadd.s32 s21, s3  }
0x9d: {  	[timem:s7], [sflag:s22] =	dma.local [hbm:s5], s20  }
0x9e: {  	_ =	swait.ge [sflag:s22], s20  }
0x9f: {  	s4 =	ssub.s32 $0x0, s20;
	[sflag:s22] =	ssyncset.done $0x0  }
0xa0: {  	[sflag:s22] =	ssyncadd.s32 s4;
	_ =	sdelay $0x1  }
0xa1: {  	s23 =	simm.s32 $0x1B8B  }
0xa2: {  	_ =	swait.ge [sflag:s23], $0x1  }
0xa3: {  	[sflag:s23] =	ssyncset.done $0x0  }
0xa4: {  	s25 =	simm.s32 $0x1B8E;
	s24 =	sld [smem:$0x3FFE];
	[sflag:s23] =	ssyncadd.s32 $0xFFFFFFFF  }
0xa5: {  	s26 =	simm.s32 $execute0_lowered;
	[smem:$0x3FD2] =	sst s25  }
0xa6: {  	s5 =	sshll.u32 s26, $0x1;
	_ =	strace $0x80000046;
	[dreg:$0x1] =	wrdreg $0xFFFFFFFF  }
0xa7: {  	s28 =	simm.s32 $_size_execute0_lowered;
	s3 =	sadd.s32 s3, s5;
	[dreg:$0x0] =	wrdreg $0x0  }
0xa8: {  	s5 =	sshll.u32 s28, $0x1;
	[dreg:$0x2] =	wrdreg s3  }
0xa9: {  	[dreg:$0x3] =	wrdreg s5  }
0xaa: {  	[dreg:$0x4] =	wrdreg $0xC0  }
0xab: {  	_ =	task [dreg:s7], $0x5FFFF  }
0xac: {  	[dreg:$0x1] =	wrdreg $0xFFFFFFFF  }
0xad: {  	[dreg:$0x0] =	wrdreg $0x60  }
0xae: {  	[dreg:$0x2] =	wrdreg s2  }
0xaf: {  	[dreg:$0x3] =	wrdreg s24  }
0xb0: {  	[dreg:$0x4] =	wrdreg $0x7E000  }
0xb1: {  	[dreg:$0x5] =	wrdreg $0x1DF000  }
0xb2: {  	[dreg:$0x6] =	wrdreg $0x9  }
0xb3: {  	_ =	task.clear_ibuf [dreg:s7], $0x7FFFF;
	_ =	strace $0x90000046  }
0xb4: {  	s29 =	simm.s32 $0x9;
	_ =	strace $0x80000048  }
0xb5: {  	_ =	swait.ge [sflag:s29], $0x1  }
0xb6: {  	[sflag:s29] =	ssyncadd.s32 $0xFFFFFFFF  }
0xb7: {  	_ =	strace $0x90000048  }
0xb8: {  	_ =	sfence  }
0xb9: {  	s30 =	sld [smem:$0x0];
	_ =	sdelay $0x2  }
0xba: {  	s31 =	sshll.u32 s1, $0xD;
	s1 =	sshrl.u32 s1, $0x2  }
0xbb: {  	s3 =	sand.u32 $0x4000, s31;
	s1 =	sadd.s32 s1, s30  }
0xbc: {  	s0 =	sor.u32 s3, s0;
	s1 =	sshll.u32 s1, $0x11  }
0xbd: {  	s0 =	sor.u32 s1, s0  }
0xbe: {  	s0 =	sadd.s32 $0x8F2B, s0  }
0xbf: {  	[sflag:s0] =	ssyncadd.remote.s32 $0x1  }
0xc0: {  	_ =	sfence.sel $0xFFFF  }
0xc1: {  	[dreg:$0x0] =	wrdreg $0xFFFFFFFF;
	(pc) =	sbr.abs _section_cstart, $3  }
0xc2: {  	[dreg:$0x1] =	wrdreg $0xFFFFFFFF  }
0xc3: {  	_ =	task.clear_ibuf [dreg:s7], $0x2FFFF;
	_ =	strace $0x9FFFFFFF  }
0xc4: {  	(tm) =	ssettm $0x7FFFFFFF  }
0xc5: {  	_ =	shalt  }
tec
execute0_lowered:
.L_overlay_start_1:
0x0: {  	(tag) =	ssettag $0x1  }
0x1: {  	s6 =	stileid.u32  }
0x2: {  	s1 =	srdreg.scid;
	s8 =	smul.u32 $0x4E20, s6  }
0x3: {  	s3 =	sand.u32 $0x1, s1;
	s12 =	smul.u32 $0x500, s6  }
0x4: {  	s4 =	smul.u32 $0x27100, s3  }
0x5: {  	s0 =	rddreg [dreg:$0x0];
	s5 =	smul.u32 $0x500, s3  }
0x6: {  	s2 =	rddreg [dreg:$0x1];
	s11 =	sor.u32 $0x10, s6;
	s7 =	smul.u32 $0x4E200, s3  }
0x7: {  	s26 =	rddreg [dreg:$0x3];
	s13 =	sor.u32 $0x20, s6;
	s14 =	smul.u32 $0x500, s11  }
0x8: {  	s1 =	rddreg [dreg:$0x2];
	s17 =	sor.u32 $0x50, s6;
	s15 =	smul.u32 $0x500, s13  }
0x9: {  	s19 =	sor.u32 $0x60, s6;
	s20 =	sor.u32 $0x70, s6;
	s21 =	smul.u32 $0x500, s17  }
0xa: {  	p0 =	sne.s32 s6, $0x0;
	s9 =	sxor.u32 $0x1, s3;
	s31 =	smul.u32 $0x500, s19  }
0xb: {  	s3 =	ssub.s32 $0x2, s3;
	s23 =	smul.u32 $0x500, s20;
	p1 =	sgt.u32 s20, $0x7C  }
0xc: {  	s9 =	smul.u32 $0x4E200, s9;
	s10 =	sshrl.u32 s3, $0x1;
	p2 =	sne.s32 @!p1 s6, $0x0  }
0xd: {  	s4 =	sadd.s32 s4, s2;
	s10 =	ssub.s32 s3, s10;
	s3 =	sadd.s32 s8, s7  }
0xe: {  	s7 =	sor.u32 $0x30, s6;
	s9 =	sadd.s32 s8, s9;
	s4 =	sadd.s32 $0x18600, s4  }
0xf: {  	s8 =	sor.u32 $0x40, s6;
	s16 =	smul.u32 $0x500, s7;
	s12 =	sadd.s32 s4, s12  }
0x10: {  	s18 =	smul.u32 $0x500, s8;
	s25 =	sadd.s32 s4, s14;
	[dreg:$0x5] =	wrdreg s12  }
0x11: {  	s15 =	sadd.s32 s4, s15;
	s14 =	sadd.s32 $0x17600, s2;
	[dreg:$0x6] =	wrdreg s25  }
0x12: {  	s8 =	smul.u32 $0xA000, s8;
	[dreg:$0x7] =	wrdreg s15;
	s22 =	sadd.s32 s4, s16  }
0x13: {  	s25 =	sadd.s32 s4, s21;
	s15 =	simm.s32 $0x0;
	s12 =	sadd.s32 s4, s31  }
0x14: {  	s31 =	sadd.s32 s5, s2;
	s16 =	smul.u32 $0xA000, s6;
	[dreg:$0x8] =	wrdreg s22  }
0x15: {  	s21 =	smul.u32 $0xA000, s11;
	s6 =	sadd.s32 $0x320, s9;
	[dreg:$0xa] =	wrdreg s25  }
0x16: {  	s24 =	sadd.s32 s4, s18;
	[dreg:$0xb] =	wrdreg s12;
	s4 =	sadd.s32 s4, s23  }
0x17: {  	[smem:$0x7FF] =	sst s15;
	s18 =	sshrl.u32 s3, $0x3;
	s23 =	sshrl.u32 s9, $0x3  }
0x18: {  	s25 =	smax.u32 s10, $0x1;
	[dreg:$0x9] =	wrdreg s24;
	s24 =	smul.u32 $0xA000, s13  }
0x19: {  	[dreg:$0xc] =	wrdreg s4;
	s4 =	sadd.s32 $0x17C00, s31;
	s31 =	smul.u32 $0xA000, s7  }
0x1a: {  	s5 =	sshrl.u32 s8, $0x2;
	s7 =	sshrl.u32 s21, $0x2;
	s13 =	smul.u32 $0xA000, s17  }
0x1b: {  	s29 =	sadd.s32 s5, s1;
	_ =	strace $0x80000047;
	[dreg:$0xd] =	wrdreg s14  }
0x1c: {  	s5 =	sadd.s32 $0x320, s3;
	s14 =	sadd.s32 $0x3C00, s2;
	[dreg:$0x10] =	wrdreg s4  }
0x1d: {  	[dreg:$0x11] =	wrdreg s25;
	s2 =	sshrl.u32 s16, $0x2;
	s25 =	sadd.s32 $0x370, s3  }
0x1e: {  	[dreg:$0x16] =	wrdreg s29;
	s12 =	sadd.s32 s14, s18;
	s11 =	sadd.s32 s14, s23  }
0x1f: {  	s22 =	sadd.s32 s2, s1;
	s23 =	sadd.s32 s7, s1;
	[smem:$0x7F0] =	sst s14  }
0x20: {  	s10 =	sshrl.u32 s24, $0x2;
	s16 =	sshrl.u32 s31, $0x2;
	[dreg:$0xe] =	wrdreg s12  }
0x21: {  	s18 =	smul.u32 $0xA000, s19;
	s4 =	sshrl.u32 s13, $0x2;
	[dreg:$0xf] =	wrdreg s11  }
0x22: {  	s19 =	smul.u32 $0xA000, s20;
	s31 =	sshrl.u32 s25, $0x3;
	[dreg:$0x12] =	wrdreg s22  }
0x23: {  	s13 =	sadd.s32 $0x2D0, s9;
	s2 =	sadd.s32 s31, s14;
	[dreg:$0x13] =	wrdreg s23  }
0x24: {  	s17 =	sadd.s32 s10, s1;
	s20 =	sadd.s32 s16, s1;
	[dreg:$0x1a] =	wrdreg s2  }
0x25: {  	s30 =	sadd.s32 s4, s1;
	s4 =	sadd.s32 $0x370, s9;
	[dreg:$0x14] =	wrdreg s17  }
0x26: {  	s21 =	sshrl.u32 s18, $0x2;
	s2 =	sshrl.u32 s4, $0x3;
	[dreg:$0x15] =	wrdreg s20  }
0x27: {  	s4 =	sshrl.u32 s5, $0x3;
	[dreg:$0x17] =	wrdreg s30;
	s2 =	sadd.s32 s2, s14  }
0x28: {  	s18 =	sadd.s32 $0x280, s3;
	s7 =	sadd.s32 s4, s14;
	[dreg:$0x1b] =	wrdreg s2  }
0x29: {  	s4 =	sshrl.u32 s13, $0x3;
	s13 =	sadd.s32 $0x14, s12;
	[dreg:$0x1c] =	wrdreg s7  }
0x2a: {  	s5 =	sshrl.u32 s18, $0x3;
	s18 =	sadd.s32 $0x1E, s12;
	[smem:$0x7F6] =	sst s13  }
0x2b: {  	s24 =	sshrl.u32 s19, $0x2;
	s28 =	sadd.s32 s21, s1;
	[smem:$0x7F8] =	sst s18  }
0x2c: {  	s8 =	sshrl.u32 s6, $0x3;
	s16 =	sadd.s32 s24, s1;
	[dreg:$0x18] =	wrdreg s28  }
0x2d: {  	s25 =	sadd.s32 $0x230, s3;
	s2 =	sadd.s32 s8, s14;
	[dreg:$0x19] =	wrdreg s16  }
0x2e: {  	s31 =	sadd.s32 $0x230, s9;
	s19 =	sadd.s32 s4, s14;
	[dreg:$0x1d] =	wrdreg s2  }
0x2f: {  	s24 =	sadd.s32 $0x280, s9;
	s21 =	sadd.s32 s5, s14;
	[dreg:$0x1f] =	wrdreg s19  }
0x30: {  	s6 =	sshrl.u32 s24, $0x3;
	s24 =	sadd.s32 $0x28, s11;
	[smem:$0x7ED] =	sst s21  }
0x31: {  	s7 =	sshrl.u32 s25, $0x3;
	s25 =	sadd.s32 $0x32, s12;
	[smem:$0x7FB] =	sst s24  }
0x32: {  	s8 =	sshrl.u32 s31, $0x3;
	s31 =	sadd.s32 $0x32, s11;
	[smem:$0x7FC] =	sst s25  }
0x33: {  	s4 =	sadd.s32 s6, s14;
	[smem:$0x7FD] =	sst s31  }
0x34: {  	p2 =	por p2, p1;
	s5 =	sadd.s32 s7, s14;
	[smem:$0x7EE] =	sst s4  }
0x35: {  	s10 =	sadd.s32 $0x2D0, s3;
	s6 =	sadd.s32 s8, s14;
	[smem:$0x7EF] =	sst s5  }
0x36: {  	s18 =	simm.s32 $0x10;
	s7 =	sadd.s32 $0x1E0, s3;
	[smem:$0x7F1] =	sst s6  }
0x37: {  	s13 =	simm.s32 $0x50;
	s8 =	sadd.s32 $0x1E0, s9;
	[smem:$0x7F2] =	sst s7  }
0x38: {  	s2 =	sshrl.u32 s10, $0x3;
	s9 =	sadd.s32 $0xA, s12;
	[smem:$0x7F3] =	sst s8  }
0x39: {  	s10 =	sadd.s32 $0xA, s11;
	s19 =	sadd.s32 $0x1E, s11;
	[smem:$0x7F4] =	sst s9  }
0x3a: {  	s21 =	sadd.s32 $0x28, s12;
	s12 =	simm.s32 $0x600;
	[smem:$0x7F5] =	sst s10  }
0x3b: {  	s24 =	simm.s32 $0x600;
	s25 =	simm.s32 $0x7;
	[smem:$0x7F9] =	sst s19  }
0x3c: {  	s2 =	sadd.s32 s2, s14;
	s14 =	sadd.s32 $0x14, s11;
	[smem:$0x7FA] =	sst s21  }
0x3d: {  	s11 =	simm.s32 $0x1B680;
	s5 =	simm.s32 $0x380;
	s6 =	simm.s32 $0x400  }
0x3e: {  	v0 =	vlaneseq.u32;
	s7 =	simm.s32 $0x180;
	s8 =	simm.s32 $0x480;
	s19 =	simm.s32 $0x5600  }
0x3f: {  	v5 =	vimm.f32 $1.000000000e+00;
	v1 =	vor.u32 $0x10, v0;
	s21 =	simm.s32 $0x1;
	s4 =	simm.s32 $0x0;
	[dreg:$0x1e] =	wrdreg s2  }
0x40: {  	v2 =	vor.u32 $0x20, v0;
	v3 =	vor.u32 $0x30, v0;
	v4 =	vor.u32 $0x40, v0;
	[smem:$0x7F7] =	sst s14;
	s2 =	simm.s32 $0x300;
	s14 =	simm.s32 $0xD  }
.LBB2_1:
0x41: {  	[smem:$0x7EC] =	sst s4  }
0x42: {  	s9 =	rddreg [dreg:$0xd];
	s4 =	simm.s32 $0x2E00  }
0x43: {  	[tilespmem:s4], [sflag:$0x10] =	stream.linear.gather [hbm4b:s9+s15], $0x2800, $0x38;
	[tilespmem:$0x1E180] =	vst v63  }
0x44: {  	_ =	swait.ge [sflag:s18], $0x2800  }
0x45: {  	[sflag:s18] =	ssyncset.done $0x0  }
0x46: {  	[sflag:s18] =	ssyncadd.s32 $0xFFFFD800  }
0x47: {  	[spmem:s22] =	stream.linear.scatter [tilespmem:s4], [sflag:$0x10], $0x2800, $0x38;
	[tilespmem:$0x1E180] =	vst v63  }
0x48: {  	_ =	swait.ge [sflag:s18], $0x2800  }
0x49: {  	[sflag:s18] =	ssyncset.done $0x0  }
0x4a: {  	[sflag:s18] =	ssyncadd.s32 $0xFFFFD800  }
0x4b: {  	[spmem:s23] =	stream.linear.scatter [tilespmem:s4], [sflag:$0x10], $0x2800, $0x38;
	[tilespmem:$0x1E180] =	vst v63  }
0x4c: {  	_ =	swait.ge [sflag:s18], $0x2800  }
0x4d: {  	[sflag:s18] =	ssyncset.done $0x0  }
0x4e: {  	[sflag:s18] =	ssyncadd.s32 $0xFFFFD800  }
0x4f: {  	[spmem:s17] =	stream.linear.scatter [tilespmem:s4], [sflag:$0x10], $0x2800, $0x38;
	[tilespmem:$0x1E180] =	vst v63  }
0x50: {  	_ =	swait.ge [sflag:s18], $0x2800  }
0x51: {  	[sflag:s18] =	ssyncset.done $0x0  }
0x52: {  	[sflag:s18] =	ssyncadd.s32 $0xFFFFD800  }
0x53: {  	[spmem:s20] =	stream.linear.scatter [tilespmem:s4], [sflag:$0x10], $0x2800, $0x38;
	[tilespmem:$0x1E180] =	vst v63  }
0x54: {  	_ =	swait.ge [sflag:s18], $0x2800  }
0x55: {  	[sflag:s18] =	ssyncset.done $0x0  }
0x56: {  	[sflag:s18] =	ssyncadd.s32 $0xFFFFD800  }
0x57: {  	[spmem:s29] =	stream.linear.scatter [tilespmem:s4], [sflag:$0x10], $0x2800, $0x38;
	[tilespmem:$0x1E180] =	vst v63  }
0x58: {  	_ =	swait.ge [sflag:s18], $0x2800  }
0x59: {  	[sflag:s18] =	ssyncset.done $0x0  }
0x5a: {  	[sflag:s18] =	ssyncadd.s32 $0xFFFFD800  }
0x5b: {  	[spmem:s30] =	stream.linear.scatter [tilespmem:s4], [sflag:$0x10], $0x2800, $0x38;
	[tilespmem:$0x1E180] =	vst v63  }
0x5c: {  	_ =	swait.ge [sflag:s18], $0x2800  }
0x5d: {  	[sflag:s18] =	ssyncset.done $0x0  }
0x5e: {  	[sflag:s18] =	ssyncadd.s32 $0xFFFFD800  }
0x5f: {  	[spmem:s28] =	stream.linear.scatter [tilespmem:s4], [sflag:$0x10], $0x2800, $0x38;
	[tilespmem:$0x1E180] =	vst v63  }
0x60: {  	_ =	swait.ge [sflag:s18], $0x2800  }
0x61: {  	[sflag:s18] =	ssyncset.done $0x0  }
0x62: {  	s3 =	simm.s32 @!p1 $0x2E00;
	[sflag:s18] =	ssyncadd.s32 $0xFFFFD800  }
0x63: {  	[spmem:s16] =	stream.linear.scatter @!p1 [tilespmem:s3], [sflag:$0x10], $0x2800, $0x38;
	[tilespmem:$0x1E180] =	vst v63  }
0x64: {  	s3 =	simm.s32 @!p1 $0x10  }
0x65: {  	_ =	swait.ge @!p1 [sflag:s3], $0x2800  }
0x66: {  	[sflag:s3] =	ssyncset.done @!p1 $0x0  }
0x67: {  	[sflag:s3] =	ssyncadd.s32 @!p1 $0xFFFFD800;
	s3 =	simm.s32 @!p2 $0x2E00  }
0x68: {  	[spmem:s26] =	stream.linear.scatter @!p2 [tilespmem:s3], [sflag:$0x10], $0x2800, $0x38;
	[tilespmem:$0x1E180] =	vst v63  }
0x69: {  	s3 =	simm.s32 @!p2 $0x10  }
0x6a: {  	_ =	swait.ge @!p2 [sflag:s3], $0x2800  }
0x6b: {  	[sflag:s3] =	ssyncset.done @!p2 $0x0  }
0x6c: {  	[sflag:s3] =	ssyncadd.s32 @!p2 $0xFFFFD800  }
0x6d: {  	[tilespmem:s11], [sflag:$0x10] =	stream.linear.gather [hbm4b:s9+s15], $0x2800, $0x38;
	[tilespmem:$0x1E180] =	vst v63  }
0x6e: {  	_ =	swait.ge [sflag:s18], $0x2800  }
0x6f: {  	[sflag:s18] =	ssyncset.done $0x0  }
0x70: {  	[sflag:s18] =	ssyncadd.s32 $0xFFFFD800  }
0x71: {  	[tilespmem:$0x1DE80] =	vst v0  }
0x72: {  	[tilespmem:$0x1DE90] =	vst v1  }
0x73: {  	[tilespmem:$0x1DEA0] =	vst v2  }
0x74: {  	[tilespmem:$0x1DEB0] =	vst v3  }
0x75: {  	[tilespmem:$0x1DEC0] =	vst v4  }
0x76: {  	[bflag:$0x0] =	sbarrier.arrive $0xFFFF  }
0x77: {  	s17 =	rddreg [dreg:$0xe]  }
0x78: {  	s20 =	rddreg [dreg:$0xf]  }
0x79: {  	[tilespmem:s15], [sflag:$0x4] =	stream.linear.gather [hbm4b:s17+s15], $0x50, $0x38;
	[tilespmem:$0x1E180] =	vst v63  }
0x7a: {  	s22 =	sld [smem:$0x7F4]  }
0x7b: {  	[tilespmem:s2], [sflag:$0xA] =	stream.linear.gather [hbm4b:s20+s15], $0x50, $0x38;
	[tilespmem:$0x1E180] =	vst v63  }
0x7c: {  	s3 =	simm.s32 $0x80;
	s23 =	sld [smem:$0x7F5]  }
0x7d: {  	[tilespmem:s3], [sflag:$0x5] =	stream.linear.gather [hbm4b:s22+s15], $0x50, $0x38;
	[tilespmem:$0x1E180] =	vst v63  }
0x7e: {  	s26 =	sld [smem:$0x7F6]  }
0x7f: {  	[tilespmem:s5], [sflag:$0xB] =	stream.linear.gather [hbm4b:s23+s15], $0x50, $0x38;
	[tilespmem:$0x1E180] =	vst v63  }
0x80: {  	s28 =	sld [smem:$0x7F7];
	s5 =	simm.s32 $0x100  }
0x81: {  	[tilespmem:s5], [sflag:$0x6] =	stream.linear.gather [hbm4b:s26+s15], $0x50, $0x38;
	[tilespmem:$0x1E180] =	vst v63  }
0x82: {  	s29 =	sld [smem:$0x7F8]  }
0x83: {  	[tilespmem:s6], [sflag:$0xC] =	stream.linear.gather [hbm4b:s28+s15], $0x50, $0x38;
	[tilespmem:$0x1E180] =	vst v63  }
0x84: {  	s30 =	sld [smem:$0x7F9]  }
0x85: {  	[tilespmem:s7], [sflag:$0x7] =	stream.linear.gather [hbm4b:s29+s15], $0x50, $0x38;
	[tilespmem:$0x1E180] =	vst v63  }
0x86: {  	s6 =	sld [smem:$0x7FA]  }
0x87: {  	[tilespmem:s8], [sflag:$0xD] =	stream.linear.gather [hbm4b:s30+s15], $0x50, $0x38;
	[tilespmem:$0x1E180] =	vst v63  }
0x88: {  	s7 =	simm.s32 $0x200;
	s8 =	sld [smem:$0x7FB]  }
0x89: {  	[tilespmem:s7], [sflag:$0x8] =	stream.linear.gather [hbm4b:s6+s15], $0x50, $0x38;
	[tilespmem:$0x1E180] =	vst v63  }
0x8a: {  	s9 =	simm.s32 $0x500;
	s10 =	sld [smem:$0x7FC]  }
0x8b: {  	[tilespmem:s9], [sflag:$0xE] =	stream.linear.gather [hbm4b:s8+s15], $0x50, $0x38;
	[tilespmem:$0x1E180] =	vst v63  }
0x8c: {  	s16 =	simm.s32 $0x280;
	s17 =	sld [smem:$0x7FD]  }
0x8d: {  	[tilespmem:s16], [sflag:$0x9] =	stream.linear.gather [hbm4b:s10+s15], $0x50, $0x38;
	[tilespmem:$0x1E180] =	vst v63  }
0x8e: {  	s20 =	simm.s32 $0x580;
	s22 =	simm.s32 $0x4  }
0x8f: {  	[tilespmem:s20], [sflag:$0xF] =	stream.linear.gather [hbm4b:s17+s15], $0x50, $0x38;
	[tilespmem:$0x1E180] =	vst v63  }
0x90: {  	_ =	swait.ge [sflag:s22], $0x50  }
0x91: {  	[sflag:s22] =	ssyncset.done $0x0  }
0x92: {  	s23 =	simm.s32 $0xA;
	[sflag:s22] =	ssyncadd.s32 $0xFFFFFFB0  }
0x93: {  	_ =	swait.ge [sflag:s23], $0x50  }
0x94: {  	[sflag:s23] =	ssyncset.done $0x0  }
0x95: {  	s26 =	simm.s32 $0x5;
	[sflag:s23] =	ssyncadd.s32 $0xFFFFFFB0  }
0x96: {  	[tilespmem:s12], [sflag:$0x1] =	stream.indirect.gather [hbm4b:s0+s13], $0x80, s15, s13, $0xb8;
	[tilespmem:$0x1E180] =	vst v63  }
0x97: {  	_ =	swait.ge [sflag:s26], $0x50  }
0x98: {  	[sflag:s26] =	ssyncset.done $0x0  }
0x99: {  	s28 =	simm.s32 $0xB;
	[sflag:s26] =	ssyncadd.s32 $0xFFFFFFB0  }
0x9a: {  	_ =	swait.ge [sflag:s28], $0x50  }
0x9b: {  	[sflag:s28] =	ssyncset.done $0x0  }
0x9c: {  	s29 =	simm.s32 $0x6;
	[sflag:s28] =	ssyncadd.s32 $0xFFFFFFB0  }
0x9d: {  	[tilespmem:s4], [sflag:$0x2] =	stream.indirect.gather [hbm4b:s0+s13], $0x80, s3, s13, $0xb8;
	[tilespmem:$0x1E180] =	vst v63  }
0x9e: {  	_ =	swait.ge [sflag:s29], $0x50  }
0x9f: {  	[sflag:s29] =	ssyncset.done $0x0  }
0xa0: {  	s30 =	simm.s32 $0xC;
	[sflag:s29] =	ssyncadd.s32 $0xFFFFFFB0  }
0xa1: {  	_ =	swait.ge [sflag:s30], $0x50  }
0xa2: {  	s10 =	sld [smem:$0x7F3]  }
0xa3: {  	s26 =	sld [smem:$0x7F2]  }
0xa4: {  	s6 =	rddreg [dreg:$0x1e]  }
0xa5: {  	s7 =	rddreg [dreg:$0x1f]  }
0xa6: {  	s8 =	sld [smem:$0x7ED]  }
0xa7: {  	s22 =	sld [smem:$0x7EF]  }
0xa8: {  	[sflag:s30] =	ssyncset.done $0x0;
	s23 =	sld [smem:$0x7F1]  }
0xa9: {  	s31 =	sld [smem:$0x7F0];
	[sflag:s30] =	ssyncadd.s32 $0xFFFFFFB0  }
0xaa: {  	[tilespmem:s19], [sflag:$0x3] =	stream.indirect.gather [hbm4b:s0+s13], $0x80, s5, s13, $0xb8;
	[tilespmem:$0x1E180] =	vst v63  }
0xab: {  	s2 =	simm.s32 $0x2;
	s17 =	simm.s32 $0x0;
	s5 =	rddreg [dreg:$0x1d]  }
0xac: {  	s12 =	simm.s32 $0x0;
	s4 =	simm.s32 $0x3;
	s19 =	sld [smem:$0x7EE]  }
.LBB2_2:
0xad: {  	_ =	swait.ge [sflag:s21], $0x2800  }
0xae: {  	[sflag:s21] =	ssyncset.done $0x0  }
0xaf: {  	s3 =	simm.s32 $0x300;
	[sflag:s21] =	ssyncadd.s32 $0xFFFFD800  }
0xb0: {  	[spmem:s1] =	stream.indirect.scatter.add.f32 [tilespmem:s24], [sflag:$0x10], $0x80, s3, s13, $0xb8;
	[tilespmem:$0x1E180] =	vst v63  }
0xb1: {  	_ =	swait.ge [sflag:s18], $0x2800  }
0xb2: {  	[sflag:s18] =	ssyncset.done $0x0  }
0xb3: {  	[sflag:s18] =	ssyncadd.s32 $0xFFFFD800  }
0xb4: {  	v6 =	vld [tilespmem:$0x300];
	_ =	sdelay $0x7  }
0xb5: {  	[tilespmem:v6+s11+$0x0] =	vst.idx.add.f32.msk $0xffff, v5  }
0xb6: {  	v6 =	vld [tilespmem:$0x310];
	_ =	sdelay $0x7  }
0xb7: {  	[tilespmem:v6+s11+$0x0] =	vst.idx.add.f32.msk $0xffff, v5  }
0xb8: {  	v6 =	vld [tilespmem:$0x320];
	_ =	sdelay $0x7  }
0xb9: {  	[tilespmem:v6+s11+$0x0] =	vst.idx.add.f32.msk $0xffff, v5  }
0xba: {  	v6 =	vld [tilespmem:$0x330];
	_ =	sdelay $0x7  }
0xbb: {  	[tilespmem:v6+s11+$0x0] =	vst.idx.add.f32.msk $0xffff, v5  }
0xbc: {  	v6 =	vld [tilespmem:$0x340];
	_ =	sdelay $0x7  }
0xbd: {  	[tilespmem:v6+s11+$0x0] =	vst.idx.add.f32.msk $0xffff, v5  }
0xbe: {  	_ =	swait.ge [sflag:s25], $0x50  }
0xbf: {  	[sflag:s25] =	ssyncset.done $0x0  }
0xc0: {  	[sflag:s25] =	ssyncadd.s32 $0xFFFFFFB0  }
0xc1: {  	_ =	swait.ge [sflag:s14], $0x50  }
0xc2: {  	p3 =	seq.s32 s12, $0x99C;
	[sflag:s14] =	ssyncset.done $0x0  }
0xc3: {  	s28 =	simm.s32 $0x180;
	s3 =	sshrl.u32 @!p3 s26, $0x3;
	[sflag:s14] =	ssyncadd.s32 $0xFFFFFFB0  }
0xc4: {  	[tilespmem:s24], [sflag:$0x1] =	stream.indirect.gather [hbm4b:s0+s13], $0x80, s28, s13, $0xb8;
	[tilespmem:$0x1E180] =	vst v63  }
0xc5: {  	s9 =	sadd.s32 @!p3 s31, s3;
	s3 =	simm.s32 @!p3 $0x0  }
0xc6: {  	[tilespmem:s3], [sflag:$0x4] =	stream.linear.gather @!p3 [hbm4b:s9+s3], $0x50, $0x38;
	[tilespmem:$0x1E180] =	vst v63  }
0xc7: {  	s9 =	sshrl.u32 @!p3 s10, $0x3  }
0xc8: {  	s15 =	simm.s32 @!p3 $0x300;
	s9 =	sadd.s32 @!p3 s31, s9  }
0xc9: {  	[tilespmem:s15], [sflag:$0xA] =	stream.linear.gather @!p3 [hbm4b:s9+s3], $0x50, $0x38;
	[tilespmem:$0x1E180] =	vst v63  }
0xca: {  	_ =	swait.ge [sflag:s2], $0x2800  }
0xcb: {  	[sflag:s2] =	ssyncset.done $0x0  }
0xcc: {  	s29 =	simm.s32 $0x2E00;
	s30 =	simm.s32 $0x380;
	[sflag:s2] =	ssyncadd.s32 $0xFFFFD800  }
0xcd: {  	[spmem:s1] =	stream.indirect.scatter.add.f32 [tilespmem:s29], [sflag:$0x10], $0x80, s30, s13, $0xb8;
	[tilespmem:$0x1E180] =	vst v63  }
0xce: {  	_ =	swait.ge [sflag:s18], $0x2800  }
0xcf: {  	[sflag:s18] =	ssyncset.done $0x0  }
0xd0: {  	[sflag:s18] =	ssyncadd.s32 $0xFFFFD800  }
0xd1: {  	v6 =	vld [tilespmem:$0x380];
	_ =	sdelay $0x7  }
0xd2: {  	[tilespmem:v6+s11+$0x0] =	vst.idx.add.f32.msk $0xffff, v5  }
0xd3: {  	v6 =	vld [tilespmem:$0x390];
	_ =	sdelay $0x7  }
0xd4: {  	[tilespmem:v6+s11+$0x0] =	vst.idx.add.f32.msk $0xffff, v5  }
0xd5: {  	v6 =	vld [tilespmem:$0x3A0];
	_ =	sdelay $0x7  }
0xd6: {  	[tilespmem:v6+s11+$0x0] =	vst.idx.add.f32.msk $0xffff, v5  }
0xd7: {  	v6 =	vld [tilespmem:$0x3B0];
	_ =	sdelay $0x7  }
0xd8: {  	[tilespmem:v6+s11+$0x0] =	vst.idx.add.f32.msk $0xffff, v5  }
0xd9: {  	v6 =	vld [tilespmem:$0x3C0];
	_ =	sdelay $0x7  }
0xda: {  	s9 =	simm.s32 @!p3 $0x8;
	[tilespmem:v6+s11+$0x0] =	vst.idx.add.f32.msk $0xffff, v5  }
0xdb: {  	_ =	swait.ge @!p3 [sflag:s9], $0x50  }
0xdc: {  	[sflag:s9] =	ssyncset.done @!p3 $0x0  }
0xdd: {  	[sflag:s9] =	ssyncadd.s32 @!p3 $0xFFFFFFB0;
	s9 =	simm.s32 @!p3 $0xE  }
0xde: {  	_ =	swait.ge @!p3 [sflag:s9], $0x50  }
0xdf: {  	s20 =	simm.s32 @!p3 $0x2E00;
	[sflag:s9] =	ssyncset.done @!p3 $0x0  }
0xe0: {  	s15 =	simm.s32 @!p3 $0x50;
	[sflag:s9] =	ssyncadd.s32 @!p3 $0xFFFFFFB0;
	s9 =	simm.s32 @!p3 $0x200  }
0xe1: {  	[tilespmem:s20], [sflag:$0x2] =	stream.indirect.gather @!p3 [hbm4b:s0+s15], $0x80, s9, s15, $0xb8;
	[tilespmem:$0x1E180] =	vst v63  }
0xe2: {  	s28 =	simm.s32 @!p3 $0x80;
	s9 =	sadd.s32 @!p3 s12, s22  }
0xe3: {  	[tilespmem:s28], [sflag:$0x5] =	stream.linear.gather @!p3 [hbm4b:s9+s3], $0x50, $0x38;
	[tilespmem:$0x1E180] =	vst v63  }
0xe4: {  	s16 =	simm.s32 @!p3 $0x380;
	s9 =	sadd.s32 @!p3 s12, s23  }
0xe5: {  	[tilespmem:s16], [sflag:$0xB] =	stream.linear.gather @!p3 [hbm4b:s9+s3], $0x50, $0x38;
	[tilespmem:$0x1E180] =	vst v63  }
0xe6: {  	_ =	swait.ge [sflag:s4], $0x2800  }
0xe7: {  	[sflag:s4] =	ssyncset.done $0x0  }
0xe8: {  	s29 =	simm.s32 $0x5600;
	s16 =	simm.s32 $0x400;
	[sflag:s4] =	ssyncadd.s32 $0xFFFFD800  }
0xe9: {  	[spmem:s1] =	stream.indirect.scatter.add.f32 [tilespmem:s29], [sflag:$0x10], $0x80, s16, s13, $0xb8;
	[tilespmem:$0x1E180] =	vst v63  }
0xea: {  	_ =	swait.ge [sflag:s18], $0x2800  }
0xeb: {  	[sflag:s18] =	ssyncset.done $0x0  }
0xec: {  	[sflag:s18] =	ssyncadd.s32 $0xFFFFD800  }
0xed: {  	v6 =	vld [tilespmem:$0x400];
	_ =	sdelay $0x7  }
0xee: {  	[tilespmem:v6+s11+$0x0] =	vst.idx.add.f32.msk $0xffff, v5  }
0xef: {  	v6 =	vld [tilespmem:$0x410];
	_ =	sdelay $0x7  }
0xf0: {  	[tilespmem:v6+s11+$0x0] =	vst.idx.add.f32.msk $0xffff, v5  }
0xf1: {  	v6 =	vld [tilespmem:$0x420];
	_ =	sdelay $0x7  }
0xf2: {  	[tilespmem:v6+s11+$0x0] =	vst.idx.add.f32.msk $0xffff, v5  }
0xf3: {  	v6 =	vld [tilespmem:$0x430];
	_ =	sdelay $0x7  }
0xf4: {  	[tilespmem:v6+s11+$0x0] =	vst.idx.add.f32.msk $0xffff, v5  }
0xf5: {  	v6 =	vld [tilespmem:$0x440];
	_ =	sdelay $0x7  }
0xf6: {  	s9 =	simm.s32 @!p3 $0x9;
	[tilespmem:v6+s11+$0x0] =	vst.idx.add.f32.msk $0xffff, v5  }
0xf7: {  	_ =	swait.ge @!p3 [sflag:s9], $0x50  }
0xf8: {  	[sflag:s9] =	ssyncset.done @!p3 $0x0  }
0xf9: {  	[sflag:s9] =	ssyncadd.s32 @!p3 $0xFFFFFFB0;
	s9 =	simm.s32 @!p3 $0xF  }
0xfa: {  	_ =	swait.ge @!p3 [sflag:s9], $0x50  }
0xfb: {  	[sflag:s9] =	ssyncset.done @!p3 $0x0  }
0xfc: {  	s16 =	simm.s32 @!p3 $0x5600;
	[sflag:s9] =	ssyncadd.s32 @!p3 $0xFFFFFFB0;
	s9 =	simm.s32 @!p3 $0x280  }
0xfd: {  	[tilespmem:s16], [sflag:$0x3] =	stream.indirect.gather @!p3 [hbm4b:s0+s15], $0x80, s9, s15, $0xb8;
	[tilespmem:$0x1E180] =	vst v63  }
0xfe: {  	s29 =	sadd.s32 @!p3 s12, s8;
	s9 =	simm.s32 @!p3 $0x100  }
0xff: {  	[tilespmem:s9], [sflag:$0x6] =	stream.linear.gather @!p3 [hbm4b:s29+s3], $0x50, $0x38;
	[tilespmem:$0x1E180] =	vst v63  }
0x100: {  	s30 =	simm.s32 @!p3 $0x400;
	s29 =	sadd.s32 @!p3 s12, s19  }
0x101: {  	[tilespmem:s30], [sflag:$0xC] =	stream.linear.gather @!p3 [hbm4b:s29+s3], $0x50, $0x38;
	[tilespmem:$0x1E180] =	vst v63  }
0x102: {  	_ =	swait.ge [sflag:s21], $0x2800  }
0x103: {  	[sflag:s21] =	ssyncset.done $0x0  }
0x104: {  	s30 =	simm.s32 $0x480;
	[sflag:s21] =	ssyncadd.s32 $0xFFFFD800  }
0x105: {  	[spmem:s1] =	stream.indirect.scatter.add.f32 [tilespmem:s24], [sflag:$0x10], $0x80, s30, s13, $0xb8;
	[tilespmem:$0x1E180] =	vst v63  }
0x106: {  	_ =	swait.ge [sflag:s18], $0x2800  }
0x107: {  	[sflag:s18] =	ssyncset.done $0x0  }
0x108: {  	[sflag:s18] =	ssyncadd.s32 $0xFFFFD800  }
0x109: {  	v6 =	vld [tilespmem:$0x480];
	_ =	sdelay $0x7  }
0x10a: {  	[tilespmem:v6+s11+$0x0] =	vst.idx.add.f32.msk $0xffff, v5  }
0x10b: {  	v6 =	vld [tilespmem:$0x490];
	_ =	sdelay $0x7  }
0x10c: {  	[tilespmem:v6+s11+$0x0] =	vst.idx.add.f32.msk $0xffff, v5  }
0x10d: {  	v6 =	vld [tilespmem:$0x4A0];
	_ =	sdelay $0x7  }
0x10e: {  	[tilespmem:v6+s11+$0x0] =	vst.idx.add.f32.msk $0xffff, v5  }
0x10f: {  	v6 =	vld [tilespmem:$0x4B0];
	_ =	sdelay $0x7  }
0x110: {  	[tilespmem:v6+s11+$0x0] =	vst.idx.add.f32.msk $0xffff, v5  }
0x111: {  	v6 =	vld [tilespmem:$0x4C0];
	_ =	sdelay $0x7  }
0x112: {  	s29 =	simm.s32 @!p3 $0x4;
	[tilespmem:v6+s11+$0x0] =	vst.idx.add.f32.msk $0xffff, v5  }
0x113: {  	_ =	swait.ge @!p3 [sflag:s29], $0x50  }
0x114: {  	[sflag:s29] =	ssyncset.done @!p3 $0x0  }
0x115: {  	[sflag:s29] =	ssyncadd.s32 @!p3 $0xFFFFFFB0;
	s29 =	simm.s32 @!p3 $0xA  }
0x116: {  	_ =	swait.ge @!p3 [sflag:s29], $0x50  }
0x117: {  	[sflag:s29] =	ssyncset.done @!p3 $0x0  }
0x118: {  	[sflag:s29] =	ssyncadd.s32 @!p3 $0xFFFFFFB0;
	s29 =	simm.s32 @!p3 $0x600  }
0x119: {  	[tilespmem:s29], [sflag:$0x1] =	stream.indirect.gather @!p3 [hbm4b:s0+s15], $0x80, s3, s15, $0xb8;
	[tilespmem:$0x1E180] =	vst v63  }
0x11a: {  	s30 =	simm.s32 @!p3 $0x180;
	s29 =	sadd.s32 @!p3 s12, s6  }
0x11b: {  	[tilespmem:s30], [sflag:$0x7] =	stream.linear.gather @!p3 [hbm4b:s29+s3], $0x50, $0x38;
	[tilespmem:$0x1E180] =	vst v63  }
0x11c: {  	s29 =	sadd.s32 @!p3 s12, s7;
	s30 =	simm.s32 @!p3 $0x480  }
0x11d: {  	[tilespmem:s30], [sflag:$0xD] =	stream.linear.gather @!p3 [hbm4b:s29+s3], $0x50, $0x38;
	[tilespmem:$0x1E180] =	vst v63  }
0x11e: {  	s3 =	simm.s32 @!p3 $0x2  }
0x11f: {  	_ =	swait.ge @!p3 [sflag:s3], $0x2800  }
0x120: {  	[sflag:s3] =	ssyncset.done @!p3 $0x0  }
0x121: {  	[sflag:s3] =	ssyncadd.s32 @!p3 $0xFFFFD800;
	s3 =	simm.s32 @!p3 $0x500  }
0x122: {  	[spmem:s1] =	stream.indirect.scatter.add.f32 @!p3 [tilespmem:s20], [sflag:$0x10], $0x80, s3, s15, $0xb8;
	[tilespmem:$0x1E180] =	vst v63  }
0x123: {  	s3 =	simm.s32 @!p3 $0x10  }
0x124: {  	_ =	swait.ge @!p3 [sflag:s3], $0x2800  }
0x125: {  	[sflag:s3] =	ssyncset.done @!p3 $0x0  }
0x126: {  	[sflag:s3] =	ssyncadd.s32 @!p3 $0xFFFFD800  }
0x127: {  	v6 =	vld @!p3 [tilespmem:$0x500];
	_ =	sdelay $0x6  }
0x128: {  	v7 =	vimm.f32 @!p3 $1.000000000e+00;
	s29 =	simm.s32 @!p3 $0x1B680  }
0x129: {  	[tilespmem:v6+s29+$0x0] =	vst.idx.add.f32.msk @!p3 $0xffff, v7  }
0x12a: {  	v6 =	vld @!p3 [tilespmem:$0x510];
	_ =	sdelay $0x7  }
0x12b: {  	[tilespmem:v6+s29+$0x0] =	vst.idx.add.f32.msk @!p3 $0xffff, v7  }
0x12c: {  	v6 =	vld @!p3 [tilespmem:$0x520];
	_ =	sdelay $0x7  }
0x12d: {  	[tilespmem:v6+s29+$0x0] =	vst.idx.add.f32.msk @!p3 $0xffff, v7  }
0x12e: {  	v6 =	vld @!p3 [tilespmem:$0x530];
	_ =	sdelay $0x7  }
0x12f: {  	[tilespmem:v6+s29+$0x0] =	vst.idx.add.f32.msk @!p3 $0xffff, v7  }
0x130: {  	v6 =	vld @!p3 [tilespmem:$0x540];
	_ =	sdelay $0x7  }
0x131: {  	s30 =	simm.s32 @!p3 $0x5;
	[tilespmem:v6+s29+$0x0] =	vst.idx.add.f32.msk @!p3 $0xffff, v7  }
0x132: {  	_ =	swait.ge @!p3 [sflag:s30], $0x50  }
0x133: {  	[sflag:s30] =	ssyncset.done @!p3 $0x0  }
0x134: {  	[sflag:s30] =	ssyncadd.s32 @!p3 $0xFFFFFFB0;
	s30 =	simm.s32 @!p3 $0xB  }
0x135: {  	_ =	swait.ge @!p3 [sflag:s30], $0x50  }
0x136: {  	[sflag:s30] =	ssyncset.done @!p3 $0x0  }
0x137: {  	p4 =	sgt.u32 @!p3 s17, $0x27;
	[sflag:s30] =	ssyncadd.s32 @!p3 $0xFFFFFFB0  }
0x138: {  	[tilespmem:s20], [sflag:$0x2] =	stream.indirect.gather @!p3 [hbm4b:s0+s15], $0x80, s28, s15, $0xb8;
	[tilespmem:$0x1E180] =	vst v63  }
0x139: {  	p4 =	por p4, p3;
	s20 =	rddreg [dreg:$0x1c]  }
0x13a: {  	s30 =	simm.s32 @!p4 $0x200;
	s28 =	simm.s32 @!p4 $0x0;
	s20 =	sadd.s32 @!p4 s12, s20  }
0x13b: {  	[tilespmem:s30], [sflag:$0x8] =	stream.linear.gather @!p4 [hbm4b:s20+s28], $0x50, $0x38;
	[tilespmem:$0x1E180] =	vst v63  }
0x13c: {  	s20 =	sadd.s32 @!p4 s12, s5;
	s30 =	simm.s32 @!p4 $0x500  }
0x13d: {  	[tilespmem:s30], [sflag:$0xE] =	stream.linear.gather @!p4 [hbm4b:s20+s28], $0x50, $0x38;
	[tilespmem:$0x1E180] =	vst v63  }
0x13e: {  	s20 =	simm.s32 @!p3 $0x3  }
0x13f: {  	_ =	swait.ge @!p3 [sflag:s20], $0x2800  }
0x140: {  	[sflag:s20] =	ssyncset.done @!p3 $0x0  }
0x141: {  	[sflag:s20] =	ssyncadd.s32 @!p3 $0xFFFFD800;
	s20 =	simm.s32 @!p3 $0x580  }
0x142: {  	[spmem:s1] =	stream.indirect.scatter.add.f32 @!p3 [tilespmem:s16], [sflag:$0x10], $0x80, s20, s15, $0xb8;
	[tilespmem:$0x1E180] =	vst v63  }
0x143: {  	_ =	swait.ge @!p3 [sflag:s3], $0x2800  }
0x144: {  	[sflag:s3] =	ssyncset.done @!p3 $0x0  }
0x145: {  	[sflag:s3] =	ssyncadd.s32 @!p3 $0xFFFFD800  }
0x146: {  	v6 =	vld @!p3 [tilespmem:$0x580];
	_ =	sdelay $0x7  }
0x147: {  	[tilespmem:v6+s29+$0x0] =	vst.idx.add.f32.msk @!p3 $0xffff, v7  }
0x148: {  	v6 =	vld @!p3 [tilespmem:$0x590];
	_ =	sdelay $0x7  }
0x149: {  	[tilespmem:v6+s29+$0x0] =	vst.idx.add.f32.msk @!p3 $0xffff, v7  }
0x14a: {  	v6 =	vld @!p3 [tilespmem:$0x5A0];
	_ =	sdelay $0x7  }
0x14b: {  	[tilespmem:v6+s29+$0x0] =	vst.idx.add.f32.msk @!p3 $0xffff, v7  }
0x14c: {  	v6 =	vld @!p3 [tilespmem:$0x5B0];
	_ =	sdelay $0x7  }
0x14d: {  	[tilespmem:v6+s29+$0x0] =	vst.idx.add.f32.msk @!p3 $0xffff, v7  }
0x14e: {  	v6 =	vld @!p3 [tilespmem:$0x5C0];
	_ =	sdelay $0x7  }
0x14f: {  	s3 =	simm.s32 @!p3 $0x6;
	[tilespmem:v6+s29+$0x0] =	vst.idx.add.f32.msk @!p3 $0xffff, v7  }
0x150: {  	_ =	swait.ge @!p3 [sflag:s3], $0x50  }
0x151: {  	[sflag:s3] =	ssyncset.done @!p3 $0x0  }
0x152: {  	[sflag:s3] =	ssyncadd.s32 @!p3 $0xFFFFFFB0;
	s3 =	simm.s32 @!p3 $0xC  }
0x153: {  	_ =	swait.ge @!p3 [sflag:s3], $0x50  }
0x154: {  	[sflag:s3] =	ssyncset.done @!p3 $0x0  }
0x155: {  	[sflag:s3] =	ssyncadd.s32 @!p3 $0xFFFFFFB0;
	s3 =	rddreg [dreg:$0x1a]  }
0x156: {  	[tilespmem:s16], [sflag:$0x3] =	stream.indirect.gather @!p3 [hbm4b:s0+s15], $0x80, s9, s15, $0xb8;
	[tilespmem:$0x1E180] =	vst v63  }
0x157: {  	s3 =	sadd.s32 @!p4 s12, s3;
	s9 =	simm.s32 @!p4 $0x280  }
0x158: {  	[tilespmem:s9], [sflag:$0x9] =	stream.linear.gather @!p4 [hbm4b:s3+s28], $0x50, $0x38;
	[tilespmem:$0x1E180] =	vst v63  }
0x159: {  	s3 =	rddreg [dreg:$0x1b]  }
0x15a: {  	s9 =	simm.s32 @!p4 $0x580;
	s3 =	sadd.s32 @!p4 s12, s3;
	s12 =	sadd.s32 @!p3 $0x3C, s12  }
0x15b: {  	[tilespmem:s9], [sflag:$0xF] =	stream.linear.gather @!p4 [hbm4b:s3+s28], $0x50, $0x38;
	[tilespmem:$0x1E180] =	vst v63  }
0x15c: {  	p4 =	sne.s32 @!p3 s12, $0x9D8  }
0x15d: {  	p4 =	por p3, !p4  }
.Ltmp0:
0x15e: {  	_ = 	snop;
	(pc) =	sbr.rel @!p4 .LBB2_2-.Ltmp0, $2  }
0x15f: {  	_ =	sdelay $0x2  }
0x160: {  	s17 =	sadd.s32 @!p3 $0x1, s17;
	s26 =	sadd.s32 @!p3 $0x1E0, s26;
	s10 =	sadd.s32 @!p3 $0x1E0, s10  }
0x161: {  	[bflag:$0x0] =	sbarrier.arrive $0xFFFF  }
0x162: {  	s2 =	simm.s32 $0x2E00;
	s4 =	simm.s32 $0x11;
	s22 =	rddreg [dreg:$0x12]  }
0x163: {  	[tilespmem:s2], [sflag:$0x11] =	stream.linear.gather [spmem:s22], $0x2800, $0x38;
	[tilespmem:$0x1E180] =	vst v63  }
0x164: {  	_ =	swait.ge [sflag:s4], $0x2800  }
0x165: {  	[sflag:s4] =	ssyncset.done $0x0  }
0x166: {  	s15 =	simm.s32 $0x0;
	s3 =	rddreg [dreg:$0x5];
	[sflag:s4] =	ssyncadd.s32 $0xFFFFD800  }
0x167: {  	[hbm4b:s3+s15] =	stream.linear.scatter [tilespmem:s2], [sflag:$0x10], $0x2800, $0x38;
	[tilespmem:$0x1E180] =	vst v63  }
0x168: {  	_ =	swait.ge [sflag:s18], $0x2800  }
0x169: {  	[sflag:s18] =	ssyncset.done $0x0  }
0x16a: {  	s23 =	rddreg [dreg:$0x13];
	[sflag:s18] =	ssyncadd.s32 $0xFFFFD800  }
0x16b: {  	[tilespmem:s2], [sflag:$0x11] =	stream.linear.gather [spmem:s23], $0x2800, $0x38;
	[tilespmem:$0x1E180] =	vst v63  }
0x16c: {  	_ =	swait.ge [sflag:s4], $0x2800  }
0x16d: {  	[sflag:s4] =	ssyncset.done $0x0  }
0x16e: {  	s5 =	rddreg [dreg:$0x6];
	[sflag:s4] =	ssyncadd.s32 $0xFFFFD800  }
0x16f: {  	[hbm4b:s5+s15] =	stream.linear.scatter [tilespmem:s2], [sflag:$0x10], $0x2800, $0x38;
	[tilespmem:$0x1E180] =	vst v63  }
0x170: {  	_ =	swait.ge [sflag:s18], $0x2800  }
0x171: {  	[sflag:s18] =	ssyncset.done $0x0  }
0x172: {  	s17 =	rddreg [dreg:$0x14];
	[sflag:s18] =	ssyncadd.s32 $0xFFFFD800  }
0x173: {  	[tilespmem:s2], [sflag:$0x11] =	stream.linear.gather [spmem:s17], $0x2800, $0x38;
	[tilespmem:$0x1E180] =	vst v63  }
0x174: {  	_ =	swait.ge [sflag:s4], $0x2800  }
0x175: {  	[sflag:s4] =	ssyncset.done $0x0  }
0x176: {  	s6 =	rddreg [dreg:$0x7];
	[sflag:s4] =	ssyncadd.s32 $0xFFFFD800  }
0x177: {  	[hbm4b:s6+s15] =	stream.linear.scatter [tilespmem:s2], [sflag:$0x10], $0x2800, $0x38;
	[tilespmem:$0x1E180] =	vst v63  }
0x178: {  	_ =	swait.ge [sflag:s18], $0x2800  }
0x179: {  	[sflag:s18] =	ssyncset.done $0x0  }
0x17a: {  	s20 =	rddreg [dreg:$0x15];
	[sflag:s18] =	ssyncadd.s32 $0xFFFFD800  }
0x17b: {  	[tilespmem:s2], [sflag:$0x11] =	stream.linear.gather [spmem:s20], $0x2800, $0x38;
	[tilespmem:$0x1E180] =	vst v63  }
0x17c: {  	_ =	swait.ge [sflag:s4], $0x2800  }
0x17d: {  	[sflag:s4] =	ssyncset.done $0x0  }
0x17e: {  	s7 =	rddreg [dreg:$0x8];
	[sflag:s4] =	ssyncadd.s32 $0xFFFFD800  }
0x17f: {  	[hbm4b:s7+s15] =	stream.linear.scatter [tilespmem:s2], [sflag:$0x10], $0x2800, $0x38;
	[tilespmem:$0x1E180] =	vst v63  }
0x180: {  	_ =	swait.ge [sflag:s18], $0x2800  }
0x181: {  	[sflag:s18] =	ssyncset.done $0x0  }
0x182: {  	s29 =	rddreg [dreg:$0x16];
	[sflag:s18] =	ssyncadd.s32 $0xFFFFD800  }
0x183: {  	[tilespmem:s2], [sflag:$0x11] =	stream.linear.gather [spmem:s29], $0x2800, $0x38;
	[tilespmem:$0x1E180] =	vst v63  }
0x184: {  	_ =	swait.ge [sflag:s4], $0x2800  }
0x185: {  	[sflag:s4] =	ssyncset.done $0x0  }
0x186: {  	s8 =	rddreg [dreg:$0x9];
	[sflag:s4] =	ssyncadd.s32 $0xFFFFD800  }
0x187: {  	[hbm4b:s8+s15] =	stream.linear.scatter [tilespmem:s2], [sflag:$0x10], $0x2800, $0x38;
	[tilespmem:$0x1E180] =	vst v63  }
0x188: {  	_ =	swait.ge [sflag:s18], $0x2800  }
0x189: {  	[sflag:s18] =	ssyncset.done $0x0  }
0x18a: {  	s30 =	rddreg [dreg:$0x17];
	[sflag:s18] =	ssyncadd.s32 $0xFFFFD800  }
0x18b: {  	[tilespmem:s2], [sflag:$0x11] =	stream.linear.gather [spmem:s30], $0x2800, $0x38;
	[tilespmem:$0x1E180] =	vst v63  }
0x18c: {  	_ =	swait.ge [sflag:s4], $0x2800  }
0x18d: {  	[sflag:s4] =	ssyncset.done $0x0  }
0x18e: {  	s9 =	rddreg [dreg:$0xa];
	[sflag:s4] =	ssyncadd.s32 $0xFFFFD800  }
0x18f: {  	[hbm4b:s9+s15] =	stream.linear.scatter [tilespmem:s2], [sflag:$0x10], $0x2800, $0x38;
	[tilespmem:$0x1E180] =	vst v63  }
0x190: {  	_ =	swait.ge [sflag:s18], $0x2800  }
0x191: {  	[sflag:s18] =	ssyncset.done $0x0  }
0x192: {  	s28 =	rddreg [dreg:$0x18];
	[sflag:s18] =	ssyncadd.s32 $0xFFFFD800  }
0x193: {  	[tilespmem:s2], [sflag:$0x11] =	stream.linear.gather [spmem:s28], $0x2800, $0x38;
	[tilespmem:$0x1E180] =	vst v63  }
0x194: {  	_ =	swait.ge [sflag:s4], $0x2800  }
0x195: {  	[sflag:s4] =	ssyncset.done $0x0  }
0x196: {  	s10 =	rddreg [dreg:$0xb];
	[sflag:s4] =	ssyncadd.s32 $0xFFFFD800  }
0x197: {  	[hbm4b:s10+s15] =	stream.linear.scatter [tilespmem:s2], [sflag:$0x10], $0x2800, $0x38;
	[tilespmem:$0x1E180] =	vst v63  }
0x198: {  	_ =	swait.ge [sflag:s18], $0x2800  }
0x199: {  	s3 =	simm.s32 @!p1 $0x2E00;
	[sflag:s18] =	ssyncset.done $0x0  }
0x19a: {  	s9 =	simm.s32 @!p1 $0x11;
	s16 =	rddreg [dreg:$0x19];
	[sflag:s18] =	ssyncadd.s32 $0xFFFFD800  }
0x19b: {  	[tilespmem:s3], [sflag:$0x11] =	stream.linear.gather @!p1 [spmem:s16], $0x2800, $0x38;
	[tilespmem:$0x1E180] =	vst v63  }
0x19c: {  	_ =	swait.ge @!p1 [sflag:s9], $0x2800  }
0x19d: {  	[sflag:s9] =	ssyncset.done @!p1 $0x0  }
0x19e: {  	s10 =	rddreg [dreg:$0xc];
	[sflag:s9] =	ssyncadd.s32 @!p1 $0xFFFFD800;
	s9 =	simm.s32 @!p1 $0x0  }
0x19f: {  	[hbm4b:s10+s9] =	stream.linear.scatter @!p1 [tilespmem:s3], [sflag:$0x10], $0x2800, $0x38;
	[tilespmem:$0x1E180] =	vst v63  }
0x1a0: {  	s3 =	simm.s32 @!p1 $0x10  }
0x1a1: {  	_ =	swait.ge @!p1 [sflag:s3], $0x2800  }
0x1a2: {  	[sflag:s3] =	ssyncset.done @!p1 $0x0  }
0x1a3: {  	[sflag:s3] =	ssyncadd.s32 @!p1 $0xFFFFD800  }
0x1a4: {  	s12 =	simm.s32 $0x1DE80;
	s26 =	rddreg [dreg:$0x3]  }
0x1a5: {  	[spmem:s26] =	stream.indirect.scatter.add.f32 [tilespmem:s11], [sflag:$0x10], $0x80, s12, s13, $0xb8;
	[tilespmem:$0x1E180] =	vst v63  }
0x1a6: {  	_ =	swait.ge [sflag:s18], $0x2800  }
0x1a7: {  	[sflag:s18] =	ssyncset.done $0x0  }
0x1a8: {  	[sflag:s18] =	ssyncadd.s32 $0xFFFFD800  }
0x1a9: {  	s9 =	simm.s32 @!p0 $0x10;
	s3 =	simm.s32 @!p0 $0x2E00;
	[bflag:$0x0] =	sbarrier.arrive $0xFFFF  }
0x1aa: {  	[tilespmem:s3], [sflag:$0x10] =	stream.linear.gather @!p0 [spmem:s26], $0x2800, $0x38;
	[tilespmem:$0x1E180] =	vst v63  }
0x1ab: {  	_ =	swait.ge @!p0 [sflag:s9], $0x2800  }
0x1ac: {  	[sflag:s9] =	ssyncset.done @!p0 $0x0  }
0x1ad: {  	s10 =	simm.s32 @!p0 $0x0;
	s12 =	rddreg [dreg:$0x10];
	[sflag:s9] =	ssyncadd.s32 @!p0 $0xFFFFD800  }
0x1ae: {  	[hbm4b:s12+s10] =	stream.linear.scatter @!p0 [tilespmem:s3], [sflag:$0x10], $0x2800, $0x38;
	[tilespmem:$0x1E180] =	vst v63  }
0x1af: {  	_ =	swait.ge @!p0 [sflag:s9], $0x2800  }
0x1b0: {  	s19 =	sld [smem:$0x7EC];
	_ =	sdelay $0x2  }
0x1b1: {  	s31 =	rddreg [dreg:$0x11];
	s4 =	sadd.s32 $0x1, s19  }
0x1b2: {  	p3 =	sne.s32 s4, s31  }
.Ltmp1:
0x1b3: {  	_ = 	snop;
	(pc) =	sbr.rel @p3 .LBB2_1-.Ltmp1, $4  }
0x1b4: {  	_ = 	snop  }
0x1b5: {  	s5 =	simm.s32 $0x380;
	s6 =	simm.s32 $0x400;
	s7 =	simm.s32 $0x180  }
0x1b6: {  	s8 =	simm.s32 $0x480;
	s2 =	simm.s32 $0x300;
	[sflag:s9] =	ssyncset.done @!p0 $0x0  }
0x1b7: {  	s12 =	simm.s32 $0x600;
	[sflag:s9] =	ssyncadd.s32 @!p0 $0xFFFFD800;
	s19 =	simm.s32 $0x5600  }
0x1b8: {  	_ =	sfence.sel $0x180000  }
0x1b9: {  	[bflag:$0x0] =	sbarrier.arrive $0xFFFF  }
0x1ba: {  	_ =	strace $0x90000047  }
0x1bb: {  	[bflag:$0x2] =	sbarrier.arrive $0xFFFF  }
0x1bc: {  	s0 =	rddreg [dreg:$0x4]  }
0x1bd: {  	s0 =	sadd.s32 @!p0 $0x100000, s0  }
0x1be: {  	[sflag:s0] =	ssyncadd.tile.s32 @!p0 $0x1;
	_ =	shalt  }
.Lfunc_end2:
_tile_overlayer_lowered:
.L_overlay_start_2:
0x1bf: {  	(tag) =	ssettag $0x2  }
0x1c0: {  	s0 =	rddreg [dreg:$0x0];
	s2 =	stileid.u32  }
0x1c1: {  	s1 =	rddreg [dreg:$0x1];
	p0 =	sne.s32 s2, $0x0  }
0x1c2: {  	s3 =	rddreg [dreg:$0x2];
	[bflag:$0x3] =	sbarrier.arrive $0xFFFF;
	s2 =	simm.s32 @!p0 $0x1C10  }
0x1c3: {  	[timem:s3], [sflag:s2] =	dma.local @!p0 [hbm:s0], s1  }
0x1c4: {  	s0 =	simm.s32 @!p0 $0x10  }
0x1c5: {  	_ =	swait.ge @!p0 [sflag:s0], s1  }
0x1c6: {  	s1 =	ssub.s32 @!p0 $0x0, s1;
	[sflag:s0] =	ssyncset.done @!p0 $0x0  }
0x1c7: {  	[sflag:s0] =	ssyncadd.s32 @!p0 s1  }
0x1c8: {  	[bflag:$0x3] =	sbarrier.arrive $0xFFFF  }
0x1c9: {  	_ =	shalt  }

// kernel: kernel.9.cloned.1.call-start
scs
__scs_entry_jumppad:
0x0: {  	(pc) =	sbr.rel $0x88, $3  }
0x1: {  	(tag) =	ssettag $0x0;
	lr =	simm.s32 $0x1  }
0x2: {  	[smem:$0x3F90] =	sst lr;
	_ =	strace $0xD0000000  }
0x3: {  	_ = 	snop  }
0x4: {  	_ = 	snop  }
0x5: {  	_ = 	snop  }
0x6: {  	_ = 	snop  }
0x7: {  	_ = 	snop  }
__scs_overlays_trampoline_lowered:
0x8: {  	[smem:$0x3F9F] =	sst s0  }
0x9: {  	[smem:$0x3FA0] =	sst s1  }
0xa: {  	[smem:$0x3FA1] =	sst s2  }
0xb: {  	[smem:$0x3FA2] =	sst s3  }
0xc: {  	[smem:$0x3FA3] =	sst s4  }
0xd: {  	[smem:$0x3FA4] =	sst s5  }
0xe: {  	[smem:$0x3FA5] =	sst s6  }
0xf: {  	[smem:$0x3FA6] =	sst s7  }
0x10: {  	[smem:$0x3FA7] =	sst s8  }
0x11: {  	[smem:$0x3FA8] =	sst s9;
	s0 =	simm.s32 @!p0 $0x0  }
0x12: {  	s1 =	sld [smem:$0x3F8E];
	s0 =	simm.s32 @p0 $0x1  }
0x13: {  	[smem:$0x3FA9] =	sst s0;
	s0 =	simm.s32 @!p1 $0x0  }
0x14: {  	s2 =	sld [smem:$0x3F8D];
	s0 =	simm.s32 @p1 $0x1  }
0x15: {  	[smem:$0x3FAA] =	sst s0;
	s0 =	simm.s32 @!p2 $0x0  }
0x16: {  	s3 =	sld [smem:$0x3FDB];
	s0 =	simm.s32 @p2 $0x1  }
0x17: {  	s4 =	simm.s32 $0x1BF5;
	[smem:$0x3FAC] =	sst s0  }
0x18: {  	s0 =	sld [smem:$0x3F8F];
	_ =	swait.ge [sflag:s4], $0x0  }
0x19: {  	s7 =	sld [smem:$0x3F90]  }
0x1a: {  	s8 =	sadd.s32 $0xFFFFE003, lr  }
0x1b: {  	s9 =	sadd.s32 $0xFFFFFEF7, lr;
	s5 =	simm.s32 $0xFFFFFFFF;
	p2 =	slt.u32 s8, $0xFFFFF086  }
0x1c: {  	p1 =	slt.u32 s9, $0xF7A;
	s5 =	simm.s32 @!p2 $0x0  }
0x1d: {  	s5 =	simm.s32 @p1 $0x1;
	p0 =	seq.s32 s7, s2  }
0x1e: {  	s7 =	smul.u32 @!p0 $0xF7A, s2;
	p2 =	seq.s32 @!p0 s5, $0x0  }
0x1f: {  	s9 =	smul.u32 $0xF7A, s1;
	s8 =	simm.s32 @!p0 $0x1BF5;
	p2 =	por !p2, p0  }
0x20: {  	[sflag:s8] =	ssyncset.s32 @!p0 $0xFFFFF086;
	s6 =	sadd.s32 @!p0 s3, s7;
	s7 =	simm.s32 @!p0 $0x108  }
0x21: {  	s3 =	sadd.s32 s3, s9;
	s6 =	sadd.s32 @!p0 $0x88, s6;
	s7 =	simm.s32 @p2 $0x1082  }
0x22: {  	[simem:s7], [sflag:s8] =	dma.local @!p0 [hbm:s6], $0xF7A  }
0x23: {  	s9 =	sor.u32 $0xD0000000, s2;
	s6 =	simm.s32 $0x108;
	_ =	swait.ge @!p0 [sflag:s8], $0x0  }
0x24: {  	s3 =	sadd.s32 $0x88, s3;
	s6 =	simm.s32 @!p1 $0x1082;
	[sflag:s4] =	ssyncset.s32 $0xFFFFF086  }
0x25: {  	[simem:s6], [sflag:s4] =	dma.local [hbm:s3], $0xF7A  }
0x26: {  	[smem:$0x3F90] =	sst s1;
	(tag) =	ssettag s2;
	_ =	strace s9  }
0x27: {  	s1 =	sld [smem:$0x3FA0]  }
0x28: {  	s2 =	sld [smem:$0x3FA1]  }
0x29: {  	s4 =	sld [smem:$0x3FA3]  }
0x2a: {  	p0 =	seq.s32 s5, $0x0;
	s5 =	sld [smem:$0x3FA4]  }
0x2b: {  	s6 =	sld [smem:$0x3FA5]  }
0x2c: {  	s7 =	sld [smem:$0x3FA6]  }
0x2d: {  	s3 =	simm.s32 $0x108;
	s8 =	sld [smem:$0x3FA7]  }
0x2e: {  	s3 =	simm.s32 @!p0 $0x1082;
	s9 =	sld [smem:$0x3FA8]  }
0x2f: {  	lr =	sadd.s32 s0, s3;
	s0 =	sld [smem:$0x3F9F]  }
0x30: {  	s3 =	sld [smem:$0x3FA2]  }
0x31: {  	[smem:$0x3FAB] =	sst s10  }
0x32: {  	s10 =	sld [smem:$0x3FA9];
	_ =	sdelay $0x3  }
0x33: {  	p0 =	seq.s32 s10, $0x1;
	s10 =	sld [smem:$0x3FAB];
	_ =	sdelay $0x3  }
0x34: {  	[smem:$0x3FAB] =	sst s10  }
0x35: {  	s10 =	sld [smem:$0x3FAA];
	_ =	sdelay $0x3  }
0x36: {  	p1 =	seq.s32 s10, $0x1;
	s10 =	sld [smem:$0x3FAB];
	_ =	sdelay $0x3  }
0x37: {  	[smem:$0x3FAB] =	sst s10  }
0x38: {  	s10 =	sld [smem:$0x3FAC]  }
0x39: {  	_ = 	snop;
	(pc) =	sbr.ind lr, $3  }
0x3a: {  	_ = 	snop  }
0x3b: {  	_ = 	snop  }
0x3c: {  	p2 =	seq.s32 s10, $0x1;
	s10 =	sld [smem:$0x3FAB]  }
0x3d: {  	_ =	shalt  }
0x3e: {  	_ =	shalt  }
0x3f: {  	_ =	shalt  }
0x40: {  	_ =	shalt  }
0x41: {  	_ =	shalt  }
0x42: {  	_ =	shalt  }
0x43: {  	_ =	shalt  }
0x44: {  	_ =	shalt  }
0x45: {  	_ =	shalt  }
0x46: {  	_ =	shalt  }
0x47: {  	_ =	shalt  }
0x48: {  	_ =	shalt  }
0x49: {  	_ =	shalt  }
0x4a: {  	_ =	shalt  }
0x4b: {  	_ =	shalt  }
0x4c: {  	_ =	shalt  }
0x4d: {  	_ =	shalt  }
0x4e: {  	_ =	shalt  }
0x4f: {  	_ =	shalt  }
0x50: {  	_ =	shalt  }
0x51: {  	_ =	shalt  }
0x52: {  	_ =	shalt  }
0x53: {  	_ =	shalt  }
0x54: {  	_ =	shalt  }
0x55: {  	_ =	shalt  }
0x56: {  	_ =	shalt  }
0x57: {  	_ =	shalt  }
0x58: {  	_ =	shalt  }
0x59: {  	_ =	shalt  }
0x5a: {  	_ =	shalt  }
0x5b: {  	_ =	shalt  }
0x5c: {  	_ =	shalt  }
0x5d: {  	_ =	shalt  }
0x5e: {  	_ =	shalt  }
0x5f: {  	_ =	shalt  }
0x60: {  	_ =	shalt  }
0x61: {  	_ =	shalt  }
0x62: {  	_ =	shalt  }
0x63: {  	_ =	shalt  }
0x64: {  	_ =	shalt  }
0x65: {  	_ =	shalt  }
0x66: {  	_ =	shalt  }
0x67: {  	_ =	shalt  }
0x68: {  	_ =	shalt  }
0x69: {  	_ =	shalt  }
0x6a: {  	_ =	shalt  }
0x6b: {  	_ =	shalt  }
0x6c: {  	_ =	shalt  }
0x6d: {  	_ =	shalt  }
0x6e: {  	_ =	shalt  }
0x6f: {  	_ =	shalt  }
0x70: {  	_ =	shalt  }
0x71: {  	_ =	shalt  }
0x72: {  	_ =	shalt  }
0x73: {  	_ =	shalt  }
0x74: {  	_ =	shalt  }
0x75: {  	_ =	shalt  }
0x76: {  	_ =	shalt  }
0x77: {  	_ =	shalt  }
0x78: {  	_ =	shalt  }
0x79: {  	_ =	shalt  }
0x7a: {  	_ =	shalt  }
0x7b: {  	_ =	shalt  }
0x7c: {  	_ =	shalt  }
0x7d: {  	_ =	shalt  }
0x7e: {  	_ =	shalt  }
0x7f: {  	_ =	shalt  }
0x80: {  	_ =	shalt  }
0x81: {  	_ =	shalt  }
0x82: {  	_ =	shalt  }
0x83: {  	_ =	shalt  }
0x84: {  	_ =	shalt  }
0x85: {  	_ =	shalt  }
0x86: {  	_ =	shalt  }
0x87: {  	_ =	shalt  }
.Lfunc_end0:
.L_simem_size_0:
called_computation.1_lowered:
.L_overlay_start_0:
0x88: {  	s2 =	sld [smem:$0x3FD9]  }
0x89: {  	s3 =	sld [smem:$0x3FFE];
	_ =	sdelay $0x1  }
0x8a: {  	s1 =	srdreg.scid  }
0x8b: {  	s0 =	sand.u32 $0x1, s1  }
0x8c: {  	s16 =	sshll.u32 s0, $0xA;
	s2 =	sadd.s32 s3, s2  }
0x8d: {  	s2 =	sadd.s32 s2, s16  }
0x8e: {  	[smem:$0x3FB7] =	sst s2  }
0x8f: {  	_ = 	snop  }
0x90: {  	(tm) =	ssettm $0x1  }
0x91: {  	s17 =	sld [smem:$0x3FFB];
	_ =	sdelay $0x3  }
0x92: {  	_ =	strace s17  }
0x93: {  	s2 =	sld [smem:$0x3FFC];
	_ =	sdelay $0x3  }
0x94: {  	_ =	strace s2  }
0x95: {  	s2 =	sld [smem:$0x3FFD];
	_ =	sdelay $0x3  }
0x96: {  	_ =	strace s2  }
0x97: {  	_ =	strace $0x8FFFFFFF  }
0x98: {  	s18 =	sld [smem:$0x3FDB];
	_ =	sdelay $0x1  }
0x99: {  	s19 =	simm.s32 $_scs_section_size  }
0x9a: {  	s4 =	simm.s32 $_size__tile_overlayer_lowered;
	s5 =	simm.s32 $_tile_overlayer_lowered  }
0x9b: {  	s22 =	simm.s32 $0x1BFF;
	s21 =	sshll.u32 s5, $0x1;
	s2 =	sadd.s32 s19, s18  }
0x9c: {  	s6 =	simm.s32 $0x0;
	s20 =	sshll.u32 s4, $0x1;
	s4 =	sadd.s32 s21, s2  }
0x9d: {  	[timem:s6], [sflag:s22] =	dma.local [hbm:s4], s20  }
0x9e: {  	_ =	swait.ge [sflag:s22], s20  }
0x9f: {  	s3 =	ssub.s32 $0x0, s20;
	[sflag:s22] =	ssyncset.done $0x0  }
0xa0: {  	[sflag:s22] =	ssyncadd.s32 s3;
	_ =	sdelay $0x1  }
0xa1: {  	s23 =	simm.s32 $0x1B8B  }
0xa2: {  	_ =	swait.ge [sflag:s23], $0x1  }
0xa3: {  	[sflag:s23] =	ssyncset.done $0x0  }
0xa4: {  	s25 =	simm.s32 $0x1B8E;
	s24 =	sld [smem:$0x3FFE];
	[sflag:s23] =	ssyncadd.s32 $0xFFFFFFFF  }
0xa5: {  	s26 =	simm.s32 $execute0_lowered;
	[smem:$0x3FD2] =	sst s25  }
0xa6: {  	s4 =	sshll.u32 s26, $0x1;
	_ =	strace $0x80000049;
	[dreg:$0x1] =	wrdreg $0xFFFFFFFF  }
0xa7: {  	s28 =	simm.s32 $_size_execute0_lowered;
	s2 =	sadd.s32 s2, s4;
	[dreg:$0x0] =	wrdreg $0x0  }
0xa8: {  	s4 =	sshll.u32 s28, $0x1;
	[dreg:$0x2] =	wrdreg s2  }
0xa9: {  	[dreg:$0x3] =	wrdreg s4  }
0xaa: {  	[dreg:$0x4] =	wrdreg $0xC0  }
0xab: {  	_ =	task [dreg:s6], $0x5FFFF  }
0xac: {  	[dreg:$0x1] =	wrdreg $0xFFFFFFFF  }
0xad: {  	[dreg:$0x0] =	wrdreg $0x60  }
0xae: {  	[dreg:$0x2] =	wrdreg s24  }
0xaf: {  	[dreg:$0x3] =	wrdreg $0xA8000  }
0xb0: {  	[dreg:$0x4] =	wrdreg $0x9  }
0xb1: {  	_ =	task.clear_ibuf [dreg:s6], $0x5FFFF;
	_ =	strace $0x90000049  }
0xb2: {  	s29 =	simm.s32 $0x9;
	_ =	strace $0x8000004B  }
0xb3: {  	_ =	swait.ge [sflag:s29], $0x1  }
0xb4: {  	[sflag:s29] =	ssyncadd.s32 $0xFFFFFFFF  }
0xb5: {  	_ =	strace $0x9000004B  }
0xb6: {  	_ =	sfence  }
0xb7: {  	s30 =	sld [smem:$0x0];
	_ =	sdelay $0x2  }
0xb8: {  	s31 =	sshll.u32 s1, $0xD;
	s1 =	sshrl.u32 s1, $0x2  }
0xb9: {  	s3 =	sand.u32 $0x4000, s31;
	s1 =	sadd.s32 s1, s30  }
0xba: {  	s0 =	sor.u32 s3, s0;
	s1 =	sshll.u32 s1, $0x11  }
0xbb: {  	s0 =	sor.u32 s1, s0  }
0xbc: {  	s0 =	sadd.s32 $0x8F2B, s0  }
0xbd: {  	[sflag:s0] =	ssyncadd.remote.s32 $0x1  }
0xbe: {  	_ =	sfence.sel $0xFFFF  }
0xbf: {  	[dreg:$0x0] =	wrdreg $0xFFFFFFFF;
	(pc) =	sbr.abs _section_cstart, $3  }
0xc0: {  	[dreg:$0x1] =	wrdreg $0xFFFFFFFF  }
0xc1: {  	_ =	task.clear_ibuf [dreg:s6], $0x2FFFF;
	_ =	strace $0x9FFFFFFF  }
0xc2: {  	(tm) =	ssettm $0x7FFFFFFF  }
0xc3: {  	_ =	shalt  }
tec
execute0_lowered:
.L_overlay_start_1:
0x0: {  	(tag) =	ssettag $0x1  }
0x1: {  	s0 =	rddreg [dreg:$0x0]  }
0x2: {  	s1 =	rddreg [dreg:$0x1];
	s21 =	stileid.u32  }
0x3: {  	s3 =	srdreg.scid;
	s8 =	smul.u32 $0x4E20, s21  }
0x4: {  	s2 =	simm.s32 $0x0;
	s3 =	sand.u32 $0x1, s3;
	s12 =	smul.u32 $0x500, s21  }
0x5: {  	[smem:$0x7FF] =	sst s2;
	s5 =	smul.u32 $0x27100, s3  }
0x6: {  	s4 =	sadd.s32 $0x17C00, s0;
	s10 =	sor.u32 $0x10, s21;
	s7 =	smul.u32 $0x4E200, s3  }
0x7: {  	s9 =	sadd.s32 $0x17600, s0;
	s14 =	sor.u32 $0x20, s21;
	s11 =	smul.u32 $0xA000, s10  }
0x8: {  	s16 =	sor.u32 $0x50, s21;
	s18 =	sor.u32 $0x60, s21;
	s10 =	smul.u32 $0x500, s10  }
0x9: {  	s19 =	sor.u32 $0x70, s21;
	_ =	strace $0x8000004A;
	s15 =	smul.u32 $0x500, s14  }
0xa: {  	s6 =	sxor.u32 $0x1, s3;
	[dreg:$0x3] =	wrdreg s9;
	s20 =	smul.u32 $0x500, s16  }
0xb: {  	s3 =	ssub.s32 $0x2, s3;
	s25 =	smul.u32 $0x500, s18;
	p0 =	sgt.u32 s19, $0x7C  }
0xc: {  	s22 =	smul.u32 $0x4E200, s6;
	s6 =	sadd.s32 $0x3C00, s0;
	s23 =	sshrl.u32 s3, $0x1  }
0xd: {  	s13 =	ssub.s32 s3, s23;
	s3 =	sadd.s32 s8, s7;
	s7 =	sor.u32 $0x30, s21  }
0xe: {  	s0 =	sadd.s32 s5, s0;
	s5 =	sadd.s32 s8, s22;
	s24 =	smul.u32 $0x500, s7  }
0xf: {  	s8 =	sor.u32 $0x40, s21;
	s0 =	sadd.s32 $0x3EE00, s0;
	s7 =	smul.u32 $0xA000, s7  }
0x10: {  	s13 =	smax.u32 s13, $0x1;
	s17 =	smul.u32 $0x500, s8;
	s12 =	sadd.s32 s0, s12  }
0x11: {  	s26 =	sadd.s32 s0, s15;
	s15 =	smul.u32 $0x500, s19;
	[dreg:$0xe] =	wrdreg s13  }
0x12: {  	s10 =	sadd.s32 s0, s10;
	s8 =	smul.u32 $0xA000, s8;
	[dreg:$0x4] =	wrdreg s12  }
0x13: {  	s23 =	sadd.s32 s0, s20;
	s20 =	smul.u32 $0xA000, s16;
	[dreg:$0x5] =	wrdreg s10  }
0x14: {  	s13 =	sadd.s32 $0x460, s3;
	[dreg:$0x6] =	wrdreg s26;
	s9 =	sadd.s32 s0, s24  }
0x15: {  	[dreg:$0x9] =	wrdreg s23;
	s10 =	sadd.s32 s0, s25;
	s25 =	smul.u32 $0xA000, s21  }
0x16: {  	s24 =	sshrl.u32 s3, $0x3;
	s26 =	smul.u32 $0xA000, s14;
	[dreg:$0x7] =	wrdreg s9  }
0x17: {  	s12 =	sshrl.u32 s5, $0x3;
	s22 =	sadd.s32 s0, s17;
	[dreg:$0xa] =	wrdreg s10  }
0x18: {  	s0 =	sadd.s32 s0, s15;
	s15 =	sadd.s32 s6, s24;
	s14 =	sadd.s32 s6, s12  }
0x19: {  	s17 =	sshrl.u32 s11, $0x2;
	s23 =	sshrl.u32 s8, $0x2;
	s24 =	sshrl.u32 s20, $0x2  }
0x1a: {  	s8 =	smul.u32 $0xA000, s19;
	s10 =	sadd.s32 $0x4B0, s5;
	[dreg:$0x8] =	wrdreg s22  }
0x1b: {  	[dreg:$0xb] =	wrdreg s0;
	s9 =	sshrl.u32 s25, $0x2;
	s0 =	sshrl.u32 s26, $0x2  }
0x1c: {  	s21 =	sadd.s32 s17, s1;
	s22 =	sshrl.u32 s7, $0x2;
	s26 =	smul.u32 $0xA000, s18  }
0x1d: {  	s25 =	sadd.s32 s23, s1;
	s16 =	sadd.s32 s24, s1;
	s17 =	sadd.s32 $0x460, s5  }
0x1e: {  	s23 =	sadd.s32 $0x410, s5;
	s24 =	sadd.s32 $0x3C0, s3;
	[dreg:$0xc] =	wrdreg s15  }
0x1f: {  	[dreg:$0xd] =	wrdreg s14;
	s9 =	sadd.s32 s9, s1;
	s11 =	sadd.s32 s0, s1  }
0x20: {  	s18 =	sadd.s32 s22, s1;
	s22 =	sadd.s32 $0x410, s3;
	[dreg:$0x10] =	wrdreg s21  }
0x21: {  	[dreg:$0xf] =	wrdreg s9;
	s7 =	sshrl.u32 s26, $0x2;
	s9 =	sadd.s32 $0x4B0, s3  }
0x22: {  	s26 =	sadd.s32 $0x3C0, s5;
	s19 =	sadd.s32 s7, s1;
	s7 =	sshrl.u32 s8, $0x2  }
0x23: {  	s0 =	sshrl.u32 s9, $0x3;
	s8 =	sshrl.u32 s10, $0x3;
	s9 =	sadd.s32 $0x370, s3  }
0x24: {  	s10 =	sadd.s32 $0x370, s5;
	s20 =	sadd.s32 s7, s1;
	s0 =	sadd.s32 s0, s6  }
0x25: {  	s12 =	sadd.s32 s8, s6;
	s7 =	sshrl.u32 s17, $0x3;
	s8 =	sshrl.u32 s22, $0x3  }
0x26: {  	s17 =	sadd.s32 $0x320, s5;
	s22 =	sadd.s32 $0x2D0, s3;
	[dreg:$0x13] =	wrdreg s0  }
0x27: {  	s29 =	smov.u32 s19;
	[dreg:$0x14] =	wrdreg s12;
	s0 =	sshrl.u32 s13, $0x3  }
0x28: {  	s30 =	sadd.s32 s7, s6;
	s31 =	sadd.s32 s8, s6;
	s7 =	sshrl.u32 s24, $0x3  }
0x29: {  	s12 =	sadd.s32 $0x320, s3;
	s3 =	sadd.s32 $0x280, s3;
	[dreg:$0x12] =	wrdreg s20  }
0x2a: {  	s24 =	sshrl.u32 s22, $0x3;
	s22 =	sadd.s32 $0x14, s15;
	[dreg:$0x1a] =	wrdreg s3  }
0x2b: {  	s8 =	sshrl.u32 s26, $0x3;
	s0 =	sadd.s32 s0, s6;
	[dreg:$0x1e] =	wrdreg s22  }
0x2c: {  	s7 =	sadd.s32 s7, s6;
	s8 =	sadd.s32 s8, s6;
	[dreg:$0x15] =	wrdreg s0  }
0x2d: {  	s22 =	sadd.s32 $0x3C, s15;
	s0 =	sshrl.u32 s23, $0x3;
	[dreg:$0x16] =	wrdreg s7  }
0x2e: {  	[dreg:$0x17] =	wrdreg s8;
	s7 =	sshrl.u32 s9, $0x3;
	s8 =	sshrl.u32 s10, $0x3  }
0x2f: {  	s23 =	sadd.s32 $0x2D0, s5;
	[smem:$0x7FA] =	sst s22;
	s7 =	sadd.s32 s7, s6  }
0x30: {  	s13 =	sadd.s32 s8, s6;
	s8 =	smov.u32 s11;
	[dreg:$0x18] =	wrdreg s7  }
0x31: {  	s26 =	sshrl.u32 s23, $0x3;
	s23 =	sadd.s32 $0x14, s14;
	[dreg:$0x19] =	wrdreg s13  }
0x32: {  	s11 =	sadd.s32 s24, s6;
	s24 =	sadd.s32 $0x1E, s15;
	[dreg:$0x1f] =	wrdreg s23  }
0x33: {  	s9 =	sshrl.u32 s12, $0x3;
	s22 =	simm.s32 $0x50;
	[smem:$0x7F4] =	sst s24  }
0x34: {  	s0 =	sadd.s32 s0, s6;
	s13 =	sadd.s32 $0xA, s15;
	[dreg:$0x11] =	wrdreg s8  }
0x35: {  	s7 =	sshrl.u32 s17, $0x3;
	s17 =	sadd.s32 $0xA, s14;
	[dreg:$0x1c] =	wrdreg s13  }
0x36: {  	s12 =	sadd.s32 s26, s6;
	s26 =	sadd.s32 $0x1E, s14;
	[dreg:$0x1d] =	wrdreg s17  }
0x37: {  	s9 =	sadd.s32 s9, s6;
	s23 =	sadd.s32 $0x3C, s14;
	[smem:$0x7F5] =	sst s26  }
0x38: {  	s24 =	sadd.s32 $0x46, s15;
	s10 =	sadd.s32 s7, s6;
	[smem:$0x7FB] =	sst s23  }
0x39: {  	s7 =	sadd.s32 $0x280, s5;
	s5 =	sadd.s32 $0x28, s15;
	[smem:$0x7FC] =	sst s24  }
0x3a: {  	s13 =	sadd.s32 $0x32, s15;
	s17 =	sadd.s32 $0x32, s14;
	[dreg:$0x1b] =	wrdreg s7  }
0x3b: {  	s15 =	smov.u32 s16;
	s26 =	sadd.s32 $0x46, s14;
	[smem:$0x7F6] =	sst s5  }
.Ltmp0:
0x3c: {  	s23 =	simm.s32 $0x800;
	[smem:$0x7F8] =	sst s13;
	(pc) =	sbr.rel .LBB2_1-.Ltmp0, $4  }
0x3d: {  	s24 =	simm.s32 $0x1;
	s16 =	simm.s32 $0x2;
	[smem:$0x7F9] =	sst s17  }
0x3e: {  	s7 =	sadd.s32 $0x28, s14;
	[smem:$0x7FD] =	sst s26;
	s17 =	simm.s32 $0x3000  }
0x3f: {  	s14 =	simm.s32 $0x15;
	s13 =	smov.u32 s18;
	s26 =	smov.u32 s25  }
0x40: {  	s28 =	smov.u32 s15;
	[smem:$0x7F7] =	sst s7;
	s7 =	simm.s32 $0x0  }
.LBB2_15:
0x41: {  	[bflag:$0x0] =	sbarrier.arrive $0xFFFF  }
0x42: {  	s5 =	simm.s32 $0x16;
	s3 =	rddreg [dreg:$0xf]  }
0x43: {  	[tilespmem:s17], [sflag:$0x16] =	stream.linear.gather [spmem:s3], $0x2800, $0x38;
	[tilespmem:$0x1E080] =	vst v63  }
0x44: {  	_ =	swait.ge [sflag:s5], $0x2800  }
0x45: {  	[sflag:s5] =	ssyncset.done $0x0  }
0x46: {  	s7 =	rddreg [dreg:$0x4];
	[sflag:s5] =	ssyncadd.s32 $0xFFFFD800  }
0x47: {  	[hbm4b:s7+s2] =	stream.linear.scatter [tilespmem:s17], [sflag:$0x15], $0x2800, $0x38;
	[tilespmem:$0x1E080] =	vst v63  }
0x48: {  	_ =	swait.ge [sflag:s14], $0x2800  }
0x49: {  	[sflag:s14] =	ssyncset.done $0x0  }
0x4a: {  	s21 =	rddreg [dreg:$0x10];
	[sflag:s14] =	ssyncadd.s32 $0xFFFFD800  }
0x4b: {  	[tilespmem:s17], [sflag:$0x16] =	stream.linear.gather [spmem:s21], $0x2800, $0x38;
	[tilespmem:$0x1E080] =	vst v63  }
0x4c: {  	_ =	swait.ge [sflag:s5], $0x2800  }
0x4d: {  	[sflag:s5] =	ssyncset.done $0x0  }
0x4e: {  	s8 =	rddreg [dreg:$0x5];
	[sflag:s5] =	ssyncadd.s32 $0xFFFFD800  }
0x4f: {  	[hbm4b:s8+s2] =	stream.linear.scatter [tilespmem:s17], [sflag:$0x15], $0x2800, $0x38;
	[tilespmem:$0x1E080] =	vst v63  }
0x50: {  	_ =	swait.ge [sflag:s14], $0x2800  }
0x51: {  	[sflag:s14] =	ssyncset.done $0x0  }
0x52: {  	s8 =	rddreg [dreg:$0x11];
	[sflag:s14] =	ssyncadd.s32 $0xFFFFD800  }
0x53: {  	[tilespmem:s17], [sflag:$0x16] =	stream.linear.gather [spmem:s8], $0x2800, $0x38;
	[tilespmem:$0x1E080] =	vst v63  }
0x54: {  	_ =	swait.ge [sflag:s5], $0x2800  }
0x55: {  	[sflag:s5] =	ssyncset.done $0x0  }
0x56: {  	s20 =	rddreg [dreg:$0x6];
	[sflag:s5] =	ssyncadd.s32 $0xFFFFD800  }
0x57: {  	[hbm4b:s20+s2] =	stream.linear.scatter [tilespmem:s17], [sflag:$0x15], $0x2800, $0x38;
	[tilespmem:$0x1E080] =	vst v63  }
0x58: {  	_ =	swait.ge [sflag:s14], $0x2800  }
0x59: {  	[sflag:s14] =	ssyncset.done $0x0  }
0x5a: {  	[sflag:s14] =	ssyncadd.s32 $0xFFFFD800  }
0x5b: {  	[tilespmem:s17], [sflag:$0x16] =	stream.linear.gather [spmem:s13], $0x2800, $0x38;
	[tilespmem:$0x1E080] =	vst v63  }
0x5c: {  	_ =	swait.ge [sflag:s5], $0x2800  }
0x5d: {  	[sflag:s5] =	ssyncset.done $0x0  }
0x5e: {  	s7 =	rddreg [dreg:$0x7];
	[sflag:s5] =	ssyncadd.s32 $0xFFFFD800  }
0x5f: {  	[hbm4b:s7+s2] =	stream.linear.scatter [tilespmem:s17], [sflag:$0x15], $0x2800, $0x38;
	[tilespmem:$0x1E080] =	vst v63  }
0x60: {  	_ =	swait.ge [sflag:s14], $0x2800  }
0x61: {  	[sflag:s14] =	ssyncset.done $0x0  }
0x62: {  	[sflag:s14] =	ssyncadd.s32 $0xFFFFD800  }
0x63: {  	[tilespmem:s17], [sflag:$0x16] =	stream.linear.gather [spmem:s26], $0x2800, $0x38;
	[tilespmem:$0x1E080] =	vst v63  }
0x64: {  	_ =	swait.ge [sflag:s5], $0x2800  }
0x65: {  	[sflag:s5] =	ssyncset.done $0x0  }
0x66: {  	s20 =	rddreg [dreg:$0x8];
	[sflag:s5] =	ssyncadd.s32 $0xFFFFD800  }
0x67: {  	[hbm4b:s20+s2] =	stream.linear.scatter [tilespmem:s17], [sflag:$0x15], $0x2800, $0x38;
	[tilespmem:$0x1E080] =	vst v63  }
0x68: {  	_ =	swait.ge [sflag:s14], $0x2800  }
0x69: {  	[sflag:s14] =	ssyncset.done $0x0  }
0x6a: {  	[sflag:s14] =	ssyncadd.s32 $0xFFFFD800  }
0x6b: {  	[tilespmem:s17], [sflag:$0x16] =	stream.linear.gather [spmem:s28], $0x2800, $0x38;
	[tilespmem:$0x1E080] =	vst v63  }
0x6c: {  	_ =	swait.ge [sflag:s5], $0x2800  }
0x6d: {  	[sflag:s5] =	ssyncset.done $0x0  }
0x6e: {  	s7 =	rddreg [dreg:$0x9];
	[sflag:s5] =	ssyncadd.s32 $0xFFFFD800  }
0x6f: {  	[hbm4b:s7+s2] =	stream.linear.scatter [tilespmem:s17], [sflag:$0x15], $0x2800, $0x38;
	[tilespmem:$0x1E080] =	vst v63  }
0x70: {  	_ =	swait.ge [sflag:s14], $0x2800  }
0x71: {  	[sflag:s14] =	ssyncset.done $0x0  }
0x72: {  	[sflag:s14] =	ssyncadd.s32 $0xFFFFD800  }
0x73: {  	[tilespmem:s17], [sflag:$0x16] =	stream.linear.gather [spmem:s29], $0x2800, $0x38;
	[tilespmem:$0x1E080] =	vst v63  }
0x74: {  	_ =	swait.ge [sflag:s5], $0x2800  }
0x75: {  	[sflag:s5] =	ssyncset.done $0x0  }
0x76: {  	s20 =	rddreg [dreg:$0xa];
	[sflag:s5] =	ssyncadd.s32 $0xFFFFD800  }
0x77: {  	[hbm4b:s20+s2] =	stream.linear.scatter [tilespmem:s17], [sflag:$0x15], $0x2800, $0x38;
	[tilespmem:$0x1E080] =	vst v63  }
0x78: {  	_ =	swait.ge [sflag:s14], $0x2800  }
0x79: {  	s3 =	simm.s32 @!p0 $0x3000;
	[sflag:s14] =	ssyncset.done $0x0  }
0x7a: {  	s5 =	simm.s32 @!p0 $0x16;
	s20 =	rddreg [dreg:$0x12];
	[sflag:s14] =	ssyncadd.s32 $0xFFFFD800  }
0x7b: {  	[tilespmem:s3], [sflag:$0x16] =	stream.linear.gather @!p0 [spmem:s20], $0x2800, $0x38;
	[tilespmem:$0x1E080] =	vst v63  }
0x7c: {  	_ =	swait.ge @!p0 [sflag:s5], $0x2800  }
0x7d: {  	[sflag:s5] =	ssyncset.done @!p0 $0x0  }
0x7e: {  	s7 =	rddreg [dreg:$0xb];
	[sflag:s5] =	ssyncadd.s32 @!p0 $0xFFFFD800;
	s5 =	simm.s32 @!p0 $0x0  }
0x7f: {  	[hbm4b:s7+s5] =	stream.linear.scatter @!p0 [tilespmem:s3], [sflag:$0x15], $0x2800, $0x38;
	[tilespmem:$0x1E080] =	vst v63  }
0x80: {  	s3 =	simm.s32 @!p0 $0x15  }
0x81: {  	_ =	swait.ge @!p0 [sflag:s3], $0x2800  }
0x82: {  	s5 =	sld [smem:$0x7F3];
	_ =	sdelay $0x2  }
0x83: {  	s7 =	sadd.s32 $0x1, s5;
	s5 =	rddreg [dreg:$0xe]  }
0x84: {  	p1 =	sne.s32 s7, s5  }
.Ltmp1:
0x85: {  	_ = 	snop;
	(pc) =	sbr.rel @!p1 .LBB2_16-.Ltmp1, $3  }
0x86: {  	_ =	sdelay $0x1  }
0x87: {  	s18 =	smov.u32 s13;
	s25 =	smov.u32 s26;
	[sflag:s3] =	ssyncset.done @!p0 $0x0  }
0x88: {  	s15 =	smov.u32 s28;
	s19 =	smov.u32 s29;
	[sflag:s3] =	ssyncadd.s32 @!p0 $0xFFFFD800  }
.LBB2_1:
0x89: {  	[smem:$0x7F3] =	sst s7  }
0x8a: {  	s3 =	rddreg [dreg:$0x3]  }
0x8b: {  	[tilespmem:s17], [sflag:$0x15] =	stream.linear.gather [hbm4b:s3+s2], $0x2800, $0x38;
	[tilespmem:$0x1E080] =	vst v63  }
0x8c: {  	_ =	swait.ge [sflag:s14], $0x2800  }
0x8d: {  	[sflag:s14] =	ssyncset.done $0x0  }
0x8e: {  	s7 =	rddreg [dreg:$0xf];
	[sflag:s14] =	ssyncadd.s32 $0xFFFFD800  }
0x8f: {  	[spmem:s7] =	stream.linear.scatter [tilespmem:s17], [sflag:$0x15], $0x2800, $0x38;
	[tilespmem:$0x1E080] =	vst v63  }
0x90: {  	_ =	swait.ge [sflag:s14], $0x2800  }
0x91: {  	[sflag:s14] =	ssyncset.done $0x0  }
0x92: {  	[sflag:s14] =	ssyncadd.s32 $0xFFFFD800  }
0x93: {  	[spmem:s21] =	stream.linear.scatter [tilespmem:s17], [sflag:$0x15], $0x2800, $0x38;
	[tilespmem:$0x1E080] =	vst v63  }
0x94: {  	_ =	swait.ge [sflag:s14], $0x2800  }
0x95: {  	[sflag:s14] =	ssyncset.done $0x0  }
0x96: {  	[sflag:s14] =	ssyncadd.s32 $0xFFFFD800  }
0x97: {  	[spmem:s8] =	stream.linear.scatter [tilespmem:s17], [sflag:$0x15], $0x2800, $0x38;
	[tilespmem:$0x1E080] =	vst v63  }
0x98: {  	_ =	swait.ge [sflag:s14], $0x2800  }
0x99: {  	[sflag:s14] =	ssyncset.done $0x0  }
0x9a: {  	[sflag:s14] =	ssyncadd.s32 $0xFFFFD800  }
0x9b: {  	[spmem:s18] =	stream.linear.scatter [tilespmem:s17], [sflag:$0x15], $0x2800, $0x38;
	[tilespmem:$0x1E080] =	vst v63  }
0x9c: {  	_ =	swait.ge [sflag:s14], $0x2800  }
0x9d: {  	[sflag:s14] =	ssyncset.done $0x0  }
0x9e: {  	[sflag:s14] =	ssyncadd.s32 $0xFFFFD800  }
0x9f: {  	[spmem:s25] =	stream.linear.scatter [tilespmem:s17], [sflag:$0x15], $0x2800, $0x38;
	[tilespmem:$0x1E080] =	vst v63  }
0xa0: {  	_ =	swait.ge [sflag:s14], $0x2800  }
0xa1: {  	[sflag:s14] =	ssyncset.done $0x0  }
0xa2: {  	[sflag:s14] =	ssyncadd.s32 $0xFFFFD800  }
0xa3: {  	[spmem:s15] =	stream.linear.scatter [tilespmem:s17], [sflag:$0x15], $0x2800, $0x38;
	[tilespmem:$0x1E080] =	vst v63  }
0xa4: {  	_ =	swait.ge [sflag:s14], $0x2800  }
0xa5: {  	[sflag:s14] =	ssyncset.done $0x0  }
0xa6: {  	[sflag:s14] =	ssyncadd.s32 $0xFFFFD800  }
0xa7: {  	[spmem:s19] =	stream.linear.scatter [tilespmem:s17], [sflag:$0x15], $0x2800, $0x38;
	[tilespmem:$0x1E080] =	vst v63  }
0xa8: {  	_ =	swait.ge [sflag:s14], $0x2800  }
0xa9: {  	[sflag:s14] =	ssyncset.done $0x0  }
0xaa: {  	s3 =	simm.s32 @!p0 $0x3000;
	[sflag:s14] =	ssyncadd.s32 $0xFFFFD800  }
0xab: {  	[spmem:s20] =	stream.linear.scatter @!p0 [tilespmem:s3], [sflag:$0x15], $0x2800, $0x38;
	[tilespmem:$0x1E080] =	vst v63  }
0xac: {  	s3 =	simm.s32 @!p0 $0x15  }
0xad: {  	_ =	swait.ge @!p0 [sflag:s3], $0x2800  }
0xae: {  	[sflag:s3] =	ssyncset.done @!p0 $0x0  }
0xaf: {  	[sflag:s3] =	ssyncadd.s32 @!p0 $0xFFFFD800  }
0xb0: {  	[bflag:$0x0] =	sbarrier.arrive $0xFFFF  }
0xb1: {  	s15 =	rddreg [dreg:$0xc]  }
0xb2: {  	s18 =	rddreg [dreg:$0xd]  }
0xb3: {  	[tilespmem:s2], [sflag:$0x5] =	stream.linear.gather [hbm4b:s15+s2], $0x50, $0x38;
	[tilespmem:$0x1E080] =	vst v63  }
0xb4: {  	s5 =	simm.s32 $0x400;
	s19 =	rddreg [dreg:$0x1c]  }
0xb5: {  	[tilespmem:s5], [sflag:$0xD] =	stream.linear.gather [hbm4b:s18+s2], $0x50, $0x38;
	[tilespmem:$0x1E080] =	vst v63  }
0xb6: {  	s20 =	rddreg [dreg:$0x1d];
	s5 =	simm.s32 $0x80  }
0xb7: {  	[tilespmem:s5], [sflag:$0x6] =	stream.linear.gather [hbm4b:s19+s2], $0x50, $0x38;
	[tilespmem:$0x1E080] =	vst v63  }
0xb8: {  	s21 =	simm.s32 $0x480;
	s25 =	rddreg [dreg:$0x1e]  }
0xb9: {  	[tilespmem:s21], [sflag:$0xE] =	stream.linear.gather [hbm4b:s20+s2], $0x50, $0x38;
	[tilespmem:$0x1E080] =	vst v63  }
0xba: {  	s7 =	simm.s32 $0x100;
	s8 =	rddreg [dreg:$0x1f]  }
0xbb: {  	[tilespmem:s7], [sflag:$0x7] =	stream.linear.gather [hbm4b:s25+s2], $0x50, $0x38;
	[tilespmem:$0x1E080] =	vst v63  }
0xbc: {  	s15 =	simm.s32 $0x500;
	s18 =	sld [smem:$0x7F4]  }
0xbd: {  	[tilespmem:s15], [sflag:$0xF] =	stream.linear.gather [hbm4b:s8+s2], $0x50, $0x38;
	[tilespmem:$0x1E080] =	vst v63  }
0xbe: {  	s19 =	sld [smem:$0x7F5];
	s8 =	simm.s32 $0x180  }
0xbf: {  	[tilespmem:s8], [sflag:$0x8] =	stream.linear.gather [hbm4b:s18+s2], $0x50, $0x38;
	[tilespmem:$0x1E080] =	vst v63  }
0xc0: {  	s20 =	simm.s32 $0x580;
	s21 =	sld [smem:$0x7F6]  }
0xc1: {  	[tilespmem:s20], [sflag:$0x10] =	stream.linear.gather [hbm4b:s19+s2], $0x50, $0x38;
	[tilespmem:$0x1E080] =	vst v63  }
0xc2: {  	s25 =	simm.s32 $0x200;
	s15 =	sld [smem:$0x7F7]  }
0xc3: {  	[tilespmem:s25], [sflag:$0x9] =	stream.linear.gather [hbm4b:s21+s2], $0x50, $0x38;
	[tilespmem:$0x1E080] =	vst v63  }
0xc4: {  	s18 =	simm.s32 $0x600;
	s19 =	sld [smem:$0x7F8]  }
0xc5: {  	[tilespmem:s18], [sflag:$0x11] =	stream.linear.gather [hbm4b:s15+s2], $0x50, $0x38;
	[tilespmem:$0x1E080] =	vst v63  }
0xc6: {  	s20 =	simm.s32 $0x280;
	s21 =	sld [smem:$0x7F9]  }
0xc7: {  	[tilespmem:s20], [sflag:$0xA] =	stream.linear.gather [hbm4b:s19+s2], $0x50, $0x38;
	[tilespmem:$0x1E080] =	vst v63  }
0xc8: {  	s25 =	simm.s32 $0x680;
	s15 =	sld [smem:$0x7FA]  }
0xc9: {  	[tilespmem:s25], [sflag:$0x12] =	stream.linear.gather [hbm4b:s21+s2], $0x50, $0x38;
	[tilespmem:$0x1E080] =	vst v63  }
0xca: {  	s18 =	simm.s32 $0x300;
	s19 =	sld [smem:$0x7FB]  }
0xcb: {  	[tilespmem:s18], [sflag:$0xB] =	stream.linear.gather [hbm4b:s15+s2], $0x50, $0x38;
	[tilespmem:$0x1E080] =	vst v63  }
0xcc: {  	s20 =	simm.s32 $0x700;
	s21 =	sld [smem:$0x7FC]  }
0xcd: {  	[tilespmem:s20], [sflag:$0x13] =	stream.linear.gather [hbm4b:s19+s2], $0x50, $0x38;
	[tilespmem:$0x1E080] =	vst v63  }
0xce: {  	s25 =	simm.s32 $0x380;
	s15 =	sld [smem:$0x7FD]  }
0xcf: {  	[tilespmem:s25], [sflag:$0xC] =	stream.linear.gather [hbm4b:s21+s2], $0x50, $0x38;
	[tilespmem:$0x1E080] =	vst v63  }
0xd0: {  	s18 =	simm.s32 $0x780;
	s19 =	simm.s32 $0x5  }
0xd1: {  	[tilespmem:s18], [sflag:$0x14] =	stream.linear.gather [hbm4b:s15+s2], $0x50, $0x38;
	[tilespmem:$0x1E080] =	vst v63  }
0xd2: {  	_ =	swait.ge [sflag:s19], $0x50  }
0xd3: {  	[sflag:s19] =	ssyncset.done $0x0  }
0xd4: {  	s20 =	simm.s32 $0xD;
	[sflag:s19] =	ssyncadd.s32 $0xFFFFFFB0  }
0xd5: {  	_ =	swait.ge [sflag:s20], $0x50  }
0xd6: {  	[sflag:s20] =	ssyncset.done $0x0  }
0xd7: {  	s21 =	simm.s32 $0x6;
	[sflag:s20] =	ssyncadd.s32 $0xFFFFFFB0  }
0xd8: {  	[tilespmem:s23], [sflag:$0x1] =	stream.indirect.gather [hbm4b:s4+s22], $0x80, s2, s22, $0xb8;
	[tilespmem:$0x1E080] =	vst v63  }
0xd9: {  	_ =	swait.ge [sflag:s21], $0x50  }
0xda: {  	[sflag:s21] =	ssyncset.done $0x0  }
0xdb: {  	s25 =	simm.s32 $0xE;
	[sflag:s21] =	ssyncadd.s32 $0xFFFFFFB0  }
0xdc: {  	_ =	swait.ge [sflag:s25], $0x50  }
0xdd: {  	[sflag:s25] =	ssyncset.done $0x0  }
0xde: {  	s15 =	simm.s32 $0x7;
	[sflag:s25] =	ssyncadd.s32 $0xFFFFFFB0  }
0xdf: {  	[tilespmem:s17], [sflag:$0x2] =	stream.indirect.gather [hbm4b:s4+s22], $0x80, s5, s22, $0xb8;
	[tilespmem:$0x1E080] =	vst v63  }
0xe0: {  	_ =	swait.ge [sflag:s15], $0x50  }
0xe1: {  	[sflag:s15] =	ssyncset.done $0x0  }
0xe2: {  	s18 =	simm.s32 $0xF;
	[sflag:s15] =	ssyncadd.s32 $0xFFFFFFB0  }
0xe3: {  	_ =	swait.ge [sflag:s18], $0x50  }
0xe4: {  	[sflag:s18] =	ssyncset.done $0x0  }
0xe5: {  	s19 =	simm.s32 $0x5800;
	s20 =	simm.s32 $0x8;
	[sflag:s18] =	ssyncadd.s32 $0xFFFFFFB0  }
0xe6: {  	[tilespmem:s19], [sflag:$0x3] =	stream.indirect.gather [hbm4b:s4+s22], $0x80, s7, s22, $0xb8;
	[tilespmem:$0x1E080] =	vst v63  }
0xe7: {  	_ =	swait.ge [sflag:s20], $0x50  }
0xe8: {  	[sflag:s20] =	ssyncset.done $0x0  }
.Ltmp2:
0xe9: {  	s21 =	simm.s32 $0x10;
	[sflag:s20] =	ssyncadd.s32 $0xFFFFFFB0;
	(pc) =	sbr.rel .LBB2_2-.Ltmp2, $4  }
0xea: {  	s25 =	simm.s32 $0x8000;
	_ =	swait.ge [sflag:s21], $0x50  }
0xeb: {  	s5 =	simm.s32 $0x0;
	[sflag:s21] =	ssyncset.done $0x0;
	s3 =	rddreg [dreg:$0x1a]  }
0xec: {  	s7 =	simm.s32 $0x0;
	[sflag:s21] =	ssyncadd.s32 $0xFFFFFFB0;
	s21 =	rddreg [dreg:$0x1b]  }
0xed: {  	[tilespmem:s25], [sflag:$0x4] =	stream.indirect.gather [hbm4b:s4+s22], $0x80, s8, s22, $0xb8;
	[tilespmem:$0x1E080] =	vst v63  }
.LBB2_11:
0xee: {  	s8 =	rddreg [dreg:$0x16]  }
0xef: {  	s15 =	simm.s32 $0x200;
	s20 =	rddreg [dreg:$0x17];
	s8 =	sadd.s32 s5, s8  }
0xf0: {  	[tilespmem:s15], [sflag:$0x9] =	stream.linear.gather [hbm4b:s8+s2], $0x50, $0x38;
	[tilespmem:$0x1E080] =	vst v63  }
0xf1: {  	s25 =	simm.s32 $0x600;
	s8 =	sadd.s32 s5, s20  }
0xf2: {  	[tilespmem:s25], [sflag:$0x11] =	stream.linear.gather [hbm4b:s8+s2], $0x50, $0x38;
	[tilespmem:$0x1E080] =	vst v63  }
.LBB2_13:
0xf3: {  	_ =	swait.ge [sflag:s16], $0x2800  }
0xf4: {  	[sflag:s16] =	ssyncset.done $0x0  }
0xf5: {  	s8 =	simm.s32 $0x680;
	[sflag:s16] =	ssyncadd.s32 $0xFFFFD800  }
0xf6: {  	[spmem:s1] =	stream.indirect.scatter.add.f32 [tilespmem:s17], [sflag:$0x15], $0x80, s8, s22, $0xb8;
	[tilespmem:$0x1E080] =	vst v63  }
0xf7: {  	_ =	swait.ge [sflag:s14], $0x2800  }
0xf8: {  	[sflag:s14] =	ssyncset.done $0x0  }
0xf9: {  	[sflag:s14] =	ssyncadd.s32 $0xFFFFD800  }
.LBB2_14:
0xfa: {  	s8 =	simm.s32 @!p1 $0x6  }
0xfb: {  	_ =	swait.ge @!p1 [sflag:s8], $0x50  }
0xfc: {  	[sflag:s8] =	ssyncset.done @!p1 $0x0  }
0xfd: {  	[sflag:s8] =	ssyncadd.s32 @!p1 $0xFFFFFFB0;
	s8 =	simm.s32 @!p1 $0xE  }
0xfe: {  	_ =	swait.ge @!p1 [sflag:s8], $0x50  }
0xff: {  	s15 =	simm.s32 @!p1 $0x80;
	s19 =	simm.s32 @!p1 $0x3000;
	[sflag:s8] =	ssyncset.done @!p1 $0x0  }
0x100: {  	p3 =	por p4, p1;
	[sflag:s8] =	ssyncadd.s32 @!p1 $0xFFFFFFB0;
	s8 =	simm.s32 @!p1 $0x50  }
0x101: {  	[tilespmem:s19], [sflag:$0x2] =	stream.indirect.gather @!p1 [hbm4b:s4+s8], $0x80, s15, s8, $0xb8;
	[tilespmem:$0x1E080] =	vst v63  }
0x102: {  	s20 =	simm.s32 @!p3 $0x280;
	s15 =	sadd.s32 @!p3 s5, s31;
	s19 =	simm.s32 @!p3 $0x0  }
0x103: {  	[tilespmem:s20], [sflag:$0xA] =	stream.linear.gather @!p3 [hbm4b:s15+s19], $0x50, $0x38;
	[tilespmem:$0x1E080] =	vst v63  }
0x104: {  	s15 =	sadd.s32 @!p3 s5, s0;
	s20 =	simm.s32 @!p3 $0x680  }
0x105: {  	[tilespmem:s20], [sflag:$0x12] =	stream.linear.gather @!p3 [hbm4b:s15+s19], $0x50, $0x38;
	[tilespmem:$0x1E080] =	vst v63  }
0x106: {  	s15 =	simm.s32 @!p1 $0x3  }
0x107: {  	_ =	swait.ge @!p1 [sflag:s15], $0x2800  }
0x108: {  	[sflag:s15] =	ssyncset.done @!p1 $0x0  }
0x109: {  	s19 =	simm.s32 @!p1 $0x5800;
	[sflag:s15] =	ssyncadd.s32 @!p1 $0xFFFFD800;
	s15 =	simm.s32 @!p1 $0x700  }
0x10a: {  	[spmem:s1] =	stream.indirect.scatter.add.f32 @!p1 [tilespmem:s19], [sflag:$0x15], $0x80, s15, s8, $0xb8;
	[tilespmem:$0x1E080] =	vst v63  }
0x10b: {  	s15 =	simm.s32 @!p1 $0x15  }
0x10c: {  	_ =	swait.ge @!p1 [sflag:s15], $0x2800  }
0x10d: {  	[sflag:s15] =	ssyncset.done @!p1 $0x0  }
0x10e: {  	s19 =	simm.s32 @!p2 $0x7;
	[sflag:s15] =	ssyncadd.s32 @!p1 $0xFFFFD800  }
0x10f: {  	_ =	swait.ge @!p2 [sflag:s19], $0x50  }
0x110: {  	[sflag:s19] =	ssyncset.done @!p2 $0x0  }
0x111: {  	[sflag:s19] =	ssyncadd.s32 @!p2 $0xFFFFFFB0;
	s19 =	simm.s32 @!p2 $0xF  }
0x112: {  	_ =	swait.ge @!p2 [sflag:s19], $0x50  }
0x113: {  	s25 =	simm.s32 @!p2 $0x5800;
	s20 =	simm.s32 @!p2 $0x100;
	[sflag:s19] =	ssyncset.done @!p2 $0x0  }
0x114: {  	s18 =	rddreg [dreg:$0x15];
	[sflag:s19] =	ssyncadd.s32 @!p2 $0xFFFFFFB0;
	s19 =	simm.s32 @!p2 $0x50  }
0x115: {  	[tilespmem:s25], [sflag:$0x3] =	stream.indirect.gather @!p2 [hbm4b:s4+s19], $0x80, s20, s19, $0xb8;
	[tilespmem:$0x1E080] =	vst v63  }
0x116: {  	s20 =	sadd.s32 @!p2 s5, s18;
	s25 =	simm.s32 @!p2 $0x0;
	s18 =	simm.s32 @!p2 $0x300  }
0x117: {  	[tilespmem:s18], [sflag:$0xB] =	stream.linear.gather @!p2 [hbm4b:s20+s25], $0x50, $0x38;
	[tilespmem:$0x1E080] =	vst v63  }
0x118: {  	s18 =	sadd.s32 @!p2 s5, s30;
	s20 =	simm.s32 @!p2 $0x700  }
0x119: {  	[tilespmem:s20], [sflag:$0x13] =	stream.linear.gather @!p2 [hbm4b:s18+s25], $0x50, $0x38;
	[tilespmem:$0x1E080] =	vst v63  }
0x11a: {  	s18 =	simm.s32 @!p1 $0x4  }
0x11b: {  	_ =	swait.ge @!p1 [sflag:s18], $0x2800  }
0x11c: {  	[sflag:s18] =	ssyncset.done @!p1 $0x0  }
0x11d: {  	s20 =	simm.s32 @!p1 $0x8000;
	[sflag:s18] =	ssyncadd.s32 @!p1 $0xFFFFD800;
	s18 =	simm.s32 @!p1 $0x780  }
0x11e: {  	[spmem:s1] =	stream.indirect.scatter.add.f32 @!p1 [tilespmem:s20], [sflag:$0x15], $0x80, s18, s8, $0xb8;
	[tilespmem:$0x1E080] =	vst v63  }
0x11f: {  	_ =	swait.ge @!p1 [sflag:s15], $0x2800  }
0x120: {  	[sflag:s15] =	ssyncset.done @!p1 $0x0  }
0x121: {  	s8 =	simm.s32 @!p2 $0x8;
	[sflag:s15] =	ssyncadd.s32 @!p1 $0xFFFFD800  }
0x122: {  	_ =	swait.ge @!p2 [sflag:s8], $0x50  }
0x123: {  	[sflag:s8] =	ssyncset.done @!p2 $0x0  }
0x124: {  	[sflag:s8] =	ssyncadd.s32 @!p2 $0xFFFFFFB0;
	s8 =	simm.s32 @!p2 $0x10  }
0x125: {  	_ =	swait.ge @!p2 [sflag:s8], $0x50  }
0x126: {  	[sflag:s8] =	ssyncset.done @!p2 $0x0  }
0x127: {  	s15 =	simm.s32 @!p2 $0x8000;
	[sflag:s8] =	ssyncadd.s32 @!p2 $0xFFFFFFB0;
	s8 =	simm.s32 @!p2 $0x180  }
0x128: {  	[tilespmem:s15], [sflag:$0x4] =	stream.indirect.gather @!p2 [hbm4b:s4+s19], $0x80, s8, s19, $0xb8;
	[tilespmem:$0x1E080] =	vst v63  }
0x129: {  	s8 =	rddreg [dreg:$0x13]  }
0x12a: {  	s15 =	simm.s32 @!p2 $0x380;
	s8 =	sadd.s32 @!p2 s5, s8  }
0x12b: {  	[tilespmem:s15], [sflag:$0xC] =	stream.linear.gather @!p2 [hbm4b:s8+s25], $0x50, $0x38;
	[tilespmem:$0x1E080] =	vst v63  }
0x12c: {  	s8 =	rddreg [dreg:$0x14]  }
0x12d: {  	s8 =	sadd.s32 @!p2 s5, s8;
	s5 =	sadd.s32 $0x50, s5  }
0x12e: {  	p1 =	sne.s32 s5, $0xA00  }
.Ltmp3:
0x12f: {  	_ = 	snop;
	(pc) =	sbr.rel @!p1 .LBB2_15-.Ltmp3, $4  }
0x130: {  	_ = 	snop  }
0x131: {  	s7 =	sadd.s32 $0x1, s7  }
0x132: {  	s3 =	sadd.s32 $0x280, s3;
	s21 =	sadd.s32 $0x280, s21;
	s15 =	simm.s32 @!p2 $0x780  }
0x133: {  	[tilespmem:s15], [sflag:$0x14] =	stream.linear.gather @!p2 [hbm4b:s8+s25], $0x50, $0x38;
	[tilespmem:$0x1E080] =	vst v63  }
.LBB2_2:
0x134: {  	_ =	swait.ge [sflag:s24], $0x2800  }
0x135: {  	p3 =	sgt.u32 s7, $0x1E;
	[sflag:s24] =	ssyncset.done $0x0  }
.Ltmp4:
0x136: {  	s8 =	simm.s32 $0x400;
	[sflag:s24] =	ssyncadd.s32 $0xFFFFD800;
	(pc) =	sbr.rel @p3 .LBB2_4-.Ltmp4, $4  }
0x137: {  	[spmem:s1] =	stream.indirect.scatter.add.f32 [tilespmem:s23], [sflag:$0x15], $0x80, s8, s22, $0xb8;
	[tilespmem:$0x1E080] =	vst v63  }
0x138: {  	_ =	swait.ge [sflag:s14], $0x2800  }
0x139: {  	[sflag:s14] =	ssyncset.done $0x0  }
0x13a: {  	[sflag:s14] =	ssyncadd.s32 $0xFFFFD800  }
0x13b: {  	s8 =	simm.s32 $0x9  }
0x13c: {  	_ =	swait.ge [sflag:s8], $0x50  }
0x13d: {  	[sflag:s8] =	ssyncset.done $0x0  }
.Ltmp5:
0x13e: {  	s20 =	simm.s32 $0x11;
	[sflag:s8] =	ssyncadd.s32 $0xFFFFFFB0;
	(pc) =	sbr.rel .LBB2_5-.Ltmp5, $4  }
0x13f: {  	_ =	swait.ge [sflag:s20], $0x50  }
0x140: {  	[sflag:s20] =	ssyncset.done $0x0  }
0x141: {  	s25 =	simm.s32 $0x200;
	[sflag:s20] =	ssyncadd.s32 $0xFFFFFFB0  }
0x142: {  	[tilespmem:s23], [sflag:$0x1] =	stream.indirect.gather [hbm4b:s4+s22], $0x80, s25, s22, $0xb8;
	[tilespmem:$0x1E080] =	vst v63  }
.LBB2_4:
0x143: {  	p2 =	seq.s32 s5, $0x9B0  }
.Ltmp6:
0x144: {  	_ = 	snop;
	(pc) =	sbr.rel @p2 .LBB2_6-.Ltmp6, $2  }
0x145: {  	_ =	sdelay $0x2  }
0x146: {  	p1 =	por $0x1, $0x1  }
.LBB2_5:
0x147: {  	s8 =	sshrl.u32 s3, $0x3  }
0x148: {  	s25 =	sshrl.u32 s21, $0x3;
	s8 =	sadd.s32 s6, s8  }
0x149: {  	[tilespmem:s2], [sflag:$0x5] =	stream.linear.gather [hbm4b:s8+s2], $0x50, $0x38;
	[tilespmem:$0x1E080] =	vst v63  }
0x14a: {  	s15 =	simm.s32 $0x400;
	p1 =	por $0x0, $0x0;
	s8 =	sadd.s32 s6, s25  }
0x14b: {  	[tilespmem:s15], [sflag:$0xD] =	stream.linear.gather [hbm4b:s8+s2], $0x50, $0x38;
	[tilespmem:$0x1E080] =	vst v63  }
.LBB2_6:
0x14c: {  	_ =	swait.ge [sflag:s16], $0x2800  }
0x14d: {  	[sflag:s16] =	ssyncset.done $0x0  }
0x14e: {  	s8 =	simm.s32 $0x480;
	[sflag:s16] =	ssyncadd.s32 $0xFFFFD800  }
0x14f: {  	[spmem:s1] =	stream.indirect.scatter.add.f32 [tilespmem:s17], [sflag:$0x15], $0x80, s8, s22, $0xb8;
	[tilespmem:$0x1E080] =	vst v63  }
0x150: {  	_ =	swait.ge [sflag:s14], $0x2800  }
0x151: {  	[sflag:s14] =	ssyncset.done $0x0  }
0x152: {  	s8 =	simm.s32 @!p3 $0xA;
	[sflag:s14] =	ssyncadd.s32 $0xFFFFD800  }
0x153: {  	_ =	swait.ge @!p3 [sflag:s8], $0x50  }
0x154: {  	[sflag:s8] =	ssyncset.done @!p3 $0x0  }
0x155: {  	[sflag:s8] =	ssyncadd.s32 @!p3 $0xFFFFFFB0;
	s8 =	simm.s32 @!p3 $0x12  }
0x156: {  	_ =	swait.ge @!p3 [sflag:s8], $0x50  }
0x157: {  	s15 =	simm.s32 @!p3 $0x280;
	[sflag:s8] =	ssyncset.done @!p3 $0x0  }
0x158: {  	s19 =	simm.s32 @!p3 $0x3000;
	[sflag:s8] =	ssyncadd.s32 @!p3 $0xFFFFFFB0;
	s8 =	simm.s32 @!p3 $0x50  }
0x159: {  	[tilespmem:s19], [sflag:$0x2] =	stream.indirect.gather @!p3 [hbm4b:s4+s8], $0x80, s15, s8, $0xb8;
	[tilespmem:$0x1E080] =	vst v63  }
0x15a: {  	s8 =	sadd.s32 @!p1 s5, s11;
	s15 =	simm.s32 @!p1 $0x0;
	s19 =	simm.s32 @!p1 $0x80  }
0x15b: {  	[tilespmem:s19], [sflag:$0x6] =	stream.linear.gather @!p1 [hbm4b:s8+s15], $0x50, $0x38;
	[tilespmem:$0x1E080] =	vst v63  }
0x15c: {  	s8 =	sadd.s32 @!p1 s5, s12;
	s19 =	simm.s32 @!p1 $0x480  }
0x15d: {  	[tilespmem:s19], [sflag:$0xE] =	stream.linear.gather @!p1 [hbm4b:s8+s15], $0x50, $0x38;
	[tilespmem:$0x1E080] =	vst v63  }
0x15e: {  	s8 =	simm.s32 @!p1 $0x3  }
0x15f: {  	_ =	swait.ge @!p1 [sflag:s8], $0x2800  }
0x160: {  	s15 =	simm.s32 @!p1 $0x500;
	[sflag:s8] =	ssyncset.done @!p1 $0x0  }
0x161: {  	s19 =	simm.s32 @!p1 $0x5800;
	[sflag:s8] =	ssyncadd.s32 @!p1 $0xFFFFD800;
	s8 =	simm.s32 @!p1 $0x50  }
0x162: {  	[spmem:s1] =	stream.indirect.scatter.add.f32 @!p1 [tilespmem:s19], [sflag:$0x15], $0x80, s15, s8, $0xb8;
	[tilespmem:$0x1E080] =	vst v63  }
0x163: {  	s15 =	simm.s32 @!p1 $0x15  }
0x164: {  	_ =	swait.ge @!p1 [sflag:s15], $0x2800  }
0x165: {  	[sflag:s15] =	ssyncset.done @!p1 $0x0  }
0x166: {  	s20 =	simm.s32 @!p1 $0xB;
	[sflag:s15] =	ssyncadd.s32 @!p1 $0xFFFFD800  }
0x167: {  	_ =	swait.ge @!p1 [sflag:s20], $0x50  }
0x168: {  	[sflag:s20] =	ssyncset.done @!p1 $0x0  }
0x169: {  	[sflag:s20] =	ssyncadd.s32 @!p1 $0xFFFFFFB0;
	s20 =	simm.s32 @!p1 $0x13  }
0x16a: {  	_ =	swait.ge @!p1 [sflag:s20], $0x50  }
0x16b: {  	[sflag:s20] =	ssyncset.done @!p1 $0x0  }
0x16c: {  	p2 =	sgt.u32 s7, $0x1D;
	[sflag:s20] =	ssyncadd.s32 @!p1 $0xFFFFFFB0;
	s20 =	simm.s32 @!p1 $0x300  }
0x16d: {  	[tilespmem:s19], [sflag:$0x3] =	stream.indirect.gather @!p1 [hbm4b:s4+s8], $0x80, s20, s8, $0xb8;
	[tilespmem:$0x1E080] =	vst v63  }
0x16e: {  	s25 =	simm.s32 @!p2 $0x100;
	s19 =	sadd.s32 @!p2 s5, s9;
	s20 =	simm.s32 @!p2 $0x0  }
0x16f: {  	[tilespmem:s25], [sflag:$0x7] =	stream.linear.gather @!p2 [hbm4b:s19+s20], $0x50, $0x38;
	[tilespmem:$0x1E080] =	vst v63  }
0x170: {  	s19 =	sadd.s32 @!p2 s5, s10;
	s25 =	simm.s32 @!p2 $0x500  }
0x171: {  	[tilespmem:s25], [sflag:$0xF] =	stream.linear.gather @!p2 [hbm4b:s19+s20], $0x50, $0x38;
	[tilespmem:$0x1E080] =	vst v63  }
0x172: {  	s19 =	simm.s32 @!p1 $0x4  }
0x173: {  	_ =	swait.ge @!p1 [sflag:s19], $0x2800  }
0x174: {  	[sflag:s19] =	ssyncset.done @!p1 $0x0  }
0x175: {  	s20 =	simm.s32 @!p1 $0x8000;
	[sflag:s19] =	ssyncadd.s32 @!p1 $0xFFFFD800;
	s19 =	simm.s32 @!p1 $0x580  }
0x176: {  	[spmem:s1] =	stream.indirect.scatter.add.f32 @!p1 [tilespmem:s20], [sflag:$0x15], $0x80, s19, s8, $0xb8;
	[tilespmem:$0x1E080] =	vst v63  }
0x177: {  	_ =	swait.ge @!p1 [sflag:s15], $0x2800  }
0x178: {  	[sflag:s15] =	ssyncset.done @!p1 $0x0  }
0x179: {  	[sflag:s15] =	ssyncadd.s32 @!p1 $0xFFFFD800;
	s15 =	simm.s32 @!p1 $0xC  }
0x17a: {  	_ =	swait.ge @!p1 [sflag:s15], $0x50  }
0x17b: {  	[sflag:s15] =	ssyncset.done @!p1 $0x0  }
.Ltmp7:
0x17c: {  	[sflag:s15] =	ssyncadd.s32 @!p1 $0xFFFFFFB0;
	s15 =	simm.s32 @!p1 $0x14;
	(pc) =	sbr.rel @p2 .LBB2_8-.Ltmp7, $4  }
0x17d: {  	_ =	swait.ge @!p1 [sflag:s15], $0x50  }
0x17e: {  	[sflag:s15] =	ssyncset.done @!p1 $0x0  }
0x17f: {  	[sflag:s15] =	ssyncadd.s32 @!p1 $0xFFFFFFB0;
	s15 =	simm.s32 @!p1 $0x380  }
0x180: {  	[tilespmem:s20], [sflag:$0x4] =	stream.indirect.gather @!p1 [hbm4b:s4+s8], $0x80, s15, s8, $0xb8;
	[tilespmem:$0x1E080] =	vst v63  }
.Ltmp8:
0x181: {  	s8 =	rddreg [dreg:$0x18];
	(pc) =	sbr.rel .LBB2_9-.Ltmp8, $4  }
0x182: {  	s15 =	simm.s32 $0x180;
	s20 =	rddreg [dreg:$0x19];
	s8 =	sadd.s32 s5, s8  }
0x183: {  	[tilespmem:s15], [sflag:$0x8] =	stream.linear.gather [hbm4b:s8+s2], $0x50, $0x38;
	[tilespmem:$0x1E080] =	vst v63  }
0x184: {  	s25 =	simm.s32 $0x580;
	s8 =	sadd.s32 s5, s20  }
0x185: {  	[tilespmem:s25], [sflag:$0x10] =	stream.linear.gather [hbm4b:s8+s2], $0x50, $0x38;
	[tilespmem:$0x1E080] =	vst v63  }
.LBB2_8:
.Ltmp9:
0x186: {  	(pc) =	sbr.rel @p3 .LBB2_10-.Ltmp9, $1  }
0x187: {  	_ =	sdelay $0x3  }
.LBB2_9:
0x188: {  	_ =	swait.ge [sflag:s24], $0x2800  }
0x189: {  	[sflag:s24] =	ssyncset.done $0x0  }
0x18a: {  	s8 =	simm.s32 $0x600;
	[sflag:s24] =	ssyncadd.s32 $0xFFFFD800  }
0x18b: {  	[spmem:s1] =	stream.indirect.scatter.add.f32 [tilespmem:s23], [sflag:$0x15], $0x80, s8, s22, $0xb8;
	[tilespmem:$0x1E080] =	vst v63  }
0x18c: {  	_ =	swait.ge [sflag:s14], $0x2800  }
0x18d: {  	[sflag:s14] =	ssyncset.done $0x0  }
0x18e: {  	[sflag:s14] =	ssyncadd.s32 $0xFFFFD800  }
.LBB2_10:
0x18f: {  	s8 =	simm.s32 @!p1 $0x5  }
0x190: {  	p4 =	sgt.u32 @!p1 s7, $0x1D;
	_ =	swait.ge @!p1 [sflag:s8], $0x50  }
0x191: {  	p5 =	por p1, p4;
	[sflag:s8] =	ssyncset.done @!p1 $0x0  }
.Ltmp10:
0x192: {  	[sflag:s8] =	ssyncadd.s32 @!p1 $0xFFFFFFB0;
	s8 =	simm.s32 @!p1 $0xD;
	(pc) =	sbr.rel @!p5 .LBB2_11-.Ltmp10, $4  }
0x193: {  	_ =	swait.ge @!p1 [sflag:s8], $0x50  }
0x194: {  	s15 =	simm.s32 @!p1 $0x0;
	[sflag:s8] =	ssyncset.done @!p1 $0x0  }
0x195: {  	s19 =	simm.s32 @!p1 $0x800;
	[sflag:s8] =	ssyncadd.s32 @!p1 $0xFFFFFFB0;
	s8 =	simm.s32 @!p1 $0x50  }
0x196: {  	[tilespmem:s19], [sflag:$0x1] =	stream.indirect.gather @!p1 [hbm4b:s4+s8], $0x80, s15, s8, $0xb8;
	[tilespmem:$0x1E080] =	vst v63  }
.Ltmp11:
0x197: {  	(pc) =	sbr.rel @p3 .LBB2_14-.Ltmp11, $4  }
.Ltmp12:
0x198: {  	(pc) =	sbr.rel @!p3 .LBB2_13-.Ltmp12, $4  }
0x199: {  	_ = 	snop  }
0x19a: {  	_ = 	snop  }
0x19b: {  	_ = 	snop  }
0x19c: {  	_ = 	snop  }
.LBB2_16:
0x19d: {  	_ =	sfence.sel $0x180000  }
0x19e: {  	[bflag:$0x0] =	sbarrier.arrive $0xFFFF  }
0x19f: {  	_ =	strace $0x9000004A  }
0x1a0: {  	s0 =	stileid.u32;
	[bflag:$0x2] =	sbarrier.arrive $0xFFFF  }
0x1a1: {  	p0 =	sne.s32 s0, $0x0;
	s0 =	rddreg [dreg:$0x2]  }
0x1a2: {  	s0 =	sadd.s32 @!p0 $0x100000, s0  }
0x1a3: {  	[sflag:s0] =	ssyncadd.tile.s32 @!p0 $0x1;
	_ =	shalt  }
.Lfunc_end2:
_tile_overlayer_lowered:
.L_overlay_start_2:
0x1a4: {  	(tag) =	ssettag $0x2  }
0x1a5: {  	s0 =	rddreg [dreg:$0x0];
	s2 =	stileid.u32  }
0x1a6: {  	s1 =	rddreg [dreg:$0x1];
	p0 =	sne.s32 s2, $0x0  }
0x1a7: {  	s3 =	rddreg [dreg:$0x2];
	[bflag:$0x3] =	sbarrier.arrive $0xFFFF;
	s2 =	simm.s32 @!p0 $0x1C15  }
0x1a8: {  	[timem:s3], [sflag:s2] =	dma.local @!p0 [hbm:s0], s1  }
0x1a9: {  	s0 =	simm.s32 @!p0 $0x15  }
0x1aa: {  	_ =	swait.ge @!p0 [sflag:s0], s1  }
0x1ab: {  	s1 =	ssub.s32 @!p0 $0x0, s1;
	[sflag:s0] =	ssyncset.done @!p0 $0x0  }
0x1ac: {  	[sflag:s0] =	ssyncadd.s32 @!p0 s1  }
0x1ad: {  	[bflag:$0x3] =	sbarrier.arrive $0xFFFF  }
0x1ae: {  	_ =	shalt  }

</sc_bundles>
